<compile_context>
chip_gen: v7x
topology: tpu7x:2x2x1
jax: 0.10.2.dev20260603
libtpu: 0.0.44.dev20260713+nightly
codegen_flags: <defaults>
</compile_context>

<pallas_src>
import functools

import jax
import jax.numpy as jnp
from jax.experimental import pallas as pl
from jax.experimental.pallas import tpu as pltpu

S = 32
V = 16
G = 16
EMB = 32
NB = 8
MAXR = 2.5
LAYERS = 2
NATOM = 100
NN = 16.0


def _smooth_cutoff(x):
    u = 2.0 * (x - 1.0)
    y = (1.0 - jnp.cos(jnp.pi * u)) * 0.5
    y = jnp.where(u > 0.0, 0.0, y)
    y = jnp.where(u < -1.0, 1.0, y)
    return y


def _bessel(x, num, c):
    n = jnp.arange(1, num + 1, dtype=jnp.float32)
    xs = jnp.clip(x, 1e-6, None)[:, None]
    return jnp.sqrt(2.0 / c) * jnp.sin(n * jnp.pi * xs / c) / xs


def _proj_kernel(t_ref, wproj_ref, o_ref):
    w = wproj_ref[0, :]
    vx = t_ref[:, 32:48]
    vy = t_ref[:, 48:64]
    vz = t_ref[:, 64:80]
    o_ref[:, 0:1] = jnp.sum(vx * w[None, :], axis=1, keepdims=True)
    o_ref[:, 1:2] = jnp.sum(vy * w[None, :], axis=1, keepdims=True)
    o_ref[:, 2:3] = jnp.sum(vz * w[None, :], axis=1, keepdims=True)
    o_ref[:, 3:4] = jnp.zeros_like(o_ref[:, 3:4])


def _project(v, wproj):
    n = v.shape[0]
    t = jnp.concatenate(
        [jnp.zeros((n, 32), jnp.float32), v[:, :, 0], v[:, :, 1], v[:, :, 2]], axis=1)
    npad = ((n + 7) // 8) * 8
    if npad != n:
        t = jnp.pad(t, ((0, npad - n), (0, 0)))
    bn = 2000
    grid = (npad // bn,) if npad % bn == 0 else ((npad + bn - 1) // bn,)
    out = pl.pallas_call(
        _proj_kernel,
        grid=grid,
        in_specs=[
            pl.BlockSpec((bn, 80), lambda i: (i, 0)),
            pl.BlockSpec((1, 16), lambda i: (0, 0)),
        ],
        out_specs=pl.BlockSpec((bn, 4), lambda i: (i, 0)),
        out_shape=jax.ShapeDtypeStruct((npad, 4), jnp.float32),
    )(t, wproj.reshape(1, 16))
    return out[:n, :3]


def kernel(x, batch, node_attr, edge_src, edge_dst, params):
    n = x.shape[0]
    attr_idx = jnp.min(node_attr, axis=-1)
    attr = params['emb'][attr_idx]
    s = jnp.zeros((n, S), jnp.float32)
    v = params['Wup'][None, :, None] * x[:, None, :]
    edge_vec = x[edge_src] - x[edge_dst]
    elen = jnp.sqrt(jnp.sum(edge_vec ** 2, axis=-1) + 1e-12)
    sh = jnp.sqrt(3.0) * edge_vec / elen[:, None]
    efeat = _bessel(elen, NB, MAXR) * jnp.sqrt(float(NB))
    eattr = _smooth_cutoff(elen / MAXR)[:, None] * sh
    s_old, v_old = s, v
    for i in range(LAYERS):
        dt = jnp.clip(params['h'][i] ** 2, 1e-4, 0.1)
        w = jnp.matmul(jax.nn.silu(jnp.matmul(efeat, params['Wr1'][i]) + params['br1'][i]), params['Wr2'][i])
        w_ss = w[:, :S]
        w_vs = w[:, S:S + V]
        w_sv = w[:, S + V:S + V + S]
        w_vv = w[:, S + V + S:]
        s_src = s[edge_src]
        v_src = v[edge_src]
        d = jnp.sum(v_src * eattr[:, None, :], axis=-1)
        m_s = jnp.matmul(s_src * w_ss, params['Mss'][i]) + jnp.matmul(d * w_vs, params['Mvs'][i])
        coeff = jnp.matmul(s_src * w_sv, params['Msv'][i])
        m_v = coeff[:, :, None] * eattr[:, None, :] + jnp.einsum('evd,vw->ewd', v_src * w_vv[:, :, None], params['Mvv'][i])
        agg_s = jax.ops.segment_sum(m_s, edge_dst, num_segments=n) / jnp.sqrt(NN)
        agg_v = jax.ops.segment_sum(m_v, edge_dst, num_segments=n) / jnp.sqrt(NN)
        skip_s = jnp.matmul(s, params['Ks'][i]) * jnp.matmul(attr, params['Was'][i])
        skip_v = jnp.einsum('nvd,vw->nwd', v, params['Kv'][i]) * jnp.matmul(attr, params['Wav'][i])[:, :, None]
        c_s = skip_s + agg_s
        c_v = skip_v + agg_v
        g_s = jax.nn.silu(c_s[:, :S])
        g_v = jax.nn.sigmoid(c_s[:, S:S + G])[:, :, None] * c_v
        si_s = jnp.matmul(s, params['Ws'][i])
        si_v = jnp.einsum('nvd,vw->nwd', v, params['Wvsi'][i])
        mx = jnp.minimum(params['mix'][i] ** 2, 1.0)
        ns = mx * g_s + (1.0 - mx) * si_s
        nv = mx * g_v + (1.0 - mx) * si_v
        s_new = 2.0 * s - s_old + dt * ns
        v_new = 2.0 * v - v_old + dt * nv
        s_old, v_old = s, v
        s, v = s_new, v_new
    return _project(v, params['Wproj'])

# --- scband reference (transcript-rebuilt; emitter-appended) ---
"""Pipeline reference for scband-neural-network-equivariant-28965259444729 (READ-ONLY COPY).

The authoritative reference and input builder live on the scoring server;
editing this copy changes nothing except your own understanding.
"""

import jax, jax.numpy as jnp
import numpy as np

N_NODES = 50000
N_EDGES = 800000
S = 32
V = 16
G = 16
EMB = 32
NB = 8
MAXR = 2.5
LAYERS = 2
NATOM = 100
NN = 16.0


def smooth_cutoff(x):
    u = 2.0 * (x - 1.0)
    y = (1.0 - jnp.cos(jnp.pi * u)) * 0.5
    y = jnp.where(u > 0.0, 0.0, y)
    y = jnp.where(u < -1.0, 1.0, y)
    return y


def bessel_basis(x, num, c):
    n = jnp.arange(1, num + 1, dtype=jnp.float32)
    xs = jnp.clip(x, 1e-6, None)[:, None]
    return jnp.sqrt(2.0 / c) * jnp.sin(n * jnp.pi * xs / c) / xs


def setup_inputs(seed: int = 0) -> dict:
    key = jax.random.key(seed)
    ks = jax.random.split(key, 24)
    x = jax.random.normal(ks[0], (N_NODES, 3), dtype=jnp.float32)
    batch = jnp.zeros((N_NODES,), dtype=jnp.int32)
    node_attr = jax.random.randint(ks[1], (N_NODES, 1), 0, NATOM)
    edge_src = jax.random.randint(ks[2], (N_EDGES,), 0, N_NODES)
    edge_dst = jax.random.randint(ks[3], (N_EDGES,), 0, N_NODES)

    def p(k, shape, scale):
        return jax.random.normal(k, shape, dtype=jnp.float32) * scale

    params = {
        'emb': p(ks[4], (NATOM, EMB), 1.0),
        'Wup': p(ks[5], (V,), 1.0),
        'h': jnp.ones((LAYERS,), jnp.float32) * 0.01,
        'mix': jnp.ones((LAYERS,), jnp.float32) * 0.75,
        'Wr1': p(ks[6], (LAYERS, NB, 64), 0.35),
        'br1': jnp.zeros((LAYERS, 64), jnp.float32),
        'Wr2': p(ks[7], (LAYERS, 64, S + V + S + V), 0.12),
        'Mss': p(ks[8], (LAYERS, S, S + G), 0.18),
        'Mvs': p(ks[9], (LAYERS, V, S + G), 0.25),
        'Msv': p(ks[10], (LAYERS, S, V), 0.18),
        'Mvv': p(ks[11], (LAYERS, V, V), 0.25),
        'Ks': p(ks[12], (LAYERS, S, S + G), 0.18),
        'Kv': p(ks[13], (LAYERS, V, V), 0.25),
        'Was': p(ks[14], (LAYERS, EMB, S + G), 0.18),
        'Wav': p(ks[15], (LAYERS, EMB, V), 0.18),
        'Ws': p(ks[16], (LAYERS, S, S), 0.18),
        'Wvsi': p(ks[17], (LAYERS, V, V), 0.25),
        'Wproj': p(ks[18], (V,), 0.25),
    }
    return {'x': x, 'batch': batch, 'node_attr': node_attr,
            'edge_src': edge_src, 'edge_dst': edge_dst, 'params': params}


def _forward(x, params, node_attr, edge_src, edge_dst):
    n = x.shape[0]
    attr_idx = jnp.min(node_attr, axis=-1)
    attr = params['emb'][attr_idx]
    # uplift 1x1o -> 32x0e + 16x1o (no scalar path from a vector input)
    s = jnp.zeros((n, S), jnp.float32)
    v = params['Wup'][None, :, None] * x[:, None, :]
    # edge info (x is constant through the layers, so edge features are too)
    edge_vec = x[edge_src] - x[edge_dst]
    elen = jnp.sqrt(jnp.sum(edge_vec ** 2, axis=-1) + 1e-12)
    sh = jnp.sqrt(3.0) * edge_vec / elen[:, None]  # 1x1o spherical harmonics, component norm
    efeat = bessel_basis(elen, NB, MAXR) * jnp.sqrt(float(NB))
    eattr = smooth_cutoff(elen / MAXR)[:, None] * sh
    s_old, v_old = s, v
    for i in range(LAYERS):
        dt = jnp.clip(params['h'][i] ** 2, 1e-4, 0.1)
        # radial MLP on edge features -> tensor-product path weights
        w = jnp.matmul(jax.nn.silu(jnp.matmul(efeat, params['Wr1'][i]) + params['br1'][i]), params['Wr2'][i])
        w_ss = w[:, :S]
        w_vs = w[:, S:S + V]
        w_sv = w[:, S + V:S + V + S]
        w_vv = w[:, S + V + S:]
        s_src = s[edge_src]
        v_src = v[edge_src]
        d = jnp.sum(v_src * eattr[:, None, :], axis=-1)  # 1o x 1o -> 0e path
        m_s = jnp.matmul(s_src * w_ss, params['Mss'][i]) + jnp.matmul(d * w_vs, params['Mvs'][i])
        coeff = jnp.matmul(s_src * w_sv, params['Msv'][i])  # 0e x 1o -> 1o path
        m_v = coeff[:, :, None] * eattr[:, None, :] + jnp.einsum('evd,vw->ewd', v_src * w_vv[:, :, None], params['Mvv'][i])
        agg_s = jax.ops.segment_sum(m_s, edge_dst, num_segments=n) / jnp.sqrt(NN)
        agg_v = jax.ops.segment_sum(m_v, edge_dst, num_segments=n) / jnp.sqrt(NN)
        # self-connection modulated by node-attribute embedding
        skip_s = jnp.matmul(s, params['Ks'][i]) * jnp.matmul(attr, params['Was'][i])
        skip_v = jnp.einsum('nvd,vw->nwd', v, params['Kv'][i]) * jnp.matmul(attr, params['Wav'][i])[:, :, None]
        c_s = skip_s + agg_s
        c_v = skip_v + agg_v
        # gate: silu on output scalars, sigmoid-gated vectors
        g_s = jax.nn.silu(c_s[:, :S])
        g_v = jax.nn.sigmoid(c_s[:, S:S + G])[:, :, None] * c_v
        # self interaction (per-irrep linear)
        si_s = jnp.matmul(s, params['Ws'][i])
        si_v = jnp.einsum('nvd,vw->nwd', v, params['Wvsi'][i])
        mx = jnp.minimum(params['mix'][i] ** 2, 1.0)
        ns = mx * g_s + (1.0 - mx) * si_s
        nv = mx * g_v + (1.0 - mx) * si_v
        # leapfrog step
        s_new = 2.0 * s - s_old + dt * ns
        v_new = 2.0 * v - v_old + dt * nv
        s_old, v_old = s, v
        s, v = s_new, v_new
    # project 16x1o -> 1x1o
    return jnp.einsum('nvd,v->nd', v, params['Wproj'])


def reference(x, batch, node_attr, edge_src, edge_dst, params):
    return _forward(x, params, node_attr, edge_src, edge_dst)

if __name__ == "__main__":
    import jax
    _d = setup_inputs()
    print(jax.jit(kernel)(*tuple(_d.values())))

</pallas_src>

<mosaic_0001>
module attributes {stable_mosaic.version = 14 : i64} {
  func.func @_proj_kernel(%arg0: i32, %arg1: memref<2000x80xf32, #tpu.memory_space<vmem>>, %arg2: memref<1x16xf32, #tpu.memory_space<vmem>>, %arg3: memref<2000x4xf32, #tpu.memory_space<vmem>>) attributes {dimension_semantics = [#tpu.dimension_semantics<arbitrary>], iteration_bounds = array<i64: 25>, scalar_prefetch = 0 : i64, scratch_operands = 0 : i64, tpu.core_type = #tpu.core_type<tc>, window_params = [{transform_indices = @transform_0, window_bounds = array<i64: 2000, 80>}, {pipeline_mode = #tpu.pipeline_mode<synchronous>, transform_indices = @transform_1, window_bounds = array<i64: 1, 16>}, {transform_indices = @transform_2, window_bounds = array<i64: 2000, 4>}]} {
    %get3A = arith.constant 0 : index
    %get3A_0 = arith.constant 0 : index
    %get3A_1 = vector.load %arg2[%get3A, %get3A_0] : memref<1x16xf32, #tpu.memory_space<vmem>>, vector<1x16xf32>
    %get3A_2 = vector.shape_cast %get3A_1 : vector<1x16xf32> to vector<16xf32>
    %get3A_3 = arith.constant 0 : index
    %get3A_4 = arith.constant 32 : index
    %get3A_5 = vector.load %arg1[%get3A_3, %get3A_4] : memref<2000x80xf32, #tpu.memory_space<vmem>>, vector<2000x16xf32>
    %get3A_6 = arith.constant 0 : index
    %get3A_7 = arith.constant 48 : index
    %get3A_8 = vector.load %arg1[%get3A_6, %get3A_7] : memref<2000x80xf32, #tpu.memory_space<vmem>>, vector<2000x16xf32>
    %get3A_9 = arith.constant 0 : index
    %get3A_10 = arith.constant 64 : index
    %get3A_11 = vector.load %arg1[%get3A_9, %get3A_10] : memref<2000x80xf32, #tpu.memory_space<vmem>>, vector<2000x16xf32>
    %broadcast_in_dim3A = vector.shape_cast %get3A_2 : vector<16xf32> to vector<1x16xf32>
    %mul3A = vector.broadcast %broadcast_in_dim3A : vector<1x16xf32> to vector<2000x16xf32>
    %mul3A_12 = arith.mulf %get3A_5, %mul3A : vector<2000x16xf32>
    %reduce_sum3A = arith.constant dense<0.000000e+00> : vector<2000xf32>
    %reduce_sum3A_13 = vector.multi_reduction <add>, %mul3A_12, %reduce_sum3A [1] : vector<2000x16xf32> to vector<2000xf32>
    %broadcast_in_dim3A_14 = vector.shape_cast %reduce_sum3A_13 : vector<2000xf32> to vector<2000x1xf32>
    %swap3A = arith.constant 0 : index
    %swap3A_15 = arith.constant 0 : index
    %swap3A_16 = vector.load %arg3[%swap3A, %swap3A_15] : memref<2000x4xf32, #tpu.memory_space<vmem>>, vector<2000x1xf32>
    tpu.vector_store %arg3[%swap3A, %swap3A_15], %broadcast_in_dim3A_14 {strides = array<i32>} : memref<2000x4xf32, #tpu.memory_space<vmem>>, vector<2000x1xf32>,
    %broadcast_in_dim3A_17 = vector.shape_cast %get3A_2 : vector<16xf32> to vector<1x16xf32>
    %mul3A_18 = vector.broadcast %broadcast_in_dim3A_17 : vector<1x16xf32> to vector<2000x16xf32>
    %mul3A_19 = arith.mulf %get3A_8, %mul3A_18 : vector<2000x16xf32>
    %reduce_sum3A_20 = arith.constant dense<0.000000e+00> : vector<2000xf32>
    %reduce_sum3A_21 = vector.multi_reduction <add>, %mul3A_19, %reduce_sum3A_20 [1] : vector<2000x16xf32> to vector<2000xf32>
    %broadcast_in_dim3A_22 = vector.shape_cast %reduce_sum3A_21 : vector<2000xf32> to vector<2000x1xf32>
    %swap3A_23 = arith.constant 0 : index
    %swap3A_24 = arith.constant 1 : index
    %swap3A_25 = vector.load %arg3[%swap3A_23, %swap3A_24] : memref<2000x4xf32, #tpu.memory_space<vmem>>, vector<2000x1xf32>
    tpu.vector_store %arg3[%swap3A_23, %swap3A_24], %broadcast_in_dim3A_22 {strides = array<i32>} : memref<2000x4xf32, #tpu.memory_space<vmem>>, vector<2000x1xf32>,
    %broadcast_in_dim3A_26 = vector.shape_cast %get3A_2 : vector<16xf32> to vector<1x16xf32>
    %mul3A_27 = vector.broadcast %broadcast_in_dim3A_26 : vector<1x16xf32> to vector<2000x16xf32>
    %mul3A_28 = arith.mulf %get3A_11, %mul3A_27 : vector<2000x16xf32>
    %reduce_sum3A_29 = arith.constant dense<0.000000e+00> : vector<2000xf32>
    %reduce_sum3A_30 = vector.multi_reduction <add>, %mul3A_28, %reduce_sum3A_29 [1] : vector<2000x16xf32> to vector<2000xf32>
    %broadcast_in_dim3A_31 = vector.shape_cast %reduce_sum3A_30 : vector<2000xf32> to vector<2000x1xf32>
    %swap3A_32 = arith.constant 0 : index
    %swap3A_33 = arith.constant 2 : index
    %swap3A_34 = vector.load %arg3[%swap3A_32, %swap3A_33] : memref<2000x4xf32, #tpu.memory_space<vmem>>, vector<2000x1xf32>
    tpu.vector_store %arg3[%swap3A_32, %swap3A_33], %broadcast_in_dim3A_31 {strides = array<i32>} : memref<2000x4xf32, #tpu.memory_space<vmem>>, vector<2000x1xf32>,
    %broadcast_in_dim3A_35 = arith.constant 0.000000e+00 : f32
    %broadcast_in_dim3A_36 = vector.broadcast %broadcast_in_dim3A_35 : f32 to vector<2000x1xf32>
    %swap3A_37 = arith.constant 0 : index
    %swap3A_38 = arith.constant 3 : index
    %swap3A_39 = vector.load %arg3[%swap3A_37, %swap3A_38] : memref<2000x4xf32, #tpu.memory_space<vmem>>, vector<2000x1xf32>
    tpu.vector_store %arg3[%swap3A_37, %swap3A_38], %broadcast_in_dim3A_36 {strides = array<i32>} : memref<2000x4xf32, #tpu.memory_space<vmem>>, vector<2000x1xf32>,
    return
  }
  func.func @transform_0(%arg0: i32) -> (i32, i32) {
    %c0_i32 = arith.constant 0 : i32
    %c0_i32_0 = arith.constant 0 : i32
    return %arg0, %c0_i32 : i32, i32
  }
  func.func @transform_1(%arg0: i32) -> (i32, i32) {
    %c0_i32 = arith.constant 0 : i32
    %c0_i32_0 = arith.constant 0 : i32
    %c0_i32_1 = arith.constant 0 : i32
    return %c0_i32, %c0_i32_0 : i32, i32
  }
  func.func @transform_2(%arg0: i32) -> (i32, i32) {
    %c0_i32 = arith.constant 0 : i32
    %c0_i32_0 = arith.constant 0 : i32
    return %arg0, %c0_i32 : i32, i32
  }
}

</mosaic_0001>

<sc_bundles>
// kernel: scatter_offload_async_start.1
scs
__scs_entry_jumppad:
0x0: {  	(pc) =	sbr.rel $0x88, $3  }
0x1: {  	(tag) =	ssettag $0x0;
	lr =	simm.s32 $0x1  }
0x2: {  	[smem:$0x3F8B] =	sst lr;
	_ =	strace $0xD0000000  }
0x3: {  	_ = 	snop  }
0x4: {  	_ = 	snop  }
0x5: {  	_ = 	snop  }
0x6: {  	_ = 	snop  }
0x7: {  	_ = 	snop  }
__scs_overlays_trampoline_lowered:
0x8: {  	[smem:$0x3F9A] =	sst s0  }
0x9: {  	[smem:$0x3F9B] =	sst s1  }
0xa: {  	[smem:$0x3F9C] =	sst s2  }
0xb: {  	[smem:$0x3F9D] =	sst s3  }
0xc: {  	[smem:$0x3F9E] =	sst s4  }
0xd: {  	[smem:$0x3F9F] =	sst s5  }
0xe: {  	[smem:$0x3FA0] =	sst s6  }
0xf: {  	[smem:$0x3FA1] =	sst s7  }
0x10: {  	[smem:$0x3FA2] =	sst s8  }
0x11: {  	[smem:$0x3FA3] =	sst s9;
	s0 =	simm.s32 @!p0 $0x0  }
0x12: {  	s1 =	sld [smem:$0x3F89];
	s0 =	simm.s32 @p0 $0x1  }
0x13: {  	[smem:$0x3FA4] =	sst s0;
	s0 =	simm.s32 @!p1 $0x0  }
0x14: {  	s2 =	sld [smem:$0x3F88];
	s0 =	simm.s32 @p1 $0x1  }
0x15: {  	[smem:$0x3FA5] =	sst s0;
	s0 =	simm.s32 @!p2 $0x0  }
0x16: {  	s3 =	sld [smem:$0x3FDB];
	s0 =	simm.s32 @p2 $0x1  }
0x17: {  	s4 =	simm.s32 $0x1BF5;
	[smem:$0x3FA7] =	sst s0  }
0x18: {  	s0 =	sld [smem:$0x3F8A];
	_ =	swait.ge [sflag:s4], $0x0  }
0x19: {  	s7 =	sld [smem:$0x3F8B]  }
0x1a: {  	s8 =	sadd.s32 $0xFFFFE003, lr  }
0x1b: {  	s9 =	sadd.s32 $0xFFFFFEF7, lr;
	s5 =	simm.s32 $0xFFFFFFFF;
	p2 =	slt.u32 s8, $0xFFFFF086  }
0x1c: {  	p1 =	slt.u32 s9, $0xF7A;
	s5 =	simm.s32 @!p2 $0x0  }
0x1d: {  	s5 =	simm.s32 @p1 $0x1;
	p0 =	seq.s32 s7, s2  }
0x1e: {  	s7 =	smul.u32 @!p0 $0xF7A, s2;
	p2 =	seq.s32 @!p0 s5, $0x0  }
0x1f: {  	s9 =	smul.u32 $0xF7A, s1;
	s8 =	simm.s32 @!p0 $0x1BF5;
	p2 =	por !p2, p0  }
0x20: {  	[sflag:s8] =	ssyncset.s32 @!p0 $0xFFFFF086;
	s6 =	sadd.s32 @!p0 s3, s7;
	s7 =	simm.s32 @!p0 $0x108  }
0x21: {  	s3 =	sadd.s32 s3, s9;
	s6 =	sadd.s32 @!p0 $0x88, s6;
	s7 =	simm.s32 @p2 $0x1082  }
0x22: {  	[simem:s7], [sflag:s8] =	dma.local @!p0 [hbm:s6], $0xF7A  }
0x23: {  	s9 =	sor.u32 $0xD0000000, s2;
	s6 =	simm.s32 $0x108;
	_ =	swait.ge @!p0 [sflag:s8], $0x0  }
0x24: {  	s3 =	sadd.s32 $0x88, s3;
	s6 =	simm.s32 @!p1 $0x1082;
	[sflag:s4] =	ssyncset.s32 $0xFFFFF086  }
0x25: {  	[simem:s6], [sflag:s4] =	dma.local [hbm:s3], $0xF7A  }
0x26: {  	[smem:$0x3F8B] =	sst s1;
	(tag) =	ssettag s2;
	_ =	strace s9  }
0x27: {  	s1 =	sld [smem:$0x3F9B]  }
0x28: {  	s2 =	sld [smem:$0x3F9C]  }
0x29: {  	s4 =	sld [smem:$0x3F9E]  }
0x2a: {  	p0 =	seq.s32 s5, $0x0;
	s5 =	sld [smem:$0x3F9F]  }
0x2b: {  	s6 =	sld [smem:$0x3FA0]  }
0x2c: {  	s7 =	sld [smem:$0x3FA1]  }
0x2d: {  	s3 =	simm.s32 $0x108;
	s8 =	sld [smem:$0x3FA2]  }
0x2e: {  	s3 =	simm.s32 @!p0 $0x1082;
	s9 =	sld [smem:$0x3FA3]  }
0x2f: {  	lr =	sadd.s32 s0, s3;
	s0 =	sld [smem:$0x3F9A]  }
0x30: {  	s3 =	sld [smem:$0x3F9D]  }
0x31: {  	[smem:$0x3FA6] =	sst s10  }
0x32: {  	s10 =	sld [smem:$0x3FA4];
	_ =	sdelay $0x3  }
0x33: {  	p0 =	seq.s32 s10, $0x1;
	s10 =	sld [smem:$0x3FA6];
	_ =	sdelay $0x3  }
0x34: {  	[smem:$0x3FA6] =	sst s10  }
0x35: {  	s10 =	sld [smem:$0x3FA5];
	_ =	sdelay $0x3  }
0x36: {  	p1 =	seq.s32 s10, $0x1;
	s10 =	sld [smem:$0x3FA6];
	_ =	sdelay $0x3  }
0x37: {  	[smem:$0x3FA6] =	sst s10  }
0x38: {  	s10 =	sld [smem:$0x3FA7]  }
0x39: {  	_ = 	snop;
	(pc) =	sbr.ind lr, $3  }
0x3a: {  	_ = 	snop  }
0x3b: {  	_ = 	snop  }
0x3c: {  	p2 =	seq.s32 s10, $0x1;
	s10 =	sld [smem:$0x3FA6]  }
0x3d: {  	_ =	shalt  }
0x3e: {  	_ =	shalt  }
0x3f: {  	_ =	shalt  }
0x40: {  	_ =	shalt  }
0x41: {  	_ =	shalt  }
0x42: {  	_ =	shalt  }
0x43: {  	_ =	shalt  }
0x44: {  	_ =	shalt  }
0x45: {  	_ =	shalt  }
0x46: {  	_ =	shalt  }
0x47: {  	_ =	shalt  }
0x48: {  	_ =	shalt  }
0x49: {  	_ =	shalt  }
0x4a: {  	_ =	shalt  }
0x4b: {  	_ =	shalt  }
0x4c: {  	_ =	shalt  }
0x4d: {  	_ =	shalt  }
0x4e: {  	_ =	shalt  }
0x4f: {  	_ =	shalt  }
0x50: {  	_ =	shalt  }
0x51: {  	_ =	shalt  }
0x52: {  	_ =	shalt  }
0x53: {  	_ =	shalt  }
0x54: {  	_ =	shalt  }
0x55: {  	_ =	shalt  }
0x56: {  	_ =	shalt  }
0x57: {  	_ =	shalt  }
0x58: {  	_ =	shalt  }
0x59: {  	_ =	shalt  }
0x5a: {  	_ =	shalt  }
0x5b: {  	_ =	shalt  }
0x5c: {  	_ =	shalt  }
0x5d: {  	_ =	shalt  }
0x5e: {  	_ =	shalt  }
0x5f: {  	_ =	shalt  }
0x60: {  	_ =	shalt  }
0x61: {  	_ =	shalt  }
0x62: {  	_ =	shalt  }
0x63: {  	_ =	shalt  }
0x64: {  	_ =	shalt  }
0x65: {  	_ =	shalt  }
0x66: {  	_ =	shalt  }
0x67: {  	_ =	shalt  }
0x68: {  	_ =	shalt  }
0x69: {  	_ =	shalt  }
0x6a: {  	_ =	shalt  }
0x6b: {  	_ =	shalt  }
0x6c: {  	_ =	shalt  }
0x6d: {  	_ =	shalt  }
0x6e: {  	_ =	shalt  }
0x6f: {  	_ =	shalt  }
0x70: {  	_ =	shalt  }
0x71: {  	_ =	shalt  }
0x72: {  	_ =	shalt  }
0x73: {  	_ =	shalt  }
0x74: {  	_ =	shalt  }
0x75: {  	_ =	shalt  }
0x76: {  	_ =	shalt  }
0x77: {  	_ =	shalt  }
0x78: {  	_ =	shalt  }
0x79: {  	_ =	shalt  }
0x7a: {  	_ =	shalt  }
0x7b: {  	_ =	shalt  }
0x7c: {  	_ =	shalt  }
0x7d: {  	_ =	shalt  }
0x7e: {  	_ =	shalt  }
0x7f: {  	_ =	shalt  }
0x80: {  	_ =	shalt  }
0x81: {  	_ =	shalt  }
0x82: {  	_ =	shalt  }
0x83: {  	_ =	shalt  }
0x84: {  	_ =	shalt  }
0x85: {  	_ =	shalt  }
0x86: {  	_ =	shalt  }
0x87: {  	_ =	shalt  }
.Lfunc_end0:
.L_simem_size_0:
called_computation.1_lowered:
.L_overlay_start_0:
0x88: {  	s2 =	sld [smem:$0x3FD9]  }
0x89: {  	s3 =	sld [smem:$0x3FFE];
	_ =	sdelay $0x1  }
0x8a: {  	s1 =	srdreg.scid  }
0x8b: {  	s0 =	sand.u32 $0x1, s1  }
0x8c: {  	s17 =	sshll.u32 s0, $0xA;
	s2 =	sadd.s32 s3, s2  }
0x8d: {  	s2 =	sadd.s32 s2, s17  }
0x8e: {  	[smem:$0x3FB2] =	sst s2  }
0x8f: {  	_ = 	snop  }
0x90: {  	(tm) =	ssettm $0x1  }
0x91: {  	s18 =	sld [smem:$0x3FFB];
	_ =	sdelay $0x3  }
0x92: {  	_ =	strace s18  }
0x93: {  	s2 =	sld [smem:$0x3FFC];
	_ =	sdelay $0x3  }
0x94: {  	_ =	strace s2  }
0x95: {  	s2 =	sld [smem:$0x3FFD];
	_ =	sdelay $0x3  }
0x96: {  	_ =	strace s2  }
0x97: {  	_ =	strace $0x8FFFFFFF  }
0x98: {  	s19 =	sld [smem:$0x3FDB];
	_ =	sdelay $0x1  }
0x99: {  	s20 =	simm.s32 $_scs_section_size  }
0x9a: {  	s4 =	simm.s32 $_size__tile_overlayer_lowered;
	s5 =	simm.s32 $_tile_overlayer_lowered  }
0x9b: {  	s6 =	simm.s32 $0x1BFF;
	s21 =	sshll.u32 s5, $0x1;
	s3 =	sadd.s32 s20, s19  }
0x9c: {  	s22 =	simm.s32 $0x0;
	s4 =	sshll.u32 s4, $0x1;
	s5 =	sadd.s32 s21, s3  }
0x9d: {  	[timem:s22], [sflag:s6] =	dma.local [hbm:s5], s4  }
0x9e: {  	_ =	swait.ge [sflag:s6], s4  }
0x9f: {  	s4 =	ssub.s32 $0x0, s4;
	[sflag:s6] =	ssyncset.done $0x0  }
0xa0: {  	[sflag:s6] =	ssyncadd.s32 s4;
	_ =	sdelay $0x1  }
0xa1: {  	s23 =	simm.s32 $0x1B8B  }
0xa2: {  	_ =	swait.ge [sflag:s23], $0x1  }
0xa3: {  	[sflag:s23] =	ssyncset.done $0x0  }
0xa4: {  	[sflag:s23] =	ssyncadd.s32 $0xFFFFFFFF  }
0xa5: {  	s4 =	sld [smem:$0x0]  }
0xa6: {  	s5 =	sand.u32 $0xFFFFFFFE, s1  }
0xa7: {  	p0 =	sne.s32 s1, s5  }
0xa8: {  	s5 =	sshll.u32 @p0 s5, $0xE  }
0xa9: {  	s5 =	sadd.s32 @p0 $0x11B8D, s5;
	s6 =	sshll.u32 @p0 s4, $0x11  }
0xaa: {  	s5 =	sor.u32 @p0 s6, s5  }
0xab: {  	[sflag:s5] =	ssyncadd.remote.s32 @p0 $0x1;
	_ =	sdelay $0x1  }
0xac: {  	s5 =	simm.s32 @p0 $0x1B8D  }
0xad: {  	_ =	swait.eq @p0 [sflag:s5], $0x1  }
0xae: {  	[sflag:s5] =	ssyncadd.s32 @p0 $0xFFFFFFFF  }
0xaf: {  	s6 =	sshll.u32 @!p0 s1, $0xE  }
0xb0: {  	s6 =	sor.u32 @!p0 $0x4000, s6;
	s5 =	simm.s32 @!p0 $0x1B8D  }
0xb1: {  	s7 =	sshll.u32 @!p0 s4, $0x11;
	s6 =	sadd.s32 @!p0 $0x11B8D, s6;
	_ =	swait.eq @!p0 [sflag:s5], $0x1  }
0xb2: {  	[sflag:s5] =	ssyncadd.s32 @!p0 $0xFFFFFFFF;
	s5 =	sor.u32 @!p0 s7, s6  }
0xb3: {  	s25 =	simm.s32 $0x1B8E;
	s24 =	sld [smem:$0x3FFE];
	[sflag:s5] =	ssyncadd.remote.s32 @!p0 $0x1  }
0xb4: {  	s26 =	simm.s32 $execute0_lowered;
	[smem:$0x3FD2] =	sst s25  }
0xb5: {  	s6 =	sshll.u32 s26, $0x1;
	_ =	strace $0x8000006A;
	[dreg:$0x1] =	wrdreg $0xFFFFFFFF  }
0xb6: {  	s28 =	simm.s32 $_size_execute0_lowered;
	s3 =	sadd.s32 s3, s6;
	[dreg:$0x0] =	wrdreg $0x0  }
0xb7: {  	s6 =	sshll.u32 s28, $0x1;
	[dreg:$0x2] =	wrdreg s3  }
0xb8: {  	[dreg:$0x3] =	wrdreg s6  }
0xb9: {  	[dreg:$0x4] =	wrdreg $0xC0  }
0xba: {  	_ =	task [dreg:s22], $0x5FFFF  }
0xbb: {  	[dreg:$0x1] =	wrdreg $0xFFFFFFFF  }
0xbc: {  	[dreg:$0x0] =	wrdreg $0x60  }
0xbd: {  	[dreg:$0x2] =	wrdreg s24  }
0xbe: {  	[dreg:$0x3] =	wrdreg s1  }
0xbf: {  	[dreg:$0x4] =	wrdreg s4  }
0xc0: {  	[dreg:$0x5] =	wrdreg $0xA  }
0xc1: {  	_ =	task.clear_ibuf [dreg:s22], $0x6FFFF;
	_ =	strace $0x9000006A  }
0xc2: {  	s29 =	simm.s32 $0xA;
	_ =	strace $0x8000006C  }
0xc3: {  	_ =	swait.ge [sflag:s29], $0x1  }
0xc4: {  	[sflag:s29] =	ssyncadd.s32 $0xFFFFFFFF  }
0xc5: {  	_ =	strace $0x9000006C  }
0xc6: {  	_ =	sfence  }
0xc7: {  	s30 =	sld [smem:$0x0];
	_ =	sdelay $0x2  }
0xc8: {  	s31 =	sshll.u32 s1, $0xD;
	s1 =	sshrl.u32 s1, $0x2  }
0xc9: {  	s4 =	sand.u32 $0x4000, s31;
	s1 =	sadd.s32 s1, s30  }
0xca: {  	s0 =	sor.u32 s4, s0;
	s1 =	sshll.u32 s1, $0x11  }
0xcb: {  	s0 =	sor.u32 s1, s0  }
0xcc: {  	s0 =	sadd.s32 $0x8F2B, s0  }
0xcd: {  	[sflag:s0] =	ssyncadd.remote.s32 $0x1  }
0xce: {  	_ =	sfence.sel $0xFFFF  }
0xcf: {  	[dreg:$0x0] =	wrdreg $0xFFFFFFFF;
	(pc) =	sbr.abs _section_cstart, $3  }
0xd0: {  	[dreg:$0x1] =	wrdreg $0xFFFFFFFF  }
0xd1: {  	_ =	task.clear_ibuf [dreg:s22], $0x2FFFF;
	_ =	strace $0x9FFFFFFF  }
0xd2: {  	(tm) =	ssettm $0x7FFFFFFF  }
0xd3: {  	_ =	shalt  }
tec
execute0_lowered:
.L_overlay_start_1:
0x0: {  	(tag) =	ssettag $0x1  }
0x1: {  	s4 =	rddreg [dreg:$0x0]  }
0x2: {  	s2 =	rddreg [dreg:$0x1];
	_ =	strace $0x8000006B;
	s3 =	simm.s32 $0x1  }
0x3: {  	v0 =	vimm.s32 $0x0;
	[sflag:s3] =	ssyncpa.u1 $0x0  }
0x4: {  	[tilespmem:$0x68] =	vst v0  }
0x5: {  	[tilespmem:$0x78] =	vst v0  }
0x6: {  	[tilespmem:$0x88] =	vst v0  }
0x7: {  	[tilespmem:$0x98] =	vst v0  }
0x8: {  	[tilespmem:$0xA8] =	vst v0  }
0x9: {  	[tilespmem:$0xB8] =	vst v0  }
0xa: {  	[tilespmem:$0xC8] =	vst v0  }
0xb: {  	[tilespmem:$0xD8] =	vst v0  }
0xc: {  	[tilespmem:$0xE8] =	vst v0  }
0xd: {  	[tilespmem:$0xF8] =	vst v0  }
0xe: {  	[tilespmem:$0x108] =	vst v0  }
0xf: {  	[tilespmem:$0x118] =	vst v0  }
0x10: {  	[tilespmem:$0x128] =	vst v0  }
0x11: {  	[tilespmem:$0x138] =	vst v0  }
0x12: {  	[tilespmem:$0x148] =	vst v0  }
0x13: {  	[tilespmem:$0x158] =	vst v0  }
0x14: {  	[tilespmem:$0x168] =	vst v0  }
0x15: {  	[tilespmem:$0x178] =	vst v0  }
0x16: {  	[tilespmem:$0x188] =	vst v0  }
0x17: {  	[tilespmem:$0x198] =	vst v0  }
0x18: {  	[tilespmem:$0x1A8] =	vst v0  }
0x19: {  	[tilespmem:$0x1B8] =	vst v0  }
0x1a: {  	[tilespmem:$0x1C8] =	vst v0  }
0x1b: {  	[tilespmem:$0x1D8] =	vst v0  }
0x1c: {  	[tilespmem:$0x1E8] =	vst v0  }
0x1d: {  	[tilespmem:$0x1F8] =	vst v0  }
0x1e: {  	[tilespmem:$0x208] =	vst v0  }
0x1f: {  	[tilespmem:$0x218] =	vst v0  }
0x20: {  	[tilespmem:$0x228] =	vst v0  }
0x21: {  	[tilespmem:$0x238] =	vst v0  }
0x22: {  	[tilespmem:$0x248] =	vst v0  }
0x23: {  	[tilespmem:$0x258] =	vst v0  }
0x24: {  	[tilespmem:$0x268] =	vst v0  }
0x25: {  	[tilespmem:$0x278] =	vst v0  }
0x26: {  	[tilespmem:$0x288] =	vst v0  }
0x27: {  	[tilespmem:$0x298] =	vst v0  }
0x28: {  	[tilespmem:$0x2A8] =	vst v0  }
0x29: {  	[tilespmem:$0x2B8] =	vst v0  }
0x2a: {  	[tilespmem:$0x2C8] =	vst v0  }
0x2b: {  	[tilespmem:$0x2D8] =	vst v0  }
0x2c: {  	[tilespmem:$0x2E8] =	vst v0  }
0x2d: {  	[tilespmem:$0x2F8] =	vst v0  }
0x2e: {  	[tilespmem:$0x308] =	vst v0  }
0x2f: {  	[tilespmem:$0x318] =	vst v0  }
0x30: {  	[tilespmem:$0x328] =	vst v0  }
0x31: {  	[tilespmem:$0x338] =	vst v0  }
0x32: {  	[tilespmem:$0x348] =	vst v0  }
0x33: {  	[tilespmem:$0x358] =	vst v0  }
0x34: {  	[tilespmem:$0x368] =	vst v0  }
0x35: {  	[tilespmem:$0x378] =	vst v0  }
0x36: {  	[tilespmem:$0x388] =	vst v0  }
0x37: {  	[tilespmem:$0x398] =	vst v0  }
0x38: {  	[tilespmem:$0x3A8] =	vst v0  }
0x39: {  	[tilespmem:$0x3B8] =	vst v0  }
0x3a: {  	[tilespmem:$0x3C8] =	vst v0  }
0x3b: {  	[tilespmem:$0x3D8] =	vst v0  }
0x3c: {  	[tilespmem:$0x3E8] =	vst v0  }
0x3d: {  	[tilespmem:$0x3F8] =	vst v0  }
0x3e: {  	[tilespmem:$0x408] =	vst v0  }
0x3f: {  	[tilespmem:$0x418] =	vst v0  }
0x40: {  	[tilespmem:$0x428] =	vst v0  }
0x41: {  	[tilespmem:$0x438] =	vst v0  }
0x42: {  	[tilespmem:$0x448] =	vst v0  }
0x43: {  	[tilespmem:$0x458] =	vst v0  }
0x44: {  	[tilespmem:$0x468] =	vst v0  }
0x45: {  	[tilespmem:$0x478] =	vst v0  }
0x46: {  	[tilespmem:$0x488] =	vst v0  }
0x47: {  	[tilespmem:$0x498] =	vst v0  }
0x48: {  	[tilespmem:$0x4A8] =	vst v0  }
0x49: {  	[tilespmem:$0x4B8] =	vst v0  }
0x4a: {  	[tilespmem:$0x4C8] =	vst v0  }
0x4b: {  	[tilespmem:$0x4D8] =	vst v0  }
0x4c: {  	[tilespmem:$0x4E8] =	vst v0  }
0x4d: {  	[tilespmem:$0x4F8] =	vst v0  }
0x4e: {  	[tilespmem:$0x508] =	vst v0  }
0x4f: {  	[tilespmem:$0x518] =	vst v0  }
0x50: {  	[tilespmem:$0x528] =	vst v0  }
0x51: {  	[tilespmem:$0x538] =	vst v0  }
0x52: {  	[tilespmem:$0x548] =	vst v0  }
0x53: {  	[tilespmem:$0x558] =	vst v0  }
0x54: {  	[tilespmem:$0x568] =	vst v0  }
0x55: {  	[tilespmem:$0x578] =	vst v0  }
0x56: {  	[tilespmem:$0x588] =	vst v0  }
0x57: {  	[tilespmem:$0x598] =	vst v0  }
0x58: {  	[tilespmem:$0x5A8] =	vst v0  }
0x59: {  	[tilespmem:$0x5B8] =	vst v0  }
0x5a: {  	[tilespmem:$0x5C8] =	vst v0  }
0x5b: {  	[tilespmem:$0x5D8] =	vst v0  }
0x5c: {  	[tilespmem:$0x5E8] =	vst v0  }
0x5d: {  	[tilespmem:$0x5F8] =	vst v0  }
0x5e: {  	[tilespmem:$0x608] =	vst v0  }
0x5f: {  	[tilespmem:$0x618] =	vst v0  }
0x60: {  	[tilespmem:$0x628] =	vst v0  }
0x61: {  	[tilespmem:$0x638] =	vst v0  }
0x62: {  	[tilespmem:$0x648] =	vst v0  }
0x63: {  	[tilespmem:$0x658] =	vst v0  }
0x64: {  	[tilespmem:$0x668] =	vst v0  }
0x65: {  	[tilespmem:$0x678] =	vst v0  }
0x66: {  	[tilespmem:$0x688] =	vst v0  }
0x67: {  	[tilespmem:$0x698] =	vst v0  }
0x68: {  	[tilespmem:$0x6A8] =	vst v0  }
0x69: {  	[tilespmem:$0x6B8] =	vst v0  }
0x6a: {  	[tilespmem:$0x6C8] =	vst v0  }
0x6b: {  	[tilespmem:$0x6D8] =	vst v0  }
0x6c: {  	[tilespmem:$0x6E8] =	vst v0  }
0x6d: {  	[tilespmem:$0x6F8] =	vst v0  }
0x6e: {  	[tilespmem:$0x708] =	vst v0  }
0x6f: {  	[tilespmem:$0x718] =	vst v0  }
0x70: {  	[tilespmem:$0x728] =	vst v0  }
0x71: {  	[tilespmem:$0x738] =	vst v0  }
0x72: {  	[tilespmem:$0x748] =	vst v0  }
0x73: {  	[tilespmem:$0x758] =	vst v0  }
0x74: {  	[tilespmem:$0x768] =	vst v0  }
0x75: {  	[tilespmem:$0x778] =	vst v0  }
0x76: {  	[tilespmem:$0x788] =	vst v0  }
0x77: {  	[tilespmem:$0x798] =	vst v0  }
0x78: {  	[tilespmem:$0x7A8] =	vst v0  }
0x79: {  	[tilespmem:$0x7B8] =	vst v0  }
0x7a: {  	[tilespmem:$0x7C8] =	vst v0  }
0x7b: {  	[tilespmem:$0x7D8] =	vst v0  }
0x7c: {  	[tilespmem:$0x7E8] =	vst v0  }
0x7d: {  	[tilespmem:$0x7F8] =	vst v0  }
0x7e: {  	[tilespmem:$0x808] =	vst v0  }
0x7f: {  	[tilespmem:$0x818] =	vst v0  }
0x80: {  	[tilespmem:$0x828] =	vst v0  }
0x81: {  	[tilespmem:$0x838] =	vst v0  }
0x82: {  	[tilespmem:$0x848] =	vst v0  }
0x83: {  	[tilespmem:$0x858] =	vst v0  }
0x84: {  	[tilespmem:$0x868] =	vst v0  }
0x85: {  	[tilespmem:$0x878] =	vst v0  }
0x86: {  	[tilespmem:$0x888] =	vst v0  }
0x87: {  	[tilespmem:$0x898] =	vst v0  }
0x88: {  	[tilespmem:$0x8A8] =	vst v0  }
0x89: {  	[tilespmem:$0x8B8] =	vst v0  }
0x8a: {  	[tilespmem:$0x8C8] =	vst v0  }
0x8b: {  	[tilespmem:$0x8D8] =	vst v0  }
0x8c: {  	[tilespmem:$0x8E8] =	vst v0  }
0x8d: {  	[tilespmem:$0x8F8] =	vst v0  }
0x8e: {  	[tilespmem:$0x908] =	vst v0  }
0x8f: {  	[tilespmem:$0x918] =	vst v0  }
0x90: {  	[tilespmem:$0x928] =	vst v0  }
0x91: {  	[tilespmem:$0x938] =	vst v0  }
0x92: {  	[tilespmem:$0x948] =	vst v0  }
0x93: {  	[tilespmem:$0x958] =	vst v0  }
0x94: {  	[tilespmem:$0x968] =	vst v0  }
0x95: {  	[tilespmem:$0x978] =	vst v0  }
0x96: {  	[tilespmem:$0x988] =	vst v0  }
0x97: {  	[tilespmem:$0x998] =	vst v0  }
0x98: {  	[tilespmem:$0x9A8] =	vst v0  }
0x99: {  	[tilespmem:$0x9B8] =	vst v0  }
0x9a: {  	[tilespmem:$0x9C8] =	vst v0  }
0x9b: {  	[tilespmem:$0x9D8] =	vst v0  }
0x9c: {  	[tilespmem:$0x9E8] =	vst v0  }
0x9d: {  	[tilespmem:$0x9F8] =	vst v0  }
0x9e: {  	[tilespmem:$0xA08] =	vst v0  }
0x9f: {  	[tilespmem:$0xA18] =	vst v0  }
0xa0: {  	[tilespmem:$0xA28] =	vst v0  }
0xa1: {  	[tilespmem:$0xA38] =	vst v0  }
0xa2: {  	[tilespmem:$0xA48] =	vst v0  }
0xa3: {  	[tilespmem:$0xA58] =	vst v0  }
0xa4: {  	[tilespmem:$0xA68] =	vst v0  }
0xa5: {  	[tilespmem:$0xA78] =	vst v0  }
0xa6: {  	[tilespmem:$0xA88] =	vst v0  }
0xa7: {  	[tilespmem:$0xA98] =	vst v0  }
0xa8: {  	[tilespmem:$0xAA8] =	vst v0  }
0xa9: {  	[tilespmem:$0xAB8] =	vst v0  }
0xaa: {  	[tilespmem:$0xAC8] =	vst v0  }
0xab: {  	[tilespmem:$0xAD8] =	vst v0  }
0xac: {  	[tilespmem:$0xAE8] =	vst v0  }
0xad: {  	[tilespmem:$0xAF8] =	vst v0  }
0xae: {  	[tilespmem:$0xB08] =	vst v0  }
0xaf: {  	[tilespmem:$0xB18] =	vst v0  }
0xb0: {  	[tilespmem:$0xB28] =	vst v0  }
0xb1: {  	[tilespmem:$0xB38] =	vst v0  }
0xb2: {  	[tilespmem:$0xB48] =	vst v0  }
0xb3: {  	[tilespmem:$0xB58] =	vst v0  }
0xb4: {  	[tilespmem:$0xB68] =	vst v0  }
0xb5: {  	[tilespmem:$0xB78] =	vst v0  }
0xb6: {  	[tilespmem:$0xB88] =	vst v0  }
0xb7: {  	[tilespmem:$0xB98] =	vst v0  }
0xb8: {  	[tilespmem:$0xBA8] =	vst v0  }
0xb9: {  	[tilespmem:$0xBB8] =	vst v0  }
0xba: {  	[tilespmem:$0xBC8] =	vst v0  }
0xbb: {  	[tilespmem:$0xBD8] =	vst v0  }
0xbc: {  	[tilespmem:$0xBE8] =	vst v0  }
0xbd: {  	[tilespmem:$0xBF8] =	vst v0  }
0xbe: {  	[tilespmem:$0xC08] =	vst v0  }
0xbf: {  	[tilespmem:$0xC18] =	vst v0  }
0xc0: {  	[tilespmem:$0xC28] =	vst v0  }
0xc1: {  	[tilespmem:$0xC38] =	vst v0  }
0xc2: {  	[tilespmem:$0xC48] =	vst v0  }
0xc3: {  	[tilespmem:$0xC58] =	vst v0  }
0xc4: {  	[tilespmem:$0xC68] =	vst v0  }
0xc5: {  	[tilespmem:$0xC78] =	vst v0  }
0xc6: {  	[tilespmem:$0xC88] =	vst v0  }
0xc7: {  	[tilespmem:$0xC98] =	vst v0  }
0xc8: {  	[tilespmem:$0xCA8] =	vst v0  }
0xc9: {  	[tilespmem:$0xCB8] =	vst v0  }
0xca: {  	[tilespmem:$0xCC8] =	vst v0  }
0xcb: {  	[tilespmem:$0xCD8] =	vst v0  }
0xcc: {  	[tilespmem:$0xCE8] =	vst v0  }
0xcd: {  	[tilespmem:$0xCF8] =	vst v0  }
0xce: {  	[tilespmem:$0xD08] =	vst v0  }
0xcf: {  	[tilespmem:$0xD18] =	vst v0  }
0xd0: {  	[tilespmem:$0xD28] =	vst v0  }
0xd1: {  	[tilespmem:$0xD38] =	vst v0  }
0xd2: {  	[tilespmem:$0xD48] =	vst v0  }
0xd3: {  	[tilespmem:$0xD58] =	vst v0  }
0xd4: {  	[tilespmem:$0xD68] =	vst v0  }
0xd5: {  	[tilespmem:$0xD78] =	vst v0  }
0xd6: {  	[tilespmem:$0xD88] =	vst v0  }
0xd7: {  	[tilespmem:$0xD98] =	vst v0  }
0xd8: {  	[tilespmem:$0xDA8] =	vst v0  }
0xd9: {  	[tilespmem:$0xDB8] =	vst v0  }
0xda: {  	[tilespmem:$0xDC8] =	vst v0  }
0xdb: {  	[tilespmem:$0xDD8] =	vst v0  }
0xdc: {  	[tilespmem:$0xDE8] =	vst v0  }
0xdd: {  	[tilespmem:$0xDF8] =	vst v0  }
0xde: {  	[tilespmem:$0xE08] =	vst v0  }
0xdf: {  	[tilespmem:$0xE18] =	vst v0  }
0xe0: {  	[tilespmem:$0xE28] =	vst v0  }
0xe1: {  	[tilespmem:$0xE38] =	vst v0  }
0xe2: {  	[tilespmem:$0xE48] =	vst v0  }
0xe3: {  	[tilespmem:$0xE58] =	vst v0  }
0xe4: {  	[tilespmem:$0xE68] =	vst v0  }
0xe5: {  	[tilespmem:$0xE78] =	vst v0  }
0xe6: {  	[tilespmem:$0xE88] =	vst v0  }
0xe7: {  	[tilespmem:$0xE98] =	vst v0  }
0xe8: {  	[tilespmem:$0xEA8] =	vst v0  }
0xe9: {  	[tilespmem:$0xEB8] =	vst v0  }
0xea: {  	[tilespmem:$0xEC8] =	vst v0  }
0xeb: {  	[tilespmem:$0xED8] =	vst v0  }
0xec: {  	[tilespmem:$0xEE8] =	vst v0  }
0xed: {  	[tilespmem:$0xEF8] =	vst v0  }
0xee: {  	[tilespmem:$0xF08] =	vst v0  }
0xef: {  	[tilespmem:$0xF18] =	vst v0  }
0xf0: {  	[tilespmem:$0xF28] =	vst v0  }
0xf1: {  	[tilespmem:$0xF38] =	vst v0  }
0xf2: {  	[tilespmem:$0xF48] =	vst v0  }
0xf3: {  	[tilespmem:$0xF58] =	vst v0  }
0xf4: {  	[tilespmem:$0xF68] =	vst v0  }
0xf5: {  	[tilespmem:$0xF78] =	vst v0  }
0xf6: {  	[tilespmem:$0xF88] =	vst v0  }
0xf7: {  	[tilespmem:$0xF98] =	vst v0  }
0xf8: {  	[tilespmem:$0xFA8] =	vst v0  }
0xf9: {  	[tilespmem:$0xFB8] =	vst v0  }
0xfa: {  	[tilespmem:$0xFC8] =	vst v0  }
0xfb: {  	[tilespmem:$0xFD8] =	vst v0  }
0xfc: {  	[tilespmem:$0xFE8] =	vst v0  }
0xfd: {  	[tilespmem:$0xFF8] =	vst v0  }
0xfe: {  	[tilespmem:$0x1008] =	vst v0  }
0xff: {  	[tilespmem:$0x1018] =	vst v0  }
0x100: {  	[tilespmem:$0x1028] =	vst v0  }
0x101: {  	[tilespmem:$0x1038] =	vst v0  }
0x102: {  	[tilespmem:$0x1048] =	vst v0  }
0x103: {  	[tilespmem:$0x1058] =	vst v0  }
0x104: {  	[tilespmem:$0x1068] =	vst v0  }
0x105: {  	[tilespmem:$0x1078] =	vst v0  }
0x106: {  	[tilespmem:$0x1088] =	vst v0  }
0x107: {  	[tilespmem:$0x1098] =	vst v0  }
0x108: {  	[tilespmem:$0x10A8] =	vst v0  }
0x109: {  	[tilespmem:$0x10B8] =	vst v0  }
0x10a: {  	[tilespmem:$0x10C8] =	vst v0  }
0x10b: {  	[tilespmem:$0x10D8] =	vst v0  }
0x10c: {  	[tilespmem:$0x10E8] =	vst v0  }
0x10d: {  	[tilespmem:$0x10F8] =	vst v0  }
0x10e: {  	[tilespmem:$0x1108] =	vst v0  }
0x10f: {  	[tilespmem:$0x1118] =	vst v0  }
0x110: {  	[tilespmem:$0x1128] =	vst v0  }
0x111: {  	[tilespmem:$0x1138] =	vst v0  }
0x112: {  	[tilespmem:$0x1148] =	vst v0  }
0x113: {  	[tilespmem:$0x1158] =	vst v0  }
0x114: {  	[tilespmem:$0x1168] =	vst v0  }
0x115: {  	[tilespmem:$0x1178] =	vst v0  }
0x116: {  	[tilespmem:$0x1188] =	vst v0  }
0x117: {  	[tilespmem:$0x1198] =	vst v0  }
0x118: {  	[tilespmem:$0x11A8] =	vst v0  }
0x119: {  	[tilespmem:$0x11B8] =	vst v0  }
0x11a: {  	[tilespmem:$0x11C8] =	vst v0  }
0x11b: {  	[tilespmem:$0x11D8] =	vst v0  }
0x11c: {  	[tilespmem:$0x11E8] =	vst v0  }
0x11d: {  	[tilespmem:$0x11F8] =	vst v0  }
0x11e: {  	[tilespmem:$0x1208] =	vst v0  }
0x11f: {  	[tilespmem:$0x1218] =	vst v0  }
0x120: {  	[tilespmem:$0x1228] =	vst v0  }
0x121: {  	[tilespmem:$0x1238] =	vst v0  }
0x122: {  	[tilespmem:$0x1248] =	vst v0  }
0x123: {  	[tilespmem:$0x1258] =	vst v0  }
0x124: {  	[tilespmem:$0x1268] =	vst v0  }
0x125: {  	[tilespmem:$0x1278] =	vst v0  }
0x126: {  	[tilespmem:$0x1288] =	vst v0  }
0x127: {  	[tilespmem:$0x1298] =	vst v0  }
0x128: {  	[tilespmem:$0x12A8] =	vst v0  }
0x129: {  	[tilespmem:$0x12B8] =	vst v0  }
0x12a: {  	[tilespmem:$0x12C8] =	vst v0  }
0x12b: {  	[tilespmem:$0x12D8] =	vst v0  }
0x12c: {  	[tilespmem:$0x12E8] =	vst v0  }
0x12d: {  	[tilespmem:$0x12F8] =	vst v0  }
0x12e: {  	[tilespmem:$0x1308] =	vst v0  }
0x12f: {  	[tilespmem:$0x1318] =	vst v0  }
0x130: {  	[tilespmem:$0x1328] =	vst v0  }
0x131: {  	[tilespmem:$0x1338] =	vst v0  }
0x132: {  	[tilespmem:$0x1348] =	vst v0  }
0x133: {  	[tilespmem:$0x1358] =	vst v0  }
0x134: {  	[tilespmem:$0x1368] =	vst v0  }
0x135: {  	[tilespmem:$0x1378] =	vst v0  }
0x136: {  	[tilespmem:$0x1388] =	vst v0  }
0x137: {  	[tilespmem:$0x1398] =	vst v0  }
0x138: {  	[tilespmem:$0x13A8] =	vst v0  }
0x139: {  	[tilespmem:$0x13B8] =	vst v0  }
0x13a: {  	[tilespmem:$0x13C8] =	vst v0  }
0x13b: {  	[tilespmem:$0x13D8] =	vst v0  }
0x13c: {  	[tilespmem:$0x13E8] =	vst v0  }
0x13d: {  	[tilespmem:$0x13F8] =	vst v0  }
0x13e: {  	[tilespmem:$0x1408] =	vst v0  }
0x13f: {  	[tilespmem:$0x1418] =	vst v0  }
0x140: {  	[tilespmem:$0x1428] =	vst v0  }
0x141: {  	[tilespmem:$0x1438] =	vst v0  }
0x142: {  	[tilespmem:$0x1448] =	vst v0  }
0x143: {  	[tilespmem:$0x1458] =	vst v0  }
0x144: {  	[tilespmem:$0x2388] =	vst v0  }
0x145: {  	[tilespmem:$0x2398] =	vst v0  }
0x146: {  	[tilespmem:$0x1468] =	vst v0  }
0x147: {  	[tilespmem:$0x1478] =	vst v0  }
0x148: {  	[tilespmem:$0x1488] =	vst v0  }
0x149: {  	[tilespmem:$0x1498] =	vst v0  }
0x14a: {  	[tilespmem:$0x14A8] =	vst v0  }
0x14b: {  	[tilespmem:$0x14B8] =	vst v0  }
0x14c: {  	[tilespmem:$0x14C8] =	vst v0  }
0x14d: {  	[tilespmem:$0x14D8] =	vst v0  }
0x14e: {  	[tilespmem:$0x14E8] =	vst v0  }
0x14f: {  	[tilespmem:$0x14F8] =	vst v0  }
0x150: {  	[tilespmem:$0x1508] =	vst v0  }
0x151: {  	[tilespmem:$0x1518] =	vst v0  }
0x152: {  	[tilespmem:$0x1528] =	vst v0  }
0x153: {  	[tilespmem:$0x1538] =	vst v0  }
0x154: {  	[tilespmem:$0x1548] =	vst v0  }
0x155: {  	[tilespmem:$0x1558] =	vst v0  }
0x156: {  	[tilespmem:$0x1568] =	vst v0  }
0x157: {  	[tilespmem:$0x1578] =	vst v0  }
0x158: {  	[tilespmem:$0x1588] =	vst v0  }
0x159: {  	[tilespmem:$0x1598] =	vst v0  }
0x15a: {  	[tilespmem:$0x15A8] =	vst v0  }
0x15b: {  	[tilespmem:$0x15B8] =	vst v0  }
0x15c: {  	[tilespmem:$0x15C8] =	vst v0  }
0x15d: {  	[tilespmem:$0x15D8] =	vst v0  }
0x15e: {  	[tilespmem:$0x15E8] =	vst v0  }
0x15f: {  	[tilespmem:$0x15F8] =	vst v0  }
0x160: {  	[tilespmem:$0x1608] =	vst v0  }
0x161: {  	[tilespmem:$0x1618] =	vst v0  }
0x162: {  	[tilespmem:$0x1628] =	vst v0  }
0x163: {  	[tilespmem:$0x1638] =	vst v0  }
0x164: {  	[tilespmem:$0x1648] =	vst v0  }
0x165: {  	[tilespmem:$0x1658] =	vst v0  }
0x166: {  	[tilespmem:$0x1668] =	vst v0  }
0x167: {  	[tilespmem:$0x1678] =	vst v0  }
0x168: {  	[tilespmem:$0x1688] =	vst v0  }
0x169: {  	[tilespmem:$0x1698] =	vst v0  }
0x16a: {  	[tilespmem:$0x16A8] =	vst v0  }
0x16b: {  	[tilespmem:$0x16B8] =	vst v0  }
0x16c: {  	[tilespmem:$0x16C8] =	vst v0  }
0x16d: {  	[tilespmem:$0x16D8] =	vst v0  }
0x16e: {  	[tilespmem:$0x16E8] =	vst v0  }
0x16f: {  	[tilespmem:$0x16F8] =	vst v0  }
0x170: {  	[tilespmem:$0x1708] =	vst v0  }
0x171: {  	[tilespmem:$0x1718] =	vst v0  }
0x172: {  	[tilespmem:$0x1728] =	vst v0  }
0x173: {  	[tilespmem:$0x1738] =	vst v0  }
0x174: {  	[tilespmem:$0x1748] =	vst v0  }
0x175: {  	[tilespmem:$0x1758] =	vst v0  }
0x176: {  	[tilespmem:$0x1768] =	vst v0  }
0x177: {  	[tilespmem:$0x1778] =	vst v0  }
0x178: {  	[tilespmem:$0x1788] =	vst v0  }
0x179: {  	[tilespmem:$0x1798] =	vst v0  }
0x17a: {  	[tilespmem:$0x17A8] =	vst v0  }
0x17b: {  	[tilespmem:$0x17B8] =	vst v0  }
0x17c: {  	[tilespmem:$0x17C8] =	vst v0  }
0x17d: {  	[tilespmem:$0x17D8] =	vst v0  }
0x17e: {  	[tilespmem:$0x17E8] =	vst v0  }
0x17f: {  	[tilespmem:$0x17F8] =	vst v0  }
0x180: {  	[tilespmem:$0x1808] =	vst v0  }
0x181: {  	[tilespmem:$0x1818] =	vst v0  }
0x182: {  	[tilespmem:$0x1828] =	vst v0  }
0x183: {  	[tilespmem:$0x1838] =	vst v0  }
0x184: {  	[tilespmem:$0x1848] =	vst v0  }
0x185: {  	[tilespmem:$0x1858] =	vst v0  }
0x186: {  	[tilespmem:$0x1868] =	vst v0  }
0x187: {  	[tilespmem:$0x1878] =	vst v0  }
0x188: {  	[tilespmem:$0x1888] =	vst v0  }
0x189: {  	[tilespmem:$0x1898] =	vst v0  }
0x18a: {  	[tilespmem:$0x18A8] =	vst v0  }
0x18b: {  	[tilespmem:$0x18B8] =	vst v0  }
0x18c: {  	[tilespmem:$0x18C8] =	vst v0  }
0x18d: {  	[tilespmem:$0x18D8] =	vst v0  }
0x18e: {  	[tilespmem:$0x18E8] =	vst v0  }
0x18f: {  	[tilespmem:$0x18F8] =	vst v0  }
0x190: {  	[tilespmem:$0x1908] =	vst v0  }
0x191: {  	[tilespmem:$0x1918] =	vst v0  }
0x192: {  	[tilespmem:$0x1928] =	vst v0  }
0x193: {  	[tilespmem:$0x1938] =	vst v0  }
0x194: {  	[tilespmem:$0x1948] =	vst v0  }
0x195: {  	[tilespmem:$0x1958] =	vst v0  }
0x196: {  	[tilespmem:$0x1968] =	vst v0  }
0x197: {  	[tilespmem:$0x1978] =	vst v0  }
0x198: {  	[tilespmem:$0x1988] =	vst v0  }
0x199: {  	[tilespmem:$0x1998] =	vst v0  }
0x19a: {  	[tilespmem:$0x19A8] =	vst v0  }
0x19b: {  	[tilespmem:$0x19B8] =	vst v0  }
0x19c: {  	[tilespmem:$0x19C8] =	vst v0  }
0x19d: {  	[tilespmem:$0x19D8] =	vst v0  }
0x19e: {  	[tilespmem:$0x19E8] =	vst v0  }
0x19f: {  	[tilespmem:$0x19F8] =	vst v0  }
0x1a0: {  	[tilespmem:$0x1A08] =	vst v0  }
0x1a1: {  	[tilespmem:$0x1A18] =	vst v0  }
0x1a2: {  	[tilespmem:$0x1A28] =	vst v0  }
0x1a3: {  	[tilespmem:$0x1A38] =	vst v0  }
0x1a4: {  	[tilespmem:$0x1A48] =	vst v0  }
0x1a5: {  	[tilespmem:$0x1A58] =	vst v0  }
0x1a6: {  	[tilespmem:$0x1A68] =	vst v0  }
0x1a7: {  	[tilespmem:$0x1A78] =	vst v0  }
0x1a8: {  	[tilespmem:$0x1A88] =	vst v0  }
0x1a9: {  	[tilespmem:$0x1A98] =	vst v0  }
0x1aa: {  	[tilespmem:$0x1AA8] =	vst v0  }
0x1ab: {  	[tilespmem:$0x1AB8] =	vst v0  }
0x1ac: {  	[tilespmem:$0x1AC8] =	vst v0  }
0x1ad: {  	[tilespmem:$0x1AD8] =	vst v0  }
0x1ae: {  	[tilespmem:$0x1AE8] =	vst v0  }
0x1af: {  	[tilespmem:$0x1AF8] =	vst v0  }
0x1b0: {  	[tilespmem:$0x1B08] =	vst v0  }
0x1b1: {  	[tilespmem:$0x1B18] =	vst v0  }
0x1b2: {  	[tilespmem:$0x1B28] =	vst v0  }
0x1b3: {  	[tilespmem:$0x1B38] =	vst v0  }
0x1b4: {  	[tilespmem:$0x1B48] =	vst v0  }
0x1b5: {  	[tilespmem:$0x1B58] =	vst v0  }
0x1b6: {  	[tilespmem:$0x1B68] =	vst v0  }
0x1b7: {  	[tilespmem:$0x1B78] =	vst v0  }
0x1b8: {  	[tilespmem:$0x1B88] =	vst v0  }
0x1b9: {  	[tilespmem:$0x1B98] =	vst v0  }
0x1ba: {  	[tilespmem:$0x1BA8] =	vst v0  }
0x1bb: {  	[tilespmem:$0x1BB8] =	vst v0  }
0x1bc: {  	[tilespmem:$0x1BC8] =	vst v0  }
0x1bd: {  	[tilespmem:$0x1BD8] =	vst v0  }
0x1be: {  	[tilespmem:$0x1BE8] =	vst v0  }
0x1bf: {  	[tilespmem:$0x1BF8] =	vst v0  }
0x1c0: {  	[tilespmem:$0x1C08] =	vst v0  }
0x1c1: {  	[tilespmem:$0x1C18] =	vst v0  }
0x1c2: {  	[tilespmem:$0x1C28] =	vst v0  }
0x1c3: {  	[tilespmem:$0x1C38] =	vst v0  }
0x1c4: {  	[tilespmem:$0x1C48] =	vst v0  }
0x1c5: {  	[tilespmem:$0x1C58] =	vst v0  }
0x1c6: {  	[tilespmem:$0x1C68] =	vst v0  }
0x1c7: {  	[tilespmem:$0x1C78] =	vst v0  }
0x1c8: {  	[tilespmem:$0x1C88] =	vst v0  }
0x1c9: {  	[tilespmem:$0x1C98] =	vst v0  }
0x1ca: {  	[tilespmem:$0x1CA8] =	vst v0  }
0x1cb: {  	[tilespmem:$0x1CB8] =	vst v0  }
0x1cc: {  	[tilespmem:$0x1CC8] =	vst v0  }
0x1cd: {  	[tilespmem:$0x1CD8] =	vst v0  }
0x1ce: {  	[tilespmem:$0x1CE8] =	vst v0  }
0x1cf: {  	[tilespmem:$0x1CF8] =	vst v0  }
0x1d0: {  	[tilespmem:$0x1D08] =	vst v0  }
0x1d1: {  	[tilespmem:$0x1D18] =	vst v0  }
0x1d2: {  	[tilespmem:$0x1D28] =	vst v0  }
0x1d3: {  	[tilespmem:$0x1D38] =	vst v0  }
0x1d4: {  	[tilespmem:$0x1D48] =	vst v0  }
0x1d5: {  	[tilespmem:$0x1D58] =	vst v0  }
0x1d6: {  	[tilespmem:$0x1D68] =	vst v0  }
0x1d7: {  	[tilespmem:$0x1D78] =	vst v0  }
0x1d8: {  	[tilespmem:$0x1D88] =	vst v0  }
0x1d9: {  	[tilespmem:$0x1D98] =	vst v0  }
0x1da: {  	[tilespmem:$0x1DA8] =	vst v0  }
0x1db: {  	[tilespmem:$0x1DB8] =	vst v0  }
0x1dc: {  	[tilespmem:$0x1DC8] =	vst v0  }
0x1dd: {  	[tilespmem:$0x1DD8] =	vst v0  }
0x1de: {  	[tilespmem:$0x1DE8] =	vst v0  }
0x1df: {  	[tilespmem:$0x1DF8] =	vst v0  }
0x1e0: {  	[tilespmem:$0x1E08] =	vst v0  }
0x1e1: {  	[tilespmem:$0x1E18] =	vst v0  }
0x1e2: {  	[tilespmem:$0x1E28] =	vst v0  }
0x1e3: {  	[tilespmem:$0x1E38] =	vst v0  }
0x1e4: {  	[tilespmem:$0x1E48] =	vst v0  }
0x1e5: {  	[tilespmem:$0x1E58] =	vst v0  }
0x1e6: {  	[tilespmem:$0x1E68] =	vst v0  }
0x1e7: {  	[tilespmem:$0x1E78] =	vst v0  }
0x1e8: {  	[tilespmem:$0x1E88] =	vst v0  }
0x1e9: {  	[tilespmem:$0x1E98] =	vst v0  }
0x1ea: {  	[tilespmem:$0x1EA8] =	vst v0  }
0x1eb: {  	[tilespmem:$0x1EB8] =	vst v0  }
0x1ec: {  	[tilespmem:$0x1EC8] =	vst v0  }
0x1ed: {  	[tilespmem:$0x1ED8] =	vst v0  }
0x1ee: {  	[tilespmem:$0x1EE8] =	vst v0  }
0x1ef: {  	[tilespmem:$0x1EF8] =	vst v0  }
0x1f0: {  	[tilespmem:$0x1F08] =	vst v0  }
0x1f1: {  	[tilespmem:$0x1F18] =	vst v0  }
0x1f2: {  	[tilespmem:$0x1F28] =	vst v0  }
0x1f3: {  	[tilespmem:$0x1F38] =	vst v0  }
0x1f4: {  	[tilespmem:$0x1F48] =	vst v0  }
0x1f5: {  	[tilespmem:$0x1F58] =	vst v0  }
0x1f6: {  	[tilespmem:$0x1F68] =	vst v0  }
0x1f7: {  	[tilespmem:$0x1F78] =	vst v0  }
0x1f8: {  	[tilespmem:$0x1F88] =	vst v0  }
0x1f9: {  	[tilespmem:$0x1F98] =	vst v0  }
0x1fa: {  	[tilespmem:$0x1FA8] =	vst v0  }
0x1fb: {  	[tilespmem:$0x1FB8] =	vst v0  }
0x1fc: {  	[tilespmem:$0x1FC8] =	vst v0  }
0x1fd: {  	[tilespmem:$0x1FD8] =	vst v0  }
0x1fe: {  	[tilespmem:$0x1FE8] =	vst v0  }
0x1ff: {  	[tilespmem:$0x1FF8] =	vst v0  }
0x200: {  	[tilespmem:$0x2008] =	vst v0  }
0x201: {  	[tilespmem:$0x2018] =	vst v0  }
0x202: {  	[tilespmem:$0x2028] =	vst v0  }
0x203: {  	[tilespmem:$0x2038] =	vst v0  }
0x204: {  	[tilespmem:$0x2048] =	vst v0  }
0x205: {  	[tilespmem:$0x2058] =	vst v0  }
0x206: {  	[tilespmem:$0x2068] =	vst v0  }
0x207: {  	[tilespmem:$0x2078] =	vst v0  }
0x208: {  	[tilespmem:$0x2088] =	vst v0  }
0x209: {  	[tilespmem:$0x2098] =	vst v0  }
0x20a: {  	[tilespmem:$0x20A8] =	vst v0  }
0x20b: {  	[tilespmem:$0x20B8] =	vst v0  }
0x20c: {  	[tilespmem:$0x20C8] =	vst v0  }
0x20d: {  	[tilespmem:$0x20D8] =	vst v0  }
0x20e: {  	[tilespmem:$0x20E8] =	vst v0  }
0x20f: {  	[tilespmem:$0x20F8] =	vst v0  }
0x210: {  	[tilespmem:$0x2108] =	vst v0  }
0x211: {  	[tilespmem:$0x2118] =	vst v0  }
0x212: {  	[tilespmem:$0x2128] =	vst v0  }
0x213: {  	[tilespmem:$0x2138] =	vst v0  }
0x214: {  	[tilespmem:$0x2148] =	vst v0  }
0x215: {  	[tilespmem:$0x2158] =	vst v0  }
0x216: {  	[tilespmem:$0x2168] =	vst v0  }
0x217: {  	[tilespmem:$0x2178] =	vst v0  }
0x218: {  	[tilespmem:$0x2188] =	vst v0  }
0x219: {  	[tilespmem:$0x2198] =	vst v0  }
0x21a: {  	[tilespmem:$0x21A8] =	vst v0  }
0x21b: {  	[tilespmem:$0x21B8] =	vst v0  }
0x21c: {  	[tilespmem:$0x21C8] =	vst v0  }
0x21d: {  	[tilespmem:$0x21D8] =	vst v0  }
0x21e: {  	[tilespmem:$0x21E8] =	vst v0  }
0x21f: {  	[tilespmem:$0x21F8] =	vst v0  }
0x220: {  	[tilespmem:$0x2208] =	vst v0  }
0x221: {  	[tilespmem:$0x2218] =	vst v0  }
0x222: {  	[tilespmem:$0x2228] =	vst v0  }
0x223: {  	[tilespmem:$0x2238] =	vst v0  }
0x224: {  	[tilespmem:$0x2248] =	vst v0  }
0x225: {  	[tilespmem:$0x2258] =	vst v0  }
0x226: {  	[tilespmem:$0x2268] =	vst v0  }
0x227: {  	[tilespmem:$0x2278] =	vst v0  }
0x228: {  	[tilespmem:$0x2288] =	vst v0  }
0x229: {  	[tilespmem:$0x2298] =	vst v0  }
0x22a: {  	[tilespmem:$0x22A8] =	vst v0  }
0x22b: {  	[tilespmem:$0x22B8] =	vst v0  }
0x22c: {  	[tilespmem:$0x22C8] =	vst v0  }
0x22d: {  	[tilespmem:$0x22D8] =	vst v0  }
0x22e: {  	[tilespmem:$0x22E8] =	vst v0  }
0x22f: {  	[tilespmem:$0x22F8] =	vst v0  }
0x230: {  	[tilespmem:$0x2308] =	vst v0  }
0x231: {  	[tilespmem:$0x2318] =	vst v0  }
0x232: {  	[tilespmem:$0x2328] =	vst v0  }
0x233: {  	[tilespmem:$0x2338] =	vst v0  }
0x234: {  	[tilespmem:$0x2348] =	vst v0  }
0x235: {  	[tilespmem:$0x2358] =	vst v0  }
0x236: {  	[tilespmem:$0x2368] =	vst v0  }
0x237: {  	[tilespmem:$0x2378] =	vst v0  }
0x238: {  	[tilespmem:$0x23A8] =	vst v0  }
0x239: {  	[tilespmem:$0x23B8] =	vst v0  }
0x23a: {  	[tilespmem:$0x23C8] =	vst v0  }
0x23b: {  	[tilespmem:$0x23D8] =	vst v0  }
0x23c: {  	[tilespmem:$0x23E8] =	vst v0  }
0x23d: {  	[tilespmem:$0x23F8] =	vst v0  }
0x23e: {  	[tilespmem:$0x2408] =	vst v0  }
0x23f: {  	[tilespmem:$0x2418] =	vst v0  }
0x240: {  	[tilespmem:$0x2428] =	vst v0  }
0x241: {  	[tilespmem:$0x2438] =	vst v0  }
0x242: {  	[tilespmem:$0x2448] =	vst v0  }
0x243: {  	[tilespmem:$0x2458] =	vst v0  }
0x244: {  	[tilespmem:$0x2468] =	vst v0  }
0x245: {  	[tilespmem:$0x2478] =	vst v0  }
0x246: {  	[tilespmem:$0x2488] =	vst v0  }
0x247: {  	[tilespmem:$0x2498] =	vst v0  }
0x248: {  	[tilespmem:$0x24A8] =	vst v0  }
0x249: {  	[tilespmem:$0x24B8] =	vst v0  }
0x24a: {  	[tilespmem:$0x24C8] =	vst v0  }
0x24b: {  	[tilespmem:$0x24D8] =	vst v0  }
0x24c: {  	[tilespmem:$0x24E8] =	vst v0  }
0x24d: {  	[tilespmem:$0x24F8] =	vst v0  }
0x24e: {  	[tilespmem:$0x2508] =	vst v0  }
0x24f: {  	[tilespmem:$0x2518] =	vst v0  }
0x250: {  	[tilespmem:$0x2528] =	vst v0  }
0x251: {  	[tilespmem:$0x2538] =	vst v0  }
0x252: {  	[tilespmem:$0x2548] =	vst v0  }
0x253: {  	[tilespmem:$0x2558] =	vst v0  }
0x254: {  	[tilespmem:$0x2568] =	vst v0  }
0x255: {  	[tilespmem:$0x2578] =	vst v0  }
0x256: {  	[tilespmem:$0x2588] =	vst v0  }
0x257: {  	[tilespmem:$0x2598] =	vst v0  }
0x258: {  	[tilespmem:$0x25A8] =	vst v0  }
0x259: {  	[tilespmem:$0x25B8] =	vst v0  }
0x25a: {  	[tilespmem:$0x25C8] =	vst v0  }
0x25b: {  	[tilespmem:$0x25D8] =	vst v0  }
0x25c: {  	[tilespmem:$0x25E8] =	vst v0  }
0x25d: {  	[tilespmem:$0x25F8] =	vst v0  }
0x25e: {  	[tilespmem:$0x2608] =	vst v0  }
0x25f: {  	[tilespmem:$0x2618] =	vst v0  }
0x260: {  	[tilespmem:$0x2628] =	vst v0  }
0x261: {  	[tilespmem:$0x2638] =	vst v0  }
0x262: {  	[tilespmem:$0x2648] =	vst v0  }
0x263: {  	[tilespmem:$0x2658] =	vst v0  }
0x264: {  	[tilespmem:$0x2668] =	vst v0  }
0x265: {  	[tilespmem:$0x2678] =	vst v0  }
0x266: {  	[tilespmem:$0x2688] =	vst v0  }
0x267: {  	[tilespmem:$0x2698] =	vst v0  }
0x268: {  	[tilespmem:$0x26A8] =	vst v0  }
0x269: {  	[tilespmem:$0x26B8] =	vst v0  }
0x26a: {  	[tilespmem:$0x26C8] =	vst v0  }
0x26b: {  	[tilespmem:$0x26D8] =	vst v0  }
0x26c: {  	[tilespmem:$0x26E8] =	vst v0  }
0x26d: {  	[tilespmem:$0x26F8] =	vst v0  }
0x26e: {  	[tilespmem:$0x2708] =	vst v0  }
0x26f: {  	[tilespmem:$0x2718] =	vst v0  }
0x270: {  	[tilespmem:$0x2728] =	vst v0  }
0x271: {  	[tilespmem:$0x2738] =	vst v0  }
0x272: {  	[tilespmem:$0x2748] =	vst v0  }
0x273: {  	[tilespmem:$0x2758] =	vst v0  }
0x274: {  	[tilespmem:$0x2768] =	vst v0  }
0x275: {  	[tilespmem:$0x2778] =	vst v0  }
0x276: {  	[tilespmem:$0x2788] =	vst v0  }
0x277: {  	[tilespmem:$0x2798] =	vst v0  }
0x278: {  	[tilespmem:$0x27A8] =	vst v0  }
0x279: {  	[tilespmem:$0x27B8] =	vst v0  }
0x27a: {  	[tilespmem:$0x27C8] =	vst v0  }
0x27b: {  	[tilespmem:$0x27D8] =	vst v0  }
0x27c: {  	[tilespmem:$0x27E8] =	vst v0  }
0x27d: {  	[tilespmem:$0x27F8] =	vst v0  }
0x27e: {  	[tilespmem:$0x2808] =	vst v0  }
0x27f: {  	[tilespmem:$0x2818] =	vst v0  }
0x280: {  	[tilespmem:$0x2828] =	vst v0  }
0x281: {  	[tilespmem:$0x2838] =	vst v0  }
0x282: {  	[tilespmem:$0x2848] =	vst v0  }
0x283: {  	[tilespmem:$0x2858] =	vst v0  }
0x284: {  	[tilespmem:$0x2868] =	vst v0  }
0x285: {  	[tilespmem:$0x2878] =	vst v0  }
0x286: {  	[tilespmem:$0x2888] =	vst v0  }
0x287: {  	[tilespmem:$0x2898] =	vst v0  }
0x288: {  	[tilespmem:$0x28A8] =	vst v0  }
0x289: {  	[tilespmem:$0x28B8] =	vst v0  }
0x28a: {  	[tilespmem:$0x28C8] =	vst v0  }
0x28b: {  	[tilespmem:$0x28D8] =	vst v0  }
0x28c: {  	[tilespmem:$0x28E8] =	vst v0  }
0x28d: {  	[tilespmem:$0x28F8] =	vst v0  }
0x28e: {  	[tilespmem:$0x2908] =	vst v0  }
0x28f: {  	[tilespmem:$0x2918] =	vst v0  }
0x290: {  	[tilespmem:$0x2928] =	vst v0  }
0x291: {  	[tilespmem:$0x2938] =	vst v0  }
0x292: {  	[tilespmem:$0x2948] =	vst v0  }
0x293: {  	[tilespmem:$0x2958] =	vst v0  }
0x294: {  	[tilespmem:$0x2968] =	vst v0  }
0x295: {  	[tilespmem:$0x2978] =	vst v0  }
0x296: {  	[tilespmem:$0x2988] =	vst v0  }
0x297: {  	[tilespmem:$0x2998] =	vst v0  }
0x298: {  	[tilespmem:$0x29A8] =	vst v0  }
0x299: {  	[tilespmem:$0x29B8] =	vst v0  }
0x29a: {  	[tilespmem:$0x29C8] =	vst v0  }
0x29b: {  	[tilespmem:$0x29D8] =	vst v0  }
0x29c: {  	[tilespmem:$0x29E8] =	vst v0  }
0x29d: {  	[tilespmem:$0x29F8] =	vst v0  }
0x29e: {  	[tilespmem:$0x2A08] =	vst v0  }
0x29f: {  	[tilespmem:$0x2A18] =	vst v0  }
0x2a0: {  	[tilespmem:$0x2A28] =	vst v0  }
0x2a1: {  	[tilespmem:$0x2A38] =	vst v0  }
0x2a2: {  	[tilespmem:$0x2A48] =	vst v0  }
0x2a3: {  	[tilespmem:$0x2A58] =	vst v0  }
0x2a4: {  	[tilespmem:$0x2A68] =	vst v0  }
0x2a5: {  	[tilespmem:$0x2A78] =	vst v0  }
0x2a6: {  	[tilespmem:$0x2A88] =	vst v0  }
0x2a7: {  	[tilespmem:$0x2A98] =	vst v0  }
0x2a8: {  	[tilespmem:$0x2AA8] =	vst v0  }
0x2a9: {  	[tilespmem:$0x2AB8] =	vst v0  }
0x2aa: {  	[tilespmem:$0x2AC8] =	vst v0  }
0x2ab: {  	[tilespmem:$0x2AD8] =	vst v0  }
0x2ac: {  	[tilespmem:$0x2AE8] =	vst v0  }
0x2ad: {  	[tilespmem:$0x2AF8] =	vst v0  }
0x2ae: {  	[tilespmem:$0x2B08] =	vst v0  }
0x2af: {  	[tilespmem:$0x2B18] =	vst v0  }
0x2b0: {  	[tilespmem:$0x2B28] =	vst v0  }
0x2b1: {  	[tilespmem:$0x2B38] =	vst v0  }
0x2b2: {  	[tilespmem:$0x2B48] =	vst v0  }
0x2b3: {  	[tilespmem:$0x2B58] =	vst v0  }
0x2b4: {  	[tilespmem:$0x2B68] =	vst v0  }
0x2b5: {  	[tilespmem:$0x2B78] =	vst v0  }
0x2b6: {  	[tilespmem:$0x2B88] =	vst v0  }
0x2b7: {  	[tilespmem:$0x2B98] =	vst v0  }
0x2b8: {  	[tilespmem:$0x2BA8] =	vst v0  }
0x2b9: {  	[tilespmem:$0x2BB8] =	vst v0  }
0x2ba: {  	[tilespmem:$0x2BC8] =	vst v0  }
0x2bb: {  	[tilespmem:$0x2BD8] =	vst v0  }
0x2bc: {  	[tilespmem:$0x2BE8] =	vst v0  }
0x2bd: {  	[tilespmem:$0x2BF8] =	vst v0  }
0x2be: {  	[tilespmem:$0x2C08] =	vst v0  }
0x2bf: {  	[tilespmem:$0x2C18] =	vst v0  }
0x2c0: {  	[tilespmem:$0x2C28] =	vst v0  }
0x2c1: {  	[tilespmem:$0x2C38] =	vst v0  }
0x2c2: {  	[tilespmem:$0x2C48] =	vst v0  }
0x2c3: {  	[tilespmem:$0x2C58] =	vst v0  }
0x2c4: {  	[tilespmem:$0x2C68] =	vst v0  }
0x2c5: {  	[tilespmem:$0x2C78] =	vst v0  }
0x2c6: {  	[tilespmem:$0x2C88] =	vst v0  }
0x2c7: {  	[tilespmem:$0x2C98] =	vst v0  }
0x2c8: {  	[tilespmem:$0x2CA8] =	vst v0  }
0x2c9: {  	[tilespmem:$0x2CB8] =	vst v0  }
0x2ca: {  	[tilespmem:$0x2CC8] =	vst v0  }
0x2cb: {  	[tilespmem:$0x2CD8] =	vst v0  }
0x2cc: {  	[tilespmem:$0x2CE8] =	vst v0  }
0x2cd: {  	[tilespmem:$0x2CF8] =	vst v0  }
0x2ce: {  	[tilespmem:$0x2D08] =	vst v0  }
0x2cf: {  	[tilespmem:$0x2D18] =	vst v0  }
0x2d0: {  	[tilespmem:$0x2D28] =	vst v0  }
0x2d1: {  	[tilespmem:$0x2D38] =	vst v0  }
0x2d2: {  	[tilespmem:$0x2D48] =	vst v0  }
0x2d3: {  	[tilespmem:$0x2D58] =	vst v0  }
0x2d4: {  	[tilespmem:$0x2D68] =	vst v0  }
0x2d5: {  	[tilespmem:$0x2D78] =	vst v0  }
0x2d6: {  	[tilespmem:$0x2D88] =	vst v0  }
0x2d7: {  	[tilespmem:$0x2D98] =	vst v0  }
0x2d8: {  	[tilespmem:$0x2DA8] =	vst v0  }
0x2d9: {  	[tilespmem:$0x2DB8] =	vst v0  }
0x2da: {  	[tilespmem:$0x2DC8] =	vst v0  }
0x2db: {  	[tilespmem:$0x2DD8] =	vst v0  }
0x2dc: {  	[tilespmem:$0x2DE8] =	vst v0  }
0x2dd: {  	[tilespmem:$0x2DF8] =	vst v0  }
0x2de: {  	[tilespmem:$0x2E08] =	vst v0  }
0x2df: {  	[tilespmem:$0x2E18] =	vst v0  }
0x2e0: {  	[tilespmem:$0x2E28] =	vst v0  }
0x2e1: {  	[tilespmem:$0x2E38] =	vst v0  }
0x2e2: {  	[tilespmem:$0x2E48] =	vst v0  }
0x2e3: {  	[tilespmem:$0x2E58] =	vst v0  }
0x2e4: {  	[tilespmem:$0x2E68] =	vst v0  }
0x2e5: {  	[tilespmem:$0x2E78] =	vst v0  }
0x2e6: {  	[tilespmem:$0x2E88] =	vst v0  }
0x2e7: {  	[tilespmem:$0x2E98] =	vst v0  }
0x2e8: {  	[tilespmem:$0x2EA8] =	vst v0  }
0x2e9: {  	[tilespmem:$0x2EB8] =	vst v0  }
0x2ea: {  	[tilespmem:$0x2EC8] =	vst v0  }
0x2eb: {  	[tilespmem:$0x2ED8] =	vst v0  }
0x2ec: {  	[tilespmem:$0x2EE8] =	vst v0  }
0x2ed: {  	[tilespmem:$0x2EF8] =	vst v0  }
0x2ee: {  	[tilespmem:$0x2F08] =	vst v0  }
0x2ef: {  	[tilespmem:$0x2F18] =	vst v0  }
0x2f0: {  	[tilespmem:$0x2F28] =	vst v0  }
0x2f1: {  	[tilespmem:$0x2F38] =	vst v0  }
0x2f2: {  	[tilespmem:$0x2F48] =	vst v0  }
0x2f3: {  	[tilespmem:$0x2F58] =	vst v0  }
0x2f4: {  	[tilespmem:$0x2F68] =	vst v0  }
0x2f5: {  	[tilespmem:$0x2F78] =	vst v0  }
0x2f6: {  	[tilespmem:$0x2F88] =	vst v0  }
0x2f7: {  	[tilespmem:$0x2F98] =	vst v0  }
0x2f8: {  	[tilespmem:$0x2FA8] =	vst v0  }
0x2f9: {  	[tilespmem:$0x2FB8] =	vst v0  }
0x2fa: {  	[tilespmem:$0x2FC8] =	vst v0  }
0x2fb: {  	[tilespmem:$0x2FD8] =	vst v0  }
0x2fc: {  	[tilespmem:$0x2FE8] =	vst v0  }
0x2fd: {  	[tilespmem:$0x2FF8] =	vst v0  }
0x2fe: {  	[tilespmem:$0x3008] =	vst v0  }
0x2ff: {  	[tilespmem:$0x3018] =	vst v0  }
0x300: {  	[tilespmem:$0x3028] =	vst v0  }
0x301: {  	[tilespmem:$0x3038] =	vst v0  }
0x302: {  	[tilespmem:$0x3048] =	vst v0  }
0x303: {  	[tilespmem:$0x3058] =	vst v0  }
0x304: {  	[tilespmem:$0x3068] =	vst v0  }
0x305: {  	[tilespmem:$0x3078] =	vst v0  }
0x306: {  	[tilespmem:$0x3088] =	vst v0  }
0x307: {  	[tilespmem:$0x3098] =	vst v0  }
0x308: {  	[tilespmem:$0x30A8] =	vst v0  }
0x309: {  	[tilespmem:$0x30B8] =	vst v0  }
0x30a: {  	[tilespmem:$0x30C8] =	vst v0  }
0x30b: {  	[tilespmem:$0x30D8] =	vst v0  }
0x30c: {  	[tilespmem:$0x30E8] =	vst v0  }
0x30d: {  	[tilespmem:$0x30F8] =	vst v0  }
0x30e: {  	[tilespmem:$0x3108] =	vst v0  }
0x30f: {  	[tilespmem:$0x3118] =	vst v0  }
0x310: {  	[tilespmem:$0x3128] =	vst v0  }
0x311: {  	[tilespmem:$0x3138] =	vst v0  }
0x312: {  	[tilespmem:$0x3148] =	vst v0  }
0x313: {  	[tilespmem:$0x3158] =	vst v0  }
0x314: {  	[tilespmem:$0x3168] =	vst v0  }
0x315: {  	[tilespmem:$0x3178] =	vst v0  }
0x316: {  	[tilespmem:$0x3188] =	vst v0  }
0x317: {  	[tilespmem:$0x3198] =	vst v0  }
0x318: {  	[tilespmem:$0x31A8] =	vst v0  }
0x319: {  	[tilespmem:$0x31B8] =	vst v0  }
0x31a: {  	[tilespmem:$0x31C8] =	vst v0  }
0x31b: {  	[tilespmem:$0x31D8] =	vst v0  }
0x31c: {  	[tilespmem:$0x31E8] =	vst v0  }
0x31d: {  	[tilespmem:$0x31F8] =	vst v0  }
0x31e: {  	[tilespmem:$0x3208] =	vst v0  }
0x31f: {  	[tilespmem:$0x3218] =	vst v0  }
0x320: {  	[tilespmem:$0x3228] =	vst v0  }
0x321: {  	[tilespmem:$0x3238] =	vst v0  }
0x322: {  	[tilespmem:$0x3248] =	vst v0  }
0x323: {  	[tilespmem:$0x3258] =	vst v0  }
0x324: {  	[tilespmem:$0x3268] =	vst v0  }
0x325: {  	[tilespmem:$0x3278] =	vst v0  }
0x326: {  	[tilespmem:$0x3288] =	vst v0  }
0x327: {  	[tilespmem:$0x3298] =	vst v0  }
0x328: {  	[tilespmem:$0x32A8] =	vst v0  }
0x329: {  	[tilespmem:$0x32B8] =	vst v0  }
0x32a: {  	[tilespmem:$0x32C8] =	vst v0  }
0x32b: {  	[tilespmem:$0x32D8] =	vst v0  }
0x32c: {  	[tilespmem:$0x32E8] =	vst v0  }
0x32d: {  	[tilespmem:$0x32F8] =	vst v0  }
0x32e: {  	[tilespmem:$0x3308] =	vst v0  }
0x32f: {  	[tilespmem:$0x3318] =	vst v0  }
0x330: {  	[tilespmem:$0x3328] =	vst v0  }
0x331: {  	[tilespmem:$0x3338] =	vst v0  }
0x332: {  	[tilespmem:$0x3348] =	vst v0  }
0x333: {  	[tilespmem:$0x3358] =	vst v0  }
0x334: {  	[tilespmem:$0x3368] =	vst v0  }
0x335: {  	[tilespmem:$0x3378] =	vst v0  }
0x336: {  	[tilespmem:$0x3388] =	vst v0  }
0x337: {  	[tilespmem:$0x3398] =	vst v0  }
0x338: {  	[tilespmem:$0x3448] =	vst v0  }
0x339: {  	[tilespmem:$0x4288] =	vst v0  }
0x33a: {  	[tilespmem:$0x4278] =	vst v0  }
0x33b: {  	[tilespmem:$0x4268] =	vst v0  }
0x33c: {  	[tilespmem:$0x4258] =	vst v0  }
0x33d: {  	[tilespmem:$0x4248] =	vst v0  }
0x33e: {  	[tilespmem:$0x4238] =	vst v0  }
0x33f: {  	[tilespmem:$0x4228] =	vst v0  }
0x340: {  	[tilespmem:$0x4218] =	vst v0  }
0x341: {  	[tilespmem:$0x4208] =	vst v0  }
0x342: {  	[tilespmem:$0x41F8] =	vst v0  }
0x343: {  	[tilespmem:$0x41E8] =	vst v0  }
0x344: {  	[tilespmem:$0x41D8] =	vst v0  }
0x345: {  	[tilespmem:$0x41C8] =	vst v0  }
0x346: {  	[tilespmem:$0x41B8] =	vst v0  }
0x347: {  	[tilespmem:$0x41A8] =	vst v0  }
0x348: {  	[tilespmem:$0x4198] =	vst v0  }
0x349: {  	[tilespmem:$0x4188] =	vst v0  }
0x34a: {  	[tilespmem:$0x4178] =	vst v0  }
0x34b: {  	[tilespmem:$0x4168] =	vst v0  }
0x34c: {  	[tilespmem:$0x4158] =	vst v0  }
0x34d: {  	[tilespmem:$0x4148] =	vst v0  }
0x34e: {  	[tilespmem:$0x4138] =	vst v0  }
0x34f: {  	[tilespmem:$0x4128] =	vst v0  }
0x350: {  	[tilespmem:$0x4118] =	vst v0  }
0x351: {  	[tilespmem:$0x4108] =	vst v0  }
0x352: {  	[tilespmem:$0x40F8] =	vst v0  }
0x353: {  	[tilespmem:$0x40E8] =	vst v0  }
0x354: {  	[tilespmem:$0x40D8] =	vst v0  }
0x355: {  	[tilespmem:$0x40C8] =	vst v0  }
0x356: {  	[tilespmem:$0x40B8] =	vst v0  }
0x357: {  	[tilespmem:$0x40A8] =	vst v0  }
0x358: {  	[tilespmem:$0x4098] =	vst v0  }
0x359: {  	[tilespmem:$0x4088] =	vst v0  }
0x35a: {  	[tilespmem:$0x4078] =	vst v0  }
0x35b: {  	[tilespmem:$0x4068] =	vst v0  }
0x35c: {  	[tilespmem:$0x4058] =	vst v0  }
0x35d: {  	[tilespmem:$0x4048] =	vst v0  }
0x35e: {  	[tilespmem:$0x4038] =	vst v0  }
0x35f: {  	[tilespmem:$0x4028] =	vst v0  }
0x360: {  	[tilespmem:$0x4018] =	vst v0  }
0x361: {  	[tilespmem:$0x4008] =	vst v0  }
0x362: {  	[tilespmem:$0x3FF8] =	vst v0  }
0x363: {  	[tilespmem:$0x3FE8] =	vst v0  }
0x364: {  	[tilespmem:$0x3FD8] =	vst v0  }
0x365: {  	[tilespmem:$0x3FC8] =	vst v0  }
0x366: {  	[tilespmem:$0x3FB8] =	vst v0  }
0x367: {  	[tilespmem:$0x3FA8] =	vst v0  }
0x368: {  	[tilespmem:$0x3F98] =	vst v0  }
0x369: {  	[tilespmem:$0x3F88] =	vst v0  }
0x36a: {  	[tilespmem:$0x3F78] =	vst v0  }
0x36b: {  	[tilespmem:$0x3F68] =	vst v0  }
0x36c: {  	[tilespmem:$0x3F58] =	vst v0  }
0x36d: {  	[tilespmem:$0x3F48] =	vst v0  }
0x36e: {  	[tilespmem:$0x3F38] =	vst v0  }
0x36f: {  	[tilespmem:$0x3F28] =	vst v0  }
0x370: {  	[tilespmem:$0x3F18] =	vst v0  }
0x371: {  	[tilespmem:$0x3F08] =	vst v0  }
0x372: {  	[tilespmem:$0x3EF8] =	vst v0  }
0x373: {  	[tilespmem:$0x3EE8] =	vst v0  }
0x374: {  	[tilespmem:$0x3ED8] =	vst v0  }
0x375: {  	[tilespmem:$0x3EC8] =	vst v0  }
0x376: {  	[tilespmem:$0x3EB8] =	vst v0  }
0x377: {  	[tilespmem:$0x3EA8] =	vst v0  }
0x378: {  	[tilespmem:$0x3E98] =	vst v0  }
0x379: {  	[tilespmem:$0x3E88] =	vst v0  }
0x37a: {  	[tilespmem:$0x3E78] =	vst v0  }
0x37b: {  	[tilespmem:$0x3E68] =	vst v0  }
0x37c: {  	[tilespmem:$0x3E58] =	vst v0  }
0x37d: {  	[tilespmem:$0x3E48] =	vst v0  }
0x37e: {  	[tilespmem:$0x3E38] =	vst v0  }
0x37f: {  	[tilespmem:$0x3E28] =	vst v0  }
0x380: {  	[tilespmem:$0x3E18] =	vst v0  }
0x381: {  	[tilespmem:$0x3E08] =	vst v0  }
0x382: {  	[tilespmem:$0x3DF8] =	vst v0  }
0x383: {  	[tilespmem:$0x3DE8] =	vst v0  }
0x384: {  	[tilespmem:$0x3DD8] =	vst v0  }
0x385: {  	[tilespmem:$0x3DC8] =	vst v0  }
0x386: {  	[tilespmem:$0x3DB8] =	vst v0  }
0x387: {  	[tilespmem:$0x3DA8] =	vst v0  }
0x388: {  	[tilespmem:$0x3D98] =	vst v0  }
0x389: {  	[tilespmem:$0x3D88] =	vst v0  }
0x38a: {  	[tilespmem:$0x3D78] =	vst v0  }
0x38b: {  	[tilespmem:$0x3D68] =	vst v0  }
0x38c: {  	[tilespmem:$0x3D58] =	vst v0  }
0x38d: {  	[tilespmem:$0x3D48] =	vst v0  }
0x38e: {  	[tilespmem:$0x3D38] =	vst v0  }
0x38f: {  	[tilespmem:$0x3D28] =	vst v0  }
0x390: {  	[tilespmem:$0x3D18] =	vst v0  }
0x391: {  	[tilespmem:$0x3D08] =	vst v0  }
0x392: {  	[tilespmem:$0x3CF8] =	vst v0  }
0x393: {  	[tilespmem:$0x3CE8] =	vst v0  }
0x394: {  	[tilespmem:$0x3CD8] =	vst v0  }
0x395: {  	[tilespmem:$0x3CC8] =	vst v0  }
0x396: {  	[tilespmem:$0x3CB8] =	vst v0  }
0x397: {  	[tilespmem:$0x3CA8] =	vst v0  }
0x398: {  	[tilespmem:$0x3C98] =	vst v0  }
0x399: {  	[tilespmem:$0x3C88] =	vst v0  }
0x39a: {  	[tilespmem:$0x3C78] =	vst v0  }
0x39b: {  	[tilespmem:$0x3C68] =	vst v0  }
0x39c: {  	[tilespmem:$0x3C58] =	vst v0  }
0x39d: {  	[tilespmem:$0x3C48] =	vst v0  }
0x39e: {  	[tilespmem:$0x3C38] =	vst v0  }
0x39f: {  	[tilespmem:$0x3C28] =	vst v0  }
0x3a0: {  	[tilespmem:$0x3C18] =	vst v0  }
0x3a1: {  	[tilespmem:$0x3C08] =	vst v0  }
0x3a2: {  	[tilespmem:$0x3BF8] =	vst v0  }
0x3a3: {  	[tilespmem:$0x3BE8] =	vst v0  }
0x3a4: {  	[tilespmem:$0x3BD8] =	vst v0  }
0x3a5: {  	[tilespmem:$0x3BC8] =	vst v0  }
0x3a6: {  	[tilespmem:$0x3BB8] =	vst v0  }
0x3a7: {  	[tilespmem:$0x3BA8] =	vst v0  }
0x3a8: {  	[tilespmem:$0x3B98] =	vst v0  }
0x3a9: {  	[tilespmem:$0x3B88] =	vst v0  }
0x3aa: {  	[tilespmem:$0x3B78] =	vst v0  }
0x3ab: {  	[tilespmem:$0x3B68] =	vst v0  }
0x3ac: {  	[tilespmem:$0x3B58] =	vst v0  }
0x3ad: {  	[tilespmem:$0x3B48] =	vst v0  }
0x3ae: {  	[tilespmem:$0x3B38] =	vst v0  }
0x3af: {  	[tilespmem:$0x3B28] =	vst v0  }
0x3b0: {  	[tilespmem:$0x3B18] =	vst v0  }
0x3b1: {  	[tilespmem:$0x3B08] =	vst v0  }
0x3b2: {  	[tilespmem:$0x3AF8] =	vst v0  }
0x3b3: {  	[tilespmem:$0x3AE8] =	vst v0  }
0x3b4: {  	[tilespmem:$0x3AD8] =	vst v0  }
0x3b5: {  	[tilespmem:$0x3AC8] =	vst v0  }
0x3b6: {  	[tilespmem:$0x3AB8] =	vst v0  }
0x3b7: {  	[tilespmem:$0x3AA8] =	vst v0  }
0x3b8: {  	[tilespmem:$0x3A98] =	vst v0  }
0x3b9: {  	[tilespmem:$0x3A88] =	vst v0  }
0x3ba: {  	[tilespmem:$0x3A78] =	vst v0  }
0x3bb: {  	[tilespmem:$0x3A68] =	vst v0  }
0x3bc: {  	[tilespmem:$0x3A58] =	vst v0  }
0x3bd: {  	[tilespmem:$0x3A48] =	vst v0  }
0x3be: {  	[tilespmem:$0x3A38] =	vst v0  }
0x3bf: {  	[tilespmem:$0x3A28] =	vst v0  }
0x3c0: {  	[tilespmem:$0x3A18] =	vst v0  }
0x3c1: {  	[tilespmem:$0x3A08] =	vst v0  }
0x3c2: {  	[tilespmem:$0x39F8] =	vst v0  }
0x3c3: {  	[tilespmem:$0x39E8] =	vst v0  }
0x3c4: {  	[tilespmem:$0x39D8] =	vst v0  }
0x3c5: {  	[tilespmem:$0x39C8] =	vst v0  }
0x3c6: {  	[tilespmem:$0x39B8] =	vst v0  }
0x3c7: {  	[tilespmem:$0x39A8] =	vst v0  }
0x3c8: {  	[tilespmem:$0x3998] =	vst v0  }
0x3c9: {  	[tilespmem:$0x3988] =	vst v0  }
0x3ca: {  	[tilespmem:$0x3978] =	vst v0  }
0x3cb: {  	[tilespmem:$0x3968] =	vst v0  }
0x3cc: {  	[tilespmem:$0x3958] =	vst v0  }
0x3cd: {  	[tilespmem:$0x3948] =	vst v0  }
0x3ce: {  	[tilespmem:$0x3938] =	vst v0  }
0x3cf: {  	[tilespmem:$0x3928] =	vst v0  }
0x3d0: {  	[tilespmem:$0x3918] =	vst v0  }
0x3d1: {  	[tilespmem:$0x3908] =	vst v0  }
0x3d2: {  	[tilespmem:$0x38F8] =	vst v0  }
0x3d3: {  	[tilespmem:$0x38E8] =	vst v0  }
0x3d4: {  	[tilespmem:$0x38D8] =	vst v0  }
0x3d5: {  	[tilespmem:$0x38C8] =	vst v0  }
0x3d6: {  	[tilespmem:$0x38B8] =	vst v0  }
0x3d7: {  	[tilespmem:$0x38A8] =	vst v0  }
0x3d8: {  	[tilespmem:$0x3898] =	vst v0  }
0x3d9: {  	[tilespmem:$0x3888] =	vst v0  }
0x3da: {  	[tilespmem:$0x3878] =	vst v0  }
0x3db: {  	[tilespmem:$0x3868] =	vst v0  }
0x3dc: {  	[tilespmem:$0x3858] =	vst v0  }
0x3dd: {  	[tilespmem:$0x3848] =	vst v0  }
0x3de: {  	[tilespmem:$0x3838] =	vst v0  }
0x3df: {  	[tilespmem:$0x3828] =	vst v0  }
0x3e0: {  	[tilespmem:$0x3818] =	vst v0  }
0x3e1: {  	[tilespmem:$0x3808] =	vst v0  }
0x3e2: {  	[tilespmem:$0x37F8] =	vst v0  }
0x3e3: {  	[tilespmem:$0x37E8] =	vst v0  }
0x3e4: {  	[tilespmem:$0x37D8] =	vst v0  }
0x3e5: {  	[tilespmem:$0x37C8] =	vst v0  }
0x3e6: {  	[tilespmem:$0x37B8] =	vst v0  }
0x3e7: {  	[tilespmem:$0x37A8] =	vst v0  }
0x3e8: {  	[tilespmem:$0x3798] =	vst v0  }
0x3e9: {  	[tilespmem:$0x3788] =	vst v0  }
0x3ea: {  	[tilespmem:$0x3778] =	vst v0  }
0x3eb: {  	[tilespmem:$0x3768] =	vst v0  }
0x3ec: {  	[tilespmem:$0x3758] =	vst v0  }
0x3ed: {  	[tilespmem:$0x3748] =	vst v0  }
0x3ee: {  	[tilespmem:$0x3738] =	vst v0  }
0x3ef: {  	[tilespmem:$0x3728] =	vst v0  }
0x3f0: {  	[tilespmem:$0x3718] =	vst v0  }
0x3f1: {  	[tilespmem:$0x3708] =	vst v0  }
0x3f2: {  	[tilespmem:$0x36F8] =	vst v0  }
0x3f3: {  	[tilespmem:$0x36E8] =	vst v0  }
0x3f4: {  	[tilespmem:$0x36D8] =	vst v0  }
0x3f5: {  	[tilespmem:$0x36C8] =	vst v0  }
0x3f6: {  	[tilespmem:$0x36B8] =	vst v0  }
0x3f7: {  	[tilespmem:$0x36A8] =	vst v0  }
0x3f8: {  	[tilespmem:$0x3698] =	vst v0  }
0x3f9: {  	[tilespmem:$0x3688] =	vst v0  }
0x3fa: {  	[tilespmem:$0x3678] =	vst v0  }
0x3fb: {  	[tilespmem:$0x3668] =	vst v0  }
0x3fc: {  	[tilespmem:$0x3658] =	vst v0  }
0x3fd: {  	[tilespmem:$0x3648] =	vst v0  }
0x3fe: {  	[tilespmem:$0x3638] =	vst v0  }
0x3ff: {  	[tilespmem:$0x3628] =	vst v0  }
0x400: {  	[tilespmem:$0x3618] =	vst v0  }
0x401: {  	[tilespmem:$0x3608] =	vst v0  }
0x402: {  	[tilespmem:$0x35F8] =	vst v0  }
0x403: {  	[tilespmem:$0x35E8] =	vst v0  }
0x404: {  	[tilespmem:$0x35D8] =	vst v0  }
0x405: {  	[tilespmem:$0x35C8] =	vst v0  }
0x406: {  	[tilespmem:$0x35B8] =	vst v0  }
0x407: {  	[tilespmem:$0x35A8] =	vst v0  }
0x408: {  	[tilespmem:$0x3598] =	vst v0  }
0x409: {  	[tilespmem:$0x3588] =	vst v0  }
0x40a: {  	[tilespmem:$0x3578] =	vst v0  }
0x40b: {  	[tilespmem:$0x3568] =	vst v0  }
0x40c: {  	[tilespmem:$0x3558] =	vst v0  }
0x40d: {  	[tilespmem:$0x3548] =	vst v0  }
0x40e: {  	[tilespmem:$0x3538] =	vst v0  }
0x40f: {  	[tilespmem:$0x3528] =	vst v0  }
0x410: {  	[tilespmem:$0x3518] =	vst v0  }
0x411: {  	[tilespmem:$0x3508] =	vst v0  }
0x412: {  	[tilespmem:$0x34F8] =	vst v0  }
0x413: {  	[tilespmem:$0x34E8] =	vst v0  }
0x414: {  	[tilespmem:$0x34D8] =	vst v0  }
0x415: {  	[tilespmem:$0x34C8] =	vst v0  }
0x416: {  	[tilespmem:$0x34B8] =	vst v0  }
0x417: {  	[tilespmem:$0x34A8] =	vst v0  }
0x418: {  	[tilespmem:$0x3498] =	vst v0  }
0x419: {  	[tilespmem:$0x3488] =	vst v0  }
0x41a: {  	s10 =	stileid.u32;
	[tilespmem:$0x3478] =	vst v0  }
0x41b: {  	s0 =	simm.s32 $0x1;
	p0 =	sne.s32 s10, $0x0;
	s1 =	smul.u32 $0x47, s10;
	[tilespmem:$0x3468] =	vst v0  }
0x41c: {  	s0 =	simm.s32 @!p0 $0x0;
	[tilespmem:$0x3458] =	vst v0  }
0x41d: {  	[tilespmem:$0x3428] =	vst v0;
	s0 =	sadd.s32 s0, s1  }
0x41e: {  	p1 =	seq.s32 s10, $0x0;
	[tilespmem:$0x3438] =	vst v0;
	s1 =	simm.s32 $0x6300;
	s8 =	smul.u32 $0x160, s0  }
0x41f: {  	s1 =	simm.s32 @!p1 $0x61A0;
	[tilespmem:$0x3418] =	vst v0  }
0x420: {  	[tilespmem:$0x33B8] =	vst v0;
	s0 =	sadd.s32 s1, s8  }
0x421: {  	s6 =	simm.s32 $0x2;
	s29 =	simm.s32 $0x9;
	[tilespmem:$0x3408] =	vst v0;
	s9 =	smin.u32 s0, $0x61A80  }
0x422: {  	s30 =	simm.s32 $0xA;
	s12 =	simm.s32 $0xB;
	[tilespmem:$0x33F8] =	vst v0;
	s0 =	ssub.s32 s9, s8  }
0x423: {  	s18 =	simm.s32 $0x0;
	p2 =	por $0x0, $0x0;
	[tilespmem:$0x33E8] =	vst v0;
	p1 =	sgt.s32 s0, $0x0  }
0x424: {  	s19 =	simm.s32 $0xC;
	s23 =	simm.s32 $0x0;
	[tilespmem:$0x33D8] =	vst v0;
	s0 =	simm.s32 @!p1 $0x0  }
0x425: {  	s20 =	simm.s32 $0x0;
	s22 =	simm.s32 $0x0;
	[tilespmem:$0x33C8] =	vst v0;
	s28 =	smulhi.u32 $0x2E8BA2E9, s0  }
0x426: {  	s2 =	sand.u32 $0x1, s2;
	s31 =	smul.u32 $0x180, s10;
	[tilespmem:$0x33A8] =	vst v0;
	[sflag:s6] =	ssyncpa.u1 $0x0  }
0x427: {  	v0 =	vimm.s32 $0xFFFFFFFF;
	[dreg:$0x4] =	wrdreg s2;
	s2 =	smul.u32 $0xC350, s2;
	s1 =	sshrl.u32 s28, $0x6  }
0x428: {  	s5 =	sadd.s32 $0x561600, s4;
	[tilespmem:$0x84C8] =	vst v0;
	[sflag:s29] =	ssyncpa.u1 $0x0;
	s7 =	smul.u32 $0x160, s1  }
.Ltmp0:
0x429: {  	s16 =	sshrl.u32 s31, $0x2;
	s2 =	sadd.s32 s2, s4;
	(pc) =	sbr.rel .LBB2_1-.Ltmp0, $4  }
0x42a: {  	[sflag:s30] =	ssyncpa.u1 $0x0;
	p1 =	sne.s32 s0, s7;
	s0 =	simm.s32 $0x1  }
0x42b: {  	s4 =	sadd.s32 $0x4F01400, s4;
	[sflag:s12] =	ssyncpa.u1 $0x0;
	s0 =	simm.s32 @!p1 $0x0  }
0x42c: {  	s14 =	sadd.s32 $0x3AC00, s2;
	s15 =	sadd.s32 $0x22400, s2;
	s13 =	sadd.s32 s0, s1  }
0x42d: {  	v0 =	vlaneseq.u32;
	s21 =	smov.u32 s8;
	p1 =	por $0x1, $0x1;
	s17 =	sadd.s32 $0x1, s13  }
.LBB2_22:
0x42e: {  	s0 =	sshrl.u32 s0, $0x2  }
.LBB2_24:
0x42f: {  	_ =	swait.ge [sflag:s19], s0  }
0x430: {  	s30 =	ssub.s32 $0x0, s0;
	v1 =	vmov s25;
	vm0 =	veq.s32 v0, $0x0;
	[sflag:s19] =	ssyncset.done $0x0  }
0x431: {  	vm15 =	veq.s32 v0, $0x2;
	v1 =	vsel vm0, s31, v1;
	[sflag:s19] =	ssyncadd.s32 s30  }
0x432: {  	v1 =	vsel vm15, s23, v1;
	[sflag:s19] =	ssyncpa.u1 $0x1  }
0x433: {  	[tilespmem:$0x84C8] =	vst v1  }
.LBB2_25:
0x434: {  	s0 =	sadd.s32 $0x160, s21  }
0x435: {  	s1 =	smov.u32 s8;
	p3 =	slt.s32 s0, s9  }
0x436: {  	s1 =	smov.u32 @p3 s0;
	p3 =	sne.s32 s22, s17  }
.Ltmp1:
0x437: {  	_ = 	snop;
	(pc) =	sbr.rel @!p3 .LBB2_26-.Ltmp1, $4  }
0x438: {  	_ = 	snop  }
0x439: {  	s23 =	smov.u32 s20  }
0x43a: {  	s31 =	sadd.s32 $0x1, s22;
	s20 =	smov.u32 s21;
	p1 =	por !p1, !p1  }
0x43b: {  	p2 =	por !p2, !p2;
	s22 =	smov.u32 s31;
	s21 =	smov.u32 s1  }
.LBB2_1:
0x43c: {  	p3 =	sge.u32 s22, s13  }
0x43d: {  	s0 =	smulhi.u32 @!p3 $0xAAAAAAAB, s22  }
0x43e: {  	s1 =	smov.u32 s21;
	p4 =	sgt.s32 @!p3 s21, $0x61920  }
0x43f: {  	s2 =	sshra.s32 @!p3 s21, $0x1F;
	p4 =	por !p4, p3;
	s0 =	sshrl.u32 @!p3 s0, $0x1  }
0x440: {  	s2 =	sand.u32 @!p3 s2, s21;
	s1 =	simm.s32 @p4 $0x61920;
	s0 =	smul.u32 @!p3 $0x3, s0  }
0x441: {  	s1 =	ssub.s32 @!p3 s1, s2  }
0x442: {  	s1 =	sadd.s32 @!p3 $0xFFF9E6E0, s1;
	s0 =	ssub.s32 @!p3 s22, s0  }
0x443: {  	s2 =	sshll.u32 @!p3 s1, $0x2;
	p4 =	sgt.s32 @!p3 s1, $0x15F;
	s0 =	smul.u32 @!p3 $0x580, s0  }
0x444: {  	s6 =	sand.u32 @!p3 $0x7, s21;
	s1 =	ssub.s32 @!p3 $0x580, s2;
	p4 =	por !p4, p3  }
0x445: {  	s2 =	sshrl.u32 @!p3 s21, $0x3;
	s1 =	sshrl.u32 @!p3 s1, $0x2;
	s0 =	sshrl.u32 @!p3 s0, $0x2  }
0x446: {  	s2 =	sadd.s32 @!p3 s2, s14;
	s1 =	simm.s32 @!p4 $0x0;
	s0 =	sadd.s32 @!p3 $0x8B08, s0  }
0x447: {  	[tilespmem:s0], [sflag:$0xA] =	stream.linear.gather @!p3 [hbm4b:s2+s6], s1, $0x38;
	[tilespmem:$0x1F1E8] =	vst v63  }
0x448: {  	s1 =	sadd.s32 $0xFFFFFFFF, s22  }
0x449: {  	p3 =	sge.u32 s1, s13  }
0x44a: {  	p4 =	sgt.s32 @!p3 s20, $0x61920  }
0x44b: {  	s0 =	smov.u32 s20;
	s2 =	sshra.s32 @!p3 s20, $0x1F;
	p4 =	por !p4, p3  }
0x44c: {  	s2 =	sand.u32 @!p3 s2, s20;
	s0 =	simm.s32 @p4 $0x61920  }
0x44d: {  	s0 =	ssub.s32 @!p3 s0, s2  }
0x44e: {  	s0 =	sadd.s32 @!p3 $0xFFF9E6E0, s0  }
0x44f: {  	s2 =	sshll.u32 @!p3 s0, $0x2  }
0x450: {  	p4 =	sgt.s32 @!p3 s0, $0x15F;
	s0 =	ssub.s32 @!p3 $0x580, s2  }
0x451: {  	p4 =	por !p4, p3;
	s0 =	sshrl.u32 @!p3 s0, $0x2  }
0x452: {  	s6 =	simm.s32 @!p3 $0xA;
	s2 =	sand.u32 @!p3 $0x1, s1;
	s0 =	simm.s32 @!p4 $0x0  }
0x453: {  	s2 =	smul.u32 @!p3 $0x580, s2;
	_ =	swait.ge @!p3 [sflag:s6], s0  }
0x454: {  	s7 =	ssub.s32 @!p3 $0x0, s0;
	[sflag:s6] =	ssyncset.done @!p3 $0x0  }
0x455: {  	s2 =	sshrl.u32 @!p3 s2, $0x2;
	[sflag:s6] =	ssyncadd.s32 @!p3 s7;
	s6 =	sshrl.u32 @!p3 s20, $0x3  }
0x456: {  	s2 =	sadd.s32 @!p3 $0x8F28, s2;
	s7 =	sand.u32 @!p3 $0x7, s20;
	s6 =	sadd.s32 @!p3 s6, s15  }
0x457: {  	[tilespmem:s2], [sflag:$0xB] =	stream.linear.gather @!p3 [hbm4b:s6+s7], s0, $0x38;
	[tilespmem:$0x1F1E8] =	vst v63  }
0x458: {  	s0 =	ssub.s32 @!p3 $0x61A80, s20  }
0x459: {  	p4 =	slt.s32 @!p3 s0, $0x1  }
0x45a: {  	p4 =	por p3, p4  }
.Ltmp2:
0x45b: {  	_ = 	snop;
	(pc) =	sbr.rel @p4 .LBB2_7-.Ltmp2, $1  }
0x45c: {  	_ =	sdelay $0x3  }
0x45d: {  	s2 =	smulhi.u32 $0xAAAAAAAB, s1;
	_ =	sdelay $0x1  }
0x45e: {  	s2 =	sshrl.u32 s2, $0x1  }
0x45f: {  	s2 =	smul.u32 $0x3, s2;
	_ =	sdelay $0x1  }
0x460: {  	s29 =	ssub.s32 s1, s2  }
0x461: {  	s6 =	simm.s32 $0x1;
	s1 =	smul.u32 $0x580, s29  }
.Ltmp3:
0x462: {  	s6 =	simm.s32 @!p1 $0x0;
	(pc) =	sbr.rel .LBB2_4-.Ltmp3, $4  }
0x463: {  	s30 =	smul.u32 $0x2C000, s6  }
0x464: {  	p4 =	slt.s32 @!p3 s0, $0x160;
	s1 =	sshrl.u32 s1, $0x2  }
0x465: {  	p3 =	por !p4, p3;
	s2 =	sshrl.u32 s30, $0x2;
	s31 =	sadd.s32 $0x8B08, s1  }
0x466: {  	s24 =	simm.s32 $0x0;
	s0 =	simm.s32 @p3 $0x160;
	s1 =	sadd.s32 $0x91E8, s2;
	v1 =	vmov s31  }
.LBB2_3:
0x467: {  	p3 =	sge.s32 s24, s0  }
.Ltmp4:
0x468: {  	_ = 	snop;
	(pc) =	sbr.rel @p3 .LBB2_7-.Ltmp4, $2  }
0x469: {  	_ =	sdelay $0x2  }
0x46a: {  	s1 =	sadd.s32 $0x800, s1  }
.LBB2_4:
0x46b: {  	p3 =	sle.s32 s0, s24  }
.Ltmp5:
0x46c: {  	_ = 	snop;
	(pc) =	sbr.rel @p3 .LBB2_3-.Ltmp5, $2  }
0x46d: {  	_ =	sdelay $0x2  }
0x46e: {  	s2 =	smov.u32 s24;
	s24 =	sadd.s32 $0x10, s24  }
0x46f: {  	s6 =	ssub.s32 s0, s2  }
0x470: {  	p3 =	slt.s32 s6, $0x10  }
0x471: {  	s6 =	simm.s32 @!p3 $0x10  }
0x472: {  	v2 =	vmov s6  }
0x473: {  	vm0 =	vgt.s32 v2, v0;
	_ =	sdelay $0x5  }
0x474: {  	v2 =	vld.idx.msk [tilespmem:v1+s2+$0x0 ss:$0x1], vm0;
	_ =	sdelay $0x2  }
0x475: {  	s7 =	smov.u32 s0;
	p3 =	slt.s32 s24, s0  }
0x476: {  	s25 =	simm.s32 $0x0;
	s7 =	smov.u32 @p3 s24;
	s6 =	smov.u32 s1  }
.LBB2_6:
0x477: {  	(v2sf) =	vpush v2, s25;
	_ =	sdelay $0xc  }
0x478: {  	s25 =	sadd.s32 $0x1, s25  }
0x479: {  	s31 =	sadd.s32 s25, s2  }
0x47a: {  	p3 =	slt.s32 s31, s7;
	s10 =	spop (v2sf)  }
.Ltmp6:
0x47b: {  	s10 =	sshll.u32 s10, $0x4;
	(pc) =	sbr.rel @p3 .LBB2_6-.Ltmp6, $4  }
0x47c: {  	s10 =	sand.u32 $0x1FFFFFF0, s10  }
0x47d: {  	s10 =	sadd.s32 s4, s10  }
0x47e: {  	[tilespmem:s6], [sflag:$0x9] =	stream.linear.gather [hbm4b:s10+s18], $0x30, $0x38;
	[tilespmem:$0x1F1E8] =	vst v63  }
0x47f: {  	s6 =	sadd.s32 $0x80, s6  }
.Ltmp7:
0x480: {  	_ = 	snop;
	(pc) =	sbr.rel .LBB2_3-.Ltmp7, $1  }
0x481: {  	_ =	sdelay $0x3  }
.LBB2_7:
0x482: {  	p3 =	slt.u32 s22, $0x2  }
.Ltmp8:
0x483: {  	_ = 	snop;
	(pc) =	sbr.rel @p3 .LBB2_25-.Ltmp8, $1  }
0x484: {  	_ =	sdelay $0x3  }
0x485: {  	s0 =	ssub.s32 $0x61A80, s23;
	p3 =	sgt.s32 s23, $0x61920  }
0x486: {  	s1 =	smov.u32 s23;
	s2 =	sshra.s32 s23, $0x1F;
	p4 =	slt.s32 s0, $0x160  }
0x487: {  	s1 =	simm.s32 @!p3 $0x61920;
	s2 =	sand.u32 s2, s23;
	s0 =	simm.s32 @!p4 $0x160  }
0x488: {  	s1 =	ssub.s32 s1, s2;
	s0 =	smul.u32 $0xC0, s0  }
0x489: {  	s1 =	sadd.s32 $0xFFF9E6E0, s1  }
0x48a: {  	s29 =	simm.s32 $0x9;
	s25 =	sshll.u32 s1, $0x2;
	s0 =	sshrl.u32 s0, $0x2  }
0x48b: {  	p3 =	sgt.s32 s1, $0x15F;
	s26 =	ssub.s32 $0x580, s25;
	_ =	swait.ge [sflag:s29], s0  }
0x48c: {  	s0 =	ssub.s32 $0x0, s0;
	s1 =	sshrl.u32 s26, $0x2;
	[sflag:s29] =	ssyncset.done $0x0  }
0x48d: {  	s1 =	simm.s32 @p3 $0x0;
	[sflag:s29] =	ssyncadd.s32 s0  }
0x48e: {  	_ =	swait.ge [sflag:s12], s1  }
0x48f: {  	s30 =	ssub.s32 $0x0, s1;
	[sflag:s12] =	ssyncset.done $0x0  }
0x490: {  	[sflag:s12] =	ssyncadd.s32 s30  }
0x491: {  	v1 =	vld [tilespmem:$0x84C8];
	_ =	sdelay $0x4  }
0x492: {  	(v2sf) =	vpush v1, $0x0  }
0x493: {  	(v2sf) =	vpush v1, $0x1  }
0x494: {  	(v2sf) =	vpush v1, $0x2;
	_ =	sdelay $0x3  }
0x495: {  	s0 =	sadd.s32 $0x160, s23  }
0x496: {  	p3 =	slt.s32 s9, s0;
	s1 =	ssub.s32 $0xC3500, s23  }
0x497: {  	s0 =	smov.u32 @p3 s9;
	p3 =	sgt.s32 s1, $0x0  }
0x498: {  	s0 =	ssub.s32 s0, s23;
	s1 =	simm.s32 @!p3 $0x0  }
0x499: {  	p3 =	slt.s32 s1, s0  }
0x49a: {  	s0 =	smov.u32 @p3 s1  }
0x49b: {  	s26 =	simm.s32 $0x1;
	p3 =	slt.s32 s0, $0x1  }
.Ltmp9:
0x49c: {  	s26 =	simm.s32 @!p2 $0x0;
	(pc) =	sbr.rel @p3 .LBB2_12-.Ltmp9, $4  }
0x49d: {  	s31 =	smul.u32 $0x580, s26  }
0x49e: {  	s28 =	spop (v2sf)  }
0x49f: {  	s2 =	sshrl.u32 s31, $0x2;
	s1 =	spop (v2sf)  }
0x4a0: {  	s24 =	sadd.s32 $0x8F28, s2;
	s23 =	spop (v2sf)  }
0x4a1: {  	s2 =	smin.u32 s0, $0x10  }
0x4a2: {  	v1 =	vmov s2  }
0x4a3: {  	p4 =	sgt.s32 s0, $0x10;
	vm1 =	vgt.u32 v1, v0  }
.Ltmp10:
0x4a4: {  	_ = 	snop;
	(pc) =	sbr.rel @!p4 .LBB2_11-.Ltmp10, $2  }
0x4a5: {  	_ =	sdelay $0x2  }
0x4a6: {  	s25 =	simm.s32 $0x10;
	s29 =	sadd.s32 $0xFFFFFFF0, s0;
	s2 =	smov.u32 s24;
	vm0 =	vmmov vm1  }
.LBB2_10:
0x4a7: {  	s6 =	smin.u32 s29, $0x10;
	s25 =	sadd.s32 $0x10, s25;
	v1 =	vld.msk [tilespmem:s2+$0x0 ss:$0x1], vm1  }
0x4a8: {  	v2 =	vmov s6;
	p4 =	slt.s32 s25, s0  }
0x4a9: {  	vm1 =	vgt.u32 v2, v0  }
.Ltmp11:
0x4aa: {  	(pc) =	sbr.rel @p4 .LBB2_10-.Ltmp11, $3  }
0x4ab: {  	_ =	sdelay $0x1  }
0x4ac: {  	v1 =	vshll.u32 v1, $0x4  }
0x4ad: {  	s29 =	sadd.s32 $0xFFFFFFF0, s29;
	[tilespmem:s2+$0x0] =	vst.msk vm0, v1;
	s2 =	sadd.s32 $0x10, s2;
	vm0 =	vmmov vm1  }
.LBB2_11:
0x4ae: {  	_ =	sdelay $0x4  }
0x4af: {  	v1 =	vld.msk [tilespmem:s2+$0x0 ss:$0x1], vm1;
	_ =	sdelay $0x4  }
0x4b0: {  	v1 =	vshll.u32 v1, $0x4  }
0x4b1: {  	[tilespmem:s2+$0x0] =	vst.msk vm0, v1  }
.LBB2_12:
0x4b2: {  	s2 =	sand.u32 $0x1, s22  }
0x4b3: {  	s2 =	smul.u32 $0x160, s2  }
0x4b4: {  	p4 =	sne.s32 s1, $0xFFFFFFFF  }
0x4b5: {  	v1 =	vld.msk @!p4 [tilespmem:s2+$0x8F28], $0x1;
	_ =	sdelay $0x4  }
0x4b6: {  	(v2sf) =	vpush @!p4 v1, $0x0;
	_ =	sdelay $0xc  }
.Ltmp12:
0x4b7: {  	_ = 	snop;
	(pc) =	sbr.rel @p3 .LBB2_23-.Ltmp12, $4  }
0x4b8: {  	_ = 	snop  }
0x4b9: {  	s30 =	spop @!p4 (v2sf)  }
0x4ba: {  	s23 =	simm.s32 @!p4 $0x0;
	s25 =	smov.u32 s30  }
0x4bb: {  	[sflag:s19] =	ssyncpa.u1 $0x0;
	s30 =	smov.u32 @p4 s28;
	s25 =	smov.u32 @p4 s1  }
0x4bc: {  	v1 =	vld.msk [tilespmem:s24+$0x0], $0x1;
	_ =	sdelay $0x4  }
0x4bd: {  	(v2sf) =	vpush v1, $0x0;
	_ =	sdelay $0xd  }
0x4be: {  	s2 =	smul.u32 $0x2C000, s26  }
0x4bf: {  	s26 =	ssub.s32 $0x0, s0;
	s28 =	simm.s32 $0x0;
	s1 =	spop (v2sf)  }
0x4c0: {  	s7 =	smov.u32 s30;
	s0 =	sadd.s32 $0x1, s26;
	p3 =	seq.s32 s30, s1  }
0x4c1: {  	p5 =	seq.s32 s0, $0x0;
	p4 =	sgt.s32 @!p3 s30, $0x0;
	s6 =	smul.u32 @!p3 $0xC0, s28  }
.Ltmp13:
0x4c2: {  	s2 =	sshrl.u32 s2, $0x2;
	p4 =	por !p4, p3;
	(pc) =	sbr.rel @p5 .LBB2_15-.Ltmp13, $4  }
0x4c3: {  	s29 =	sadd.s32 $0x9208, s2;
	s7 =	simm.s32 @p4 $0x0  }
0x4c4: {  	s2 =	simm.s32 @!p3 $0x1;
	s6 =	sshra.s32 @!p3 s6, $0x2;
	s10 =	smin.u32 @!p3 s7, $0xC34FA  }
0x4c5: {  	s2 =	smov.u32 @p3 s28;
	s7 =	sadd.s32 @!p3 $0x4298, s6;
	s31 =	sand.u32 @!p3 $0xFFFF8, s10  }
0x4c6: {  	s6 =	sand.u32 @!p3 $0x7, s10;
	s10 =	sadd.s32 @!p3 s5, s31;
	s31 =	sadd.s32 $0x1, s24  }
.LBB2_14:
0x4c7: {  	s11 =	smov.u32 s2  }
0x4c8: {  	[tilespmem:s7], [sflag:$0x2] =	stream.linear.gather @!p3 [hbm4b:s10+s6], $0x30, $0x38;
	[tilespmem:$0x1F1E8] =	vst v63  }
0x4c9: {  	s0 =	sadd.s32 $0x1, s0;
	s6 =	smov.u32 s1;
	v1 =	vld.msk [tilespmem:s31+$0x0], $0x1  }
0x4ca: {  	p4 =	seq.s32 s0, $0x0;
	_ =	sdelay $0x3  }
0x4cb: {  	(v2sf) =	vpush v1, $0x0;
	_ =	sdelay $0xe  }
0x4cc: {  	s1 =	spop (v2sf)  }
0x4cd: {  	p3 =	seq.s32 s6, s1  }
0x4ce: {  	p5 =	sgt.s32 @!p3 s6, $0x0;
	s7 =	smul.u32 @!p3 $0xC0, s2;
	s2 =	sadd.s32 @!p3 $0x1, s2  }
.Ltmp14:
0x4cf: {  	p5 =	por !p5, p3;
	s2 =	smov.u32 @p3 s11;
	(pc) =	sbr.rel @!p4 .LBB2_14-.Ltmp14, $4  }
0x4d0: {  	s6 =	simm.s32 @p5 $0x0;
	s7 =	sshra.s32 @!p3 s7, $0x2  }
0x4d1: {  	s6 =	smin.u32 @!p3 s6, $0xC34FA;
	s7 =	sadd.s32 @!p3 $0x4298, s7  }
0x4d2: {  	s10 =	sand.u32 @!p3 $0xFFFF8, s6;
	s6 =	sand.u32 @!p3 $0x7, s6  }
0x4d3: {  	s31 =	sadd.s32 $0x1, s31;
	s10 =	sadd.s32 @!p3 s5, s10  }
.LBB2_15:
0x4d4: {  	s0 =	smul.u32 $0xC0, s2  }
0x4d5: {  	[tilespmem:s7], [sflag:$0x2] =	stream.linear.gather @!p3 [hbm4b:s10+s6], $0x30, $0x38;
	[tilespmem:$0x1F1E8] =	vst v63  }
.Ltmp15:
0x4d6: {  	_ = 	snop;
	(pc) =	sbr.rel .LBB2_16-.Ltmp15, $4  }
0x4d7: {  	s1 =	simm.s32 $0x2;
	s0 =	sshrl.u32 s0, $0x2  }
0x4d8: {  	_ =	swait.ge [sflag:s1], s0  }
0x4d9: {  	s0 =	ssub.s32 $0x0, s0;
	[sflag:s1] =	ssyncset.done $0x0  }
0x4da: {  	[sflag:s1] =	ssyncadd.s32 s0;
	s0 =	simm.s32 $0x0  }
.LBB2_17:
0x4db: {  	v1 =	vld [tilespmem:s29+$0xFFFFFFE0];
	_ =	sdelay $0x4  }
0x4dc: {  	[tilespmem:s1+$0x68] =	vst.add.f32.msk $0xffff, v1  }
0x4dd: {  	v1 =	vld [tilespmem:s29+$0xFFFFFFF0];
	_ =	sdelay $0x4  }
0x4de: {  	[tilespmem:s1+$0x78] =	vst.add.f32.msk $0xffff, v1  }
0x4df: {  	v1 =	vld [tilespmem:s29+$0x0];
	_ =	sdelay $0x4  }
0x4e0: {  	[tilespmem:s1+$0x88] =	vst.add.f32.msk $0xffff, v1  }
.LBB2_21:
0x4e1: {  	s26 =	sadd.s32 $0x1, s26  }
0x4e2: {  	p3 =	seq.s32 s26, $0x0  }
.Ltmp16:
0x4e3: {  	_ = 	snop;
	(pc) =	sbr.rel @p3 .LBB2_22-.Ltmp16, $2  }
0x4e4: {  	_ =	sdelay $0x2  }
0x4e5: {  	s29 =	sadd.s32 $0x80, s29;
	s24 =	sadd.s32 $0x1, s24;
	s30 =	smov.u32 s31  }
.LBB2_16:
0x4e6: {  	v1 =	vld.msk [tilespmem:s24+$0x0], $0x1;
	_ =	sdelay $0x4  }
0x4e7: {  	(v2sf) =	vpush v1, $0x0;
	_ =	sdelay $0xe  }
0x4e8: {  	s31 =	spop (v2sf)  }
0x4e9: {  	p3 =	sne.s32 s30, s31  }
.Ltmp17:
0x4ea: {  	_ = 	snop;
	(pc) =	sbr.rel @!p3 .LBB2_17-.Ltmp17, $3  }
0x4eb: {  	_ = 	snop  }
0x4ec: {  	s1 =	smul.u32 $0xC0, s23;
	_ =	sdelay $0x1  }
0x4ed: {  	s1 =	sshra.s32 s1, $0x2  }
0x4ee: {  	p3 =	seq.s32 s30, s25  }
.Ltmp18:
0x4ef: {  	_ = 	snop;
	(pc) =	sbr.rel @!p3 .LBB2_19-.Ltmp18, $1  }
0x4f0: {  	_ =	sdelay $0x3  }
.Ltmp19:
0x4f1: {  	s1 =	sadd.s32 $0x68, s1;
	(pc) =	sbr.rel .LBB2_20-.Ltmp19, $4  }
0x4f2: {  	[spmem:s16] =	stream.linear.scatter [tilespmem:s1], [sflag:$0x1], $0x30, $0x38;
	[tilespmem:$0x1F1E8] =	vst v63  }
0x4f3: {  	_ =	swait.ge [sflag:s3], $0x30  }
0x4f4: {  	[sflag:s3] =	ssyncset.done $0x0  }
0x4f5: {  	[sflag:s3] =	ssyncadd.s32 $0xFFFFFFD0  }
.LBB2_19:
0x4f6: {  	s2 =	smul.u32 $0xC0, s28;
	_ =	sdelay $0x1  }
0x4f7: {  	s2 =	sshra.s32 s2, $0x2  }
0x4f8: {  	v1 =	vld [tilespmem:s2+$0x4298];
	_ =	sdelay $0x4  }
0x4f9: {  	[tilespmem:s1+$0x68] =	vst.add.f32.msk $0xffff, v1  }
0x4fa: {  	v1 =	vld [tilespmem:s2+$0x42A8];
	_ =	sdelay $0x4  }
0x4fb: {  	[tilespmem:s1+$0x78] =	vst.add.f32.msk $0xffff, v1  }
0x4fc: {  	v1 =	vld [tilespmem:s2+$0x42B8];
	_ =	sdelay $0x2  }
0x4fd: {  	p3 =	sgt.u32 s30, $0xC34FA  }
0x4fe: {  	s2 =	sand.u32 @!p3 $0xFFFF8, s30  }
0x4ff: {  	s6 =	sadd.s32 $0x68, s1;
	[tilespmem:s1+$0x88] =	vst.add.f32.msk $0xffff, v1;
	s1 =	sadd.s32 @!p3 s5, s2;
	s2 =	sand.u32 @!p3 $0x7, s30  }
0x500: {  	[hbm4b:s1+s2] =	stream.linear.scatter @!p3 [tilespmem:s6], [sflag:$0xC], $0x30, $0x38;
	[tilespmem:$0x1F1E8] =	vst v63  }
0x501: {  	s1 =	simm.s32 $0x0  }
0x502: {  	s1 =	simm.s32 @!p3 $0xC0  }
0x503: {  	s0 =	sadd.s32 s1, s0  }
.LBB2_20:
0x504: {  	s1 =	sadd.s32 $0x1, s23  }
0x505: {  	s2 =	smulhi.u32 $0xBA2E8BA3, s1;
	_ =	sdelay $0x1  }
0x506: {  	s2 =	sshrl.u32 s2, $0x8  }
0x507: {  	s2 =	smul.u32 $0x160, s2  }
0x508: {  	v1 =	vld [tilespmem:s29+$0xFFFFFFE0]  }
0x509: {  	s23 =	ssub.s32 s1, s2  }
0x50a: {  	s1 =	smul.u32 $0xC0, s23;
	_ =	sdelay $0x1  }
0x50b: {  	s1 =	sshrl.u32 s1, $0x2  }
0x50c: {  	[tilespmem:s1+$0x68] =	vst v1  }
0x50d: {  	v1 =	vld [tilespmem:s29+$0xFFFFFFF0];
	_ =	sdelay $0x4  }
0x50e: {  	[tilespmem:s1+$0x78] =	vst v1  }
0x50f: {  	v1 =	vld [tilespmem:s29+$0x0]  }
.Ltmp20:
0x510: {  	_ = 	snop;
	(pc) =	sbr.rel .LBB2_21-.Ltmp20, $2  }
0x511: {  	_ =	sdelay $0x2  }
0x512: {  	s28 =	sadd.s32 $0x1, s28;
	[tilespmem:s1+$0x88] =	vst v1  }
.LBB2_23:
.Ltmp21:
0x513: {  	(pc) =	sbr.rel .LBB2_24-.Ltmp21, $4  }
0x514: {  	_ = 	snop  }
0x515: {  	s0 =	simm.s32 $0x2  }
0x516: {  	_ =	swait.ge [sflag:s0], $0x0  }
0x517: {  	s31 =	smov.u32 s30;
	[sflag:s0] =	ssyncset.done $0x0;
	s0 =	simm.s32 $0x0  }
.LBB2_26:
0x518: {  	_ =	sfence.sel $0x180000  }
0x519: {  	s0 =	simm.s32 $0x9;
	[bflag:$0x0] =	sbarrier.arrive $0xFFFF  }
0x51a: {  	s24 =	simm.s32 $0xA;
	[sflag:s0] =	ssyncpa.u1 $0x1  }
0x51b: {  	s25 =	simm.s32 $0xB;
	[sflag:s24] =	ssyncpa.u1 $0x1  }
0x51c: {  	s26 =	simm.s32 $0x2;
	[sflag:s25] =	ssyncpa.u1 $0x1  }
0x51d: {  	[sflag:s26] =	ssyncpa.u1 $0x1  }
0x51e: {  	v0 =	vld [tilespmem:$0x84C8];
	_ =	sdelay $0x4  }
0x51f: {  	(v2sf) =	vpush v0, $0x0  }
0x520: {  	(v2sf) =	vpush v0, $0x1  }
0x521: {  	(v2sf) =	vpush v0, $0x2;
	_ =	sdelay $0xc  }
0x522: {  	s0 =	spop (v2sf)  }
0x523: {  	s1 =	spop (v2sf)  }
0x524: {  	s2 =	smov.u32 s0;
	p1 =	sne.s32 s0, s1;
	s3 =	spop (v2sf)  }
0x525: {  	s2 =	simm.s32 @!p1 $0xFFFFFFFF;
	p1 =	seq.s32 s3, $0xFFFFFFFF  }
0x526: {  	v2 =	vimm.s32 $0x1;
	v3 =	vlaneseq.u32;
	v1 =	vmov s2;
	p2 =	sne.s32 @!p1 s0, s1  }
0x527: {  	s14 =	stileid.u32;
	v0 =	vperm.xlane v0, v2;
	s0 =	simm.s32 @!p1 $0x1;
	v1 =	vperm.xlane v1, v3;
	p2 =	por !p2, p1  }
0x528: {  	vm0 =	vcmask $0x3F04;
	s2 =	sshll.u32 s14, $0x1;
	s1 =	smul.u32 @!p1 $0xC0, s3;
	s0 =	simm.s32 @p2 $0x0  }
0x529: {  	s6 =	simm.s32 $0x84C8;
	v0 =	vsel vm0, v1, v0;
	s0 =	sor.u32 @!p1 s0, s2  }
0x52a: {  	s4 =	sor.u32 $0x600, s2;
	s1 =	sshra.s32 @!p1 s1, $0x2;
	[tilespmem:$0x84C8] =	vst v0;
	s0 =	smul.u32 @!p1 $0xC0, s0  }
0x52b: {  	[spmem:s4] =	stream.linear.scatter [tilespmem:s6], [sflag:$0x1], $0x2, $0x38;
	[tilespmem:$0x1F1E8] =	vst v63  }
0x52c: {  	s1 =	sadd.s32 @!p1 $0x68, s1;
	s0 =	sshrl.u32 @!p1 s0, $0x2  }
0x52d: {  	[spmem:s0] =	stream.linear.scatter @!p1 [tilespmem:s1], [sflag:$0x1], $0x30, $0x38;
	[tilespmem:$0x1F1E8] =	vst v63  }
0x52e: {  	s0 =	simm.s32 @!p1 $0x32  }
0x52f: {  	s28 =	simm.s32 $0x1;
	s0 =	simm.s32 @p1 $0x2  }
0x530: {  	_ =	swait.ge [sflag:s28], s0  }
0x531: {  	s0 =	ssub.s32 $0x0, s0;
	[sflag:s28] =	ssyncset.done $0x0  }
0x532: {  	[sflag:s28] =	ssyncadd.s32 s0  }
.Ltmp22:
0x533: {  	_ =	sfence.stream.spmem;
	(pc) =	sbr.rel @p0 .LBB2_43-.Ltmp22, $4  }
0x534: {  	s29 =	simm.s32 $0x3;
	[bflag:$0x0] =	sbarrier.arrive $0xFFFF  }
0x535: {  	s30 =	simm.s32 $0x4;
	[sflag:s29] =	ssyncpa.u1 $0x1  }
0x536: {  	s31 =	simm.s32 $0x3C;
	[sflag:s30] =	ssyncpa.u1 $0x1  }
0x537: {  	s15 =	rddreg [dreg:$0x4];
	[sflag:s31] =	ssyncpa.u1 $0x1  }
0x538: {  	_ =	sfence.stream.spmem;
	s0 =	simm.s32 $0x5  }
0x539: {  	s1 =	simm.s32 $0x600;
	s2 =	simm.s32 $0x84D8;
	[sflag:s0] =	ssyncpa.u1 $0x0  }
0x53a: {  	[tilespmem:s2], [sflag:$0x5] =	stream.linear.gather [spmem:s1], $0x20, $0x38;
	[tilespmem:$0x1F1E8] =	vst v63  }
0x53b: {  	s26 =	simm.s32 $0x0;
	s28 =	simm.s32 $0x84F8  }
0x53c: {  	[tilespmem:s28], [sflag:$0x5] =	stream.linear.gather [spmem:s26], $0x600, $0x38;
	[tilespmem:$0x1F1E8] =	vst v63  }
0x53d: {  	_ =	swait.ge [sflag:s0], $0x620  }
0x53e: {  	[sflag:s0] =	ssyncset.done $0x0  }
0x53f: {  	s29 =	simm.s32 $0x0;
	[sflag:s0] =	ssyncadd.s32 $0xFFFFF9E0  }
0x540: {  	v0 =	vld.msk [tilespmem:s29+$0x84D8], $0x1;
	_ =	sdelay $0x1  }
0x541: {  	s30 =	simm.s32 $0x1  }
0x542: {  	v1 =	vld.msk [tilespmem:s30+$0x84D8], $0x1;
	_ =	sdelay $0x1  }
0x543: {  	(v2sf) =	vpush v0, $0x0;
	_ =	sdelay $0x2  }
0x544: {  	(v2sf) =	vpush v1, $0x0;
	_ =	sdelay $0x2  }
0x545: {  	s31 =	simm.s32 $0x2  }
0x546: {  	v0 =	vld.msk [tilespmem:s31+$0x84D8], $0x1;
	_ =	sdelay $0x2  }
0x547: {  	s1 =	simm.s32 $0xFFFFFFFF;
	s2 =	simm.s32 $0xFFFFFFFF;
	s0 =	simm.s32 $0xC  }
.LBB2_28:
0x548: {  	s3 =	smov.u32 s2;
	s4 =	smov.u32 s1  }
0x549: {  	s1 =	sshra.s32 s0, $0x2;
	p1 =	sne.s32 s0, $0x7C;
	s0 =	sadd.s32 $0x4, s0;
	(v2sf) =	vpush v0, $0x0  }
0x54a: {  	v0 =	vld.msk [tilespmem:s1+$0x84D8], $0x1  }
.Ltmp23:
0x54b: {  	(pc) =	sbr.rel @p1 .LBB2_28-.Ltmp23, $4  }
0x54c: {  	s2 =	spop (v2sf)  }
0x54d: {  	p2 =	sne.s32 s4, $0xFFFFFFFF;
	s1 =	smov.u32 s2  }
0x54e: {  	p3 =	seq.s32 s2, $0xFFFFFFFF;
	s1 =	smov.u32 @p2 s4  }
0x54f: {  	s2 =	smov.u32 @p3 s3;
	s1 =	smov.u32 @p3 s4  }
0x550: {  	(v2sf) =	vpush v0, $0x0;
	_ =	sdelay $0x8  }
0x551: {  	s0 =	spop (v2sf)  }
0x552: {  	p1 =	sne.s32 s1, $0xFFFFFFFF;
	s3 =	smov.u32 s0  }
0x553: {  	s9 =	simm.s32 $0x6;
	p2 =	seq.s32 s0, $0xFFFFFFFF;
	s3 =	smov.u32 @p1 s1  }
0x554: {  	s10 =	simm.s32 $0x8498;
	s3 =	smov.u32 @p2 s1;
	s1 =	spop (v2sf)  }
0x555: {  	s0 =	smov.u32 @p2 s2;
	p1 =	sne.s32 s3, $0xFFFFFFFF;
	s6 =	smov.u32 s1  }
.Ltmp24:
0x556: {  	p2 =	seq.s32 s1, $0xFFFFFFFF;
	s6 =	smov.u32 @p1 s3;
	(pc) =	sbr.rel .LBB2_30-.Ltmp24, $4  }
0x557: {  	s11 =	simm.s32 $0x0;
	s6 =	smov.u32 @p2 s3;
	s4 =	spop (v2sf)  }
0x558: {  	[sflag:s9] =	ssyncpa.u1 $0x0;
	p1 =	sne.s32 s6, $0xFFFFFFFF;
	s8 =	smov.u32 s4  }
0x559: {  	s1 =	smov.u32 @p2 s0;
	p2 =	seq.s32 s4, $0xFFFFFFFF;
	s8 =	smov.u32 @p1 s6  }
0x55a: {  	s3 =	simm.s32 $0x0;
	s4 =	smov.u32 @p2 s1;
	s8 =	smov.u32 @p2 s6  }
.LBB2_36:
0x55b: {  	p1 =	sgt.u32 s12, $0xC34FA  }
0x55c: {  	p2 =	seq.s32 @!p1 s12, s8  }
0x55d: {  	p1 =	por p1, p2  }
0x55e: {  	p2 =	sne.s32 @!p1 s12, s4  }
0x55f: {  	p1 =	por p1, !p2  }
0x560: {  	s0 =	smul.u32 @p1 $0xC0, s11;
	_ =	sdelay $0x1  }
0x561: {  	s0 =	sand.u32 @!p1 $0xFFFF8, s12  }
0x562: {  	s1 =	sand.u32 @!p1 $0x7, s12;
	s0 =	sadd.s32 @!p1 s5, s0  }
0x563: {  	[tilespmem:s10], [sflag:$0x6] =	stream.linear.gather @!p1 [hbm4b:s0+s1], $0x30, $0x38;
	[tilespmem:$0x1F1E8] =	vst v63  }
0x564: {  	_ =	swait.ge @!p1 [sflag:s9], $0x30  }
0x565: {  	[sflag:s9] =	ssyncset.done @!p1 $0x0  }
0x566: {  	[sflag:s9] =	ssyncadd.s32 @!p1 $0xFFFFFFD0  }
0x567: {  	v1 =	vld @!p1 [tilespmem:$0x8498];
	_ =	sdelay $0x1  }
0x568: {  	s0 =	smul.u32 @!p1 $0xC0, s11;
	_ =	sdelay $0x1  }
0x569: {  	s1 =	sshra.s32 @!p1 s0, $0x2  }
0x56a: {  	[tilespmem:s1+$0x84F8] =	vst.add.f32.msk @!p1 $0xffff, v1  }
0x56b: {  	v1 =	vld @!p1 [tilespmem:$0x84A8];
	_ =	sdelay $0x4  }
0x56c: {  	[tilespmem:s1+$0x8508] =	vst.add.f32.msk @!p1 $0xffff, v1  }
0x56d: {  	v1 =	vld @!p1 [tilespmem:$0x84B8];
	_ =	sdelay $0x4  }
0x56e: {  	[tilespmem:s1+$0x8518] =	vst.add.f32.msk @!p1 $0xffff, v1  }
0x56f: {  	s0 =	sshra.s32 s0, $0x2;
	[tilespmem:s3+$0x84D8] =	vst.msk $0x1, v0  }
0x570: {  	v0 =	vld [tilespmem:s0+$0x84F8];
	_ =	sdelay $0x1  }
0x571: {  	s31 =	smul.u32 $0xC0, s3;
	_ =	sdelay $0x1  }
0x572: {  	s1 =	sshra.s32 s31, $0x2  }
0x573: {  	[tilespmem:s1+$0x84F8] =	vst v0  }
0x574: {  	v0 =	vld [tilespmem:s0+$0x8508];
	_ =	sdelay $0x4  }
0x575: {  	[tilespmem:s1+$0x8508] =	vst v0  }
0x576: {  	v0 =	vld [tilespmem:s0+$0x8518];
	_ =	sdelay $0x4  }
0x577: {  	s3 =	sadd.s32 $0x1, s3;
	[tilespmem:s1+$0x8518] =	vst v0  }
.LBB2_37:
0x578: {  	s11 =	sadd.s32 $0x1, s11  }
0x579: {  	p1 =	sne.s32 s11, $0x20  }
.Ltmp25:
0x57a: {  	_ = 	snop;
	(pc) =	sbr.rel @!p1 .LBB2_38-.Ltmp25, $1  }
0x57b: {  	_ =	sdelay $0x3  }
.LBB2_30:
0x57c: {  	v0 =	vld.msk [tilespmem:s11+$0x84D8], $0x1;
	_ =	sdelay $0x4  }
0x57d: {  	(v2sf) =	vpush v0, $0x0;
	_ =	sdelay $0xe  }
0x57e: {  	s12 =	spop (v2sf)  }
0x57f: {  	p1 =	seq.s32 s12, $0xFFFFFFFF  }
.Ltmp26:
0x580: {  	_ = 	snop;
	(pc) =	sbr.rel @p1 .LBB2_37-.Ltmp26, $1  }
0x581: {  	_ =	sdelay $0x3  }
0x582: {  	p1 =	slt.s32 s3, $0x1  }
.Ltmp27:
0x583: {  	_ = 	snop;
	(pc) =	sbr.rel @p1 .LBB2_36-.Ltmp27, $1  }
0x584: {  	_ =	sdelay $0x3  }
0x585: {  	s0 =	simm.s32 $0x84D8;
	p1 =	por $0x0, $0x0  }
0x586: {  	v1 =	vld.msk @!p1 [tilespmem:s0+$0x0], $0x1;
	_ =	sdelay $0x4  }
0x587: {  	(v2sf) =	vpush @!p1 v1, $0x0;
	_ =	sdelay $0xd  }
0x588: {  	p3 =	sne.s32 s3, $0x1  }
.Ltmp28:
0x589: {  	s1 =	spop @!p1 (v2sf);
	(pc) =	sbr.rel @!p3 .LBB2_34-.Ltmp28, $4  }
0x58a: {  	p2 =	seq.s32 @!p1 s12, s1  }
0x58b: {  	s13 =	simm.s32 $0x0;
	p2 =	por !p2, p1  }
0x58c: {  	s2 =	simm.s32 $0xFFFFFFFF;
	s13 =	simm.s32 @p2 $0xFFFFFFFF  }
0x58d: {  	s1 =	simm.s32 $0x1;
	s13 =	smov.u32 @p1 s2  }
.LBB2_33:
0x58e: {  	s2 =	smov.u32 s13;
	p1 =	sne.s32 s13, $0xFFFFFFFF  }
0x58f: {  	s0 =	sadd.s32 $0x1, s0;
	s13 =	smov.u32 s1;
	s1 =	sadd.s32 $0x1, s1  }
0x590: {  	p2 =	sne.s32 s3, s1;
	v1 =	vld.msk @!p1 [tilespmem:s0+$0x0], $0x1;
	_ =	sdelay $0x4  }
0x591: {  	(v2sf) =	vpush @!p1 v1, $0x0;
	_ =	sdelay $0xe  }
.Ltmp29:
0x592: {  	s6 =	spop @!p1 (v2sf);
	(pc) =	sbr.rel @p2 .LBB2_33-.Ltmp29, $4  }
0x593: {  	p3 =	seq.s32 @!p1 s12, s6  }
0x594: {  	p3 =	por !p3, p1  }
0x595: {  	s13 =	simm.s32 @p3 $0xFFFFFFFF  }
0x596: {  	s13 =	smov.u32 @p1 s2  }
.LBB2_34:
0x597: {  	p1 =	seq.s32 s13, $0xFFFFFFFF  }
.Ltmp30:
0x598: {  	_ = 	snop;
	(pc) =	sbr.rel @p1 .LBB2_36-.Ltmp30, $1  }
0x599: {  	_ =	sdelay $0x3  }
0x59a: {  	s0 =	smul.u32 $0xC0, s11;
	_ =	sdelay $0x1  }
0x59b: {  	s0 =	sshra.s32 s0, $0x2  }
0x59c: {  	v0 =	vld [tilespmem:s0+$0x84F8];
	_ =	sdelay $0x1  }
0x59d: {  	s1 =	smul.u32 $0xC0, s13;
	_ =	sdelay $0x1  }
0x59e: {  	s1 =	sshra.s32 s1, $0x2  }
0x59f: {  	[tilespmem:s1+$0x84F8] =	vst.add.f32.msk $0xffff, v0  }
0x5a0: {  	v0 =	vld [tilespmem:s0+$0x8508];
	_ =	sdelay $0x4  }
0x5a1: {  	[tilespmem:s1+$0x8508] =	vst.add.f32.msk $0xffff, v0  }
0x5a2: {  	v0 =	vld [tilespmem:s0+$0x8518]  }
.Ltmp31:
0x5a3: {  	_ = 	snop;
	(pc) =	sbr.rel .LBB2_37-.Ltmp31, $2  }
0x5a4: {  	_ =	sdelay $0x2  }
0x5a5: {  	[tilespmem:s1+$0x8518] =	vst.add.f32.msk $0xffff, v0  }
.LBB2_38:
0x5a6: {  	s0 =	simm.s32 $0x6;
	p1 =	seq.s32 s3, $0x0  }
0x5a7: {  	[sflag:s0] =	ssyncpa.u1 $0x1;
	v0 =	vimm.s32 @p1 $0xFFFFFFFF  }
0x5a8: {  	s9 =	sadd.s32 $0xFFFFFFFF, s3;
	[tilespmem:$0x8AF8] =	vst @p1 v0  }
0x5a9: {  	v0 =	vld.msk @!p1 [tilespmem:s9+$0x84D8], $0x1;
	_ =	sdelay $0x1  }
0x5aa: {  	v1 =	vld.msk @!p1 [tilespmem:$0x84D8], $0x1;
	_ =	sdelay $0x2  }
0x5ab: {  	p2 =	seq.s32 @!p1 s9, $0x0;
	v0 =	vbroadcast @!p1 v0, $0x0  }
0x5ac: {  	vm0 =	vmmov @!p1 $0x1;
	p3 =	por !p2, p1  }
0x5ad: {  	p2 =	sne.s32 @!p1 s8, s4;
	v1 =	vnsel @!p1 vm0, $0xFFFFFFFF, v1;
	vm0 =	vcmask @!p1 $0x308;
	v0 =	vpsel !p3, $0xFFFFFFFF, v0  }
0x5ae: {  	p3 =	por !p2, p1;
	v0 =	vsel @!p1 vm0, v1, v0  }
0x5af: {  	s0 =	simm.s32 @!p1 $0x84F8;
	s1 =	simm.s32 @!p1 $0x0;
	s2 =	smul.u32 @!p3 $0xC0, s9;
	[tilespmem:$0x8AF8] =	vst @!p1 v0  }
0x5b0: {  	[spmem:s1] =	stream.linear.scatter @!p1 [tilespmem:s0], [sflag:$0x1], $0x30, $0x38;
	[tilespmem:$0x1F1E8] =	vst v63  }
0x5b1: {  	s0 =	sshra.s32 @!p3 s2, $0x2  }
0x5b2: {  	s1 =	simm.s32 @!p3 $0x30;
	s0 =	sadd.s32 @!p3 $0x84F8, s0  }
0x5b3: {  	[spmem:s1] =	stream.linear.scatter @!p3 [tilespmem:s0], [sflag:$0x1], $0x30, $0x38;
	[tilespmem:$0x1F1E8] =	vst v63  }
0x5b4: {  	s0 =	simm.s32 @!p3 $0x1  }
0x5b5: {  	_ =	swait.ge @!p3 [sflag:s0], $0x60  }
0x5b6: {  	p1 =	por p2, p1;
	[sflag:s0] =	ssyncset.done @!p3 $0x0  }
0x5b7: {  	[sflag:s0] =	ssyncadd.s32 @!p3 $0xFFFFFFA0;
	s0 =	simm.s32 @!p1 $0x1  }
0x5b8: {  	_ =	swait.ge @!p1 [sflag:s0], $0x30  }
0x5b9: {  	s29 =	simm.s32 $0x8AF8;
	[sflag:s0] =	ssyncset.done @!p1 $0x0  }
0x5ba: {  	s30 =	simm.s32 $0x600;
	s31 =	simm.s32 $0x1;
	[sflag:s0] =	ssyncadd.s32 @!p1 $0xFFFFFFD0  }
0x5bb: {  	[spmem:s30] =	stream.linear.scatter [tilespmem:s29], [sflag:$0x1], $0x10, $0x38;
	[tilespmem:$0x1F1E8] =	vst v63  }
0x5bc: {  	_ =	swait.ge [sflag:s31], $0x10  }
0x5bd: {  	[sflag:s31] =	ssyncset.done $0x0  }
0x5be: {  	p1 =	seq.s32 s15, $0x0;
	s8 =	rddreg [dreg:$0x1];
	[sflag:s31] =	ssyncadd.s32 $0xFFFFFFF0  }
0x5bf: {  	s1 =	sshll.u32 @p1 s8, $0xE;
	s7 =	rddreg [dreg:$0x2]  }
0x5c0: {  	s0 =	sadd.s32 @p1 $0x15C3C, s1;
	s1 =	sshll.u32 @p1 s7, $0x11  }
0x5c1: {  	_ =	sfence.stream.spmem;
	s0 =	sor.u32 @p1 s1, s0  }
0x5c2: {  	[sflag:s0] =	ssyncadd.remote.s32 @p1 $0x1;
	s0 =	simm.s32 @p1 $0x4  }
0x5c3: {  	s2 =	simm.s32 @!p1 $0x3C;
	s1 =	sand.u32 $0xFFFFFFFE, s8;
	_ =	swait.ge @p1 [sflag:s0], $0xE  }
0x5c4: {  	s4 =	simm.s32 @!p1 $0x0;
	s1 =	sadd.s32 @!p1 $0x4, s1;
	[sflag:s0] =	ssyncset.done @p1 $0x0  }
0x5c5: {  	s6 =	simm.s32 @!p1 $0x60;
	[sflag:s0] =	ssyncadd.s32 @p1 $0xFFFFFFF2;
	s0 =	sshll.u32 @!p1 s1, $0x1A  }
0x5c6: {  	s1 =	sshll.u32 @!p1 s1, $0xD;
	s0 =	sor.u32 @!p1 s0, s7;
	_ =	swait.eq @!p1 [sflag:s2], $0x1  }
0x5c7: {  	s1 =	sor.u32 @!p1 $0x1C04, s1;
	s2 =	simm.s32 @!p1 $0x1C03;
	s0 =	sor.u32 @!p1 $0x80004000, s0  }
0x5c8: {  	[spmem:s6], [sflag:s1] =	dma.general @!p1 [spmem:s4], [sflag:s2], length:$0xC, [dreg:$0x0], stride_count:$0x0, ici_dest:s0, dma_misc:DstOpCode:WRITE  }
0x5c9: {  	p2 =	slt.s32 s9, $0x2;
	s4 =	simm.s32 @!p1 $0xC0;
	s6 =	simm.s32 @!p1 $0xC2  }
0x5ca: {  	[spmem:s6], [sflag:s1] =	dma.general @!p1 [spmem:s4], [sflag:s2], length:$0x2, [dreg:$0x0], stride_count:$0x0, ici_dest:s0, dma_misc:DstOpCode:WRITE  }
.Ltmp32:
0x5cb: {  	s0 =	simm.s32 @!p1 $0x3;
	(pc) =	sbr.rel @p2 .LBB2_42-.Ltmp32, $4  }
0x5cc: {  	s1 =	sshll.u32 @!p1 s8, $0xE;
	_ =	swait.ge @!p1 [sflag:s0], $0xE  }
0x5cd: {  	s2 =	sshll.u32 @!p1 s7, $0x11;
	s1 =	sadd.s32 @!p1 $0x11C3C, s1;
	[sflag:s0] =	ssyncset.done @!p1 $0x0  }
0x5ce: {  	[sflag:s0] =	ssyncadd.s32 @!p1 $0xFFFFFFF2;
	s0 =	sor.u32 @!p1 s2, s1  }
0x5cf: {  	[sflag:s0] =	ssyncadd.remote.s32 @!p1 $0xFFFFFFFF;
	s0 =	simm.s32 $0x0  }
0x5d0: {  	s0 =	simm.s32 $0x84D9  }
0x5d1: {  	v0 =	vld.msk [tilespmem:s0+$0x0], $0x1;
	_ =	sdelay $0x4  }
0x5d2: {  	(v2sf) =	vpush v0, $0x0;
	_ =	sdelay $0xc  }
0x5d3: {  	s1 =	sadd.s32 $0xFFFFFFFE, s3  }
0x5d4: {  	s1 =	sadd.s32 $0xFFFFFFFF, s1  }
0x5d5: {  	p2 =	sne.s32 s1, $0x0;
	s2 =	spop (v2sf)  }
.Ltmp33:
0x5d6: {  	p1 =	sgt.u32 s2, $0xC34FA;
	(pc) =	sbr.rel @!p2 .LBB2_41-.Ltmp33, $4  }
0x5d7: {  	s4 =	simm.s32 $0x0;
	s3 =	sand.u32 @!p1 $0xFFFF8, s2  }
0x5d8: {  	s0 =	simm.s32 $0x8528;
	s2 =	sand.u32 @!p1 $0x7, s2;
	s3 =	sadd.s32 @!p1 s5, s3  }
0x5d9: {  	[hbm4b:s3+s2] =	stream.linear.scatter @!p1 [tilespmem:s0], [sflag:$0x5], $0x30, $0x38;
	[tilespmem:$0x1F1E8] =	vst v63  }
0x5da: {  	s4 =	simm.s32 @!p1 $0xC0;
	s2 =	simm.s32 $0x0;
	s3 =	simm.s32 $0x84DA  }
.LBB2_40:
0x5db: {  	v0 =	vld.msk [tilespmem:s3+$0x0], $0x1;
	s1 =	sadd.s32 $0xFFFFFFFF, s1;
	s2 =	sadd.s32 s2, s4  }
0x5dc: {  	p1 =	sne.s32 s1, $0x0;
	_ =	sdelay $0x3  }
0x5dd: {  	(v2sf) =	vpush v0, $0x0;
	_ =	sdelay $0xe  }
.Ltmp34:
0x5de: {  	s6 =	spop (v2sf);
	(pc) =	sbr.rel @p1 .LBB2_40-.Ltmp34, $4  }
0x5df: {  	s4 =	simm.s32 $0x0;
	p2 =	sgt.u32 s6, $0xC34FA  }
0x5e0: {  	s0 =	sadd.s32 $0x30, s0;
	s4 =	simm.s32 @!p2 $0xC0;
	s7 =	sand.u32 @!p2 $0xFFFF8, s6  }
0x5e1: {  	s3 =	sadd.s32 $0x1, s3;
	s6 =	sand.u32 @!p2 $0x7, s6;
	s7 =	sadd.s32 @!p2 s5, s7  }
0x5e2: {  	[hbm4b:s7+s6] =	stream.linear.scatter @!p2 [tilespmem:s0], [sflag:$0x5], $0x30, $0x38;
	[tilespmem:$0x1F1E8] =	vst v63  }
.LBB2_41:
0x5e3: {  	s0 =	sadd.s32 s2, s4  }
0x5e4: {  	s0 =	sshrl.u32 s0, $0x2  }
.LBB2_42:
0x5e5: {  	s1 =	simm.s32 $0x5  }
0x5e6: {  	_ =	swait.ge [sflag:s1], s0  }
0x5e7: {  	s31 =	ssub.s32 $0x0, s0;
	[sflag:s1] =	ssyncset.done $0x0  }
0x5e8: {  	[sflag:s1] =	ssyncadd.s32 s31  }
0x5e9: {  	[sflag:s1] =	ssyncpa.u1 $0x1  }
.LBB2_43:
0x5ea: {  	s0 =	sor.u32 s15, s14  }
0x5eb: {  	p1 =	sne.s32 s0, $0x0  }
.Ltmp35:
0x5ec: {  	_ = 	snop;
	(pc) =	sbr.rel @p1 .LBB2_58-.Ltmp35, $3  }
0x5ed: {  	_ =	sdelay $0x1  }
0x5ee: {  	[bflag:$0x0] =	sbarrier.arrive $0xFFFF  }
0x5ef: {  	_ =	sfence  }
0x5f0: {  	s0 =	simm.s32 $0x7  }
0x5f1: {  	s1 =	simm.s32 $0x600;
	s2 =	simm.s32 $0x84D8;
	[sflag:s0] =	ssyncpa.u1 $0x0  }
0x5f2: {  	[tilespmem:s2], [sflag:$0x7] =	stream.linear.gather [spmem:s1], $0x20, $0x38;
	[tilespmem:$0x1F1E8] =	vst v63  }
0x5f3: {  	s30 =	simm.s32 $0x84F8;
	s1 =	simm.s32 $0x0  }
0x5f4: {  	[tilespmem:s30], [sflag:$0x7] =	stream.linear.gather [spmem:s1], $0x600, $0x38;
	[tilespmem:$0x1F1E8] =	vst v63  }
.Ltmp36:
0x5f5: {  	_ = 	snop;
	(pc) =	sbr.rel .LBB2_45-.Ltmp36, $4  }
0x5f6: {  	_ =	swait.ge [sflag:s0], $0x620  }
0x5f7: {  	[sflag:s0] =	ssyncset.done $0x0  }
0x5f8: {  	s31 =	simm.s32 $0x8;
	[sflag:s0] =	ssyncadd.s32 $0xFFFFF9E0  }
0x5f9: {  	s2 =	simm.s32 $0x0;
	[sflag:s31] =	ssyncpa.u1 $0x0  }
.LBB2_51:
0x5fa: {  	p1 =	slt.u32 s0, $0xC34FB  }
0x5fb: {  	s3 =	sand.u32 @p1 $0xFFFF8, s0  }
0x5fc: {  	s0 =	sand.u32 @p1 $0x7, s0;
	s4 =	simm.s32 @p1 $0x8498;
	s3 =	sadd.s32 @p1 s5, s3  }
0x5fd: {  	[tilespmem:s4], [sflag:$0x8] =	stream.linear.gather @p1 [hbm4b:s3+s0], $0x30, $0x38;
	[tilespmem:$0x1F1E8] =	vst v63  }
0x5fe: {  	s0 =	simm.s32 @p1 $0x8  }
0x5ff: {  	_ =	swait.ge @p1 [sflag:s0], $0x30  }
0x600: {  	[sflag:s0] =	ssyncset.done @p1 $0x0  }
0x601: {  	[sflag:s0] =	ssyncadd.s32 @p1 $0xFFFFFFD0  }
0x602: {  	v1 =	vld @p1 [tilespmem:$0x8498];
	_ =	sdelay $0x1  }
0x603: {  	s0 =	smul.u32 @p1 $0xC0, s2;
	_ =	sdelay $0x1  }
0x604: {  	s3 =	sshra.s32 @p1 s0, $0x2  }
0x605: {  	[tilespmem:s3+$0x84F8] =	vst.add.f32.msk @p1 $0xffff, v1  }
0x606: {  	v1 =	vld @p1 [tilespmem:$0x84A8];
	_ =	sdelay $0x4  }
0x607: {  	[tilespmem:s3+$0x8508] =	vst.add.f32.msk @p1 $0xffff, v1  }
0x608: {  	v1 =	vld @p1 [tilespmem:$0x84B8];
	_ =	sdelay $0x2  }
0x609: {  	s4 =	smul.u32 @!p1 $0xC0, s2;
	_ =	sdelay $0x1  }
0x60a: {  	s4 =	smov.u32 @p1 s0;
	[tilespmem:s3+$0x8518] =	vst.add.f32.msk @p1 $0xffff, v1  }
0x60b: {  	s0 =	sshra.s32 s4, $0x2;
	[tilespmem:s1+$0x84D8] =	vst.msk $0x1, v0  }
0x60c: {  	v0 =	vld [tilespmem:s0+$0x84F8];
	_ =	sdelay $0x1  }
0x60d: {  	s31 =	smul.u32 $0xC0, s1;
	_ =	sdelay $0x1  }
0x60e: {  	s3 =	sshra.s32 s31, $0x2  }
0x60f: {  	[tilespmem:s3+$0x84F8] =	vst v0  }
0x610: {  	v0 =	vld [tilespmem:s0+$0x8508];
	_ =	sdelay $0x4  }
0x611: {  	[tilespmem:s3+$0x8508] =	vst v0  }
0x612: {  	v0 =	vld [tilespmem:s0+$0x8518];
	_ =	sdelay $0x4  }
0x613: {  	s1 =	sadd.s32 $0x1, s1;
	[tilespmem:s3+$0x8518] =	vst v0  }
.LBB2_52:
0x614: {  	s2 =	sadd.s32 $0x1, s2  }
0x615: {  	p1 =	sne.s32 s2, $0x20  }
.Ltmp37:
0x616: {  	_ = 	snop;
	(pc) =	sbr.rel @!p1 .LBB2_53-.Ltmp37, $1  }
0x617: {  	_ =	sdelay $0x3  }
.LBB2_45:
0x618: {  	v0 =	vld.msk [tilespmem:s2+$0x84D8], $0x1;
	_ =	sdelay $0x4  }
0x619: {  	(v2sf) =	vpush v0, $0x0;
	_ =	sdelay $0xe  }
0x61a: {  	s0 =	spop (v2sf)  }
0x61b: {  	p1 =	seq.s32 s0, $0xFFFFFFFF  }
.Ltmp38:
0x61c: {  	_ = 	snop;
	(pc) =	sbr.rel @p1 .LBB2_52-.Ltmp38, $1  }
0x61d: {  	_ =	sdelay $0x3  }
0x61e: {  	p1 =	slt.s32 s1, $0x1  }
.Ltmp39:
0x61f: {  	_ = 	snop;
	(pc) =	sbr.rel @p1 .LBB2_51-.Ltmp39, $1  }
0x620: {  	_ =	sdelay $0x3  }
0x621: {  	s3 =	simm.s32 $0x84D8;
	p1 =	por $0x0, $0x0  }
0x622: {  	v1 =	vld.msk @!p1 [tilespmem:s3+$0x0], $0x1;
	_ =	sdelay $0x4  }
0x623: {  	(v2sf) =	vpush @!p1 v1, $0x0;
	_ =	sdelay $0xd  }
0x624: {  	p3 =	sne.s32 s1, $0x1  }
.Ltmp40:
0x625: {  	s4 =	spop @!p1 (v2sf);
	(pc) =	sbr.rel @!p3 .LBB2_49-.Ltmp40, $4  }
0x626: {  	p2 =	seq.s32 @!p1 s0, s4  }
0x627: {  	s4 =	simm.s32 $0x0;
	p2 =	por !p2, p1  }
0x628: {  	s7 =	simm.s32 $0xFFFFFFFF;
	s4 =	simm.s32 @p2 $0xFFFFFFFF  }
0x629: {  	s6 =	simm.s32 $0x1;
	s4 =	smov.u32 @p1 s7  }
.LBB2_48:
0x62a: {  	s7 =	smov.u32 s4;
	p1 =	sne.s32 s4, $0xFFFFFFFF  }
0x62b: {  	s3 =	sadd.s32 $0x1, s3;
	s4 =	smov.u32 s6;
	s6 =	sadd.s32 $0x1, s6  }
0x62c: {  	p2 =	sne.s32 s1, s6;
	v1 =	vld.msk @!p1 [tilespmem:s3+$0x0], $0x1;
	_ =	sdelay $0x4  }
0x62d: {  	(v2sf) =	vpush @!p1 v1, $0x0;
	_ =	sdelay $0xe  }
.Ltmp41:
0x62e: {  	s8 =	spop @!p1 (v2sf);
	(pc) =	sbr.rel @p2 .LBB2_48-.Ltmp41, $4  }
0x62f: {  	p3 =	seq.s32 @!p1 s0, s8  }
0x630: {  	p3 =	por !p3, p1  }
0x631: {  	s4 =	simm.s32 @p3 $0xFFFFFFFF  }
0x632: {  	s4 =	smov.u32 @p1 s7  }
.LBB2_49:
0x633: {  	p1 =	seq.s32 s4, $0xFFFFFFFF  }
.Ltmp42:
0x634: {  	_ = 	snop;
	(pc) =	sbr.rel @p1 .LBB2_51-.Ltmp42, $1  }
0x635: {  	_ =	sdelay $0x3  }
0x636: {  	s0 =	smul.u32 $0xC0, s2;
	_ =	sdelay $0x1  }
0x637: {  	s0 =	sshra.s32 s0, $0x2  }
0x638: {  	v0 =	vld [tilespmem:s0+$0x84F8];
	_ =	sdelay $0x1  }
0x639: {  	s3 =	smul.u32 $0xC0, s4;
	_ =	sdelay $0x1  }
0x63a: {  	s3 =	sshra.s32 s3, $0x2  }
0x63b: {  	[tilespmem:s3+$0x84F8] =	vst.add.f32.msk $0xffff, v0  }
0x63c: {  	v0 =	vld [tilespmem:s0+$0x8508];
	_ =	sdelay $0x4  }
0x63d: {  	[tilespmem:s3+$0x8508] =	vst.add.f32.msk $0xffff, v0  }
0x63e: {  	v0 =	vld [tilespmem:s0+$0x8518]  }
.Ltmp43:
0x63f: {  	_ = 	snop;
	(pc) =	sbr.rel .LBB2_52-.Ltmp43, $2  }
0x640: {  	_ =	sdelay $0x2  }
0x641: {  	[tilespmem:s3+$0x8518] =	vst.add.f32.msk $0xffff, v0  }
.LBB2_53:
0x642: {  	p1 =	slt.s32 s1, $0x1  }
.Ltmp44:
0x643: {  	_ = 	snop;
	(pc) =	sbr.rel @p1 .LBB2_57-.Ltmp44, $3  }
0x644: {  	_ =	sdelay $0x1  }
0x645: {  	s0 =	simm.s32 $0x8  }
0x646: {  	[sflag:s0] =	ssyncpa.u1 $0x1;
	s0 =	simm.s32 $0x0  }
0x647: {  	s2 =	simm.s32 $0x84D8  }
0x648: {  	v0 =	vld.msk [tilespmem:s2+$0x0], $0x1;
	_ =	sdelay $0x4  }
0x649: {  	(v2sf) =	vpush v0, $0x0;
	_ =	sdelay $0xe  }
0x64a: {  	s1 =	sadd.s32 $0xFFFFFFFF, s1;
	s3 =	spop (v2sf)  }
0x64b: {  	p2 =	sne.s32 s1, $0x0;
	p1 =	sgt.u32 s3, $0xC34FA  }
.Ltmp45:
0x64c: {  	s4 =	sand.u32 @!p1 $0xFFFF8, s3;
	(pc) =	sbr.rel @!p2 .LBB2_56-.Ltmp45, $4  }
0x64d: {  	s2 =	simm.s32 $0x84F8;
	s3 =	sand.u32 @!p1 $0x7, s3;
	s4 =	sadd.s32 @!p1 s5, s4  }
0x64e: {  	[hbm4b:s4+s3] =	stream.linear.scatter @!p1 [tilespmem:s2], [sflag:$0x7], $0x30, $0x38;
	[tilespmem:$0x1F1E8] =	vst v63  }
0x64f: {  	s4 =	simm.s32 $0x0  }
0x650: {  	s3 =	simm.s32 $0x84D9;
	s4 =	simm.s32 @!p1 $0xC0  }
.LBB2_55:
0x651: {  	v0 =	vld.msk [tilespmem:s3+$0x0], $0x1;
	s1 =	sadd.s32 $0xFFFFFFFF, s1;
	s0 =	sadd.s32 s0, s4  }
0x652: {  	p1 =	sne.s32 s1, $0x0;
	_ =	sdelay $0x3  }
0x653: {  	(v2sf) =	vpush v0, $0x0;
	_ =	sdelay $0xe  }
.Ltmp46:
0x654: {  	s6 =	spop (v2sf);
	(pc) =	sbr.rel @p1 .LBB2_55-.Ltmp46, $4  }
0x655: {  	s4 =	simm.s32 $0x0;
	p2 =	sgt.u32 s6, $0xC34FA  }
0x656: {  	s2 =	sadd.s32 $0x30, s2;
	s4 =	simm.s32 @!p2 $0xC0;
	s7 =	sand.u32 @!p2 $0xFFFF8, s6  }
0x657: {  	s3 =	sadd.s32 $0x1, s3;
	s6 =	sand.u32 @!p2 $0x7, s6;
	s7 =	sadd.s32 @!p2 s5, s7  }
0x658: {  	[hbm4b:s7+s6] =	stream.linear.scatter @!p2 [tilespmem:s2], [sflag:$0x7], $0x30, $0x38;
	[tilespmem:$0x1F1E8] =	vst v63  }
.LBB2_56:
0x659: {  	s0 =	sadd.s32 s0, s4  }
0x65a: {  	s0 =	sshrl.u32 s0, $0x2  }
.LBB2_57:
0x65b: {  	s1 =	simm.s32 $0x7  }
0x65c: {  	_ =	swait.ge [sflag:s1], s0  }
0x65d: {  	s31 =	ssub.s32 $0x0, s0;
	[sflag:s1] =	ssyncset.done $0x0  }
0x65e: {  	[sflag:s1] =	ssyncadd.s32 s31  }
0x65f: {  	[sflag:s1] =	ssyncpa.u1 $0x1  }
.LBB2_58:
0x660: {  	_ =	sfence;
	s0 =	simm.s32 $0x1  }
0x661: {  	[sflag:s0] =	ssyncpa.u1 $0x1  }
0x662: {  	_ =	strace $0x9000006B  }
0x663: {  	[bflag:$0x2] =	sbarrier.arrive $0xFFFF  }
0x664: {  	s0 =	rddreg [dreg:$0x3]  }
0x665: {  	s0 =	sadd.s32 @!p0 $0x100000, s0  }
0x666: {  	[sflag:s0] =	ssyncadd.tile.s32 @!p0 $0x1;
	_ =	shalt  }
.Lfunc_end2:
_tile_overlayer_lowered:
.L_overlay_start_2:
0x667: {  	(tag) =	ssettag $0x2  }
0x668: {  	s0 =	rddreg [dreg:$0x0];
	s2 =	stileid.u32  }
0x669: {  	s1 =	rddreg [dreg:$0x1];
	p0 =	sne.s32 s2, $0x0  }
0x66a: {  	s3 =	rddreg [dreg:$0x2];
	[bflag:$0x3] =	sbarrier.arrive $0xFFFF;
	s2 =	simm.s32 @!p0 $0x1C01  }
0x66b: {  	[timem:s3], [sflag:s2] =	dma.local @!p0 [hbm:s0], s1  }
0x66c: {  	s0 =	simm.s32 @!p0 $0x1  }
0x66d: {  	_ =	swait.ge @!p0 [sflag:s0], s1  }
0x66e: {  	s1 =	ssub.s32 @!p0 $0x0, s1;
	[sflag:s0] =	ssyncset.done @!p0 $0x0  }
0x66f: {  	[sflag:s0] =	ssyncadd.s32 @!p0 s1  }
0x670: {  	[bflag:$0x3] =	sbarrier.arrive $0xFFFF  }
0x671: {  	_ =	shalt  }

// kernel: scatter_offload_async_start
scs
__scs_entry_jumppad:
0x0: {  	(pc) =	sbr.rel $0x88, $3  }
0x1: {  	(tag) =	ssettag $0x0;
	lr =	simm.s32 $0x1  }
0x2: {  	[smem:$0x3F8B] =	sst lr;
	_ =	strace $0xD0000000  }
0x3: {  	_ = 	snop  }
0x4: {  	_ = 	snop  }
0x5: {  	_ = 	snop  }
0x6: {  	_ = 	snop  }
0x7: {  	_ = 	snop  }
__scs_overlays_trampoline_lowered:
0x8: {  	[smem:$0x3F9A] =	sst s0  }
0x9: {  	[smem:$0x3F9B] =	sst s1  }
0xa: {  	[smem:$0x3F9C] =	sst s2  }
0xb: {  	[smem:$0x3F9D] =	sst s3  }
0xc: {  	[smem:$0x3F9E] =	sst s4  }
0xd: {  	[smem:$0x3F9F] =	sst s5  }
0xe: {  	[smem:$0x3FA0] =	sst s6  }
0xf: {  	[smem:$0x3FA1] =	sst s7  }
0x10: {  	[smem:$0x3FA2] =	sst s8  }
0x11: {  	[smem:$0x3FA3] =	sst s9;
	s0 =	simm.s32 @!p0 $0x0  }
0x12: {  	s1 =	sld [smem:$0x3F89];
	s0 =	simm.s32 @p0 $0x1  }
0x13: {  	[smem:$0x3FA4] =	sst s0;
	s0 =	simm.s32 @!p1 $0x0  }
0x14: {  	s2 =	sld [smem:$0x3F88];
	s0 =	simm.s32 @p1 $0x1  }
0x15: {  	[smem:$0x3FA5] =	sst s0;
	s0 =	simm.s32 @!p2 $0x0  }
0x16: {  	s3 =	sld [smem:$0x3FDB];
	s0 =	simm.s32 @p2 $0x1  }
0x17: {  	s4 =	simm.s32 $0x1BF5;
	[smem:$0x3FA7] =	sst s0  }
0x18: {  	s0 =	sld [smem:$0x3F8A];
	_ =	swait.ge [sflag:s4], $0x0  }
0x19: {  	s7 =	sld [smem:$0x3F8B]  }
0x1a: {  	s8 =	sadd.s32 $0xFFFFE003, lr  }
0x1b: {  	s9 =	sadd.s32 $0xFFFFFEF7, lr;
	s5 =	simm.s32 $0xFFFFFFFF;
	p2 =	slt.u32 s8, $0xFFFFF086  }
0x1c: {  	p1 =	slt.u32 s9, $0xF7A;
	s5 =	simm.s32 @!p2 $0x0  }
0x1d: {  	s5 =	simm.s32 @p1 $0x1;
	p0 =	seq.s32 s7, s2  }
0x1e: {  	s7 =	smul.u32 @!p0 $0xF7A, s2;
	p2 =	seq.s32 @!p0 s5, $0x0  }
0x1f: {  	s9 =	smul.u32 $0xF7A, s1;
	s8 =	simm.s32 @!p0 $0x1BF5;
	p2 =	por !p2, p0  }
0x20: {  	[sflag:s8] =	ssyncset.s32 @!p0 $0xFFFFF086;
	s6 =	sadd.s32 @!p0 s3, s7;
	s7 =	simm.s32 @!p0 $0x108  }
0x21: {  	s3 =	sadd.s32 s3, s9;
	s6 =	sadd.s32 @!p0 $0x88, s6;
	s7 =	simm.s32 @p2 $0x1082  }
0x22: {  	[simem:s7], [sflag:s8] =	dma.local @!p0 [hbm:s6], $0xF7A  }
0x23: {  	s9 =	sor.u32 $0xD0000000, s2;
	s6 =	simm.s32 $0x108;
	_ =	swait.ge @!p0 [sflag:s8], $0x0  }
0x24: {  	s3 =	sadd.s32 $0x88, s3;
	s6 =	simm.s32 @!p1 $0x1082;
	[sflag:s4] =	ssyncset.s32 $0xFFFFF086  }
0x25: {  	[simem:s6], [sflag:s4] =	dma.local [hbm:s3], $0xF7A  }
0x26: {  	[smem:$0x3F8B] =	sst s1;
	(tag) =	ssettag s2;
	_ =	strace s9  }
0x27: {  	s1 =	sld [smem:$0x3F9B]  }
0x28: {  	s2 =	sld [smem:$0x3F9C]  }
0x29: {  	s4 =	sld [smem:$0x3F9E]  }
0x2a: {  	p0 =	seq.s32 s5, $0x0;
	s5 =	sld [smem:$0x3F9F]  }
0x2b: {  	s6 =	sld [smem:$0x3FA0]  }
0x2c: {  	s7 =	sld [smem:$0x3FA1]  }
0x2d: {  	s3 =	simm.s32 $0x108;
	s8 =	sld [smem:$0x3FA2]  }
0x2e: {  	s3 =	simm.s32 @!p0 $0x1082;
	s9 =	sld [smem:$0x3FA3]  }
0x2f: {  	lr =	sadd.s32 s0, s3;
	s0 =	sld [smem:$0x3F9A]  }
0x30: {  	s3 =	sld [smem:$0x3F9D]  }
0x31: {  	[smem:$0x3FA6] =	sst s10  }
0x32: {  	s10 =	sld [smem:$0x3FA4];
	_ =	sdelay $0x3  }
0x33: {  	p0 =	seq.s32 s10, $0x1;
	s10 =	sld [smem:$0x3FA6];
	_ =	sdelay $0x3  }
0x34: {  	[smem:$0x3FA6] =	sst s10  }
0x35: {  	s10 =	sld [smem:$0x3FA5];
	_ =	sdelay $0x3  }
0x36: {  	p1 =	seq.s32 s10, $0x1;
	s10 =	sld [smem:$0x3FA6];
	_ =	sdelay $0x3  }
0x37: {  	[smem:$0x3FA6] =	sst s10  }
0x38: {  	s10 =	sld [smem:$0x3FA7]  }
0x39: {  	_ = 	snop;
	(pc) =	sbr.ind lr, $3  }
0x3a: {  	_ = 	snop  }
0x3b: {  	_ = 	snop  }
0x3c: {  	p2 =	seq.s32 s10, $0x1;
	s10 =	sld [smem:$0x3FA6]  }
0x3d: {  	_ =	shalt  }
0x3e: {  	_ =	shalt  }
0x3f: {  	_ =	shalt  }
0x40: {  	_ =	shalt  }
0x41: {  	_ =	shalt  }
0x42: {  	_ =	shalt  }
0x43: {  	_ =	shalt  }
0x44: {  	_ =	shalt  }
0x45: {  	_ =	shalt  }
0x46: {  	_ =	shalt  }
0x47: {  	_ =	shalt  }
0x48: {  	_ =	shalt  }
0x49: {  	_ =	shalt  }
0x4a: {  	_ =	shalt  }
0x4b: {  	_ =	shalt  }
0x4c: {  	_ =	shalt  }
0x4d: {  	_ =	shalt  }
0x4e: {  	_ =	shalt  }
0x4f: {  	_ =	shalt  }
0x50: {  	_ =	shalt  }
0x51: {  	_ =	shalt  }
0x52: {  	_ =	shalt  }
0x53: {  	_ =	shalt  }
0x54: {  	_ =	shalt  }
0x55: {  	_ =	shalt  }
0x56: {  	_ =	shalt  }
0x57: {  	_ =	shalt  }
0x58: {  	_ =	shalt  }
0x59: {  	_ =	shalt  }
0x5a: {  	_ =	shalt  }
0x5b: {  	_ =	shalt  }
0x5c: {  	_ =	shalt  }
0x5d: {  	_ =	shalt  }
0x5e: {  	_ =	shalt  }
0x5f: {  	_ =	shalt  }
0x60: {  	_ =	shalt  }
0x61: {  	_ =	shalt  }
0x62: {  	_ =	shalt  }
0x63: {  	_ =	shalt  }
0x64: {  	_ =	shalt  }
0x65: {  	_ =	shalt  }
0x66: {  	_ =	shalt  }
0x67: {  	_ =	shalt  }
0x68: {  	_ =	shalt  }
0x69: {  	_ =	shalt  }
0x6a: {  	_ =	shalt  }
0x6b: {  	_ =	shalt  }
0x6c: {  	_ =	shalt  }
0x6d: {  	_ =	shalt  }
0x6e: {  	_ =	shalt  }
0x6f: {  	_ =	shalt  }
0x70: {  	_ =	shalt  }
0x71: {  	_ =	shalt  }
0x72: {  	_ =	shalt  }
0x73: {  	_ =	shalt  }
0x74: {  	_ =	shalt  }
0x75: {  	_ =	shalt  }
0x76: {  	_ =	shalt  }
0x77: {  	_ =	shalt  }
0x78: {  	_ =	shalt  }
0x79: {  	_ =	shalt  }
0x7a: {  	_ =	shalt  }
0x7b: {  	_ =	shalt  }
0x7c: {  	_ =	shalt  }
0x7d: {  	_ =	shalt  }
0x7e: {  	_ =	shalt  }
0x7f: {  	_ =	shalt  }
0x80: {  	_ =	shalt  }
0x81: {  	_ =	shalt  }
0x82: {  	_ =	shalt  }
0x83: {  	_ =	shalt  }
0x84: {  	_ =	shalt  }
0x85: {  	_ =	shalt  }
0x86: {  	_ =	shalt  }
0x87: {  	_ =	shalt  }
.Lfunc_end0:
.L_simem_size_0:
called_computation_lowered:
.L_overlay_start_0:
0x88: {  	s2 =	sld [smem:$0x3FD9]  }
0x89: {  	s3 =	sld [smem:$0x3FFE];
	_ =	sdelay $0x1  }
0x8a: {  	s1 =	srdreg.scid  }
0x8b: {  	s0 =	sand.u32 $0x1, s1  }
0x8c: {  	s12 =	sshll.u32 s0, $0xA;
	s2 =	sadd.s32 s3, s2  }
0x8d: {  	s2 =	sadd.s32 s2, s12  }
0x8e: {  	[smem:$0x3FB2] =	sst s2  }
0x8f: {  	_ = 	snop  }
0x90: {  	(tm) =	ssettm $0x1  }
0x91: {  	s13 =	sld [smem:$0x3FFB];
	_ =	sdelay $0x3  }
0x92: {  	_ =	strace s13  }
0x93: {  	s2 =	sld [smem:$0x3FFC];
	_ =	sdelay $0x3  }
0x94: {  	_ =	strace s2  }
0x95: {  	s2 =	sld [smem:$0x3FFD];
	_ =	sdelay $0x3  }
0x96: {  	_ =	strace s2  }
0x97: {  	_ =	strace $0x8FFFFFFF  }
0x98: {  	s14 =	sld [smem:$0x3FDB];
	_ =	sdelay $0x1  }
0x99: {  	s15 =	simm.s32 $_scs_section_size  }
0x9a: {  	s4 =	simm.s32 $_size__tile_overlayer_lowered;
	s5 =	simm.s32 $_tile_overlayer_lowered  }
0x9b: {  	s19 =	simm.s32 $0x1BFF;
	s17 =	sshll.u32 s5, $0x1;
	s6 =	sadd.s32 s15, s14  }
0x9c: {  	s20 =	simm.s32 $0x0;
	s16 =	sshll.u32 s4, $0x1;
	s18 =	sadd.s32 s17, s6  }
0x9d: {  	[timem:s20], [sflag:s19] =	dma.local [hbm:s18], s16  }
0x9e: {  	_ =	swait.ge [sflag:s19], s16  }
0x9f: {  	s3 =	ssub.s32 $0x0, s16;
	[sflag:s19] =	ssyncset.done $0x0  }
0xa0: {  	[sflag:s19] =	ssyncadd.s32 s3;
	_ =	sdelay $0x1  }
0xa1: {  	s21 =	simm.s32 $0x1B8B  }
0xa2: {  	_ =	swait.ge [sflag:s21], $0x1  }
0xa3: {  	[sflag:s21] =	ssyncset.done $0x0  }
0xa4: {  	[sflag:s21] =	ssyncadd.s32 $0xFFFFFFFF  }
0xa5: {  	s3 =	sld [smem:$0x0]  }
0xa6: {  	s4 =	sand.u32 $0xFFFFFFFE, s1  }
0xa7: {  	p0 =	sne.s32 s1, s4  }
0xa8: {  	s4 =	sshll.u32 @p0 s4, $0xE  }
0xa9: {  	s5 =	sadd.s32 @p0 $0x11B8D, s4;
	s7 =	sshll.u32 @p0 s3, $0x11  }
0xaa: {  	s5 =	sor.u32 @p0 s7, s5  }
0xab: {  	[sflag:s5] =	ssyncadd.remote.s32 @p0 $0x1;
	_ =	sdelay $0x1  }
0xac: {  	s5 =	simm.s32 @p0 $0x1B8D  }
0xad: {  	_ =	swait.eq @p0 [sflag:s5], $0x1  }
0xae: {  	[sflag:s5] =	ssyncadd.s32 @p0 $0xFFFFFFFF  }
0xaf: {  	s7 =	sshll.u32 @!p0 s1, $0xE  }
0xb0: {  	s7 =	sor.u32 @!p0 $0x4000, s7;
	s5 =	simm.s32 @!p0 $0x1B8D  }
0xb1: {  	s9 =	sshll.u32 @!p0 s3, $0x11;
	s8 =	sadd.s32 @!p0 $0x11B8D, s7;
	_ =	swait.eq @!p0 [sflag:s5], $0x1  }
0xb2: {  	[sflag:s5] =	ssyncadd.s32 @!p0 $0xFFFFFFFF;
	s5 =	sor.u32 @!p0 s9, s8  }
0xb3: {  	s23 =	simm.s32 $0x1B8E;
	s22 =	sld [smem:$0x3FFE];
	[sflag:s5] =	ssyncadd.remote.s32 @!p0 $0x1  }
0xb4: {  	s24 =	simm.s32 $execute0_lowered;
	[smem:$0x3FD2] =	sst s23  }
0xb5: {  	s8 =	sshll.u32 s24, $0x1;
	_ =	strace $0x80000055;
	[dreg:$0x1] =	wrdreg $0xFFFFFFFF  }
0xb6: {  	s25 =	simm.s32 $_size_execute0_lowered;
	s8 =	sadd.s32 s6, s8;
	[dreg:$0x0] =	wrdreg $0x0  }
0xb7: {  	s9 =	sshll.u32 s25, $0x1;
	[dreg:$0x2] =	wrdreg s8  }
0xb8: {  	[dreg:$0x3] =	wrdreg s9  }
0xb9: {  	[dreg:$0x4] =	wrdreg $0xC0  }
0xba: {  	s26 =	simm.s32 $execute1_lowered;
	_ =	task [dreg:s20], $0x5FFFF  }
0xbb: {  	s8 =	sshll.u32 s26, $0x1;
	[dreg:$0x1] =	wrdreg $0xFFFFFFFF  }
0xbc: {  	s6 =	sadd.s32 s6, s8;
	[dreg:$0x0] =	wrdreg $0x60  }
0xbd: {  	[dreg:$0x2] =	wrdreg s6  }
0xbe: {  	[dreg:$0x3] =	wrdreg s22  }
0xbf: {  	[dreg:$0x4] =	wrdreg $0xB  }
0xc0: {  	_ =	task.clear_ibuf [dreg:s20], $0x5FFFF;
	_ =	strace $0x90000055  }
0xc1: {  	s28 =	simm.s32 $0xB;
	_ =	strace $0x80000057  }
0xc2: {  	_ =	swait.ge [sflag:s28], $0x1  }
0xc3: {  	[sflag:s28] =	ssyncadd.s32 $0xFFFFFFFF  }
0xc4: {  	_ =	strace $0x90000057  }
0xc5: {  	s6 =	sld [smem:$0x0];
	_ =	sdelay $0x3  }
0xc6: {  	s4 =	sadd.s32 @p0 $0x11BF3, s4;
	s8 =	sshll.u32 @p0 s6, $0x11  }
0xc7: {  	s4 =	sor.u32 @p0 s8, s4  }
0xc8: {  	[sflag:s4] =	ssyncadd.remote.s32 @p0 $0x1;
	_ =	sdelay $0x1  }
0xc9: {  	s4 =	simm.s32 @p0 $0x1BF3  }
0xca: {  	_ =	swait.eq @p0 [sflag:s4], $0x1  }
0xcb: {  	[sflag:s4] =	ssyncadd.s32 @p0 $0xFFFFFFFF;
	_ =	sdelay $0x1  }
0xcc: {  	s4 =	simm.s32 @!p0 $0x1BF3  }
0xcd: {  	s7 =	sadd.s32 @!p0 $0x11BF3, s7;
	s6 =	sshll.u32 @!p0 s6, $0x11;
	_ =	swait.eq @!p0 [sflag:s4], $0x1  }
0xce: {  	[sflag:s4] =	ssyncadd.s32 @!p0 $0xFFFFFFFF;
	s4 =	sor.u32 @!p0 s6, s7  }
0xcf: {  	[sflag:s4] =	ssyncadd.remote.s32 @!p0 $0x1  }
0xd0: {  	_ =	strace $0x80000058;
	[dreg:$0x1] =	wrdreg $0xFFFFFFFF  }
0xd1: {  	[dreg:$0x0] =	wrdreg $0x2030  }
0xd2: {  	[dreg:$0x2] =	wrdreg s22  }
0xd3: {  	[dreg:$0x3] =	wrdreg s1  }
0xd4: {  	[dreg:$0x4] =	wrdreg s3  }
0xd5: {  	[dreg:$0x5] =	wrdreg $0xC  }
0xd6: {  	_ =	task.clear_ibuf [dreg:s20], $0x6FFFF;
	_ =	strace $0x90000058  }
0xd7: {  	s29 =	simm.s32 $0xC;
	_ =	strace $0x8000005A  }
0xd8: {  	_ =	swait.ge [sflag:s29], $0x1  }
0xd9: {  	[sflag:s29] =	ssyncadd.s32 $0xFFFFFFFF  }
0xda: {  	_ =	strace $0x9000005A  }
0xdb: {  	_ =	sfence  }
0xdc: {  	s30 =	sld [smem:$0x0];
	_ =	sdelay $0x2  }
0xdd: {  	s31 =	sshll.u32 s1, $0xD;
	s1 =	sshrl.u32 s1, $0x2  }
0xde: {  	s4 =	sand.u32 $0x4000, s31;
	s1 =	sadd.s32 s1, s30  }
0xdf: {  	s0 =	sor.u32 s4, s0;
	s1 =	sshll.u32 s1, $0x11  }
0xe0: {  	s0 =	sor.u32 s1, s0  }
0xe1: {  	s0 =	sadd.s32 $0x8F2B, s0  }
0xe2: {  	[sflag:s0] =	ssyncadd.remote.s32 $0x1  }
0xe3: {  	_ =	sfence.sel $0xFFFF  }
0xe4: {  	[dreg:$0x0] =	wrdreg $0xFFFFFFFF;
	(pc) =	sbr.abs _section_cstart, $3  }
0xe5: {  	[dreg:$0x1] =	wrdreg $0xFFFFFFFF  }
0xe6: {  	_ =	task.clear_ibuf [dreg:s20], $0x2FFFF;
	_ =	strace $0x9FFFFFFF  }
0xe7: {  	(tm) =	ssettm $0x7FFFFFFF  }
tec
execute0_lowered:
.L_overlay_start_1:
0x0: {  	(tag) =	ssettag $0x1  }
0x1: {  	s2 =	rddreg [dreg:$0x0]  }
0x2: {  	s5 =	rddreg [dreg:$0x1]  }
0x3: {  	s0 =	rddreg [dreg:$0x2];
	s3 =	stileid.u32;
	[bflag:$0x3] =	sbarrier.arrive $0xFFFF  }
0x4: {  	s1 =	simm.s32 $_size_execute1_lowered;
	s29 =	srdreg.scid;
	s31 =	simm.s32 $0x2  }
0x5: {  	s13 =	simm.s32 $0x0;
	s8 =	simm.s32 $0x40;
	p0 =	sne.s32 s3, $0x0  }
0x6: {  	s1 =	sshll.u32 s1, $0x1;
	s4 =	simm.s32 @!p0 $0x1C3F;
	s6 =	simm.s32 @!p0 $0x4060  }
0x7: {  	[timem:s6], [sflag:s4] =	dma.local @!p0 [hbm:s2], s1  }
0x8: {  	s9 =	simm.s32 $0x80;
	s11 =	simm.s32 $0x0;
	s2 =	sshll.u32 s29, $0x8  }
.Ltmp0:
0x9: {  	s3 =	sshll.u32 s3, $0x9;
	s30 =	sand.u32 $0x100, s2;
	(pc) =	sbr.rel .LBB2_1-.Ltmp0, $4  }
0xa: {  	s12 =	simm.s32 $0x0;
	_ =	strace $0x80000056;
	s3 =	sor.u32 s3, s30  }
0xb: {  	s4 =	simm.s32 $0x1;
	s2 =	sadd.s32 $0x561600, s5;
	s7 =	ssub.s32 $0xC300, s3  }
0xc: {  	s5 =	sadd.s32 $0x624C00, s5;
	[sflag:s4] =	ssyncpa.u1 $0x0;
	s6 =	sshrl.u32 s7, $0xD  }
0xd: {  	[sflag:s31] =	ssyncpa.u1 $0x0;
	s10 =	smov.u32 s3;
	s7 =	sadd.s32 $0x2, s6  }
.LBB2_5:
0xe: {  	_ =	sdelay $0x3  }
0xf: {  	[tilespmem:v2+s18+$0x0 ss:$0x1] =	vst.idx.msk $0xffff, v1  }
0x10: {  	[tilespmem:v2+s16+$0x0 ss:$0x1] =	vst.idx.msk $0xffff, v3  }
0x11: {  	[tilespmem:v2+s17+$0x0 ss:$0x1] =	vst.idx.msk $0xffff, v4  }
.LBB2_6:
0x12: {  	s16 =	sand.u32 $0x1FFFFFF, s11  }
0x13: {  	s17 =	smulhi.u32 $0x14F8B59, s16;
	_ =	sdelay $0x1  }
0x14: {  	s17 =	sshrl.u32 s17, $0x8  }
0x15: {  	s17 =	smul.u32 $0xC350, s17;
	_ =	sdelay $0x1  }
0x16: {  	s16 =	ssub.s32 s16, s17  }
0x17: {  	s16 =	sshll.u32 s16, $0x4  }
0x18: {  	s16 =	sadd.s32 s5, s16  }
0x19: {  	[hbm4b:s16+s8] =	stream.strided.scatter [tilespmem:s15], [sflag:$0x2], s14, s9, s8, $0x38;
	[tilespmem:$0x10000] =	vst v63  }
.LBB2_7:
0x1a: {  	p1 =	slt.u32 s12, $0x2  }
0x1b: {  	p2 =	sgt.s32 @!p1 s13, $0xC250  }
0x1c: {  	s14 =	smov.u32 s13;
	s15 =	sshra.s32 @!p1 s13, $0x1F;
	p2 =	por !p2, p1  }
0x1d: {  	s13 =	sand.u32 @!p1 s15, s13;
	s14 =	simm.s32 @p2 $0xC250  }
0x1e: {  	s13 =	ssub.s32 @!p1 s14, s13  }
0x1f: {  	s13 =	sadd.s32 @!p1 $0xFFFF3DB0, s13  }
0x20: {  	s14 =	sshll.u32 @!p1 s13, $0x8  }
0x21: {  	p2 =	sgt.s32 @!p1 s13, $0xFF;
	s13 =	ssub.s32 @!p1 $0x10000, s14  }
0x22: {  	s15 =	sadd.s32 $0x2000, s10;
	p2 =	por !p2, p1;
	s13 =	sshrl.u32 @!p1 s13, $0x2  }
0x23: {  	s13 =	simm.s32 @!p2 $0x0;
	p2 =	sgt.s32 s15, $0xC34F  }
0x24: {  	s15 =	smov.u32 @p2 s3;
	p2 =	sne.s32 s12, s7  }
.Ltmp1:
0x25: {  	_ = 	snop;
	(pc) =	sbr.rel @!p2 .LBB2_8-.Ltmp1, $4  }
0x26: {  	s14 =	simm.s32 @!p1 $0x2  }
0x27: {  	_ =	swait.ge @!p1 [sflag:s14], s13;
	s16 =	ssub.s32 @!p1 $0x0, s13  }
0x28: {  	s13 =	smov.u32 s11;
	s12 =	sadd.s32 $0x1, s12;
	[sflag:s14] =	ssyncset.done @!p1 $0x0  }
0x29: {  	s11 =	smov.u32 s10;
	s10 =	smov.u32 s15;
	[sflag:s14] =	ssyncadd.s32 @!p1 s16  }
.LBB2_1:
0x2a: {  	p1 =	sgt.u32 s12, s6  }
0x2b: {  	s15 =	smov.u32 s10;
	p2 =	sgt.s32 @!p1 s10, $0xC250  }
0x2c: {  	s14 =	sand.u32 @!p1 $0x1FFFFFF, s10;
	s16 =	sshra.s32 @!p1 s10, $0x1F;
	p2 =	por !p2, p1  }
0x2d: {  	s17 =	smulhi.u32 @!p1 $0x14F8B59, s14;
	s16 =	sand.u32 @!p1 s16, s10;
	s15 =	simm.s32 @p2 $0xC250  }
0x2e: {  	s15 =	ssub.s32 @!p1 s15, s16  }
0x2f: {  	s16 =	sshrl.u32 @!p1 s17, $0x8;
	s15 =	sadd.s32 @!p1 $0xFFFF3DB0, s15  }
0x30: {  	s17 =	sxor.u32 @!p1 $0xFFFFFFFF, s12;
	s16 =	smul.u32 @!p1 $0xC350, s16;
	s18 =	sshll.u32 @!p1 s15, $0x8  }
0x31: {  	s17 =	sshll.u32 @!p1 s17, $0xE;
	p2 =	sgt.s32 @!p1 s15, $0xFF;
	s15 =	ssub.s32 @!p1 $0x10000, s18  }
0x32: {  	s14 =	ssub.s32 @!p1 s14, s16;
	p2 =	por !p2, p1;
	s16 =	sand.u32 @!p1 $0x4000, s17  }
0x33: {  	s17 =	simm.s32 @!p1 $0x40;
	s15 =	sshrl.u32 @!p1 s15, $0x2;
	s14 =	sshll.u32 @!p1 s14, $0x4  }
0x34: {  	s18 =	simm.s32 @!p1 $0x80;
	s15 =	simm.s32 @!p2 $0x0;
	s14 =	sadd.s32 @!p1 s2, s14  }
0x35: {  	[tilespmem:s16], [sflag:$0x1] =	stream.strided.gather @!p1 [hbm4b:s14+s17], s15, s18, s17, $0x38;
	[tilespmem:$0x10000] =	vst v63  }
0x36: {  	p1 =	seq.s32 s12, $0x0  }
0x37: {  	p2 =	sge.u32 @!p1 s12, s7  }
0x38: {  	p1 =	por p1, p2  }
.Ltmp2:
0x39: {  	_ = 	snop;
	(pc) =	sbr.rel @p1 .LBB2_7-.Ltmp2, $1  }
0x3a: {  	_ =	sdelay $0x3  }
0x3b: {  	p1 =	sgt.s32 s11, $0xC250;
	s14 =	smov.u32 s11;
	s15 =	sshra.s32 s11, $0x1F  }
0x3c: {  	s14 =	simm.s32 @!p1 $0xC250;
	s15 =	sand.u32 s15, s11  }
0x3d: {  	s14 =	ssub.s32 s14, s15  }
0x3e: {  	s14 =	sadd.s32 $0xFFFF3DB0, s14  }
0x3f: {  	s31 =	sshll.u32 s14, $0x8  }
0x40: {  	s15 =	ssub.s32 $0x10000, s31  }
0x41: {  	p1 =	sgt.s32 s14, $0xFF;
	s14 =	sshrl.u32 s15, $0x2;
	s15 =	sadd.s32 $0x100, s11  }
0x42: {  	s14 =	simm.s32 @p1 $0x0;
	p1 =	slt.s32 s15, $0xC350  }
0x43: {  	s15 =	simm.s32 @!p1 $0xC350  }
0x44: {  	s19 =	ssub.s32 s15, s11  }
0x45: {  	p1 =	slt.s32 s19, $0x1  }
.Ltmp3:
0x46: {  	_ = 	snop;
	(pc) =	sbr.rel @p1 .LBB2_6-.Ltmp3, $4  }
0x47: {  	_ = 	snop  }
0x48: {  	s16 =	sshll.u32 s12, $0xE;
	_ =	swait.ge [sflag:s4], s14  }
0x49: {  	s16 =	sand.u32 $0x4000, s16;
	s17 =	ssub.s32 $0x0, s14;
	[sflag:s4] =	ssyncset.done $0x0  }
0x4a: {  	s15 =	sor.u32 $0x8000, s16;
	[sflag:s4] =	ssyncadd.s32 s17  }
0x4b: {  	v0 =	vmov s16;
	_ =	sdelay $0x2  }
0x4c: {  	s31 =	simm.s32 $0x0;
	p1 =	sne.s32 s19, $0x1  }
.Ltmp4:
0x4d: {  	s18 =	sand.u32 $0x3FC0, s31;
	(pc) =	sbr.rel @!p1 .LBB2_5-.Ltmp4, $4  }
0x4e: {  	v2 =	vmov s15;
	s16 =	sor.u32 $0x20, s18;
	v1 =	vld.idx.msk [tilespmem:v0+s18+$0x0 ss:$0x1], $0xffff  }
0x4f: {  	s17 =	sor.u32 $0x10, s18;
	v3 =	vld.idx.msk [tilespmem:v0+s16+$0x0 ss:$0x1], $0xffff  }
0x50: {  	v4 =	vld.idx.msk [tilespmem:v0+s17+$0x0 ss:$0x1], $0xffff  }
0x51: {  	s19 =	sadd.s32 $0xFFFFFFFF, s19;
	s20 =	simm.s32 $0x40  }
.LBB2_4:
0x52: {  	s21 =	sand.u32 $0x3FC0, s20;
	p1 =	sne.s32 s19, $0x1;
	s19 =	sadd.s32 $0xFFFFFFFF, s19  }
.Ltmp5:
0x53: {  	s22 =	sor.u32 $0x10, s21;
	s23 =	sor.u32 $0x20, s21;
	[tilespmem:v2+s18+$0x0 ss:$0x1] =	vst.idx.msk $0xffff, v1;
	v1 =	vld.idx.msk [tilespmem:v0+s21+$0x0 ss:$0x1], $0xffff;
	(pc) =	sbr.rel @p1 .LBB2_4-.Ltmp5, $3  }
0x54: {  	s18 =	smov.u32 s21;
	[tilespmem:v2+s16+$0x0 ss:$0x1] =	vst.idx.msk $0xffff, v3;
	v3 =	vld.idx.msk [tilespmem:v0+s23+$0x0 ss:$0x1], $0xffff;
	s16 =	smov.u32 s23  }
0x55: {  	[tilespmem:v2+s17+$0x0 ss:$0x1] =	vst.idx.msk $0xffff, v4;
	v4 =	vld.idx.msk [tilespmem:v0+s22+$0x0 ss:$0x1], $0xffff;
	s17 =	smov.u32 s22;
	_ =	sdelay $0x1  }
0x56: {  	s20 =	sadd.s32 $0x40, s20  }
.Ltmp6:
0x57: {  	_ = 	snop;
	(pc) =	sbr.rel .LBB2_5-.Ltmp6, $1  }
0x58: {  	_ =	sdelay $0x3  }
.LBB2_8:
0x59: {  	_ =	sfence.sel $0x180000  }
0x5a: {  	s2 =	simm.s32 $0x1;
	[bflag:$0x0] =	sbarrier.arrive $0xFFFF  }
0x5b: {  	s31 =	simm.s32 $0x2;
	[sflag:s2] =	ssyncpa.u1 $0x1  }
0x5c: {  	[sflag:s31] =	ssyncpa.u1 $0x1  }
0x5d: {  	_ =	strace $0x90000056  }
0x5e: {  	s0 =	sadd.s32 @!p0 $0x100000, s0;
	[bflag:$0x2] =	sbarrier.arrive $0xFFFF  }
0x5f: {  	[sflag:s0] =	ssyncadd.tile.s32 @!p0 $0x1;
	s0 =	simm.s32 @!p0 $0x3F  }
0x60: {  	_ =	swait.ge @!p0 [sflag:s0], s1  }
0x61: {  	s1 =	ssub.s32 @!p0 $0x0, s1;
	[sflag:s0] =	ssyncset.done @!p0 $0x0  }
0x62: {  	[sflag:s0] =	ssyncadd.s32 @!p0 s1  }
0x63: {  	[bflag:$0x3] =	sbarrier.arrive $0xFFFF  }
0x64: {  	_ =	shalt  }
.Lfunc_end2:
execute1_lowered:
.L_overlay_start_2:
0x65: {  	(tag) =	ssettag $0x2  }
0x66: {  	s4 =	rddreg [dreg:$0x0]  }
0x67: {  	s2 =	rddreg [dreg:$0x1];
	_ =	strace $0x80000059;
	s3 =	simm.s32 $0x1  }
0x68: {  	v0 =	vimm.s32 $0x0;
	[sflag:s3] =	ssyncpa.u1 $0x0  }
0x69: {  	[tilespmem:$0x68] =	vst v0  }
0x6a: {  	[tilespmem:$0x78] =	vst v0  }
0x6b: {  	[tilespmem:$0x88] =	vst v0  }
0x6c: {  	[tilespmem:$0x98] =	vst v0  }
0x6d: {  	[tilespmem:$0xA8] =	vst v0  }
0x6e: {  	[tilespmem:$0xB8] =	vst v0  }
0x6f: {  	[tilespmem:$0xC8] =	vst v0  }
0x70: {  	[tilespmem:$0xD8] =	vst v0  }
0x71: {  	[tilespmem:$0xE8] =	vst v0  }
0x72: {  	[tilespmem:$0xF8] =	vst v0  }
0x73: {  	[tilespmem:$0x108] =	vst v0  }
0x74: {  	[tilespmem:$0x118] =	vst v0  }
0x75: {  	[tilespmem:$0x128] =	vst v0  }
0x76: {  	[tilespmem:$0x138] =	vst v0  }
0x77: {  	[tilespmem:$0x148] =	vst v0  }
0x78: {  	[tilespmem:$0x158] =	vst v0  }
0x79: {  	[tilespmem:$0x168] =	vst v0  }
0x7a: {  	[tilespmem:$0x178] =	vst v0  }
0x7b: {  	[tilespmem:$0x188] =	vst v0  }
0x7c: {  	[tilespmem:$0x198] =	vst v0  }
0x7d: {  	[tilespmem:$0x1A8] =	vst v0  }
0x7e: {  	[tilespmem:$0x1B8] =	vst v0  }
0x7f: {  	[tilespmem:$0x1C8] =	vst v0  }
0x80: {  	[tilespmem:$0x1D8] =	vst v0  }
0x81: {  	[tilespmem:$0x1E8] =	vst v0  }
0x82: {  	[tilespmem:$0x1F8] =	vst v0  }
0x83: {  	[tilespmem:$0x208] =	vst v0  }
0x84: {  	[tilespmem:$0x218] =	vst v0  }
0x85: {  	[tilespmem:$0x228] =	vst v0  }
0x86: {  	[tilespmem:$0x238] =	vst v0  }
0x87: {  	[tilespmem:$0x248] =	vst v0  }
0x88: {  	[tilespmem:$0x258] =	vst v0  }
0x89: {  	[tilespmem:$0x268] =	vst v0  }
0x8a: {  	[tilespmem:$0x278] =	vst v0  }
0x8b: {  	[tilespmem:$0x288] =	vst v0  }
0x8c: {  	[tilespmem:$0x298] =	vst v0  }
0x8d: {  	[tilespmem:$0x2A8] =	vst v0  }
0x8e: {  	[tilespmem:$0x2B8] =	vst v0  }
0x8f: {  	[tilespmem:$0x2C8] =	vst v0  }
0x90: {  	[tilespmem:$0x2D8] =	vst v0  }
0x91: {  	[tilespmem:$0x2E8] =	vst v0  }
0x92: {  	[tilespmem:$0x2F8] =	vst v0  }
0x93: {  	[tilespmem:$0x308] =	vst v0  }
0x94: {  	[tilespmem:$0x318] =	vst v0  }
0x95: {  	[tilespmem:$0x328] =	vst v0  }
0x96: {  	[tilespmem:$0x338] =	vst v0  }
0x97: {  	[tilespmem:$0x348] =	vst v0  }
0x98: {  	[tilespmem:$0x358] =	vst v0  }
0x99: {  	[tilespmem:$0x368] =	vst v0  }
0x9a: {  	[tilespmem:$0x378] =	vst v0  }
0x9b: {  	[tilespmem:$0x388] =	vst v0  }
0x9c: {  	[tilespmem:$0x398] =	vst v0  }
0x9d: {  	[tilespmem:$0x3A8] =	vst v0  }
0x9e: {  	[tilespmem:$0x3B8] =	vst v0  }
0x9f: {  	[tilespmem:$0x3C8] =	vst v0  }
0xa0: {  	[tilespmem:$0x3D8] =	vst v0  }
0xa1: {  	[tilespmem:$0x3E8] =	vst v0  }
0xa2: {  	[tilespmem:$0x3F8] =	vst v0  }
0xa3: {  	[tilespmem:$0x408] =	vst v0  }
0xa4: {  	[tilespmem:$0x418] =	vst v0  }
0xa5: {  	[tilespmem:$0x428] =	vst v0  }
0xa6: {  	[tilespmem:$0x438] =	vst v0  }
0xa7: {  	[tilespmem:$0x448] =	vst v0  }
0xa8: {  	[tilespmem:$0x458] =	vst v0  }
0xa9: {  	[tilespmem:$0x468] =	vst v0  }
0xaa: {  	[tilespmem:$0x478] =	vst v0  }
0xab: {  	[tilespmem:$0x488] =	vst v0  }
0xac: {  	[tilespmem:$0x498] =	vst v0  }
0xad: {  	[tilespmem:$0x4A8] =	vst v0  }
0xae: {  	[tilespmem:$0x4B8] =	vst v0  }
0xaf: {  	[tilespmem:$0x4C8] =	vst v0  }
0xb0: {  	[tilespmem:$0x4D8] =	vst v0  }
0xb1: {  	[tilespmem:$0x4E8] =	vst v0  }
0xb2: {  	[tilespmem:$0x4F8] =	vst v0  }
0xb3: {  	[tilespmem:$0x508] =	vst v0  }
0xb4: {  	[tilespmem:$0x518] =	vst v0  }
0xb5: {  	[tilespmem:$0x528] =	vst v0  }
0xb6: {  	[tilespmem:$0x538] =	vst v0  }
0xb7: {  	[tilespmem:$0x548] =	vst v0  }
0xb8: {  	[tilespmem:$0x558] =	vst v0  }
0xb9: {  	[tilespmem:$0x568] =	vst v0  }
0xba: {  	[tilespmem:$0x578] =	vst v0  }
0xbb: {  	[tilespmem:$0x588] =	vst v0  }
0xbc: {  	[tilespmem:$0x598] =	vst v0  }
0xbd: {  	[tilespmem:$0x5A8] =	vst v0  }
0xbe: {  	[tilespmem:$0x5B8] =	vst v0  }
0xbf: {  	[tilespmem:$0x5C8] =	vst v0  }
0xc0: {  	[tilespmem:$0x5D8] =	vst v0  }
0xc1: {  	[tilespmem:$0x5E8] =	vst v0  }
0xc2: {  	[tilespmem:$0x5F8] =	vst v0  }
0xc3: {  	[tilespmem:$0x608] =	vst v0  }
0xc4: {  	[tilespmem:$0x618] =	vst v0  }
0xc5: {  	[tilespmem:$0x628] =	vst v0  }
0xc6: {  	[tilespmem:$0x638] =	vst v0  }
0xc7: {  	[tilespmem:$0x648] =	vst v0  }
0xc8: {  	[tilespmem:$0x658] =	vst v0  }
0xc9: {  	[tilespmem:$0x668] =	vst v0  }
0xca: {  	[tilespmem:$0x678] =	vst v0  }
0xcb: {  	[tilespmem:$0x688] =	vst v0  }
0xcc: {  	[tilespmem:$0x698] =	vst v0  }
0xcd: {  	[tilespmem:$0x6A8] =	vst v0  }
0xce: {  	[tilespmem:$0x6B8] =	vst v0  }
0xcf: {  	[tilespmem:$0x6C8] =	vst v0  }
0xd0: {  	[tilespmem:$0x6D8] =	vst v0  }
0xd1: {  	[tilespmem:$0x6E8] =	vst v0  }
0xd2: {  	[tilespmem:$0x6F8] =	vst v0  }
0xd3: {  	[tilespmem:$0x708] =	vst v0  }
0xd4: {  	[tilespmem:$0x718] =	vst v0  }
0xd5: {  	[tilespmem:$0x728] =	vst v0  }
0xd6: {  	[tilespmem:$0x738] =	vst v0  }
0xd7: {  	[tilespmem:$0x748] =	vst v0  }
0xd8: {  	[tilespmem:$0x758] =	vst v0  }
0xd9: {  	[tilespmem:$0x768] =	vst v0  }
0xda: {  	[tilespmem:$0x778] =	vst v0  }
0xdb: {  	[tilespmem:$0x788] =	vst v0  }
0xdc: {  	[tilespmem:$0x798] =	vst v0  }
0xdd: {  	[tilespmem:$0x7A8] =	vst v0  }
0xde: {  	[tilespmem:$0x7B8] =	vst v0  }
0xdf: {  	[tilespmem:$0x7C8] =	vst v0  }
0xe0: {  	[tilespmem:$0x7D8] =	vst v0  }
0xe1: {  	[tilespmem:$0x7E8] =	vst v0  }
0xe2: {  	[tilespmem:$0x7F8] =	vst v0  }
0xe3: {  	[tilespmem:$0x808] =	vst v0  }
0xe4: {  	[tilespmem:$0x818] =	vst v0  }
0xe5: {  	[tilespmem:$0x828] =	vst v0  }
0xe6: {  	[tilespmem:$0x838] =	vst v0  }
0xe7: {  	[tilespmem:$0x848] =	vst v0  }
0xe8: {  	[tilespmem:$0x858] =	vst v0  }
0xe9: {  	[tilespmem:$0x868] =	vst v0  }
0xea: {  	[tilespmem:$0x878] =	vst v0  }
0xeb: {  	[tilespmem:$0x888] =	vst v0  }
0xec: {  	[tilespmem:$0x898] =	vst v0  }
0xed: {  	[tilespmem:$0x8A8] =	vst v0  }
0xee: {  	[tilespmem:$0x8B8] =	vst v0  }
0xef: {  	[tilespmem:$0x8C8] =	vst v0  }
0xf0: {  	[tilespmem:$0x8D8] =	vst v0  }
0xf1: {  	[tilespmem:$0x8E8] =	vst v0  }
0xf2: {  	[tilespmem:$0x8F8] =	vst v0  }
0xf3: {  	[tilespmem:$0x908] =	vst v0  }
0xf4: {  	[tilespmem:$0x918] =	vst v0  }
0xf5: {  	[tilespmem:$0x928] =	vst v0  }
0xf6: {  	[tilespmem:$0x938] =	vst v0  }
0xf7: {  	[tilespmem:$0x948] =	vst v0  }
0xf8: {  	[tilespmem:$0x958] =	vst v0  }
0xf9: {  	[tilespmem:$0x968] =	vst v0  }
0xfa: {  	[tilespmem:$0x978] =	vst v0  }
0xfb: {  	[tilespmem:$0x988] =	vst v0  }
0xfc: {  	[tilespmem:$0x998] =	vst v0  }
0xfd: {  	[tilespmem:$0x9A8] =	vst v0  }
0xfe: {  	[tilespmem:$0x9B8] =	vst v0  }
0xff: {  	[tilespmem:$0x9C8] =	vst v0  }
0x100: {  	[tilespmem:$0x9D8] =	vst v0  }
0x101: {  	[tilespmem:$0x9E8] =	vst v0  }
0x102: {  	[tilespmem:$0x9F8] =	vst v0  }
0x103: {  	[tilespmem:$0xA08] =	vst v0  }
0x104: {  	[tilespmem:$0xA18] =	vst v0  }
0x105: {  	[tilespmem:$0xA28] =	vst v0  }
0x106: {  	[tilespmem:$0xA38] =	vst v0  }
0x107: {  	[tilespmem:$0xA48] =	vst v0  }
0x108: {  	[tilespmem:$0xA58] =	vst v0  }
0x109: {  	[tilespmem:$0xA68] =	vst v0  }
0x10a: {  	[tilespmem:$0xA78] =	vst v0  }
0x10b: {  	[tilespmem:$0xA88] =	vst v0  }
0x10c: {  	[tilespmem:$0xA98] =	vst v0  }
0x10d: {  	[tilespmem:$0xAA8] =	vst v0  }
0x10e: {  	[tilespmem:$0xAB8] =	vst v0  }
0x10f: {  	[tilespmem:$0xAC8] =	vst v0  }
0x110: {  	[tilespmem:$0xAD8] =	vst v0  }
0x111: {  	[tilespmem:$0xAE8] =	vst v0  }
0x112: {  	[tilespmem:$0xAF8] =	vst v0  }
0x113: {  	[tilespmem:$0xB08] =	vst v0  }
0x114: {  	[tilespmem:$0xB18] =	vst v0  }
0x115: {  	[tilespmem:$0xB28] =	vst v0  }
0x116: {  	[tilespmem:$0xB38] =	vst v0  }
0x117: {  	[tilespmem:$0xB48] =	vst v0  }
0x118: {  	[tilespmem:$0xB58] =	vst v0  }
0x119: {  	[tilespmem:$0xB68] =	vst v0  }
0x11a: {  	[tilespmem:$0xB78] =	vst v0  }
0x11b: {  	[tilespmem:$0xB88] =	vst v0  }
0x11c: {  	[tilespmem:$0xB98] =	vst v0  }
0x11d: {  	[tilespmem:$0xBA8] =	vst v0  }
0x11e: {  	[tilespmem:$0xBB8] =	vst v0  }
0x11f: {  	[tilespmem:$0xBC8] =	vst v0  }
0x120: {  	[tilespmem:$0xBD8] =	vst v0  }
0x121: {  	[tilespmem:$0xBE8] =	vst v0  }
0x122: {  	[tilespmem:$0xBF8] =	vst v0  }
0x123: {  	[tilespmem:$0xC08] =	vst v0  }
0x124: {  	[tilespmem:$0xC18] =	vst v0  }
0x125: {  	[tilespmem:$0xC28] =	vst v0  }
0x126: {  	[tilespmem:$0xC38] =	vst v0  }
0x127: {  	[tilespmem:$0xC48] =	vst v0  }
0x128: {  	[tilespmem:$0xC58] =	vst v0  }
0x129: {  	[tilespmem:$0xC68] =	vst v0  }
0x12a: {  	[tilespmem:$0xC78] =	vst v0  }
0x12b: {  	[tilespmem:$0xC88] =	vst v0  }
0x12c: {  	[tilespmem:$0xC98] =	vst v0  }
0x12d: {  	[tilespmem:$0xCA8] =	vst v0  }
0x12e: {  	[tilespmem:$0xCB8] =	vst v0  }
0x12f: {  	[tilespmem:$0xCC8] =	vst v0  }
0x130: {  	[tilespmem:$0xCD8] =	vst v0  }
0x131: {  	[tilespmem:$0xCE8] =	vst v0  }
0x132: {  	[tilespmem:$0xCF8] =	vst v0  }
0x133: {  	[tilespmem:$0xD08] =	vst v0  }
0x134: {  	[tilespmem:$0xD18] =	vst v0  }
0x135: {  	[tilespmem:$0xD28] =	vst v0  }
0x136: {  	[tilespmem:$0xD38] =	vst v0  }
0x137: {  	[tilespmem:$0xD48] =	vst v0  }
0x138: {  	[tilespmem:$0xD58] =	vst v0  }
0x139: {  	[tilespmem:$0xD68] =	vst v0  }
0x13a: {  	[tilespmem:$0xD78] =	vst v0  }
0x13b: {  	[tilespmem:$0xD88] =	vst v0  }
0x13c: {  	[tilespmem:$0xD98] =	vst v0  }
0x13d: {  	[tilespmem:$0xDA8] =	vst v0  }
0x13e: {  	[tilespmem:$0xDB8] =	vst v0  }
0x13f: {  	[tilespmem:$0xDC8] =	vst v0  }
0x140: {  	[tilespmem:$0xDD8] =	vst v0  }
0x141: {  	[tilespmem:$0xDE8] =	vst v0  }
0x142: {  	[tilespmem:$0xDF8] =	vst v0  }
0x143: {  	[tilespmem:$0xE08] =	vst v0  }
0x144: {  	[tilespmem:$0xE18] =	vst v0  }
0x145: {  	[tilespmem:$0xE28] =	vst v0  }
0x146: {  	[tilespmem:$0xE38] =	vst v0  }
0x147: {  	[tilespmem:$0xE48] =	vst v0  }
0x148: {  	[tilespmem:$0xE58] =	vst v0  }
0x149: {  	[tilespmem:$0xE68] =	vst v0  }
0x14a: {  	[tilespmem:$0xE78] =	vst v0  }
0x14b: {  	[tilespmem:$0xE88] =	vst v0  }
0x14c: {  	[tilespmem:$0xE98] =	vst v0  }
0x14d: {  	[tilespmem:$0xEA8] =	vst v0  }
0x14e: {  	[tilespmem:$0xEB8] =	vst v0  }
0x14f: {  	[tilespmem:$0xEC8] =	vst v0  }
0x150: {  	[tilespmem:$0xED8] =	vst v0  }
0x151: {  	[tilespmem:$0xEE8] =	vst v0  }
0x152: {  	[tilespmem:$0xEF8] =	vst v0  }
0x153: {  	[tilespmem:$0xF08] =	vst v0  }
0x154: {  	[tilespmem:$0xF18] =	vst v0  }
0x155: {  	[tilespmem:$0xF28] =	vst v0  }
0x156: {  	[tilespmem:$0xF38] =	vst v0  }
0x157: {  	[tilespmem:$0xF48] =	vst v0  }
0x158: {  	[tilespmem:$0xF58] =	vst v0  }
0x159: {  	[tilespmem:$0xF68] =	vst v0  }
0x15a: {  	[tilespmem:$0xF78] =	vst v0  }
0x15b: {  	[tilespmem:$0xF88] =	vst v0  }
0x15c: {  	[tilespmem:$0xF98] =	vst v0  }
0x15d: {  	[tilespmem:$0xFA8] =	vst v0  }
0x15e: {  	[tilespmem:$0xFB8] =	vst v0  }
0x15f: {  	[tilespmem:$0xFC8] =	vst v0  }
0x160: {  	[tilespmem:$0xFD8] =	vst v0  }
0x161: {  	[tilespmem:$0xFE8] =	vst v0  }
0x162: {  	[tilespmem:$0xFF8] =	vst v0  }
0x163: {  	[tilespmem:$0x1008] =	vst v0  }
0x164: {  	[tilespmem:$0x1018] =	vst v0  }
0x165: {  	[tilespmem:$0x1028] =	vst v0  }
0x166: {  	[tilespmem:$0x1038] =	vst v0  }
0x167: {  	[tilespmem:$0x1048] =	vst v0  }
0x168: {  	[tilespmem:$0x1058] =	vst v0  }
0x169: {  	[tilespmem:$0x1068] =	vst v0  }
0x16a: {  	[tilespmem:$0x1078] =	vst v0  }
0x16b: {  	[tilespmem:$0x1088] =	vst v0  }
0x16c: {  	[tilespmem:$0x1098] =	vst v0  }
0x16d: {  	[tilespmem:$0x10A8] =	vst v0  }
0x16e: {  	[tilespmem:$0x10B8] =	vst v0  }
0x16f: {  	[tilespmem:$0x10C8] =	vst v0  }
0x170: {  	[tilespmem:$0x10D8] =	vst v0  }
0x171: {  	[tilespmem:$0x10E8] =	vst v0  }
0x172: {  	[tilespmem:$0x10F8] =	vst v0  }
0x173: {  	[tilespmem:$0x1108] =	vst v0  }
0x174: {  	[tilespmem:$0x1118] =	vst v0  }
0x175: {  	[tilespmem:$0x1128] =	vst v0  }
0x176: {  	[tilespmem:$0x1138] =	vst v0  }
0x177: {  	[tilespmem:$0x1148] =	vst v0  }
0x178: {  	[tilespmem:$0x1158] =	vst v0  }
0x179: {  	[tilespmem:$0x1168] =	vst v0  }
0x17a: {  	[tilespmem:$0x1178] =	vst v0  }
0x17b: {  	[tilespmem:$0x1188] =	vst v0  }
0x17c: {  	[tilespmem:$0x1198] =	vst v0  }
0x17d: {  	[tilespmem:$0x11A8] =	vst v0  }
0x17e: {  	[tilespmem:$0x11B8] =	vst v0  }
0x17f: {  	[tilespmem:$0x11C8] =	vst v0  }
0x180: {  	[tilespmem:$0x11D8] =	vst v0  }
0x181: {  	[tilespmem:$0x11E8] =	vst v0  }
0x182: {  	[tilespmem:$0x11F8] =	vst v0  }
0x183: {  	[tilespmem:$0x1208] =	vst v0  }
0x184: {  	[tilespmem:$0x1218] =	vst v0  }
0x185: {  	[tilespmem:$0x1228] =	vst v0  }
0x186: {  	[tilespmem:$0x1238] =	vst v0  }
0x187: {  	[tilespmem:$0x1248] =	vst v0  }
0x188: {  	[tilespmem:$0x1258] =	vst v0  }
0x189: {  	[tilespmem:$0x1268] =	vst v0  }
0x18a: {  	[tilespmem:$0x1278] =	vst v0  }
0x18b: {  	[tilespmem:$0x1288] =	vst v0  }
0x18c: {  	[tilespmem:$0x1298] =	vst v0  }
0x18d: {  	[tilespmem:$0x12A8] =	vst v0  }
0x18e: {  	[tilespmem:$0x12B8] =	vst v0  }
0x18f: {  	[tilespmem:$0x12C8] =	vst v0  }
0x190: {  	[tilespmem:$0x12D8] =	vst v0  }
0x191: {  	[tilespmem:$0x12E8] =	vst v0  }
0x192: {  	[tilespmem:$0x12F8] =	vst v0  }
0x193: {  	[tilespmem:$0x1308] =	vst v0  }
0x194: {  	[tilespmem:$0x1318] =	vst v0  }
0x195: {  	[tilespmem:$0x1328] =	vst v0  }
0x196: {  	[tilespmem:$0x1338] =	vst v0  }
0x197: {  	[tilespmem:$0x1348] =	vst v0  }
0x198: {  	[tilespmem:$0x1358] =	vst v0  }
0x199: {  	[tilespmem:$0x1368] =	vst v0  }
0x19a: {  	[tilespmem:$0x1378] =	vst v0  }
0x19b: {  	[tilespmem:$0x1388] =	vst v0  }
0x19c: {  	[tilespmem:$0x1398] =	vst v0  }
0x19d: {  	[tilespmem:$0x13A8] =	vst v0  }
0x19e: {  	[tilespmem:$0x13B8] =	vst v0  }
0x19f: {  	[tilespmem:$0x13C8] =	vst v0  }
0x1a0: {  	[tilespmem:$0x13D8] =	vst v0  }
0x1a1: {  	[tilespmem:$0x13E8] =	vst v0  }
0x1a2: {  	[tilespmem:$0x13F8] =	vst v0  }
0x1a3: {  	[tilespmem:$0x1408] =	vst v0  }
0x1a4: {  	[tilespmem:$0x1418] =	vst v0  }
0x1a5: {  	[tilespmem:$0x1428] =	vst v0  }
0x1a6: {  	[tilespmem:$0x1438] =	vst v0  }
0x1a7: {  	[tilespmem:$0x1448] =	vst v0  }
0x1a8: {  	[tilespmem:$0x1458] =	vst v0  }
0x1a9: {  	[tilespmem:$0x2388] =	vst v0  }
0x1aa: {  	[tilespmem:$0x2398] =	vst v0  }
0x1ab: {  	[tilespmem:$0x1468] =	vst v0  }
0x1ac: {  	[tilespmem:$0x1478] =	vst v0  }
0x1ad: {  	[tilespmem:$0x1488] =	vst v0  }
0x1ae: {  	[tilespmem:$0x1498] =	vst v0  }
0x1af: {  	[tilespmem:$0x14A8] =	vst v0  }
0x1b0: {  	[tilespmem:$0x14B8] =	vst v0  }
0x1b1: {  	[tilespmem:$0x14C8] =	vst v0  }
0x1b2: {  	[tilespmem:$0x14D8] =	vst v0  }
0x1b3: {  	[tilespmem:$0x14E8] =	vst v0  }
0x1b4: {  	[tilespmem:$0x14F8] =	vst v0  }
0x1b5: {  	[tilespmem:$0x1508] =	vst v0  }
0x1b6: {  	[tilespmem:$0x1518] =	vst v0  }
0x1b7: {  	[tilespmem:$0x1528] =	vst v0  }
0x1b8: {  	[tilespmem:$0x1538] =	vst v0  }
0x1b9: {  	[tilespmem:$0x1548] =	vst v0  }
0x1ba: {  	[tilespmem:$0x1558] =	vst v0  }
0x1bb: {  	[tilespmem:$0x1568] =	vst v0  }
0x1bc: {  	[tilespmem:$0x1578] =	vst v0  }
0x1bd: {  	[tilespmem:$0x1588] =	vst v0  }
0x1be: {  	[tilespmem:$0x1598] =	vst v0  }
0x1bf: {  	[tilespmem:$0x15A8] =	vst v0  }
0x1c0: {  	[tilespmem:$0x15B8] =	vst v0  }
0x1c1: {  	[tilespmem:$0x15C8] =	vst v0  }
0x1c2: {  	[tilespmem:$0x15D8] =	vst v0  }
0x1c3: {  	[tilespmem:$0x15E8] =	vst v0  }
0x1c4: {  	[tilespmem:$0x15F8] =	vst v0  }
0x1c5: {  	[tilespmem:$0x1608] =	vst v0  }
0x1c6: {  	[tilespmem:$0x1618] =	vst v0  }
0x1c7: {  	[tilespmem:$0x1628] =	vst v0  }
0x1c8: {  	[tilespmem:$0x1638] =	vst v0  }
0x1c9: {  	[tilespmem:$0x1648] =	vst v0  }
0x1ca: {  	[tilespmem:$0x1658] =	vst v0  }
0x1cb: {  	[tilespmem:$0x1668] =	vst v0  }
0x1cc: {  	[tilespmem:$0x1678] =	vst v0  }
0x1cd: {  	[tilespmem:$0x1688] =	vst v0  }
0x1ce: {  	[tilespmem:$0x1698] =	vst v0  }
0x1cf: {  	[tilespmem:$0x16A8] =	vst v0  }
0x1d0: {  	[tilespmem:$0x16B8] =	vst v0  }
0x1d1: {  	[tilespmem:$0x16C8] =	vst v0  }
0x1d2: {  	[tilespmem:$0x16D8] =	vst v0  }
0x1d3: {  	[tilespmem:$0x16E8] =	vst v0  }
0x1d4: {  	[tilespmem:$0x16F8] =	vst v0  }
0x1d5: {  	[tilespmem:$0x1708] =	vst v0  }
0x1d6: {  	[tilespmem:$0x1718] =	vst v0  }
0x1d7: {  	[tilespmem:$0x1728] =	vst v0  }
0x1d8: {  	[tilespmem:$0x1738] =	vst v0  }
0x1d9: {  	[tilespmem:$0x1748] =	vst v0  }
0x1da: {  	[tilespmem:$0x1758] =	vst v0  }
0x1db: {  	[tilespmem:$0x1768] =	vst v0  }
0x1dc: {  	[tilespmem:$0x1778] =	vst v0  }
0x1dd: {  	[tilespmem:$0x1788] =	vst v0  }
0x1de: {  	[tilespmem:$0x1798] =	vst v0  }
0x1df: {  	[tilespmem:$0x17A8] =	vst v0  }
0x1e0: {  	[tilespmem:$0x17B8] =	vst v0  }
0x1e1: {  	[tilespmem:$0x17C8] =	vst v0  }
0x1e2: {  	[tilespmem:$0x17D8] =	vst v0  }
0x1e3: {  	[tilespmem:$0x17E8] =	vst v0  }
0x1e4: {  	[tilespmem:$0x17F8] =	vst v0  }
0x1e5: {  	[tilespmem:$0x1808] =	vst v0  }
0x1e6: {  	[tilespmem:$0x1818] =	vst v0  }
0x1e7: {  	[tilespmem:$0x1828] =	vst v0  }
0x1e8: {  	[tilespmem:$0x1838] =	vst v0  }
0x1e9: {  	[tilespmem:$0x1848] =	vst v0  }
0x1ea: {  	[tilespmem:$0x1858] =	vst v0  }
0x1eb: {  	[tilespmem:$0x1868] =	vst v0  }
0x1ec: {  	[tilespmem:$0x1878] =	vst v0  }
0x1ed: {  	[tilespmem:$0x1888] =	vst v0  }
0x1ee: {  	[tilespmem:$0x1898] =	vst v0  }
0x1ef: {  	[tilespmem:$0x18A8] =	vst v0  }
0x1f0: {  	[tilespmem:$0x18B8] =	vst v0  }
0x1f1: {  	[tilespmem:$0x18C8] =	vst v0  }
0x1f2: {  	[tilespmem:$0x18D8] =	vst v0  }
0x1f3: {  	[tilespmem:$0x18E8] =	vst v0  }
0x1f4: {  	[tilespmem:$0x18F8] =	vst v0  }
0x1f5: {  	[tilespmem:$0x1908] =	vst v0  }
0x1f6: {  	[tilespmem:$0x1918] =	vst v0  }
0x1f7: {  	[tilespmem:$0x1928] =	vst v0  }
0x1f8: {  	[tilespmem:$0x1938] =	vst v0  }
0x1f9: {  	[tilespmem:$0x1948] =	vst v0  }
0x1fa: {  	[tilespmem:$0x1958] =	vst v0  }
0x1fb: {  	[tilespmem:$0x1968] =	vst v0  }
0x1fc: {  	[tilespmem:$0x1978] =	vst v0  }
0x1fd: {  	[tilespmem:$0x1988] =	vst v0  }
0x1fe: {  	[tilespmem:$0x1998] =	vst v0  }
0x1ff: {  	[tilespmem:$0x19A8] =	vst v0  }
0x200: {  	[tilespmem:$0x19B8] =	vst v0  }
0x201: {  	[tilespmem:$0x19C8] =	vst v0  }
0x202: {  	[tilespmem:$0x19D8] =	vst v0  }
0x203: {  	[tilespmem:$0x19E8] =	vst v0  }
0x204: {  	[tilespmem:$0x19F8] =	vst v0  }
0x205: {  	[tilespmem:$0x1A08] =	vst v0  }
0x206: {  	[tilespmem:$0x1A18] =	vst v0  }
0x207: {  	[tilespmem:$0x1A28] =	vst v0  }
0x208: {  	[tilespmem:$0x1A38] =	vst v0  }
0x209: {  	[tilespmem:$0x1A48] =	vst v0  }
0x20a: {  	[tilespmem:$0x1A58] =	vst v0  }
0x20b: {  	[tilespmem:$0x1A68] =	vst v0  }
0x20c: {  	[tilespmem:$0x1A78] =	vst v0  }
0x20d: {  	[tilespmem:$0x1A88] =	vst v0  }
0x20e: {  	[tilespmem:$0x1A98] =	vst v0  }
0x20f: {  	[tilespmem:$0x1AA8] =	vst v0  }
0x210: {  	[tilespmem:$0x1AB8] =	vst v0  }
0x211: {  	[tilespmem:$0x1AC8] =	vst v0  }
0x212: {  	[tilespmem:$0x1AD8] =	vst v0  }
0x213: {  	[tilespmem:$0x1AE8] =	vst v0  }
0x214: {  	[tilespmem:$0x1AF8] =	vst v0  }
0x215: {  	[tilespmem:$0x1B08] =	vst v0  }
0x216: {  	[tilespmem:$0x1B18] =	vst v0  }
0x217: {  	[tilespmem:$0x1B28] =	vst v0  }
0x218: {  	[tilespmem:$0x1B38] =	vst v0  }
0x219: {  	[tilespmem:$0x1B48] =	vst v0  }
0x21a: {  	[tilespmem:$0x1B58] =	vst v0  }
0x21b: {  	[tilespmem:$0x1B68] =	vst v0  }
0x21c: {  	[tilespmem:$0x1B78] =	vst v0  }
0x21d: {  	[tilespmem:$0x1B88] =	vst v0  }
0x21e: {  	[tilespmem:$0x1B98] =	vst v0  }
0x21f: {  	[tilespmem:$0x1BA8] =	vst v0  }
0x220: {  	[tilespmem:$0x1BB8] =	vst v0  }
0x221: {  	[tilespmem:$0x1BC8] =	vst v0  }
0x222: {  	[tilespmem:$0x1BD8] =	vst v0  }
0x223: {  	[tilespmem:$0x1BE8] =	vst v0  }
0x224: {  	[tilespmem:$0x1BF8] =	vst v0  }
0x225: {  	[tilespmem:$0x1C08] =	vst v0  }
0x226: {  	[tilespmem:$0x1C18] =	vst v0  }
0x227: {  	[tilespmem:$0x1C28] =	vst v0  }
0x228: {  	[tilespmem:$0x1C38] =	vst v0  }
0x229: {  	[tilespmem:$0x1C48] =	vst v0  }
0x22a: {  	[tilespmem:$0x1C58] =	vst v0  }
0x22b: {  	[tilespmem:$0x1C68] =	vst v0  }
0x22c: {  	[tilespmem:$0x1C78] =	vst v0  }
0x22d: {  	[tilespmem:$0x1C88] =	vst v0  }
0x22e: {  	[tilespmem:$0x1C98] =	vst v0  }
0x22f: {  	[tilespmem:$0x1CA8] =	vst v0  }
0x230: {  	[tilespmem:$0x1CB8] =	vst v0  }
0x231: {  	[tilespmem:$0x1CC8] =	vst v0  }
0x232: {  	[tilespmem:$0x1CD8] =	vst v0  }
0x233: {  	[tilespmem:$0x1CE8] =	vst v0  }
0x234: {  	[tilespmem:$0x1CF8] =	vst v0  }
0x235: {  	[tilespmem:$0x1D08] =	vst v0  }
0x236: {  	[tilespmem:$0x1D18] =	vst v0  }
0x237: {  	[tilespmem:$0x1D28] =	vst v0  }
0x238: {  	[tilespmem:$0x1D38] =	vst v0  }
0x239: {  	[tilespmem:$0x1D48] =	vst v0  }
0x23a: {  	[tilespmem:$0x1D58] =	vst v0  }
0x23b: {  	[tilespmem:$0x1D68] =	vst v0  }
0x23c: {  	[tilespmem:$0x1D78] =	vst v0  }
0x23d: {  	[tilespmem:$0x1D88] =	vst v0  }
0x23e: {  	[tilespmem:$0x1D98] =	vst v0  }
0x23f: {  	[tilespmem:$0x1DA8] =	vst v0  }
0x240: {  	[tilespmem:$0x1DB8] =	vst v0  }
0x241: {  	[tilespmem:$0x1DC8] =	vst v0  }
0x242: {  	[tilespmem:$0x1DD8] =	vst v0  }
0x243: {  	[tilespmem:$0x1DE8] =	vst v0  }
0x244: {  	[tilespmem:$0x1DF8] =	vst v0  }
0x245: {  	[tilespmem:$0x1E08] =	vst v0  }
0x246: {  	[tilespmem:$0x1E18] =	vst v0  }
0x247: {  	[tilespmem:$0x1E28] =	vst v0  }
0x248: {  	[tilespmem:$0x1E38] =	vst v0  }
0x249: {  	[tilespmem:$0x1E48] =	vst v0  }
0x24a: {  	[tilespmem:$0x1E58] =	vst v0  }
0x24b: {  	[tilespmem:$0x1E68] =	vst v0  }
0x24c: {  	[tilespmem:$0x1E78] =	vst v0  }
0x24d: {  	[tilespmem:$0x1E88] =	vst v0  }
0x24e: {  	[tilespmem:$0x1E98] =	vst v0  }
0x24f: {  	[tilespmem:$0x1EA8] =	vst v0  }
0x250: {  	[tilespmem:$0x1EB8] =	vst v0  }
0x251: {  	[tilespmem:$0x1EC8] =	vst v0  }
0x252: {  	[tilespmem:$0x1ED8] =	vst v0  }
0x253: {  	[tilespmem:$0x1EE8] =	vst v0  }
0x254: {  	[tilespmem:$0x1EF8] =	vst v0  }
0x255: {  	[tilespmem:$0x1F08] =	vst v0  }
0x256: {  	[tilespmem:$0x1F18] =	vst v0  }
0x257: {  	[tilespmem:$0x1F28] =	vst v0  }
0x258: {  	[tilespmem:$0x1F38] =	vst v0  }
0x259: {  	[tilespmem:$0x1F48] =	vst v0  }
0x25a: {  	[tilespmem:$0x1F58] =	vst v0  }
0x25b: {  	[tilespmem:$0x1F68] =	vst v0  }
0x25c: {  	[tilespmem:$0x1F78] =	vst v0  }
0x25d: {  	[tilespmem:$0x1F88] =	vst v0  }
0x25e: {  	[tilespmem:$0x1F98] =	vst v0  }
0x25f: {  	[tilespmem:$0x1FA8] =	vst v0  }
0x260: {  	[tilespmem:$0x1FB8] =	vst v0  }
0x261: {  	[tilespmem:$0x1FC8] =	vst v0  }
0x262: {  	[tilespmem:$0x1FD8] =	vst v0  }
0x263: {  	[tilespmem:$0x1FE8] =	vst v0  }
0x264: {  	[tilespmem:$0x1FF8] =	vst v0  }
0x265: {  	[tilespmem:$0x2008] =	vst v0  }
0x266: {  	[tilespmem:$0x2018] =	vst v0  }
0x267: {  	[tilespmem:$0x2028] =	vst v0  }
0x268: {  	[tilespmem:$0x2038] =	vst v0  }
0x269: {  	[tilespmem:$0x2048] =	vst v0  }
0x26a: {  	[tilespmem:$0x2058] =	vst v0  }
0x26b: {  	[tilespmem:$0x2068] =	vst v0  }
0x26c: {  	[tilespmem:$0x2078] =	vst v0  }
0x26d: {  	[tilespmem:$0x2088] =	vst v0  }
0x26e: {  	[tilespmem:$0x2098] =	vst v0  }
0x26f: {  	[tilespmem:$0x20A8] =	vst v0  }
0x270: {  	[tilespmem:$0x20B8] =	vst v0  }
0x271: {  	[tilespmem:$0x20C8] =	vst v0  }
0x272: {  	[tilespmem:$0x20D8] =	vst v0  }
0x273: {  	[tilespmem:$0x20E8] =	vst v0  }
0x274: {  	[tilespmem:$0x20F8] =	vst v0  }
0x275: {  	[tilespmem:$0x2108] =	vst v0  }
0x276: {  	[tilespmem:$0x2118] =	vst v0  }
0x277: {  	[tilespmem:$0x2128] =	vst v0  }
0x278: {  	[tilespmem:$0x2138] =	vst v0  }
0x279: {  	[tilespmem:$0x2148] =	vst v0  }
0x27a: {  	[tilespmem:$0x2158] =	vst v0  }
0x27b: {  	[tilespmem:$0x2168] =	vst v0  }
0x27c: {  	[tilespmem:$0x2178] =	vst v0  }
0x27d: {  	[tilespmem:$0x2188] =	vst v0  }
0x27e: {  	[tilespmem:$0x2198] =	vst v0  }
0x27f: {  	[tilespmem:$0x21A8] =	vst v0  }
0x280: {  	[tilespmem:$0x21B8] =	vst v0  }
0x281: {  	[tilespmem:$0x21C8] =	vst v0  }
0x282: {  	[tilespmem:$0x21D8] =	vst v0  }
0x283: {  	[tilespmem:$0x21E8] =	vst v0  }
0x284: {  	[tilespmem:$0x21F8] =	vst v0  }
0x285: {  	[tilespmem:$0x2208] =	vst v0  }
0x286: {  	[tilespmem:$0x2218] =	vst v0  }
0x287: {  	[tilespmem:$0x2228] =	vst v0  }
0x288: {  	[tilespmem:$0x2238] =	vst v0  }
0x289: {  	[tilespmem:$0x2248] =	vst v0  }
0x28a: {  	[tilespmem:$0x2258] =	vst v0  }
0x28b: {  	[tilespmem:$0x2268] =	vst v0  }
0x28c: {  	[tilespmem:$0x2278] =	vst v0  }
0x28d: {  	[tilespmem:$0x2288] =	vst v0  }
0x28e: {  	[tilespmem:$0x2298] =	vst v0  }
0x28f: {  	[tilespmem:$0x22A8] =	vst v0  }
0x290: {  	[tilespmem:$0x22B8] =	vst v0  }
0x291: {  	[tilespmem:$0x22C8] =	vst v0  }
0x292: {  	[tilespmem:$0x22D8] =	vst v0  }
0x293: {  	[tilespmem:$0x22E8] =	vst v0  }
0x294: {  	[tilespmem:$0x22F8] =	vst v0  }
0x295: {  	[tilespmem:$0x2308] =	vst v0  }
0x296: {  	[tilespmem:$0x2318] =	vst v0  }
0x297: {  	[tilespmem:$0x2328] =	vst v0  }
0x298: {  	[tilespmem:$0x2338] =	vst v0  }
0x299: {  	[tilespmem:$0x2348] =	vst v0  }
0x29a: {  	[tilespmem:$0x2358] =	vst v0  }
0x29b: {  	[tilespmem:$0x2368] =	vst v0  }
0x29c: {  	[tilespmem:$0x2378] =	vst v0  }
0x29d: {  	[tilespmem:$0x23A8] =	vst v0  }
0x29e: {  	[tilespmem:$0x23B8] =	vst v0  }
0x29f: {  	[tilespmem:$0x23C8] =	vst v0  }
0x2a0: {  	[tilespmem:$0x23D8] =	vst v0  }
0x2a1: {  	[tilespmem:$0x23E8] =	vst v0  }
0x2a2: {  	[tilespmem:$0x23F8] =	vst v0  }
0x2a3: {  	[tilespmem:$0x2408] =	vst v0  }
0x2a4: {  	[tilespmem:$0x2418] =	vst v0  }
0x2a5: {  	[tilespmem:$0x2428] =	vst v0  }
0x2a6: {  	[tilespmem:$0x2438] =	vst v0  }
0x2a7: {  	[tilespmem:$0x2448] =	vst v0  }
0x2a8: {  	[tilespmem:$0x2458] =	vst v0  }
0x2a9: {  	[tilespmem:$0x2468] =	vst v0  }
0x2aa: {  	[tilespmem:$0x2478] =	vst v0  }
0x2ab: {  	[tilespmem:$0x2488] =	vst v0  }
0x2ac: {  	[tilespmem:$0x2498] =	vst v0  }
0x2ad: {  	[tilespmem:$0x24A8] =	vst v0  }
0x2ae: {  	[tilespmem:$0x24B8] =	vst v0  }
0x2af: {  	[tilespmem:$0x24C8] =	vst v0  }
0x2b0: {  	[tilespmem:$0x24D8] =	vst v0  }
0x2b1: {  	[tilespmem:$0x24E8] =	vst v0  }
0x2b2: {  	[tilespmem:$0x24F8] =	vst v0  }
0x2b3: {  	[tilespmem:$0x2508] =	vst v0  }
0x2b4: {  	[tilespmem:$0x2518] =	vst v0  }
0x2b5: {  	[tilespmem:$0x2528] =	vst v0  }
0x2b6: {  	[tilespmem:$0x2538] =	vst v0  }
0x2b7: {  	[tilespmem:$0x2548] =	vst v0  }
0x2b8: {  	[tilespmem:$0x2558] =	vst v0  }
0x2b9: {  	[tilespmem:$0x2568] =	vst v0  }
0x2ba: {  	[tilespmem:$0x2578] =	vst v0  }
0x2bb: {  	[tilespmem:$0x2588] =	vst v0  }
0x2bc: {  	[tilespmem:$0x2598] =	vst v0  }
0x2bd: {  	[tilespmem:$0x25A8] =	vst v0  }
0x2be: {  	[tilespmem:$0x25B8] =	vst v0  }
0x2bf: {  	[tilespmem:$0x25C8] =	vst v0  }
0x2c0: {  	[tilespmem:$0x25D8] =	vst v0  }
0x2c1: {  	[tilespmem:$0x25E8] =	vst v0  }
0x2c2: {  	[tilespmem:$0x25F8] =	vst v0  }
0x2c3: {  	[tilespmem:$0x2608] =	vst v0  }
0x2c4: {  	[tilespmem:$0x2618] =	vst v0  }
0x2c5: {  	[tilespmem:$0x2628] =	vst v0  }
0x2c6: {  	[tilespmem:$0x2638] =	vst v0  }
0x2c7: {  	[tilespmem:$0x2648] =	vst v0  }
0x2c8: {  	[tilespmem:$0x2658] =	vst v0  }
0x2c9: {  	[tilespmem:$0x2668] =	vst v0  }
0x2ca: {  	[tilespmem:$0x2678] =	vst v0  }
0x2cb: {  	[tilespmem:$0x2688] =	vst v0  }
0x2cc: {  	[tilespmem:$0x2698] =	vst v0  }
0x2cd: {  	[tilespmem:$0x26A8] =	vst v0  }
0x2ce: {  	[tilespmem:$0x26B8] =	vst v0  }
0x2cf: {  	[tilespmem:$0x26C8] =	vst v0  }
0x2d0: {  	[tilespmem:$0x26D8] =	vst v0  }
0x2d1: {  	[tilespmem:$0x26E8] =	vst v0  }
0x2d2: {  	[tilespmem:$0x26F8] =	vst v0  }
0x2d3: {  	[tilespmem:$0x2708] =	vst v0  }
0x2d4: {  	[tilespmem:$0x2718] =	vst v0  }
0x2d5: {  	[tilespmem:$0x2728] =	vst v0  }
0x2d6: {  	[tilespmem:$0x2738] =	vst v0  }
0x2d7: {  	[tilespmem:$0x2748] =	vst v0  }
0x2d8: {  	[tilespmem:$0x2758] =	vst v0  }
0x2d9: {  	[tilespmem:$0x2768] =	vst v0  }
0x2da: {  	[tilespmem:$0x2778] =	vst v0  }
0x2db: {  	[tilespmem:$0x2788] =	vst v0  }
0x2dc: {  	[tilespmem:$0x2798] =	vst v0  }
0x2dd: {  	[tilespmem:$0x27A8] =	vst v0  }
0x2de: {  	[tilespmem:$0x27B8] =	vst v0  }
0x2df: {  	[tilespmem:$0x27C8] =	vst v0  }
0x2e0: {  	[tilespmem:$0x27D8] =	vst v0  }
0x2e1: {  	[tilespmem:$0x27E8] =	vst v0  }
0x2e2: {  	[tilespmem:$0x27F8] =	vst v0  }
0x2e3: {  	[tilespmem:$0x2808] =	vst v0  }
0x2e4: {  	[tilespmem:$0x2818] =	vst v0  }
0x2e5: {  	[tilespmem:$0x2828] =	vst v0  }
0x2e6: {  	[tilespmem:$0x2838] =	vst v0  }
0x2e7: {  	[tilespmem:$0x2848] =	vst v0  }
0x2e8: {  	[tilespmem:$0x2858] =	vst v0  }
0x2e9: {  	[tilespmem:$0x2868] =	vst v0  }
0x2ea: {  	[tilespmem:$0x2878] =	vst v0  }
0x2eb: {  	[tilespmem:$0x2888] =	vst v0  }
0x2ec: {  	[tilespmem:$0x2898] =	vst v0  }
0x2ed: {  	[tilespmem:$0x28A8] =	vst v0  }
0x2ee: {  	[tilespmem:$0x28B8] =	vst v0  }
0x2ef: {  	[tilespmem:$0x28C8] =	vst v0  }
0x2f0: {  	[tilespmem:$0x28D8] =	vst v0  }
0x2f1: {  	[tilespmem:$0x28E8] =	vst v0  }
0x2f2: {  	[tilespmem:$0x28F8] =	vst v0  }
0x2f3: {  	[tilespmem:$0x2908] =	vst v0  }
0x2f4: {  	[tilespmem:$0x2918] =	vst v0  }
0x2f5: {  	[tilespmem:$0x2928] =	vst v0  }
0x2f6: {  	[tilespmem:$0x2938] =	vst v0  }
0x2f7: {  	[tilespmem:$0x2948] =	vst v0  }
0x2f8: {  	[tilespmem:$0x2958] =	vst v0  }
0x2f9: {  	[tilespmem:$0x2968] =	vst v0  }
0x2fa: {  	[tilespmem:$0x2978] =	vst v0  }
0x2fb: {  	[tilespmem:$0x2988] =	vst v0  }
0x2fc: {  	[tilespmem:$0x2998] =	vst v0  }
0x2fd: {  	[tilespmem:$0x29A8] =	vst v0  }
0x2fe: {  	[tilespmem:$0x29B8] =	vst v0  }
0x2ff: {  	[tilespmem:$0x29C8] =	vst v0  }
0x300: {  	[tilespmem:$0x29D8] =	vst v0  }
0x301: {  	[tilespmem:$0x29E8] =	vst v0  }
0x302: {  	[tilespmem:$0x29F8] =	vst v0  }
0x303: {  	[tilespmem:$0x2A08] =	vst v0  }
0x304: {  	[tilespmem:$0x2A18] =	vst v0  }
0x305: {  	[tilespmem:$0x2A28] =	vst v0  }
0x306: {  	[tilespmem:$0x2A38] =	vst v0  }
0x307: {  	[tilespmem:$0x2A48] =	vst v0  }
0x308: {  	[tilespmem:$0x2A58] =	vst v0  }
0x309: {  	[tilespmem:$0x2A68] =	vst v0  }
0x30a: {  	[tilespmem:$0x2A78] =	vst v0  }
0x30b: {  	[tilespmem:$0x2A88] =	vst v0  }
0x30c: {  	[tilespmem:$0x2A98] =	vst v0  }
0x30d: {  	[tilespmem:$0x2AA8] =	vst v0  }
0x30e: {  	[tilespmem:$0x2AB8] =	vst v0  }
0x30f: {  	[tilespmem:$0x2AC8] =	vst v0  }
0x310: {  	[tilespmem:$0x2AD8] =	vst v0  }
0x311: {  	[tilespmem:$0x2AE8] =	vst v0  }
0x312: {  	[tilespmem:$0x2AF8] =	vst v0  }
0x313: {  	[tilespmem:$0x2B08] =	vst v0  }
0x314: {  	[tilespmem:$0x2B18] =	vst v0  }
0x315: {  	[tilespmem:$0x2B28] =	vst v0  }
0x316: {  	[tilespmem:$0x2B38] =	vst v0  }
0x317: {  	[tilespmem:$0x2B48] =	vst v0  }
0x318: {  	[tilespmem:$0x2B58] =	vst v0  }
0x319: {  	[tilespmem:$0x2B68] =	vst v0  }
0x31a: {  	[tilespmem:$0x2B78] =	vst v0  }
0x31b: {  	[tilespmem:$0x2B88] =	vst v0  }
0x31c: {  	[tilespmem:$0x2B98] =	vst v0  }
0x31d: {  	[tilespmem:$0x2BA8] =	vst v0  }
0x31e: {  	[tilespmem:$0x2BB8] =	vst v0  }
0x31f: {  	[tilespmem:$0x2BC8] =	vst v0  }
0x320: {  	[tilespmem:$0x2BD8] =	vst v0  }
0x321: {  	[tilespmem:$0x2BE8] =	vst v0  }
0x322: {  	[tilespmem:$0x2BF8] =	vst v0  }
0x323: {  	[tilespmem:$0x2C08] =	vst v0  }
0x324: {  	[tilespmem:$0x2C18] =	vst v0  }
0x325: {  	[tilespmem:$0x2C28] =	vst v0  }
0x326: {  	[tilespmem:$0x2C38] =	vst v0  }
0x327: {  	[tilespmem:$0x2C48] =	vst v0  }
0x328: {  	[tilespmem:$0x2C58] =	vst v0  }
0x329: {  	[tilespmem:$0x2C68] =	vst v0  }
0x32a: {  	[tilespmem:$0x2C78] =	vst v0  }
0x32b: {  	[tilespmem:$0x2C88] =	vst v0  }
0x32c: {  	[tilespmem:$0x2C98] =	vst v0  }
0x32d: {  	[tilespmem:$0x2CA8] =	vst v0  }
0x32e: {  	[tilespmem:$0x2CB8] =	vst v0  }
0x32f: {  	[tilespmem:$0x2CC8] =	vst v0  }
0x330: {  	[tilespmem:$0x2CD8] =	vst v0  }
0x331: {  	[tilespmem:$0x2CE8] =	vst v0  }
0x332: {  	[tilespmem:$0x2CF8] =	vst v0  }
0x333: {  	[tilespmem:$0x2D08] =	vst v0  }
0x334: {  	[tilespmem:$0x2D18] =	vst v0  }
0x335: {  	[tilespmem:$0x2D28] =	vst v0  }
0x336: {  	[tilespmem:$0x2D38] =	vst v0  }
0x337: {  	[tilespmem:$0x2D48] =	vst v0  }
0x338: {  	[tilespmem:$0x2D58] =	vst v0  }
0x339: {  	[tilespmem:$0x2D68] =	vst v0  }
0x33a: {  	[tilespmem:$0x2D78] =	vst v0  }
0x33b: {  	[tilespmem:$0x2D88] =	vst v0  }
0x33c: {  	[tilespmem:$0x2D98] =	vst v0  }
0x33d: {  	[tilespmem:$0x2DA8] =	vst v0  }
0x33e: {  	[tilespmem:$0x2DB8] =	vst v0  }
0x33f: {  	[tilespmem:$0x2DC8] =	vst v0  }
0x340: {  	[tilespmem:$0x2DD8] =	vst v0  }
0x341: {  	[tilespmem:$0x2DE8] =	vst v0  }
0x342: {  	[tilespmem:$0x2DF8] =	vst v0  }
0x343: {  	[tilespmem:$0x2E08] =	vst v0  }
0x344: {  	[tilespmem:$0x2E18] =	vst v0  }
0x345: {  	[tilespmem:$0x2E28] =	vst v0  }
0x346: {  	[tilespmem:$0x2E38] =	vst v0  }
0x347: {  	[tilespmem:$0x2E48] =	vst v0  }
0x348: {  	[tilespmem:$0x2E58] =	vst v0  }
0x349: {  	[tilespmem:$0x2E68] =	vst v0  }
0x34a: {  	[tilespmem:$0x2E78] =	vst v0  }
0x34b: {  	[tilespmem:$0x2E88] =	vst v0  }
0x34c: {  	[tilespmem:$0x2E98] =	vst v0  }
0x34d: {  	[tilespmem:$0x2EA8] =	vst v0  }
0x34e: {  	[tilespmem:$0x2EB8] =	vst v0  }
0x34f: {  	[tilespmem:$0x2EC8] =	vst v0  }
0x350: {  	[tilespmem:$0x2ED8] =	vst v0  }
0x351: {  	[tilespmem:$0x2EE8] =	vst v0  }
0x352: {  	[tilespmem:$0x2EF8] =	vst v0  }
0x353: {  	[tilespmem:$0x2F08] =	vst v0  }
0x354: {  	[tilespmem:$0x2F18] =	vst v0  }
0x355: {  	[tilespmem:$0x2F28] =	vst v0  }
0x356: {  	[tilespmem:$0x2F38] =	vst v0  }
0x357: {  	[tilespmem:$0x2F48] =	vst v0  }
0x358: {  	[tilespmem:$0x2F58] =	vst v0  }
0x359: {  	[tilespmem:$0x2F68] =	vst v0  }
0x35a: {  	[tilespmem:$0x2F78] =	vst v0  }
0x35b: {  	[tilespmem:$0x2F88] =	vst v0  }
0x35c: {  	[tilespmem:$0x2F98] =	vst v0  }
0x35d: {  	[tilespmem:$0x2FA8] =	vst v0  }
0x35e: {  	[tilespmem:$0x2FB8] =	vst v0  }
0x35f: {  	[tilespmem:$0x2FC8] =	vst v0  }
0x360: {  	[tilespmem:$0x2FD8] =	vst v0  }
0x361: {  	[tilespmem:$0x2FE8] =	vst v0  }
0x362: {  	[tilespmem:$0x2FF8] =	vst v0  }
0x363: {  	[tilespmem:$0x3008] =	vst v0  }
0x364: {  	[tilespmem:$0x3018] =	vst v0  }
0x365: {  	[tilespmem:$0x3028] =	vst v0  }
0x366: {  	[tilespmem:$0x3038] =	vst v0  }
0x367: {  	[tilespmem:$0x3048] =	vst v0  }
0x368: {  	[tilespmem:$0x3058] =	vst v0  }
0x369: {  	[tilespmem:$0x3068] =	vst v0  }
0x36a: {  	[tilespmem:$0x3078] =	vst v0  }
0x36b: {  	[tilespmem:$0x3088] =	vst v0  }
0x36c: {  	[tilespmem:$0x3098] =	vst v0  }
0x36d: {  	[tilespmem:$0x30A8] =	vst v0  }
0x36e: {  	[tilespmem:$0x30B8] =	vst v0  }
0x36f: {  	[tilespmem:$0x30C8] =	vst v0  }
0x370: {  	[tilespmem:$0x30D8] =	vst v0  }
0x371: {  	[tilespmem:$0x30E8] =	vst v0  }
0x372: {  	[tilespmem:$0x30F8] =	vst v0  }
0x373: {  	[tilespmem:$0x3108] =	vst v0  }
0x374: {  	[tilespmem:$0x3118] =	vst v0  }
0x375: {  	[tilespmem:$0x3128] =	vst v0  }
0x376: {  	[tilespmem:$0x3138] =	vst v0  }
0x377: {  	[tilespmem:$0x3148] =	vst v0  }
0x378: {  	[tilespmem:$0x3158] =	vst v0  }
0x379: {  	[tilespmem:$0x3168] =	vst v0  }
0x37a: {  	[tilespmem:$0x3178] =	vst v0  }
0x37b: {  	[tilespmem:$0x3188] =	vst v0  }
0x37c: {  	[tilespmem:$0x3198] =	vst v0  }
0x37d: {  	[tilespmem:$0x31A8] =	vst v0  }
0x37e: {  	[tilespmem:$0x31B8] =	vst v0  }
0x37f: {  	[tilespmem:$0x31C8] =	vst v0  }
0x380: {  	[tilespmem:$0x31D8] =	vst v0  }
0x381: {  	[tilespmem:$0x31E8] =	vst v0  }
0x382: {  	[tilespmem:$0x31F8] =	vst v0  }
0x383: {  	[tilespmem:$0x3208] =	vst v0  }
0x384: {  	[tilespmem:$0x3218] =	vst v0  }
0x385: {  	[tilespmem:$0x3228] =	vst v0  }
0x386: {  	[tilespmem:$0x3238] =	vst v0  }
0x387: {  	[tilespmem:$0x3248] =	vst v0  }
0x388: {  	[tilespmem:$0x3258] =	vst v0  }
0x389: {  	[tilespmem:$0x3268] =	vst v0  }
0x38a: {  	[tilespmem:$0x3278] =	vst v0  }
0x38b: {  	[tilespmem:$0x3288] =	vst v0  }
0x38c: {  	[tilespmem:$0x3298] =	vst v0  }
0x38d: {  	[tilespmem:$0x32A8] =	vst v0  }
0x38e: {  	[tilespmem:$0x32B8] =	vst v0  }
0x38f: {  	[tilespmem:$0x32C8] =	vst v0  }
0x390: {  	[tilespmem:$0x32D8] =	vst v0  }
0x391: {  	[tilespmem:$0x32E8] =	vst v0  }
0x392: {  	[tilespmem:$0x32F8] =	vst v0  }
0x393: {  	[tilespmem:$0x3308] =	vst v0  }
0x394: {  	[tilespmem:$0x3318] =	vst v0  }
0x395: {  	[tilespmem:$0x3328] =	vst v0  }
0x396: {  	[tilespmem:$0x3338] =	vst v0  }
0x397: {  	[tilespmem:$0x3348] =	vst v0  }
0x398: {  	[tilespmem:$0x3358] =	vst v0  }
0x399: {  	[tilespmem:$0x3368] =	vst v0  }
0x39a: {  	[tilespmem:$0x3378] =	vst v0  }
0x39b: {  	[tilespmem:$0x3388] =	vst v0  }
0x39c: {  	[tilespmem:$0x3398] =	vst v0  }
0x39d: {  	[tilespmem:$0x3448] =	vst v0  }
0x39e: {  	[tilespmem:$0x4288] =	vst v0  }
0x39f: {  	[tilespmem:$0x4278] =	vst v0  }
0x3a0: {  	[tilespmem:$0x4268] =	vst v0  }
0x3a1: {  	[tilespmem:$0x4258] =	vst v0  }
0x3a2: {  	[tilespmem:$0x4248] =	vst v0  }
0x3a3: {  	[tilespmem:$0x4238] =	vst v0  }
0x3a4: {  	[tilespmem:$0x4228] =	vst v0  }
0x3a5: {  	[tilespmem:$0x4218] =	vst v0  }
0x3a6: {  	[tilespmem:$0x4208] =	vst v0  }
0x3a7: {  	[tilespmem:$0x41F8] =	vst v0  }
0x3a8: {  	[tilespmem:$0x41E8] =	vst v0  }
0x3a9: {  	[tilespmem:$0x41D8] =	vst v0  }
0x3aa: {  	[tilespmem:$0x41C8] =	vst v0  }
0x3ab: {  	[tilespmem:$0x41B8] =	vst v0  }
0x3ac: {  	[tilespmem:$0x41A8] =	vst v0  }
0x3ad: {  	[tilespmem:$0x4198] =	vst v0  }
0x3ae: {  	[tilespmem:$0x4188] =	vst v0  }
0x3af: {  	[tilespmem:$0x4178] =	vst v0  }
0x3b0: {  	[tilespmem:$0x4168] =	vst v0  }
0x3b1: {  	[tilespmem:$0x4158] =	vst v0  }
0x3b2: {  	[tilespmem:$0x4148] =	vst v0  }
0x3b3: {  	[tilespmem:$0x4138] =	vst v0  }
0x3b4: {  	[tilespmem:$0x4128] =	vst v0  }
0x3b5: {  	[tilespmem:$0x4118] =	vst v0  }
0x3b6: {  	[tilespmem:$0x4108] =	vst v0  }
0x3b7: {  	[tilespmem:$0x40F8] =	vst v0  }
0x3b8: {  	[tilespmem:$0x40E8] =	vst v0  }
0x3b9: {  	[tilespmem:$0x40D8] =	vst v0  }
0x3ba: {  	[tilespmem:$0x40C8] =	vst v0  }
0x3bb: {  	[tilespmem:$0x40B8] =	vst v0  }
0x3bc: {  	[tilespmem:$0x40A8] =	vst v0  }
0x3bd: {  	[tilespmem:$0x4098] =	vst v0  }
0x3be: {  	[tilespmem:$0x4088] =	vst v0  }
0x3bf: {  	[tilespmem:$0x4078] =	vst v0  }
0x3c0: {  	[tilespmem:$0x4068] =	vst v0  }
0x3c1: {  	[tilespmem:$0x4058] =	vst v0  }
0x3c2: {  	[tilespmem:$0x4048] =	vst v0  }
0x3c3: {  	[tilespmem:$0x4038] =	vst v0  }
0x3c4: {  	[tilespmem:$0x4028] =	vst v0  }
0x3c5: {  	[tilespmem:$0x4018] =	vst v0  }
0x3c6: {  	[tilespmem:$0x4008] =	vst v0  }
0x3c7: {  	[tilespmem:$0x3FF8] =	vst v0  }
0x3c8: {  	[tilespmem:$0x3FE8] =	vst v0  }
0x3c9: {  	[tilespmem:$0x3FD8] =	vst v0  }
0x3ca: {  	[tilespmem:$0x3FC8] =	vst v0  }
0x3cb: {  	[tilespmem:$0x3FB8] =	vst v0  }
0x3cc: {  	[tilespmem:$0x3FA8] =	vst v0  }
0x3cd: {  	[tilespmem:$0x3F98] =	vst v0  }
0x3ce: {  	[tilespmem:$0x3F88] =	vst v0  }
0x3cf: {  	[tilespmem:$0x3F78] =	vst v0  }
0x3d0: {  	[tilespmem:$0x3F68] =	vst v0  }
0x3d1: {  	[tilespmem:$0x3F58] =	vst v0  }
0x3d2: {  	[tilespmem:$0x3F48] =	vst v0  }
0x3d3: {  	[tilespmem:$0x3F38] =	vst v0  }
0x3d4: {  	[tilespmem:$0x3F28] =	vst v0  }
0x3d5: {  	[tilespmem:$0x3F18] =	vst v0  }
0x3d6: {  	[tilespmem:$0x3F08] =	vst v0  }
0x3d7: {  	[tilespmem:$0x3EF8] =	vst v0  }
0x3d8: {  	[tilespmem:$0x3EE8] =	vst v0  }
0x3d9: {  	[tilespmem:$0x3ED8] =	vst v0  }
0x3da: {  	[tilespmem:$0x3EC8] =	vst v0  }
0x3db: {  	[tilespmem:$0x3EB8] =	vst v0  }
0x3dc: {  	[tilespmem:$0x3EA8] =	vst v0  }
0x3dd: {  	[tilespmem:$0x3E98] =	vst v0  }
0x3de: {  	[tilespmem:$0x3E88] =	vst v0  }
0x3df: {  	[tilespmem:$0x3E78] =	vst v0  }
0x3e0: {  	[tilespmem:$0x3E68] =	vst v0  }
0x3e1: {  	[tilespmem:$0x3E58] =	vst v0  }
0x3e2: {  	[tilespmem:$0x3E48] =	vst v0  }
0x3e3: {  	[tilespmem:$0x3E38] =	vst v0  }
0x3e4: {  	[tilespmem:$0x3E28] =	vst v0  }
0x3e5: {  	[tilespmem:$0x3E18] =	vst v0  }
0x3e6: {  	[tilespmem:$0x3E08] =	vst v0  }
0x3e7: {  	[tilespmem:$0x3DF8] =	vst v0  }
0x3e8: {  	[tilespmem:$0x3DE8] =	vst v0  }
0x3e9: {  	[tilespmem:$0x3DD8] =	vst v0  }
0x3ea: {  	[tilespmem:$0x3DC8] =	vst v0  }
0x3eb: {  	[tilespmem:$0x3DB8] =	vst v0  }
0x3ec: {  	[tilespmem:$0x3DA8] =	vst v0  }
0x3ed: {  	[tilespmem:$0x3D98] =	vst v0  }
0x3ee: {  	[tilespmem:$0x3D88] =	vst v0  }
0x3ef: {  	[tilespmem:$0x3D78] =	vst v0  }
0x3f0: {  	[tilespmem:$0x3D68] =	vst v0  }
0x3f1: {  	[tilespmem:$0x3D58] =	vst v0  }
0x3f2: {  	[tilespmem:$0x3D48] =	vst v0  }
0x3f3: {  	[tilespmem:$0x3D38] =	vst v0  }
0x3f4: {  	[tilespmem:$0x3D28] =	vst v0  }
0x3f5: {  	[tilespmem:$0x3D18] =	vst v0  }
0x3f6: {  	[tilespmem:$0x3D08] =	vst v0  }
0x3f7: {  	[tilespmem:$0x3CF8] =	vst v0  }
0x3f8: {  	[tilespmem:$0x3CE8] =	vst v0  }
0x3f9: {  	[tilespmem:$0x3CD8] =	vst v0  }
0x3fa: {  	[tilespmem:$0x3CC8] =	vst v0  }
0x3fb: {  	[tilespmem:$0x3CB8] =	vst v0  }
0x3fc: {  	[tilespmem:$0x3CA8] =	vst v0  }
0x3fd: {  	[tilespmem:$0x3C98] =	vst v0  }
0x3fe: {  	[tilespmem:$0x3C88] =	vst v0  }
0x3ff: {  	[tilespmem:$0x3C78] =	vst v0  }
0x400: {  	[tilespmem:$0x3C68] =	vst v0  }
0x401: {  	[tilespmem:$0x3C58] =	vst v0  }
0x402: {  	[tilespmem:$0x3C48] =	vst v0  }
0x403: {  	[tilespmem:$0x3C38] =	vst v0  }
0x404: {  	[tilespmem:$0x3C28] =	vst v0  }
0x405: {  	[tilespmem:$0x3C18] =	vst v0  }
0x406: {  	[tilespmem:$0x3C08] =	vst v0  }
0x407: {  	[tilespmem:$0x3BF8] =	vst v0  }
0x408: {  	[tilespmem:$0x3BE8] =	vst v0  }
0x409: {  	[tilespmem:$0x3BD8] =	vst v0  }
0x40a: {  	[tilespmem:$0x3BC8] =	vst v0  }
0x40b: {  	[tilespmem:$0x3BB8] =	vst v0  }
0x40c: {  	[tilespmem:$0x3BA8] =	vst v0  }
0x40d: {  	[tilespmem:$0x3B98] =	vst v0  }
0x40e: {  	[tilespmem:$0x3B88] =	vst v0  }
0x40f: {  	[tilespmem:$0x3B78] =	vst v0  }
0x410: {  	[tilespmem:$0x3B68] =	vst v0  }
0x411: {  	[tilespmem:$0x3B58] =	vst v0  }
0x412: {  	[tilespmem:$0x3B48] =	vst v0  }
0x413: {  	[tilespmem:$0x3B38] =	vst v0  }
0x414: {  	[tilespmem:$0x3B28] =	vst v0  }
0x415: {  	[tilespmem:$0x3B18] =	vst v0  }
0x416: {  	[tilespmem:$0x3B08] =	vst v0  }
0x417: {  	[tilespmem:$0x3AF8] =	vst v0  }
0x418: {  	[tilespmem:$0x3AE8] =	vst v0  }
0x419: {  	[tilespmem:$0x3AD8] =	vst v0  }
0x41a: {  	[tilespmem:$0x3AC8] =	vst v0  }
0x41b: {  	[tilespmem:$0x3AB8] =	vst v0  }
0x41c: {  	[tilespmem:$0x3AA8] =	vst v0  }
0x41d: {  	[tilespmem:$0x3A98] =	vst v0  }
0x41e: {  	[tilespmem:$0x3A88] =	vst v0  }
0x41f: {  	[tilespmem:$0x3A78] =	vst v0  }
0x420: {  	[tilespmem:$0x3A68] =	vst v0  }
0x421: {  	[tilespmem:$0x3A58] =	vst v0  }
0x422: {  	[tilespmem:$0x3A48] =	vst v0  }
0x423: {  	[tilespmem:$0x3A38] =	vst v0  }
0x424: {  	[tilespmem:$0x3A28] =	vst v0  }
0x425: {  	[tilespmem:$0x3A18] =	vst v0  }
0x426: {  	[tilespmem:$0x3A08] =	vst v0  }
0x427: {  	[tilespmem:$0x39F8] =	vst v0  }
0x428: {  	[tilespmem:$0x39E8] =	vst v0  }
0x429: {  	[tilespmem:$0x39D8] =	vst v0  }
0x42a: {  	[tilespmem:$0x39C8] =	vst v0  }
0x42b: {  	[tilespmem:$0x39B8] =	vst v0  }
0x42c: {  	[tilespmem:$0x39A8] =	vst v0  }
0x42d: {  	[tilespmem:$0x3998] =	vst v0  }
0x42e: {  	[tilespmem:$0x3988] =	vst v0  }
0x42f: {  	[tilespmem:$0x3978] =	vst v0  }
0x430: {  	[tilespmem:$0x3968] =	vst v0  }
0x431: {  	[tilespmem:$0x3958] =	vst v0  }
0x432: {  	[tilespmem:$0x3948] =	vst v0  }
0x433: {  	[tilespmem:$0x3938] =	vst v0  }
0x434: {  	[tilespmem:$0x3928] =	vst v0  }
0x435: {  	[tilespmem:$0x3918] =	vst v0  }
0x436: {  	[tilespmem:$0x3908] =	vst v0  }
0x437: {  	[tilespmem:$0x38F8] =	vst v0  }
0x438: {  	[tilespmem:$0x38E8] =	vst v0  }
0x439: {  	[tilespmem:$0x38D8] =	vst v0  }
0x43a: {  	[tilespmem:$0x38C8] =	vst v0  }
0x43b: {  	[tilespmem:$0x38B8] =	vst v0  }
0x43c: {  	[tilespmem:$0x38A8] =	vst v0  }
0x43d: {  	[tilespmem:$0x3898] =	vst v0  }
0x43e: {  	[tilespmem:$0x3888] =	vst v0  }
0x43f: {  	[tilespmem:$0x3878] =	vst v0  }
0x440: {  	[tilespmem:$0x3868] =	vst v0  }
0x441: {  	[tilespmem:$0x3858] =	vst v0  }
0x442: {  	[tilespmem:$0x3848] =	vst v0  }
0x443: {  	[tilespmem:$0x3838] =	vst v0  }
0x444: {  	[tilespmem:$0x3828] =	vst v0  }
0x445: {  	[tilespmem:$0x3818] =	vst v0  }
0x446: {  	[tilespmem:$0x3808] =	vst v0  }
0x447: {  	[tilespmem:$0x37F8] =	vst v0  }
0x448: {  	[tilespmem:$0x37E8] =	vst v0  }
0x449: {  	[tilespmem:$0x37D8] =	vst v0  }
0x44a: {  	[tilespmem:$0x37C8] =	vst v0  }
0x44b: {  	[tilespmem:$0x37B8] =	vst v0  }
0x44c: {  	[tilespmem:$0x37A8] =	vst v0  }
0x44d: {  	[tilespmem:$0x3798] =	vst v0  }
0x44e: {  	[tilespmem:$0x3788] =	vst v0  }
0x44f: {  	[tilespmem:$0x3778] =	vst v0  }
0x450: {  	[tilespmem:$0x3768] =	vst v0  }
0x451: {  	[tilespmem:$0x3758] =	vst v0  }
0x452: {  	[tilespmem:$0x3748] =	vst v0  }
0x453: {  	[tilespmem:$0x3738] =	vst v0  }
0x454: {  	[tilespmem:$0x3728] =	vst v0  }
0x455: {  	[tilespmem:$0x3718] =	vst v0  }
0x456: {  	[tilespmem:$0x3708] =	vst v0  }
0x457: {  	[tilespmem:$0x36F8] =	vst v0  }
0x458: {  	[tilespmem:$0x36E8] =	vst v0  }
0x459: {  	[tilespmem:$0x36D8] =	vst v0  }
0x45a: {  	[tilespmem:$0x36C8] =	vst v0  }
0x45b: {  	[tilespmem:$0x36B8] =	vst v0  }
0x45c: {  	[tilespmem:$0x36A8] =	vst v0  }
0x45d: {  	[tilespmem:$0x3698] =	vst v0  }
0x45e: {  	[tilespmem:$0x3688] =	vst v0  }
0x45f: {  	[tilespmem:$0x3678] =	vst v0  }
0x460: {  	[tilespmem:$0x3668] =	vst v0  }
0x461: {  	[tilespmem:$0x3658] =	vst v0  }
0x462: {  	[tilespmem:$0x3648] =	vst v0  }
0x463: {  	[tilespmem:$0x3638] =	vst v0  }
0x464: {  	[tilespmem:$0x3628] =	vst v0  }
0x465: {  	[tilespmem:$0x3618] =	vst v0  }
0x466: {  	[tilespmem:$0x3608] =	vst v0  }
0x467: {  	[tilespmem:$0x35F8] =	vst v0  }
0x468: {  	[tilespmem:$0x35E8] =	vst v0  }
0x469: {  	[tilespmem:$0x35D8] =	vst v0  }
0x46a: {  	[tilespmem:$0x35C8] =	vst v0  }
0x46b: {  	[tilespmem:$0x35B8] =	vst v0  }
0x46c: {  	[tilespmem:$0x35A8] =	vst v0  }
0x46d: {  	[tilespmem:$0x3598] =	vst v0  }
0x46e: {  	[tilespmem:$0x3588] =	vst v0  }
0x46f: {  	[tilespmem:$0x3578] =	vst v0  }
0x470: {  	[tilespmem:$0x3568] =	vst v0  }
0x471: {  	[tilespmem:$0x3558] =	vst v0  }
0x472: {  	[tilespmem:$0x3548] =	vst v0  }
0x473: {  	[tilespmem:$0x3538] =	vst v0  }
0x474: {  	[tilespmem:$0x3528] =	vst v0  }
0x475: {  	[tilespmem:$0x3518] =	vst v0  }
0x476: {  	[tilespmem:$0x3508] =	vst v0  }
0x477: {  	[tilespmem:$0x34F8] =	vst v0  }
0x478: {  	[tilespmem:$0x34E8] =	vst v0  }
0x479: {  	[tilespmem:$0x34D8] =	vst v0  }
0x47a: {  	[tilespmem:$0x34C8] =	vst v0  }
0x47b: {  	[tilespmem:$0x34B8] =	vst v0  }
0x47c: {  	[tilespmem:$0x34A8] =	vst v0  }
0x47d: {  	[tilespmem:$0x3498] =	vst v0  }
0x47e: {  	[tilespmem:$0x3488] =	vst v0  }
0x47f: {  	s10 =	stileid.u32;
	[tilespmem:$0x3478] =	vst v0  }
0x480: {  	s0 =	simm.s32 $0x1;
	p0 =	sne.s32 s10, $0x0;
	s1 =	smul.u32 $0x47, s10;
	[tilespmem:$0x3468] =	vst v0  }
0x481: {  	s0 =	simm.s32 @!p0 $0x0;
	[tilespmem:$0x3458] =	vst v0  }
0x482: {  	[tilespmem:$0x3428] =	vst v0;
	s0 =	sadd.s32 s0, s1  }
0x483: {  	p1 =	seq.s32 s10, $0x0;
	[tilespmem:$0x3438] =	vst v0;
	s1 =	simm.s32 $0x6300;
	s8 =	smul.u32 $0x160, s0  }
0x484: {  	s1 =	simm.s32 @!p1 $0x61A0;
	[tilespmem:$0x3418] =	vst v0  }
0x485: {  	[tilespmem:$0x33B8] =	vst v0;
	s0 =	sadd.s32 s1, s8  }
0x486: {  	s6 =	simm.s32 $0x2;
	s29 =	simm.s32 $0x9;
	[tilespmem:$0x3408] =	vst v0;
	s9 =	smin.u32 s0, $0x61A80  }
0x487: {  	s30 =	simm.s32 $0xA;
	s12 =	simm.s32 $0xB;
	[tilespmem:$0x33F8] =	vst v0;
	s0 =	ssub.s32 s9, s8  }
0x488: {  	s18 =	simm.s32 $0x0;
	p2 =	por $0x0, $0x0;
	[tilespmem:$0x33E8] =	vst v0;
	p1 =	sgt.s32 s0, $0x0  }
0x489: {  	s19 =	simm.s32 $0xC;
	s23 =	simm.s32 $0x0;
	[tilespmem:$0x33D8] =	vst v0;
	s0 =	simm.s32 @!p1 $0x0  }
0x48a: {  	s20 =	simm.s32 $0x0;
	s22 =	simm.s32 $0x0;
	[tilespmem:$0x33C8] =	vst v0;
	s28 =	smulhi.u32 $0x2E8BA2E9, s0  }
0x48b: {  	s2 =	sand.u32 $0x1, s2;
	s31 =	smul.u32 $0x180, s10;
	[tilespmem:$0x33A8] =	vst v0;
	[sflag:s6] =	ssyncpa.u1 $0x0  }
0x48c: {  	v0 =	vimm.s32 $0xFFFFFFFF;
	[dreg:$0x4] =	wrdreg s2;
	s2 =	smul.u32 $0xC350, s2;
	s1 =	sshrl.u32 s28, $0x6  }
0x48d: {  	s5 =	sadd.s32 $0x624C00, s4;
	[tilespmem:$0x84C8] =	vst v0;
	[sflag:s29] =	ssyncpa.u1 $0x0;
	s7 =	smul.u32 $0x160, s1  }
.Ltmp7:
0x48e: {  	s16 =	sshrl.u32 s31, $0x2;
	s2 =	sadd.s32 s2, s4;
	(pc) =	sbr.rel .LBB3_1-.Ltmp7, $4  }
0x48f: {  	[sflag:s30] =	ssyncpa.u1 $0x0;
	p1 =	sne.s32 s0, s7;
	s0 =	simm.s32 $0x1  }
0x490: {  	s4 =	sadd.s32 $0x12BB800, s4;
	[sflag:s12] =	ssyncpa.u1 $0x0;
	s0 =	simm.s32 @!p1 $0x0  }
0x491: {  	s14 =	sadd.s32 $0x3AC00, s2;
	s15 =	sadd.s32 $0x22400, s2;
	s13 =	sadd.s32 s0, s1  }
0x492: {  	v0 =	vlaneseq.u32;
	s21 =	smov.u32 s8;
	p1 =	por $0x1, $0x1;
	s17 =	sadd.s32 $0x1, s13  }
.LBB3_22:
0x493: {  	s0 =	sshrl.u32 s0, $0x2  }
.LBB3_24:
0x494: {  	_ =	swait.ge [sflag:s19], s0  }
0x495: {  	s30 =	ssub.s32 $0x0, s0;
	v1 =	vmov s25;
	vm0 =	veq.s32 v0, $0x0;
	[sflag:s19] =	ssyncset.done $0x0  }
0x496: {  	vm15 =	veq.s32 v0, $0x2;
	v1 =	vsel vm0, s31, v1;
	[sflag:s19] =	ssyncadd.s32 s30  }
0x497: {  	v1 =	vsel vm15, s23, v1;
	[sflag:s19] =	ssyncpa.u1 $0x1  }
0x498: {  	[tilespmem:$0x84C8] =	vst v1  }
.LBB3_25:
0x499: {  	s0 =	sadd.s32 $0x160, s21  }
0x49a: {  	s1 =	smov.u32 s8;
	p3 =	slt.s32 s0, s9  }
0x49b: {  	s1 =	smov.u32 @p3 s0;
	p3 =	sne.s32 s22, s17  }
.Ltmp8:
0x49c: {  	_ = 	snop;
	(pc) =	sbr.rel @!p3 .LBB3_26-.Ltmp8, $4  }
0x49d: {  	_ = 	snop  }
0x49e: {  	s23 =	smov.u32 s20  }
0x49f: {  	s31 =	sadd.s32 $0x1, s22;
	s20 =	smov.u32 s21;
	p1 =	por !p1, !p1  }
0x4a0: {  	p2 =	por !p2, !p2;
	s22 =	smov.u32 s31;
	s21 =	smov.u32 s1  }
.LBB3_1:
0x4a1: {  	p3 =	sge.u32 s22, s13  }
0x4a2: {  	s0 =	smulhi.u32 @!p3 $0xAAAAAAAB, s22  }
0x4a3: {  	s1 =	smov.u32 s21;
	p4 =	sgt.s32 @!p3 s21, $0x61920  }
0x4a4: {  	s2 =	sshra.s32 @!p3 s21, $0x1F;
	p4 =	por !p4, p3;
	s0 =	sshrl.u32 @!p3 s0, $0x1  }
0x4a5: {  	s2 =	sand.u32 @!p3 s2, s21;
	s1 =	simm.s32 @p4 $0x61920;
	s0 =	smul.u32 @!p3 $0x3, s0  }
0x4a6: {  	s1 =	ssub.s32 @!p3 s1, s2  }
0x4a7: {  	s1 =	sadd.s32 @!p3 $0xFFF9E6E0, s1;
	s0 =	ssub.s32 @!p3 s22, s0  }
0x4a8: {  	s2 =	sshll.u32 @!p3 s1, $0x2;
	p4 =	sgt.s32 @!p3 s1, $0x15F;
	s0 =	smul.u32 @!p3 $0x580, s0  }
0x4a9: {  	s6 =	sand.u32 @!p3 $0x7, s21;
	s1 =	ssub.s32 @!p3 $0x580, s2;
	p4 =	por !p4, p3  }
0x4aa: {  	s2 =	sshrl.u32 @!p3 s21, $0x3;
	s1 =	sshrl.u32 @!p3 s1, $0x2;
	s0 =	sshrl.u32 @!p3 s0, $0x2  }
0x4ab: {  	s2 =	sadd.s32 @!p3 s2, s14;
	s1 =	simm.s32 @!p4 $0x0;
	s0 =	sadd.s32 @!p3 $0x8B08, s0  }
0x4ac: {  	[tilespmem:s0], [sflag:$0xA] =	stream.linear.gather @!p3 [hbm4b:s2+s6], s1, $0x38;
	[tilespmem:$0x1F1E8] =	vst v63  }
0x4ad: {  	s1 =	sadd.s32 $0xFFFFFFFF, s22  }
0x4ae: {  	p3 =	sge.u32 s1, s13  }
0x4af: {  	p4 =	sgt.s32 @!p3 s20, $0x61920  }
0x4b0: {  	s0 =	smov.u32 s20;
	s2 =	sshra.s32 @!p3 s20, $0x1F;
	p4 =	por !p4, p3  }
0x4b1: {  	s2 =	sand.u32 @!p3 s2, s20;
	s0 =	simm.s32 @p4 $0x61920  }
0x4b2: {  	s0 =	ssub.s32 @!p3 s0, s2  }
0x4b3: {  	s0 =	sadd.s32 @!p3 $0xFFF9E6E0, s0  }
0x4b4: {  	s2 =	sshll.u32 @!p3 s0, $0x2  }
0x4b5: {  	p4 =	sgt.s32 @!p3 s0, $0x15F;
	s0 =	ssub.s32 @!p3 $0x580, s2  }
0x4b6: {  	p4 =	por !p4, p3;
	s0 =	sshrl.u32 @!p3 s0, $0x2  }
0x4b7: {  	s6 =	simm.s32 @!p3 $0xA;
	s2 =	sand.u32 @!p3 $0x1, s1;
	s0 =	simm.s32 @!p4 $0x0  }
0x4b8: {  	s2 =	smul.u32 @!p3 $0x580, s2;
	_ =	swait.ge @!p3 [sflag:s6], s0  }
0x4b9: {  	s7 =	ssub.s32 @!p3 $0x0, s0;
	[sflag:s6] =	ssyncset.done @!p3 $0x0  }
0x4ba: {  	s2 =	sshrl.u32 @!p3 s2, $0x2;
	[sflag:s6] =	ssyncadd.s32 @!p3 s7;
	s6 =	sshrl.u32 @!p3 s20, $0x3  }
0x4bb: {  	s2 =	sadd.s32 @!p3 $0x8F28, s2;
	s7 =	sand.u32 @!p3 $0x7, s20;
	s6 =	sadd.s32 @!p3 s6, s15  }
0x4bc: {  	[tilespmem:s2], [sflag:$0xB] =	stream.linear.gather @!p3 [hbm4b:s6+s7], s0, $0x38;
	[tilespmem:$0x1F1E8] =	vst v63  }
0x4bd: {  	s0 =	ssub.s32 @!p3 $0x61A80, s20  }
0x4be: {  	p4 =	slt.s32 @!p3 s0, $0x1  }
0x4bf: {  	p4 =	por p3, p4  }
.Ltmp9:
0x4c0: {  	_ = 	snop;
	(pc) =	sbr.rel @p4 .LBB3_7-.Ltmp9, $1  }
0x4c1: {  	_ =	sdelay $0x3  }
0x4c2: {  	s2 =	smulhi.u32 $0xAAAAAAAB, s1;
	_ =	sdelay $0x1  }
0x4c3: {  	s2 =	sshrl.u32 s2, $0x1  }
0x4c4: {  	s2 =	smul.u32 $0x3, s2;
	_ =	sdelay $0x1  }
0x4c5: {  	s29 =	ssub.s32 s1, s2  }
0x4c6: {  	s6 =	simm.s32 $0x1;
	s1 =	smul.u32 $0x580, s29  }
.Ltmp10:
0x4c7: {  	s6 =	simm.s32 @!p1 $0x0;
	(pc) =	sbr.rel .LBB3_4-.Ltmp10, $4  }
0x4c8: {  	s30 =	smul.u32 $0x2C000, s6  }
0x4c9: {  	p4 =	slt.s32 @!p3 s0, $0x160;
	s1 =	sshrl.u32 s1, $0x2  }
0x4ca: {  	p3 =	por !p4, p3;
	s2 =	sshrl.u32 s30, $0x2;
	s31 =	sadd.s32 $0x8B08, s1  }
0x4cb: {  	s24 =	simm.s32 $0x0;
	s0 =	simm.s32 @p3 $0x160;
	s1 =	sadd.s32 $0x91E8, s2;
	v1 =	vmov s31  }
.LBB3_3:
0x4cc: {  	p3 =	sge.s32 s24, s0  }
.Ltmp11:
0x4cd: {  	_ = 	snop;
	(pc) =	sbr.rel @p3 .LBB3_7-.Ltmp11, $2  }
0x4ce: {  	_ =	sdelay $0x2  }
0x4cf: {  	s1 =	sadd.s32 $0x800, s1  }
.LBB3_4:
0x4d0: {  	p3 =	sle.s32 s0, s24  }
.Ltmp12:
0x4d1: {  	_ = 	snop;
	(pc) =	sbr.rel @p3 .LBB3_3-.Ltmp12, $2  }
0x4d2: {  	_ =	sdelay $0x2  }
0x4d3: {  	s2 =	smov.u32 s24;
	s24 =	sadd.s32 $0x10, s24  }
0x4d4: {  	s6 =	ssub.s32 s0, s2  }
0x4d5: {  	p3 =	slt.s32 s6, $0x10  }
0x4d6: {  	s6 =	simm.s32 @!p3 $0x10  }
0x4d7: {  	v2 =	vmov s6  }
0x4d8: {  	vm0 =	vgt.s32 v2, v0;
	_ =	sdelay $0x5  }
0x4d9: {  	v2 =	vld.idx.msk [tilespmem:v1+s2+$0x0 ss:$0x1], vm0;
	_ =	sdelay $0x2  }
0x4da: {  	s7 =	smov.u32 s0;
	p3 =	slt.s32 s24, s0  }
0x4db: {  	s25 =	simm.s32 $0x0;
	s7 =	smov.u32 @p3 s24;
	s6 =	smov.u32 s1  }
.LBB3_6:
0x4dc: {  	(v2sf) =	vpush v2, s25;
	_ =	sdelay $0xc  }
0x4dd: {  	s25 =	sadd.s32 $0x1, s25  }
0x4de: {  	s31 =	sadd.s32 s25, s2  }
0x4df: {  	p3 =	slt.s32 s31, s7;
	s10 =	spop (v2sf)  }
.Ltmp13:
0x4e0: {  	s10 =	sshll.u32 s10, $0x4;
	(pc) =	sbr.rel @p3 .LBB3_6-.Ltmp13, $4  }
0x4e1: {  	s10 =	sand.u32 $0x1FFFFFF0, s10  }
0x4e2: {  	s10 =	sadd.s32 s4, s10  }
0x4e3: {  	[tilespmem:s6], [sflag:$0x9] =	stream.linear.gather [hbm4b:s10+s18], $0x30, $0x38;
	[tilespmem:$0x1F1E8] =	vst v63  }
0x4e4: {  	s6 =	sadd.s32 $0x80, s6  }
.Ltmp14:
0x4e5: {  	_ = 	snop;
	(pc) =	sbr.rel .LBB3_3-.Ltmp14, $1  }
0x4e6: {  	_ =	sdelay $0x3  }
.LBB3_7:
0x4e7: {  	p3 =	slt.u32 s22, $0x2  }
.Ltmp15:
0x4e8: {  	_ = 	snop;
	(pc) =	sbr.rel @p3 .LBB3_25-.Ltmp15, $1  }
0x4e9: {  	_ =	sdelay $0x3  }
0x4ea: {  	s0 =	ssub.s32 $0x61A80, s23;
	p3 =	sgt.s32 s23, $0x61920  }
0x4eb: {  	s1 =	smov.u32 s23;
	s2 =	sshra.s32 s23, $0x1F;
	p4 =	slt.s32 s0, $0x160  }
0x4ec: {  	s1 =	simm.s32 @!p3 $0x61920;
	s2 =	sand.u32 s2, s23;
	s0 =	simm.s32 @!p4 $0x160  }
0x4ed: {  	s1 =	ssub.s32 s1, s2;
	s0 =	smul.u32 $0xC0, s0  }
0x4ee: {  	s1 =	sadd.s32 $0xFFF9E6E0, s1  }
0x4ef: {  	s29 =	simm.s32 $0x9;
	s25 =	sshll.u32 s1, $0x2;
	s0 =	sshrl.u32 s0, $0x2  }
0x4f0: {  	p3 =	sgt.s32 s1, $0x15F;
	s26 =	ssub.s32 $0x580, s25;
	_ =	swait.ge [sflag:s29], s0  }
0x4f1: {  	s0 =	ssub.s32 $0x0, s0;
	s1 =	sshrl.u32 s26, $0x2;
	[sflag:s29] =	ssyncset.done $0x0  }
0x4f2: {  	s1 =	simm.s32 @p3 $0x0;
	[sflag:s29] =	ssyncadd.s32 s0  }
0x4f3: {  	_ =	swait.ge [sflag:s12], s1  }
0x4f4: {  	s30 =	ssub.s32 $0x0, s1;
	[sflag:s12] =	ssyncset.done $0x0  }
0x4f5: {  	[sflag:s12] =	ssyncadd.s32 s30  }
0x4f6: {  	v1 =	vld [tilespmem:$0x84C8];
	_ =	sdelay $0x4  }
0x4f7: {  	(v2sf) =	vpush v1, $0x0  }
0x4f8: {  	(v2sf) =	vpush v1, $0x1  }
0x4f9: {  	(v2sf) =	vpush v1, $0x2;
	_ =	sdelay $0x3  }
0x4fa: {  	s0 =	sadd.s32 $0x160, s23  }
0x4fb: {  	p3 =	slt.s32 s9, s0;
	s1 =	ssub.s32 $0xC3500, s23  }
0x4fc: {  	s0 =	smov.u32 @p3 s9;
	p3 =	sgt.s32 s1, $0x0  }
0x4fd: {  	s0 =	ssub.s32 s0, s23;
	s1 =	simm.s32 @!p3 $0x0  }
0x4fe: {  	p3 =	slt.s32 s1, s0  }
0x4ff: {  	s0 =	smov.u32 @p3 s1  }
0x500: {  	s26 =	simm.s32 $0x1;
	p3 =	slt.s32 s0, $0x1  }
.Ltmp16:
0x501: {  	s26 =	simm.s32 @!p2 $0x0;
	(pc) =	sbr.rel @p3 .LBB3_12-.Ltmp16, $4  }
0x502: {  	s31 =	smul.u32 $0x580, s26  }
0x503: {  	s28 =	spop (v2sf)  }
0x504: {  	s2 =	sshrl.u32 s31, $0x2;
	s1 =	spop (v2sf)  }
0x505: {  	s24 =	sadd.s32 $0x8F28, s2;
	s23 =	spop (v2sf)  }
0x506: {  	s2 =	smin.u32 s0, $0x10  }
0x507: {  	v1 =	vmov s2  }
0x508: {  	p4 =	sgt.s32 s0, $0x10;
	vm1 =	vgt.u32 v1, v0  }
.Ltmp17:
0x509: {  	_ = 	snop;
	(pc) =	sbr.rel @!p4 .LBB3_11-.Ltmp17, $2  }
0x50a: {  	_ =	sdelay $0x2  }
0x50b: {  	s25 =	simm.s32 $0x10;
	s29 =	sadd.s32 $0xFFFFFFF0, s0;
	s2 =	smov.u32 s24;
	vm0 =	vmmov vm1  }
.LBB3_10:
0x50c: {  	s6 =	smin.u32 s29, $0x10;
	s25 =	sadd.s32 $0x10, s25;
	v1 =	vld.msk [tilespmem:s2+$0x0 ss:$0x1], vm1  }
0x50d: {  	v2 =	vmov s6;
	p4 =	slt.s32 s25, s0  }
0x50e: {  	vm1 =	vgt.u32 v2, v0  }
.Ltmp18:
0x50f: {  	(pc) =	sbr.rel @p4 .LBB3_10-.Ltmp18, $3  }
0x510: {  	_ =	sdelay $0x1  }
0x511: {  	v1 =	vshll.u32 v1, $0x4  }
0x512: {  	s29 =	sadd.s32 $0xFFFFFFF0, s29;
	[tilespmem:s2+$0x0] =	vst.msk vm0, v1;
	s2 =	sadd.s32 $0x10, s2;
	vm0 =	vmmov vm1  }
.LBB3_11:
0x513: {  	_ =	sdelay $0x4  }
0x514: {  	v1 =	vld.msk [tilespmem:s2+$0x0 ss:$0x1], vm1;
	_ =	sdelay $0x4  }
0x515: {  	v1 =	vshll.u32 v1, $0x4  }
0x516: {  	[tilespmem:s2+$0x0] =	vst.msk vm0, v1  }
.LBB3_12:
0x517: {  	s2 =	sand.u32 $0x1, s22  }
0x518: {  	s2 =	smul.u32 $0x160, s2  }
0x519: {  	p4 =	sne.s32 s1, $0xFFFFFFFF  }
0x51a: {  	v1 =	vld.msk @!p4 [tilespmem:s2+$0x8F28], $0x1;
	_ =	sdelay $0x4  }
0x51b: {  	(v2sf) =	vpush @!p4 v1, $0x0;
	_ =	sdelay $0xc  }
.Ltmp19:
0x51c: {  	_ = 	snop;
	(pc) =	sbr.rel @p3 .LBB3_23-.Ltmp19, $4  }
0x51d: {  	_ = 	snop  }
0x51e: {  	s30 =	spop @!p4 (v2sf)  }
0x51f: {  	s23 =	simm.s32 @!p4 $0x0;
	s25 =	smov.u32 s30  }
0x520: {  	[sflag:s19] =	ssyncpa.u1 $0x0;
	s30 =	smov.u32 @p4 s28;
	s25 =	smov.u32 @p4 s1  }
0x521: {  	v1 =	vld.msk [tilespmem:s24+$0x0], $0x1;
	_ =	sdelay $0x4  }
0x522: {  	(v2sf) =	vpush v1, $0x0;
	_ =	sdelay $0xd  }
0x523: {  	s2 =	smul.u32 $0x2C000, s26  }
0x524: {  	s26 =	ssub.s32 $0x0, s0;
	s28 =	simm.s32 $0x0;
	s1 =	spop (v2sf)  }
0x525: {  	s7 =	smov.u32 s30;
	s0 =	sadd.s32 $0x1, s26;
	p3 =	seq.s32 s30, s1  }
0x526: {  	p5 =	seq.s32 s0, $0x0;
	p4 =	sgt.s32 @!p3 s30, $0x0;
	s6 =	smul.u32 @!p3 $0xC0, s28  }
.Ltmp20:
0x527: {  	s2 =	sshrl.u32 s2, $0x2;
	p4 =	por !p4, p3;
	(pc) =	sbr.rel @p5 .LBB3_15-.Ltmp20, $4  }
0x528: {  	s29 =	sadd.s32 $0x9208, s2;
	s7 =	simm.s32 @p4 $0x0  }
0x529: {  	s2 =	simm.s32 @!p3 $0x1;
	s6 =	sshra.s32 @!p3 s6, $0x2;
	s10 =	smin.u32 @!p3 s7, $0xC34FA  }
0x52a: {  	s2 =	smov.u32 @p3 s28;
	s7 =	sadd.s32 @!p3 $0x4298, s6;
	s31 =	sand.u32 @!p3 $0xFFFF8, s10  }
0x52b: {  	s6 =	sand.u32 @!p3 $0x7, s10;
	s10 =	sadd.s32 @!p3 s5, s31;
	s31 =	sadd.s32 $0x1, s24  }
.LBB3_14:
0x52c: {  	s11 =	smov.u32 s2  }
0x52d: {  	[tilespmem:s7], [sflag:$0x2] =	stream.linear.gather @!p3 [hbm4b:s10+s6], $0x30, $0x38;
	[tilespmem:$0x1F1E8] =	vst v63  }
0x52e: {  	s0 =	sadd.s32 $0x1, s0;
	s6 =	smov.u32 s1;
	v1 =	vld.msk [tilespmem:s31+$0x0], $0x1  }
0x52f: {  	p4 =	seq.s32 s0, $0x0;
	_ =	sdelay $0x3  }
0x530: {  	(v2sf) =	vpush v1, $0x0;
	_ =	sdelay $0xe  }
0x531: {  	s1 =	spop (v2sf)  }
0x532: {  	p3 =	seq.s32 s6, s1  }
0x533: {  	p5 =	sgt.s32 @!p3 s6, $0x0;
	s7 =	smul.u32 @!p3 $0xC0, s2;
	s2 =	sadd.s32 @!p3 $0x1, s2  }
.Ltmp21:
0x534: {  	p5 =	por !p5, p3;
	s2 =	smov.u32 @p3 s11;
	(pc) =	sbr.rel @!p4 .LBB3_14-.Ltmp21, $4  }
0x535: {  	s6 =	simm.s32 @p5 $0x0;
	s7 =	sshra.s32 @!p3 s7, $0x2  }
0x536: {  	s6 =	smin.u32 @!p3 s6, $0xC34FA;
	s7 =	sadd.s32 @!p3 $0x4298, s7  }
0x537: {  	s10 =	sand.u32 @!p3 $0xFFFF8, s6;
	s6 =	sand.u32 @!p3 $0x7, s6  }
0x538: {  	s31 =	sadd.s32 $0x1, s31;
	s10 =	sadd.s32 @!p3 s5, s10  }
.LBB3_15:
0x539: {  	s0 =	smul.u32 $0xC0, s2  }
0x53a: {  	[tilespmem:s7], [sflag:$0x2] =	stream.linear.gather @!p3 [hbm4b:s10+s6], $0x30, $0x38;
	[tilespmem:$0x1F1E8] =	vst v63  }
.Ltmp22:
0x53b: {  	_ = 	snop;
	(pc) =	sbr.rel .LBB3_16-.Ltmp22, $4  }
0x53c: {  	s1 =	simm.s32 $0x2;
	s0 =	sshrl.u32 s0, $0x2  }
0x53d: {  	_ =	swait.ge [sflag:s1], s0  }
0x53e: {  	s0 =	ssub.s32 $0x0, s0;
	[sflag:s1] =	ssyncset.done $0x0  }
0x53f: {  	[sflag:s1] =	ssyncadd.s32 s0;
	s0 =	simm.s32 $0x0  }
.LBB3_17:
0x540: {  	v1 =	vld [tilespmem:s29+$0xFFFFFFE0];
	_ =	sdelay $0x4  }
0x541: {  	[tilespmem:s1+$0x68] =	vst.add.f32.msk $0xffff, v1  }
0x542: {  	v1 =	vld [tilespmem:s29+$0xFFFFFFF0];
	_ =	sdelay $0x4  }
0x543: {  	[tilespmem:s1+$0x78] =	vst.add.f32.msk $0xffff, v1  }
0x544: {  	v1 =	vld [tilespmem:s29+$0x0];
	_ =	sdelay $0x4  }
0x545: {  	[tilespmem:s1+$0x88] =	vst.add.f32.msk $0xffff, v1  }
.LBB3_21:
0x546: {  	s26 =	sadd.s32 $0x1, s26  }
0x547: {  	p3 =	seq.s32 s26, $0x0  }
.Ltmp23:
0x548: {  	_ = 	snop;
	(pc) =	sbr.rel @p3 .LBB3_22-.Ltmp23, $2  }
0x549: {  	_ =	sdelay $0x2  }
0x54a: {  	s29 =	sadd.s32 $0x80, s29;
	s24 =	sadd.s32 $0x1, s24;
	s30 =	smov.u32 s31  }
.LBB3_16:
0x54b: {  	v1 =	vld.msk [tilespmem:s24+$0x0], $0x1;
	_ =	sdelay $0x4  }
0x54c: {  	(v2sf) =	vpush v1, $0x0;
	_ =	sdelay $0xe  }
0x54d: {  	s31 =	spop (v2sf)  }
0x54e: {  	p3 =	sne.s32 s30, s31  }
.Ltmp24:
0x54f: {  	_ = 	snop;
	(pc) =	sbr.rel @!p3 .LBB3_17-.Ltmp24, $3  }
0x550: {  	_ = 	snop  }
0x551: {  	s1 =	smul.u32 $0xC0, s23;
	_ =	sdelay $0x1  }
0x552: {  	s1 =	sshra.s32 s1, $0x2  }
0x553: {  	p3 =	seq.s32 s30, s25  }
.Ltmp25:
0x554: {  	_ = 	snop;
	(pc) =	sbr.rel @!p3 .LBB3_19-.Ltmp25, $1  }
0x555: {  	_ =	sdelay $0x3  }
.Ltmp26:
0x556: {  	s1 =	sadd.s32 $0x68, s1;
	(pc) =	sbr.rel .LBB3_20-.Ltmp26, $4  }
0x557: {  	[spmem:s16] =	stream.linear.scatter [tilespmem:s1], [sflag:$0x1], $0x30, $0x38;
	[tilespmem:$0x1F1E8] =	vst v63  }
0x558: {  	_ =	swait.ge [sflag:s3], $0x30  }
0x559: {  	[sflag:s3] =	ssyncset.done $0x0  }
0x55a: {  	[sflag:s3] =	ssyncadd.s32 $0xFFFFFFD0  }
.LBB3_19:
0x55b: {  	s2 =	smul.u32 $0xC0, s28;
	_ =	sdelay $0x1  }
0x55c: {  	s2 =	sshra.s32 s2, $0x2  }
0x55d: {  	v1 =	vld [tilespmem:s2+$0x4298];
	_ =	sdelay $0x4  }
0x55e: {  	[tilespmem:s1+$0x68] =	vst.add.f32.msk $0xffff, v1  }
0x55f: {  	v1 =	vld [tilespmem:s2+$0x42A8];
	_ =	sdelay $0x4  }
0x560: {  	[tilespmem:s1+$0x78] =	vst.add.f32.msk $0xffff, v1  }
0x561: {  	v1 =	vld [tilespmem:s2+$0x42B8];
	_ =	sdelay $0x2  }
0x562: {  	p3 =	sgt.u32 s30, $0xC34FA  }
0x563: {  	s2 =	sand.u32 @!p3 $0xFFFF8, s30  }
0x564: {  	s6 =	sadd.s32 $0x68, s1;
	[tilespmem:s1+$0x88] =	vst.add.f32.msk $0xffff, v1;
	s1 =	sadd.s32 @!p3 s5, s2;
	s2 =	sand.u32 @!p3 $0x7, s30  }
0x565: {  	[hbm4b:s1+s2] =	stream.linear.scatter @!p3 [tilespmem:s6], [sflag:$0xC], $0x30, $0x38;
	[tilespmem:$0x1F1E8] =	vst v63  }
0x566: {  	s1 =	simm.s32 $0x0  }
0x567: {  	s1 =	simm.s32 @!p3 $0xC0  }
0x568: {  	s0 =	sadd.s32 s1, s0  }
.LBB3_20:
0x569: {  	s1 =	sadd.s32 $0x1, s23  }
0x56a: {  	s2 =	smulhi.u32 $0xBA2E8BA3, s1;
	_ =	sdelay $0x1  }
0x56b: {  	s2 =	sshrl.u32 s2, $0x8  }
0x56c: {  	s2 =	smul.u32 $0x160, s2  }
0x56d: {  	v1 =	vld [tilespmem:s29+$0xFFFFFFE0]  }
0x56e: {  	s23 =	ssub.s32 s1, s2  }
0x56f: {  	s1 =	smul.u32 $0xC0, s23;
	_ =	sdelay $0x1  }
0x570: {  	s1 =	sshrl.u32 s1, $0x2  }
0x571: {  	[tilespmem:s1+$0x68] =	vst v1  }
0x572: {  	v1 =	vld [tilespmem:s29+$0xFFFFFFF0];
	_ =	sdelay $0x4  }
0x573: {  	[tilespmem:s1+$0x78] =	vst v1  }
0x574: {  	v1 =	vld [tilespmem:s29+$0x0]  }
.Ltmp27:
0x575: {  	_ = 	snop;
	(pc) =	sbr.rel .LBB3_21-.Ltmp27, $2  }
0x576: {  	_ =	sdelay $0x2  }
0x577: {  	s28 =	sadd.s32 $0x1, s28;
	[tilespmem:s1+$0x88] =	vst v1  }
.LBB3_23:
.Ltmp28:
0x578: {  	(pc) =	sbr.rel .LBB3_24-.Ltmp28, $4  }
0x579: {  	_ = 	snop  }
0x57a: {  	s0 =	simm.s32 $0x2  }
0x57b: {  	_ =	swait.ge [sflag:s0], $0x0  }
0x57c: {  	s31 =	smov.u32 s30;
	[sflag:s0] =	ssyncset.done $0x0;
	s0 =	simm.s32 $0x0  }
.LBB3_26:
0x57d: {  	_ =	sfence.sel $0x180000  }
0x57e: {  	s0 =	simm.s32 $0x9;
	[bflag:$0x0] =	sbarrier.arrive $0xFFFF  }
0x57f: {  	s24 =	simm.s32 $0xA;
	[sflag:s0] =	ssyncpa.u1 $0x1  }
0x580: {  	s25 =	simm.s32 $0xB;
	[sflag:s24] =	ssyncpa.u1 $0x1  }
0x581: {  	s26 =	simm.s32 $0x2;
	[sflag:s25] =	ssyncpa.u1 $0x1  }
0x582: {  	[sflag:s26] =	ssyncpa.u1 $0x1  }
0x583: {  	v0 =	vld [tilespmem:$0x84C8];
	_ =	sdelay $0x4  }
0x584: {  	(v2sf) =	vpush v0, $0x0  }
0x585: {  	(v2sf) =	vpush v0, $0x1  }
0x586: {  	(v2sf) =	vpush v0, $0x2;
	_ =	sdelay $0xc  }
0x587: {  	s0 =	spop (v2sf)  }
0x588: {  	s1 =	spop (v2sf)  }
0x589: {  	s2 =	smov.u32 s0;
	p1 =	sne.s32 s0, s1;
	s3 =	spop (v2sf)  }
0x58a: {  	s2 =	simm.s32 @!p1 $0xFFFFFFFF;
	p1 =	seq.s32 s3, $0xFFFFFFFF  }
0x58b: {  	v2 =	vimm.s32 $0x1;
	v3 =	vlaneseq.u32;
	v1 =	vmov s2;
	p2 =	sne.s32 @!p1 s0, s1  }
0x58c: {  	s14 =	stileid.u32;
	v0 =	vperm.xlane v0, v2;
	s0 =	simm.s32 @!p1 $0x1;
	v1 =	vperm.xlane v1, v3;
	p2 =	por !p2, p1  }
0x58d: {  	vm0 =	vcmask $0x3F04;
	s2 =	sshll.u32 s14, $0x1;
	s1 =	smul.u32 @!p1 $0xC0, s3;
	s0 =	simm.s32 @p2 $0x0  }
0x58e: {  	s6 =	simm.s32 $0x84C8;
	v0 =	vsel vm0, v1, v0;
	s0 =	sor.u32 @!p1 s0, s2  }
0x58f: {  	s4 =	sor.u32 $0x600, s2;
	s1 =	sshra.s32 @!p1 s1, $0x2;
	[tilespmem:$0x84C8] =	vst v0;
	s0 =	smul.u32 @!p1 $0xC0, s0  }
0x590: {  	[spmem:s4] =	stream.linear.scatter [tilespmem:s6], [sflag:$0x1], $0x2, $0x38;
	[tilespmem:$0x1F1E8] =	vst v63  }
0x591: {  	s1 =	sadd.s32 @!p1 $0x68, s1;
	s0 =	sshrl.u32 @!p1 s0, $0x2  }
0x592: {  	[spmem:s0] =	stream.linear.scatter @!p1 [tilespmem:s1], [sflag:$0x1], $0x30, $0x38;
	[tilespmem:$0x1F1E8] =	vst v63  }
0x593: {  	s0 =	simm.s32 @!p1 $0x32  }
0x594: {  	s28 =	simm.s32 $0x1;
	s0 =	simm.s32 @p1 $0x2  }
0x595: {  	_ =	swait.ge [sflag:s28], s0  }
0x596: {  	s0 =	ssub.s32 $0x0, s0;
	[sflag:s28] =	ssyncset.done $0x0  }
0x597: {  	[sflag:s28] =	ssyncadd.s32 s0  }
.Ltmp29:
0x598: {  	_ =	sfence.stream.spmem;
	(pc) =	sbr.rel @p0 .LBB3_43-.Ltmp29, $4  }
0x599: {  	s29 =	simm.s32 $0x3;
	[bflag:$0x0] =	sbarrier.arrive $0xFFFF  }
0x59a: {  	s30 =	simm.s32 $0x4;
	[sflag:s29] =	ssyncpa.u1 $0x1  }
0x59b: {  	s31 =	simm.s32 $0x3C;
	[sflag:s30] =	ssyncpa.u1 $0x1  }
0x59c: {  	s15 =	rddreg [dreg:$0x4];
	[sflag:s31] =	ssyncpa.u1 $0x1  }
0x59d: {  	_ =	sfence.stream.spmem;
	s0 =	simm.s32 $0x5  }
0x59e: {  	s1 =	simm.s32 $0x600;
	s2 =	simm.s32 $0x84D8;
	[sflag:s0] =	ssyncpa.u1 $0x0  }
0x59f: {  	[tilespmem:s2], [sflag:$0x5] =	stream.linear.gather [spmem:s1], $0x20, $0x38;
	[tilespmem:$0x1F1E8] =	vst v63  }
0x5a0: {  	s26 =	simm.s32 $0x0;
	s28 =	simm.s32 $0x84F8  }
0x5a1: {  	[tilespmem:s28], [sflag:$0x5] =	stream.linear.gather [spmem:s26], $0x600, $0x38;
	[tilespmem:$0x1F1E8] =	vst v63  }
0x5a2: {  	_ =	swait.ge [sflag:s0], $0x620  }
0x5a3: {  	[sflag:s0] =	ssyncset.done $0x0  }
0x5a4: {  	s29 =	simm.s32 $0x0;
	[sflag:s0] =	ssyncadd.s32 $0xFFFFF9E0  }
0x5a5: {  	v0 =	vld.msk [tilespmem:s29+$0x84D8], $0x1;
	_ =	sdelay $0x1  }
0x5a6: {  	s30 =	simm.s32 $0x1  }
0x5a7: {  	v1 =	vld.msk [tilespmem:s30+$0x84D8], $0x1;
	_ =	sdelay $0x1  }
0x5a8: {  	(v2sf) =	vpush v0, $0x0;
	_ =	sdelay $0x2  }
0x5a9: {  	(v2sf) =	vpush v1, $0x0;
	_ =	sdelay $0x2  }
0x5aa: {  	s31 =	simm.s32 $0x2  }
0x5ab: {  	v0 =	vld.msk [tilespmem:s31+$0x84D8], $0x1;
	_ =	sdelay $0x2  }
0x5ac: {  	s1 =	simm.s32 $0xFFFFFFFF;
	s2 =	simm.s32 $0xFFFFFFFF;
	s0 =	simm.s32 $0xC  }
.LBB3_28:
0x5ad: {  	s3 =	smov.u32 s2;
	s4 =	smov.u32 s1  }
0x5ae: {  	s1 =	sshra.s32 s0, $0x2;
	p1 =	sne.s32 s0, $0x7C;
	s0 =	sadd.s32 $0x4, s0;
	(v2sf) =	vpush v0, $0x0  }
0x5af: {  	v0 =	vld.msk [tilespmem:s1+$0x84D8], $0x1  }
.Ltmp30:
0x5b0: {  	(pc) =	sbr.rel @p1 .LBB3_28-.Ltmp30, $4  }
0x5b1: {  	s2 =	spop (v2sf)  }
0x5b2: {  	p2 =	sne.s32 s4, $0xFFFFFFFF;
	s1 =	smov.u32 s2  }
0x5b3: {  	p3 =	seq.s32 s2, $0xFFFFFFFF;
	s1 =	smov.u32 @p2 s4  }
0x5b4: {  	s2 =	smov.u32 @p3 s3;
	s1 =	smov.u32 @p3 s4  }
0x5b5: {  	(v2sf) =	vpush v0, $0x0;
	_ =	sdelay $0x8  }
0x5b6: {  	s0 =	spop (v2sf)  }
0x5b7: {  	p1 =	sne.s32 s1, $0xFFFFFFFF;
	s3 =	smov.u32 s0  }
0x5b8: {  	s9 =	simm.s32 $0x6;
	p2 =	seq.s32 s0, $0xFFFFFFFF;
	s3 =	smov.u32 @p1 s1  }
0x5b9: {  	s10 =	simm.s32 $0x8498;
	s3 =	smov.u32 @p2 s1;
	s1 =	spop (v2sf)  }
0x5ba: {  	s0 =	smov.u32 @p2 s2;
	p1 =	sne.s32 s3, $0xFFFFFFFF;
	s6 =	smov.u32 s1  }
.Ltmp31:
0x5bb: {  	p2 =	seq.s32 s1, $0xFFFFFFFF;
	s6 =	smov.u32 @p1 s3;
	(pc) =	sbr.rel .LBB3_30-.Ltmp31, $4  }
0x5bc: {  	s11 =	simm.s32 $0x0;
	s6 =	smov.u32 @p2 s3;
	s4 =	spop (v2sf)  }
0x5bd: {  	[sflag:s9] =	ssyncpa.u1 $0x0;
	p1 =	sne.s32 s6, $0xFFFFFFFF;
	s8 =	smov.u32 s4  }
0x5be: {  	s1 =	smov.u32 @p2 s0;
	p2 =	seq.s32 s4, $0xFFFFFFFF;
	s8 =	smov.u32 @p1 s6  }
0x5bf: {  	s3 =	simm.s32 $0x0;
	s4 =	smov.u32 @p2 s1;
	s8 =	smov.u32 @p2 s6  }
.LBB3_36:
0x5c0: {  	p1 =	sgt.u32 s12, $0xC34FA  }
0x5c1: {  	p2 =	seq.s32 @!p1 s12, s8  }
0x5c2: {  	p1 =	por p1, p2  }
0x5c3: {  	p2 =	sne.s32 @!p1 s12, s4  }
0x5c4: {  	p1 =	por p1, !p2  }
0x5c5: {  	s0 =	smul.u32 @p1 $0xC0, s11;
	_ =	sdelay $0x1  }
0x5c6: {  	s0 =	sand.u32 @!p1 $0xFFFF8, s12  }
0x5c7: {  	s1 =	sand.u32 @!p1 $0x7, s12;
	s0 =	sadd.s32 @!p1 s5, s0  }
0x5c8: {  	[tilespmem:s10], [sflag:$0x6] =	stream.linear.gather @!p1 [hbm4b:s0+s1], $0x30, $0x38;
	[tilespmem:$0x1F1E8] =	vst v63  }
0x5c9: {  	_ =	swait.ge @!p1 [sflag:s9], $0x30  }
0x5ca: {  	[sflag:s9] =	ssyncset.done @!p1 $0x0  }
0x5cb: {  	[sflag:s9] =	ssyncadd.s32 @!p1 $0xFFFFFFD0  }
0x5cc: {  	v1 =	vld @!p1 [tilespmem:$0x8498];
	_ =	sdelay $0x1  }
0x5cd: {  	s0 =	smul.u32 @!p1 $0xC0, s11;
	_ =	sdelay $0x1  }
0x5ce: {  	s1 =	sshra.s32 @!p1 s0, $0x2  }
0x5cf: {  	[tilespmem:s1+$0x84F8] =	vst.add.f32.msk @!p1 $0xffff, v1  }
0x5d0: {  	v1 =	vld @!p1 [tilespmem:$0x84A8];
	_ =	sdelay $0x4  }
0x5d1: {  	[tilespmem:s1+$0x8508] =	vst.add.f32.msk @!p1 $0xffff, v1  }
0x5d2: {  	v1 =	vld @!p1 [tilespmem:$0x84B8];
	_ =	sdelay $0x4  }
0x5d3: {  	[tilespmem:s1+$0x8518] =	vst.add.f32.msk @!p1 $0xffff, v1  }
0x5d4: {  	s0 =	sshra.s32 s0, $0x2;
	[tilespmem:s3+$0x84D8] =	vst.msk $0x1, v0  }
0x5d5: {  	v0 =	vld [tilespmem:s0+$0x84F8];
	_ =	sdelay $0x1  }
0x5d6: {  	s31 =	smul.u32 $0xC0, s3;
	_ =	sdelay $0x1  }
0x5d7: {  	s1 =	sshra.s32 s31, $0x2  }
0x5d8: {  	[tilespmem:s1+$0x84F8] =	vst v0  }
0x5d9: {  	v0 =	vld [tilespmem:s0+$0x8508];
	_ =	sdelay $0x4  }
0x5da: {  	[tilespmem:s1+$0x8508] =	vst v0  }
0x5db: {  	v0 =	vld [tilespmem:s0+$0x8518];
	_ =	sdelay $0x4  }
0x5dc: {  	s3 =	sadd.s32 $0x1, s3;
	[tilespmem:s1+$0x8518] =	vst v0  }
.LBB3_37:
0x5dd: {  	s11 =	sadd.s32 $0x1, s11  }
0x5de: {  	p1 =	sne.s32 s11, $0x20  }
.Ltmp32:
0x5df: {  	_ = 	snop;
	(pc) =	sbr.rel @!p1 .LBB3_38-.Ltmp32, $1  }
0x5e0: {  	_ =	sdelay $0x3  }
.LBB3_30:
0x5e1: {  	v0 =	vld.msk [tilespmem:s11+$0x84D8], $0x1;
	_ =	sdelay $0x4  }
0x5e2: {  	(v2sf) =	vpush v0, $0x0;
	_ =	sdelay $0xe  }
0x5e3: {  	s12 =	spop (v2sf)  }
0x5e4: {  	p1 =	seq.s32 s12, $0xFFFFFFFF  }
.Ltmp33:
0x5e5: {  	_ = 	snop;
	(pc) =	sbr.rel @p1 .LBB3_37-.Ltmp33, $1  }
0x5e6: {  	_ =	sdelay $0x3  }
0x5e7: {  	p1 =	slt.s32 s3, $0x1  }
.Ltmp34:
0x5e8: {  	_ = 	snop;
	(pc) =	sbr.rel @p1 .LBB3_36-.Ltmp34, $1  }
0x5e9: {  	_ =	sdelay $0x3  }
0x5ea: {  	s0 =	simm.s32 $0x84D8;
	p1 =	por $0x0, $0x0  }
0x5eb: {  	v1 =	vld.msk @!p1 [tilespmem:s0+$0x0], $0x1;
	_ =	sdelay $0x4  }
0x5ec: {  	(v2sf) =	vpush @!p1 v1, $0x0;
	_ =	sdelay $0xd  }
0x5ed: {  	p3 =	sne.s32 s3, $0x1  }
.Ltmp35:
0x5ee: {  	s1 =	spop @!p1 (v2sf);
	(pc) =	sbr.rel @!p3 .LBB3_34-.Ltmp35, $4  }
0x5ef: {  	p2 =	seq.s32 @!p1 s12, s1  }
0x5f0: {  	s13 =	simm.s32 $0x0;
	p2 =	por !p2, p1  }
0x5f1: {  	s2 =	simm.s32 $0xFFFFFFFF;
	s13 =	simm.s32 @p2 $0xFFFFFFFF  }
0x5f2: {  	s1 =	simm.s32 $0x1;
	s13 =	smov.u32 @p1 s2  }
.LBB3_33:
0x5f3: {  	s2 =	smov.u32 s13;
	p1 =	sne.s32 s13, $0xFFFFFFFF  }
0x5f4: {  	s0 =	sadd.s32 $0x1, s0;
	s13 =	smov.u32 s1;
	s1 =	sadd.s32 $0x1, s1  }
0x5f5: {  	p2 =	sne.s32 s3, s1;
	v1 =	vld.msk @!p1 [tilespmem:s0+$0x0], $0x1;
	_ =	sdelay $0x4  }
0x5f6: {  	(v2sf) =	vpush @!p1 v1, $0x0;
	_ =	sdelay $0xe  }
.Ltmp36:
0x5f7: {  	s6 =	spop @!p1 (v2sf);
	(pc) =	sbr.rel @p2 .LBB3_33-.Ltmp36, $4  }
0x5f8: {  	p3 =	seq.s32 @!p1 s12, s6  }
0x5f9: {  	p3 =	por !p3, p1  }
0x5fa: {  	s13 =	simm.s32 @p3 $0xFFFFFFFF  }
0x5fb: {  	s13 =	smov.u32 @p1 s2  }
.LBB3_34:
0x5fc: {  	p1 =	seq.s32 s13, $0xFFFFFFFF  }
.Ltmp37:
0x5fd: {  	_ = 	snop;
	(pc) =	sbr.rel @p1 .LBB3_36-.Ltmp37, $1  }
0x5fe: {  	_ =	sdelay $0x3  }
0x5ff: {  	s0 =	smul.u32 $0xC0, s11;
	_ =	sdelay $0x1  }
0x600: {  	s0 =	sshra.s32 s0, $0x2  }
0x601: {  	v0 =	vld [tilespmem:s0+$0x84F8];
	_ =	sdelay $0x1  }
0x602: {  	s1 =	smul.u32 $0xC0, s13;
	_ =	sdelay $0x1  }
0x603: {  	s1 =	sshra.s32 s1, $0x2  }
0x604: {  	[tilespmem:s1+$0x84F8] =	vst.add.f32.msk $0xffff, v0  }
0x605: {  	v0 =	vld [tilespmem:s0+$0x8508];
	_ =	sdelay $0x4  }
0x606: {  	[tilespmem:s1+$0x8508] =	vst.add.f32.msk $0xffff, v0  }
0x607: {  	v0 =	vld [tilespmem:s0+$0x8518]  }
.Ltmp38:
0x608: {  	_ = 	snop;
	(pc) =	sbr.rel .LBB3_37-.Ltmp38, $2  }
0x609: {  	_ =	sdelay $0x2  }
0x60a: {  	[tilespmem:s1+$0x8518] =	vst.add.f32.msk $0xffff, v0  }
.LBB3_38:
0x60b: {  	s0 =	simm.s32 $0x6;
	p1 =	seq.s32 s3, $0x0  }
0x60c: {  	[sflag:s0] =	ssyncpa.u1 $0x1;
	v0 =	vimm.s32 @p1 $0xFFFFFFFF  }
0x60d: {  	s9 =	sadd.s32 $0xFFFFFFFF, s3;
	[tilespmem:$0x8AF8] =	vst @p1 v0  }
0x60e: {  	v0 =	vld.msk @!p1 [tilespmem:s9+$0x84D8], $0x1;
	_ =	sdelay $0x1  }
0x60f: {  	v1 =	vld.msk @!p1 [tilespmem:$0x84D8], $0x1;
	_ =	sdelay $0x2  }
0x610: {  	p2 =	seq.s32 @!p1 s9, $0x0;
	v0 =	vbroadcast @!p1 v0, $0x0  }
0x611: {  	vm0 =	vmmov @!p1 $0x1;
	p3 =	por !p2, p1  }
0x612: {  	p2 =	sne.s32 @!p1 s8, s4;
	v1 =	vnsel @!p1 vm0, $0xFFFFFFFF, v1;
	vm0 =	vcmask @!p1 $0x308;
	v0 =	vpsel !p3, $0xFFFFFFFF, v0  }
0x613: {  	p3 =	por !p2, p1;
	v0 =	vsel @!p1 vm0, v1, v0  }
0x614: {  	s0 =	simm.s32 @!p1 $0x84F8;
	s1 =	simm.s32 @!p1 $0x0;
	s2 =	smul.u32 @!p3 $0xC0, s9;
	[tilespmem:$0x8AF8] =	vst @!p1 v0  }
0x615: {  	[spmem:s1] =	stream.linear.scatter @!p1 [tilespmem:s0], [sflag:$0x1], $0x30, $0x38;
	[tilespmem:$0x1F1E8] =	vst v63  }
0x616: {  	s0 =	sshra.s32 @!p3 s2, $0x2  }
0x617: {  	s1 =	simm.s32 @!p3 $0x30;
	s0 =	sadd.s32 @!p3 $0x84F8, s0  }
0x618: {  	[spmem:s1] =	stream.linear.scatter @!p3 [tilespmem:s0], [sflag:$0x1], $0x30, $0x38;
	[tilespmem:$0x1F1E8] =	vst v63  }
0x619: {  	s0 =	simm.s32 @!p3 $0x1  }
0x61a: {  	_ =	swait.ge @!p3 [sflag:s0], $0x60  }
0x61b: {  	p1 =	por p2, p1;
	[sflag:s0] =	ssyncset.done @!p3 $0x0  }
0x61c: {  	[sflag:s0] =	ssyncadd.s32 @!p3 $0xFFFFFFA0;
	s0 =	simm.s32 @!p1 $0x1  }
0x61d: {  	_ =	swait.ge @!p1 [sflag:s0], $0x30  }
0x61e: {  	s29 =	simm.s32 $0x8AF8;
	[sflag:s0] =	ssyncset.done @!p1 $0x0  }
0x61f: {  	s30 =	simm.s32 $0x600;
	s31 =	simm.s32 $0x1;
	[sflag:s0] =	ssyncadd.s32 @!p1 $0xFFFFFFD0  }
0x620: {  	[spmem:s30] =	stream.linear.scatter [tilespmem:s29], [sflag:$0x1], $0x10, $0x38;
	[tilespmem:$0x1F1E8] =	vst v63  }
0x621: {  	_ =	swait.ge [sflag:s31], $0x10  }
0x622: {  	[sflag:s31] =	ssyncset.done $0x0  }
0x623: {  	p1 =	seq.s32 s15, $0x0;
	s8 =	rddreg [dreg:$0x1];
	[sflag:s31] =	ssyncadd.s32 $0xFFFFFFF0  }
0x624: {  	s1 =	sshll.u32 @p1 s8, $0xE;
	s7 =	rddreg [dreg:$0x2]  }
0x625: {  	s0 =	sadd.s32 @p1 $0x15C3C, s1;
	s1 =	sshll.u32 @p1 s7, $0x11  }
0x626: {  	_ =	sfence.stream.spmem;
	s0 =	sor.u32 @p1 s1, s0  }
0x627: {  	[sflag:s0] =	ssyncadd.remote.s32 @p1 $0x1;
	s0 =	simm.s32 @p1 $0x4  }
0x628: {  	s2 =	simm.s32 @!p1 $0x3C;
	s1 =	sand.u32 $0xFFFFFFFE, s8;
	_ =	swait.ge @p1 [sflag:s0], $0xE  }
0x629: {  	s4 =	simm.s32 @!p1 $0x0;
	s1 =	sadd.s32 @!p1 $0x4, s1;
	[sflag:s0] =	ssyncset.done @p1 $0x0  }
0x62a: {  	s6 =	simm.s32 @!p1 $0x60;
	[sflag:s0] =	ssyncadd.s32 @p1 $0xFFFFFFF2;
	s0 =	sshll.u32 @!p1 s1, $0x1A  }
0x62b: {  	s1 =	sshll.u32 @!p1 s1, $0xD;
	s0 =	sor.u32 @!p1 s0, s7;
	_ =	swait.eq @!p1 [sflag:s2], $0x1  }
0x62c: {  	s1 =	sor.u32 @!p1 $0x1C04, s1;
	s2 =	simm.s32 @!p1 $0x1C03;
	s0 =	sor.u32 @!p1 $0x80004000, s0  }
0x62d: {  	[spmem:s6], [sflag:s1] =	dma.general @!p1 [spmem:s4], [sflag:s2], length:$0xC, [dreg:$0x0], stride_count:$0x0, ici_dest:s0, dma_misc:DstOpCode:WRITE  }
0x62e: {  	p2 =	slt.s32 s9, $0x2;
	s4 =	simm.s32 @!p1 $0xC0;
	s6 =	simm.s32 @!p1 $0xC2  }
0x62f: {  	[spmem:s6], [sflag:s1] =	dma.general @!p1 [spmem:s4], [sflag:s2], length:$0x2, [dreg:$0x0], stride_count:$0x0, ici_dest:s0, dma_misc:DstOpCode:WRITE  }
.Ltmp39:
0x630: {  	s0 =	simm.s32 @!p1 $0x3;
	(pc) =	sbr.rel @p2 .LBB3_42-.Ltmp39, $4  }
0x631: {  	s1 =	sshll.u32 @!p1 s8, $0xE;
	_ =	swait.ge @!p1 [sflag:s0], $0xE  }
0x632: {  	s2 =	sshll.u32 @!p1 s7, $0x11;
	s1 =	sadd.s32 @!p1 $0x11C3C, s1;
	[sflag:s0] =	ssyncset.done @!p1 $0x0  }
0x633: {  	[sflag:s0] =	ssyncadd.s32 @!p1 $0xFFFFFFF2;
	s0 =	sor.u32 @!p1 s2, s1  }
0x634: {  	[sflag:s0] =	ssyncadd.remote.s32 @!p1 $0xFFFFFFFF;
	s0 =	simm.s32 $0x0  }
0x635: {  	s0 =	simm.s32 $0x84D9  }
0x636: {  	v0 =	vld.msk [tilespmem:s0+$0x0], $0x1;
	_ =	sdelay $0x4  }
0x637: {  	(v2sf) =	vpush v0, $0x0;
	_ =	sdelay $0xc  }
0x638: {  	s1 =	sadd.s32 $0xFFFFFFFE, s3  }
0x639: {  	s1 =	sadd.s32 $0xFFFFFFFF, s1  }
0x63a: {  	p2 =	sne.s32 s1, $0x0;
	s2 =	spop (v2sf)  }
.Ltmp40:
0x63b: {  	p1 =	sgt.u32 s2, $0xC34FA;
	(pc) =	sbr.rel @!p2 .LBB3_41-.Ltmp40, $4  }
0x63c: {  	s4 =	simm.s32 $0x0;
	s3 =	sand.u32 @!p1 $0xFFFF8, s2  }
0x63d: {  	s0 =	simm.s32 $0x8528;
	s2 =	sand.u32 @!p1 $0x7, s2;
	s3 =	sadd.s32 @!p1 s5, s3  }
0x63e: {  	[hbm4b:s3+s2] =	stream.linear.scatter @!p1 [tilespmem:s0], [sflag:$0x5], $0x30, $0x38;
	[tilespmem:$0x1F1E8] =	vst v63  }
0x63f: {  	s4 =	simm.s32 @!p1 $0xC0;
	s2 =	simm.s32 $0x0;
	s3 =	simm.s32 $0x84DA  }
.LBB3_40:
0x640: {  	v0 =	vld.msk [tilespmem:s3+$0x0], $0x1;
	s1 =	sadd.s32 $0xFFFFFFFF, s1;
	s2 =	sadd.s32 s2, s4  }
0x641: {  	p1 =	sne.s32 s1, $0x0;
	_ =	sdelay $0x3  }
0x642: {  	(v2sf) =	vpush v0, $0x0;
	_ =	sdelay $0xe  }
.Ltmp41:
0x643: {  	s6 =	spop (v2sf);
	(pc) =	sbr.rel @p1 .LBB3_40-.Ltmp41, $4  }
0x644: {  	s4 =	simm.s32 $0x0;
	p2 =	sgt.u32 s6, $0xC34FA  }
0x645: {  	s0 =	sadd.s32 $0x30, s0;
	s4 =	simm.s32 @!p2 $0xC0;
	s7 =	sand.u32 @!p2 $0xFFFF8, s6  }
0x646: {  	s3 =	sadd.s32 $0x1, s3;
	s6 =	sand.u32 @!p2 $0x7, s6;
	s7 =	sadd.s32 @!p2 s5, s7  }
0x647: {  	[hbm4b:s7+s6] =	stream.linear.scatter @!p2 [tilespmem:s0], [sflag:$0x5], $0x30, $0x38;
	[tilespmem:$0x1F1E8] =	vst v63  }
.LBB3_41:
0x648: {  	s0 =	sadd.s32 s2, s4  }
0x649: {  	s0 =	sshrl.u32 s0, $0x2  }
.LBB3_42:
0x64a: {  	s1 =	simm.s32 $0x5  }
0x64b: {  	_ =	swait.ge [sflag:s1], s0  }
0x64c: {  	s31 =	ssub.s32 $0x0, s0;
	[sflag:s1] =	ssyncset.done $0x0  }
0x64d: {  	[sflag:s1] =	ssyncadd.s32 s31  }
0x64e: {  	[sflag:s1] =	ssyncpa.u1 $0x1  }
.LBB3_43:
0x64f: {  	s0 =	sor.u32 s15, s14  }
0x650: {  	p1 =	sne.s32 s0, $0x0  }
.Ltmp42:
0x651: {  	_ = 	snop;
	(pc) =	sbr.rel @p1 .LBB3_58-.Ltmp42, $3  }
0x652: {  	_ =	sdelay $0x1  }
0x653: {  	[bflag:$0x0] =	sbarrier.arrive $0xFFFF  }
0x654: {  	_ =	sfence  }
0x655: {  	s0 =	simm.s32 $0x7  }
0x656: {  	s1 =	simm.s32 $0x600;
	s2 =	simm.s32 $0x84D8;
	[sflag:s0] =	ssyncpa.u1 $0x0  }
0x657: {  	[tilespmem:s2], [sflag:$0x7] =	stream.linear.gather [spmem:s1], $0x20, $0x38;
	[tilespmem:$0x1F1E8] =	vst v63  }
0x658: {  	s30 =	simm.s32 $0x84F8;
	s1 =	simm.s32 $0x0  }
0x659: {  	[tilespmem:s30], [sflag:$0x7] =	stream.linear.gather [spmem:s1], $0x600, $0x38;
	[tilespmem:$0x1F1E8] =	vst v63  }
.Ltmp43:
0x65a: {  	_ = 	snop;
	(pc) =	sbr.rel .LBB3_45-.Ltmp43, $4  }
0x65b: {  	_ =	swait.ge [sflag:s0], $0x620  }
0x65c: {  	[sflag:s0] =	ssyncset.done $0x0  }
0x65d: {  	s31 =	simm.s32 $0x8;
	[sflag:s0] =	ssyncadd.s32 $0xFFFFF9E0  }
0x65e: {  	s2 =	simm.s32 $0x0;
	[sflag:s31] =	ssyncpa.u1 $0x0  }
.LBB3_51:
0x65f: {  	p1 =	slt.u32 s0, $0xC34FB  }
0x660: {  	s3 =	sand.u32 @p1 $0xFFFF8, s0  }
0x661: {  	s0 =	sand.u32 @p1 $0x7, s0;
	s4 =	simm.s32 @p1 $0x8498;
	s3 =	sadd.s32 @p1 s5, s3  }
0x662: {  	[tilespmem:s4], [sflag:$0x8] =	stream.linear.gather @p1 [hbm4b:s3+s0], $0x30, $0x38;
	[tilespmem:$0x1F1E8] =	vst v63  }
0x663: {  	s0 =	simm.s32 @p1 $0x8  }
0x664: {  	_ =	swait.ge @p1 [sflag:s0], $0x30  }
0x665: {  	[sflag:s0] =	ssyncset.done @p1 $0x0  }
0x666: {  	[sflag:s0] =	ssyncadd.s32 @p1 $0xFFFFFFD0  }
0x667: {  	v1 =	vld @p1 [tilespmem:$0x8498];
	_ =	sdelay $0x1  }
0x668: {  	s0 =	smul.u32 @p1 $0xC0, s2;
	_ =	sdelay $0x1  }
0x669: {  	s3 =	sshra.s32 @p1 s0, $0x2  }
0x66a: {  	[tilespmem:s3+$0x84F8] =	vst.add.f32.msk @p1 $0xffff, v1  }
0x66b: {  	v1 =	vld @p1 [tilespmem:$0x84A8];
	_ =	sdelay $0x4  }
0x66c: {  	[tilespmem:s3+$0x8508] =	vst.add.f32.msk @p1 $0xffff, v1  }
0x66d: {  	v1 =	vld @p1 [tilespmem:$0x84B8];
	_ =	sdelay $0x2  }
0x66e: {  	s4 =	smul.u32 @!p1 $0xC0, s2;
	_ =	sdelay $0x1  }
0x66f: {  	s4 =	smov.u32 @p1 s0;
	[tilespmem:s3+$0x8518] =	vst.add.f32.msk @p1 $0xffff, v1  }
0x670: {  	s0 =	sshra.s32 s4, $0x2;
	[tilespmem:s1+$0x84D8] =	vst.msk $0x1, v0  }
0x671: {  	v0 =	vld [tilespmem:s0+$0x84F8];
	_ =	sdelay $0x1  }
0x672: {  	s31 =	smul.u32 $0xC0, s1;
	_ =	sdelay $0x1  }
0x673: {  	s3 =	sshra.s32 s31, $0x2  }
0x674: {  	[tilespmem:s3+$0x84F8] =	vst v0  }
0x675: {  	v0 =	vld [tilespmem:s0+$0x8508];
	_ =	sdelay $0x4  }
0x676: {  	[tilespmem:s3+$0x8508] =	vst v0  }
0x677: {  	v0 =	vld [tilespmem:s0+$0x8518];
	_ =	sdelay $0x4  }
0x678: {  	s1 =	sadd.s32 $0x1, s1;
	[tilespmem:s3+$0x8518] =	vst v0  }
.LBB3_52:
0x679: {  	s2 =	sadd.s32 $0x1, s2  }
0x67a: {  	p1 =	sne.s32 s2, $0x20  }
.Ltmp44:
0x67b: {  	_ = 	snop;
	(pc) =	sbr.rel @!p1 .LBB3_53-.Ltmp44, $1  }
0x67c: {  	_ =	sdelay $0x3  }
.LBB3_45:
0x67d: {  	v0 =	vld.msk [tilespmem:s2+$0x84D8], $0x1;
	_ =	sdelay $0x4  }
0x67e: {  	(v2sf) =	vpush v0, $0x0;
	_ =	sdelay $0xe  }
0x67f: {  	s0 =	spop (v2sf)  }
0x680: {  	p1 =	seq.s32 s0, $0xFFFFFFFF  }
.Ltmp45:
0x681: {  	_ = 	snop;
	(pc) =	sbr.rel @p1 .LBB3_52-.Ltmp45, $1  }
0x682: {  	_ =	sdelay $0x3  }
0x683: {  	p1 =	slt.s32 s1, $0x1  }
.Ltmp46:
0x684: {  	_ = 	snop;
	(pc) =	sbr.rel @p1 .LBB3_51-.Ltmp46, $1  }
0x685: {  	_ =	sdelay $0x3  }
0x686: {  	s3 =	simm.s32 $0x84D8;
	p1 =	por $0x0, $0x0  }
0x687: {  	v1 =	vld.msk @!p1 [tilespmem:s3+$0x0], $0x1;
	_ =	sdelay $0x4  }
0x688: {  	(v2sf) =	vpush @!p1 v1, $0x0;
	_ =	sdelay $0xd  }
0x689: {  	p3 =	sne.s32 s1, $0x1  }
.Ltmp47:
0x68a: {  	s4 =	spop @!p1 (v2sf);
	(pc) =	sbr.rel @!p3 .LBB3_49-.Ltmp47, $4  }
0x68b: {  	p2 =	seq.s32 @!p1 s0, s4  }
0x68c: {  	s4 =	simm.s32 $0x0;
	p2 =	por !p2, p1  }
0x68d: {  	s7 =	simm.s32 $0xFFFFFFFF;
	s4 =	simm.s32 @p2 $0xFFFFFFFF  }
0x68e: {  	s6 =	simm.s32 $0x1;
	s4 =	smov.u32 @p1 s7  }
.LBB3_48:
0x68f: {  	s7 =	smov.u32 s4;
	p1 =	sne.s32 s4, $0xFFFFFFFF  }
0x690: {  	s3 =	sadd.s32 $0x1, s3;
	s4 =	smov.u32 s6;
	s6 =	sadd.s32 $0x1, s6  }
0x691: {  	p2 =	sne.s32 s1, s6;
	v1 =	vld.msk @!p1 [tilespmem:s3+$0x0], $0x1;
	_ =	sdelay $0x4  }
0x692: {  	(v2sf) =	vpush @!p1 v1, $0x0;
	_ =	sdelay $0xe  }
.Ltmp48:
0x693: {  	s8 =	spop @!p1 (v2sf);
	(pc) =	sbr.rel @p2 .LBB3_48-.Ltmp48, $4  }
0x694: {  	p3 =	seq.s32 @!p1 s0, s8  }
0x695: {  	p3 =	por !p3, p1  }
0x696: {  	s4 =	simm.s32 @p3 $0xFFFFFFFF  }
0x697: {  	s4 =	smov.u32 @p1 s7  }
.LBB3_49:
0x698: {  	p1 =	seq.s32 s4, $0xFFFFFFFF  }
.Ltmp49:
0x699: {  	_ = 	snop;
	(pc) =	sbr.rel @p1 .LBB3_51-.Ltmp49, $1  }
0x69a: {  	_ =	sdelay $0x3  }
0x69b: {  	s0 =	smul.u32 $0xC0, s2;
	_ =	sdelay $0x1  }
0x69c: {  	s0 =	sshra.s32 s0, $0x2  }
0x69d: {  	v0 =	vld [tilespmem:s0+$0x84F8];
	_ =	sdelay $0x1  }
0x69e: {  	s3 =	smul.u32 $0xC0, s4;
	_ =	sdelay $0x1  }
0x69f: {  	s3 =	sshra.s32 s3, $0x2  }
0x6a0: {  	[tilespmem:s3+$0x84F8] =	vst.add.f32.msk $0xffff, v0  }
0x6a1: {  	v0 =	vld [tilespmem:s0+$0x8508];
	_ =	sdelay $0x4  }
0x6a2: {  	[tilespmem:s3+$0x8508] =	vst.add.f32.msk $0xffff, v0  }
0x6a3: {  	v0 =	vld [tilespmem:s0+$0x8518]  }
.Ltmp50:
0x6a4: {  	_ = 	snop;
	(pc) =	sbr.rel .LBB3_52-.Ltmp50, $2  }
0x6a5: {  	_ =	sdelay $0x2  }
0x6a6: {  	[tilespmem:s3+$0x8518] =	vst.add.f32.msk $0xffff, v0  }
.LBB3_53:
0x6a7: {  	p1 =	slt.s32 s1, $0x1  }
.Ltmp51:
0x6a8: {  	_ = 	snop;
	(pc) =	sbr.rel @p1 .LBB3_57-.Ltmp51, $3  }
0x6a9: {  	_ =	sdelay $0x1  }
0x6aa: {  	s0 =	simm.s32 $0x8  }
0x6ab: {  	[sflag:s0] =	ssyncpa.u1 $0x1;
	s0 =	simm.s32 $0x0  }
0x6ac: {  	s2 =	simm.s32 $0x84D8  }
0x6ad: {  	v0 =	vld.msk [tilespmem:s2+$0x0], $0x1;
	_ =	sdelay $0x4  }
0x6ae: {  	(v2sf) =	vpush v0, $0x0;
	_ =	sdelay $0xe  }
0x6af: {  	s1 =	sadd.s32 $0xFFFFFFFF, s1;
	s3 =	spop (v2sf)  }
0x6b0: {  	p2 =	sne.s32 s1, $0x0;
	p1 =	sgt.u32 s3, $0xC34FA  }
.Ltmp52:
0x6b1: {  	s4 =	sand.u32 @!p1 $0xFFFF8, s3;
	(pc) =	sbr.rel @!p2 .LBB3_56-.Ltmp52, $4  }
0x6b2: {  	s2 =	simm.s32 $0x84F8;
	s3 =	sand.u32 @!p1 $0x7, s3;
	s4 =	sadd.s32 @!p1 s5, s4  }
0x6b3: {  	[hbm4b:s4+s3] =	stream.linear.scatter @!p1 [tilespmem:s2], [sflag:$0x7], $0x30, $0x38;
	[tilespmem:$0x1F1E8] =	vst v63  }
0x6b4: {  	s4 =	simm.s32 $0x0  }
0x6b5: {  	s3 =	simm.s32 $0x84D9;
	s4 =	simm.s32 @!p1 $0xC0  }
.LBB3_55:
0x6b6: {  	v0 =	vld.msk [tilespmem:s3+$0x0], $0x1;
	s1 =	sadd.s32 $0xFFFFFFFF, s1;
	s0 =	sadd.s32 s0, s4  }
0x6b7: {  	p1 =	sne.s32 s1, $0x0;
	_ =	sdelay $0x3  }
0x6b8: {  	(v2sf) =	vpush v0, $0x0;
	_ =	sdelay $0xe  }
.Ltmp53:
0x6b9: {  	s6 =	spop (v2sf);
	(pc) =	sbr.rel @p1 .LBB3_55-.Ltmp53, $4  }
0x6ba: {  	s4 =	simm.s32 $0x0;
	p2 =	sgt.u32 s6, $0xC34FA  }
0x6bb: {  	s2 =	sadd.s32 $0x30, s2;
	s4 =	simm.s32 @!p2 $0xC0;
	s7 =	sand.u32 @!p2 $0xFFFF8, s6  }
0x6bc: {  	s3 =	sadd.s32 $0x1, s3;
	s6 =	sand.u32 @!p2 $0x7, s6;
	s7 =	sadd.s32 @!p2 s5, s7  }
0x6bd: {  	[hbm4b:s7+s6] =	stream.linear.scatter @!p2 [tilespmem:s2], [sflag:$0x7], $0x30, $0x38;
	[tilespmem:$0x1F1E8] =	vst v63  }
.LBB3_56:
0x6be: {  	s0 =	sadd.s32 s0, s4  }
0x6bf: {  	s0 =	sshrl.u32 s0, $0x2  }
.LBB3_57:
0x6c0: {  	s1 =	simm.s32 $0x7  }
0x6c1: {  	_ =	swait.ge [sflag:s1], s0  }
0x6c2: {  	s31 =	ssub.s32 $0x0, s0;
	[sflag:s1] =	ssyncset.done $0x0  }
0x6c3: {  	[sflag:s1] =	ssyncadd.s32 s31  }
0x6c4: {  	[sflag:s1] =	ssyncpa.u1 $0x1  }
.LBB3_58:
0x6c5: {  	_ =	sfence;
	s0 =	simm.s32 $0x1  }
0x6c6: {  	[sflag:s0] =	ssyncpa.u1 $0x1  }
0x6c7: {  	_ =	strace $0x90000059  }
0x6c8: {  	[bflag:$0x2] =	sbarrier.arrive $0xFFFF  }
0x6c9: {  	s0 =	rddreg [dreg:$0x3]  }
0x6ca: {  	s0 =	sadd.s32 @!p0 $0x100000, s0  }
0x6cb: {  	[sflag:s0] =	ssyncadd.tile.s32 @!p0 $0x1;
	_ =	shalt  }
.Lfunc_end3:
_tile_overlayer_lowered:
.L_overlay_start_3:
0x6cc: {  	(tag) =	ssettag $0x3  }
0x6cd: {  	s0 =	rddreg [dreg:$0x0];
	s2 =	stileid.u32  }
0x6ce: {  	s1 =	rddreg [dreg:$0x1];
	p0 =	sne.s32 s2, $0x0  }
0x6cf: {  	s3 =	rddreg [dreg:$0x2];
	[bflag:$0x3] =	sbarrier.arrive $0xFFFF;
	s2 =	simm.s32 @!p0 $0x1C01  }
0x6d0: {  	[timem:s3], [sflag:s2] =	dma.local @!p0 [hbm:s0], s1  }
0x6d1: {  	s0 =	simm.s32 @!p0 $0x1  }
0x6d2: {  	_ =	swait.ge @!p0 [sflag:s0], s1  }
0x6d3: {  	s1 =	ssub.s32 @!p0 $0x0, s1;
	[sflag:s0] =	ssyncset.done @!p0 $0x0  }
0x6d4: {  	[sflag:s0] =	ssyncadd.s32 @!p0 s1  }
0x6d5: {  	[bflag:$0x3] =	sbarrier.arrive $0xFFFF  }
0x6d6: {  	_ =	shalt  }

// kernel: sparse-core-data-format-call.1.cloned.1.call-start
scs
called_computation.3_lowered:
.L_overlay_start_0:
0x0: {  	s2 =	sld [smem:$0x3FD9]  }
0x1: {  	s3 =	sld [smem:$0x3FFE];
	_ =	sdelay $0x1  }
0x2: {  	s1 =	srdreg.scid  }
0x3: {  	s0 =	sand.u32 $0x1, s1  }
0x4: {  	s18 =	sshll.u32 s0, $0xA;
	s2 =	sadd.s32 s3, s2  }
0x5: {  	s2 =	sadd.s32 s2, s18  }
0x6: {  	[smem:$0x3FB2] =	sst s2  }
0x7: {  	_ = 	snop  }
0x8: {  	(tm) =	ssettm $0x1  }
0x9: {  	s19 =	sld [smem:$0x3FFB];
	_ =	sdelay $0x3  }
0xa: {  	_ =	strace s19  }
0xb: {  	s2 =	sld [smem:$0x3FFC];
	_ =	sdelay $0x3  }
0xc: {  	_ =	strace s2  }
0xd: {  	s2 =	sld [smem:$0x3FFD];
	_ =	sdelay $0x3  }
0xe: {  	_ =	strace s2  }
0xf: {  	_ =	strace $0x8FFFFFFF  }
0x10: {  	s20 =	sld [smem:$0x3FDB];
	_ =	sdelay $0x1  }
0x11: {  	s21 =	simm.s32 $_scs_section_size  }
0x12: {  	s4 =	simm.s32 $_size__tile_overlayer_lowered;
	s5 =	simm.s32 $_tile_overlayer_lowered  }
0x13: {  	s6 =	simm.s32 $0x1BFF;
	s22 =	sshll.u32 s5, $0x1;
	s3 =	sadd.s32 s21, s20  }
0x14: {  	s23 =	simm.s32 $0x0;
	s4 =	sshll.u32 s4, $0x1;
	s5 =	sadd.s32 s22, s3  }
0x15: {  	[timem:s23], [sflag:s6] =	dma.local [hbm:s5], s4  }
0x16: {  	_ =	swait.ge [sflag:s6], s4  }
0x17: {  	s4 =	ssub.s32 $0x0, s4;
	[sflag:s6] =	ssyncset.done $0x0  }
0x18: {  	[sflag:s6] =	ssyncadd.s32 s4;
	_ =	sdelay $0x1  }
0x19: {  	s24 =	simm.s32 $0x1B8B  }
0x1a: {  	_ =	swait.ge [sflag:s24], $0x1  }
0x1b: {  	[sflag:s24] =	ssyncset.done $0x0  }
0x1c: {  	[sflag:s24] =	ssyncadd.s32 $0xFFFFFFFF  }
0x1d: {  	s4 =	sld [smem:$0x0]  }
0x1e: {  	s5 =	sand.u32 $0xFFFFFFFE, s1  }
0x1f: {  	p0 =	sne.s32 s1, s5  }
0x20: {  	s5 =	sshll.u32 @p0 s5, $0xE  }
0x21: {  	s5 =	sadd.s32 @p0 $0x11B8D, s5;
	s6 =	sshll.u32 @p0 s4, $0x11  }
0x22: {  	s5 =	sor.u32 @p0 s6, s5  }
0x23: {  	[sflag:s5] =	ssyncadd.remote.s32 @p0 $0x1;
	_ =	sdelay $0x1  }
0x24: {  	s5 =	simm.s32 @p0 $0x1B8D  }
0x25: {  	_ =	swait.eq @p0 [sflag:s5], $0x1  }
0x26: {  	[sflag:s5] =	ssyncadd.s32 @p0 $0xFFFFFFFF  }
0x27: {  	s6 =	sshll.u32 @!p0 s1, $0xE  }
0x28: {  	s6 =	sor.u32 @!p0 $0x4000, s6;
	s5 =	simm.s32 @!p0 $0x1B8D  }
0x29: {  	s4 =	sshll.u32 @!p0 s4, $0x11;
	s6 =	sadd.s32 @!p0 $0x11B8D, s6;
	_ =	swait.eq @!p0 [sflag:s5], $0x1  }
0x2a: {  	s4 =	sor.u32 @!p0 s4, s6;
	[sflag:s5] =	ssyncadd.s32 @!p0 $0xFFFFFFFF  }
0x2b: {  	s26 =	simm.s32 $0x1B8E;
	s25 =	sld [smem:$0x3FFE];
	[sflag:s4] =	ssyncadd.remote.s32 @!p0 $0x1  }
0x2c: {  	s27 =	simm.s32 $execute0_lowered;
	[smem:$0x3FD2] =	sst s26  }
0x2d: {  	s5 =	sshll.u32 s27, $0x1;
	_ =	strace $0x80000061;
	[dreg:$0x1] =	wrdreg $0xFFFFFFFF  }
0x2e: {  	s28 =	simm.s32 $_size_execute0_lowered;
	s3 =	sadd.s32 s3, s5;
	[dreg:$0x0] =	wrdreg $0x0  }
0x2f: {  	s5 =	sshll.u32 s28, $0x1;
	[dreg:$0x2] =	wrdreg s3  }
0x30: {  	[dreg:$0x3] =	wrdreg s5  }
0x31: {  	[dreg:$0x4] =	wrdreg $0xC0  }
0x32: {  	_ =	task [dreg:s23], $0x5FFFF  }
0x33: {  	[dreg:$0x1] =	wrdreg $0xFFFFFFFF  }
0x34: {  	[dreg:$0x0] =	wrdreg $0x60  }
0x35: {  	[dreg:$0x2] =	wrdreg s25  }
0x36: {  	[dreg:$0x3] =	wrdreg $0xA  }
0x37: {  	_ =	task.clear_ibuf [dreg:s23], $0x4FFFF;
	_ =	strace $0x90000061  }
0x38: {  	s29 =	simm.s32 $0xA;
	_ =	strace $0x80000063  }
0x39: {  	_ =	swait.ge [sflag:s29], $0x1  }
0x3a: {  	[sflag:s29] =	ssyncadd.s32 $0xFFFFFFFF  }
0x3b: {  	_ =	strace $0x90000063  }
0x3c: {  	_ =	sfence  }
0x3d: {  	s30 =	sld [smem:$0x0];
	_ =	sdelay $0x2  }
0x3e: {  	s31 =	sshll.u32 s1, $0xD;
	s1 =	sshrl.u32 s1, $0x2  }
0x3f: {  	s4 =	sand.u32 $0x4000, s31;
	s1 =	sadd.s32 s1, s30  }
0x40: {  	s0 =	sor.u32 s4, s0;
	s1 =	sshll.u32 s1, $0x11  }
0x41: {  	s0 =	sor.u32 s1, s0  }
0x42: {  	s0 =	sadd.s32 $0x8F2B, s0  }
0x43: {  	[sflag:s0] =	ssyncadd.remote.s32 $0x1  }
0x44: {  	_ =	sfence.sel $0xFFFF  }
0x45: {  	[dreg:$0x0] =	wrdreg $0xFFFFFFFF;
	(pc) =	sbr.abs _section_cstart, $3  }
0x46: {  	[dreg:$0x1] =	wrdreg $0xFFFFFFFF  }
0x47: {  	_ =	task.clear_ibuf [dreg:s23], $0x2FFFF;
	_ =	strace $0x9FFFFFFF  }
0x48: {  	(tm) =	ssettm $0x7FFFFFFF  }
0x49: {  	_ =	shalt  }
tec
execute0_lowered:
.L_overlay_start_1:
0x0: {  	(tag) =	ssettag $0x1  }
0x1: {  	s0 =	srdreg.scid  }
0x2: {  	s1 =	sshll.u32 s0, $0x4  }
0x3: {  	s0 =	stileid.u32;
	s1 =	sand.u32 $0x10, s1  }
0x4: {  	s1 =	sor.u32 s0, s1  }
0x5: {  	s6 =	rddreg [dreg:$0x0];
	s7 =	simm.s32 $0x2;
	s2 =	sshll.u32 s1, $0x7  }
0x6: {  	s12 =	simm.s32 $0x0;
	s8 =	simm.s32 $0x61A800;
	s1 =	ssub.s32 $0xC3500, s2  }
0x7: {  	s13 =	simm.s32 $0x0;
	s9 =	simm.s32 $0x0;
	s3 =	sand.u32 $0xF80, s1  }
0x8: {  	s11 =	simm.s32 $0x0;
	p0 =	sne.s32 s3, $0x0;
	s3 =	simm.s32 $0x1  }
.Ltmp0:
0x9: {  	s4 =	sshrl.u32 s1, $0xC;
	s3 =	simm.s32 @!p0 $0x0;
	(pc) =	sbr.rel .LBB1_1-.Ltmp0, $4  }
0xa: {  	s5 =	sadd.s32 $0x1CA6A00, s6;
	s1 =	rddreg [dreg:$0x1];
	s4 =	sadd.s32 s3, s4  }
0xb: {  	_ =	strace $0x80000062;
	s3 =	simm.s32 $0x1;
	s4 =	smul.u32 $0x3, s4  }
0xc: {  	s6 =	sadd.s32 $0xB5400, s6;
	s10 =	smov.u32 s2;
	[sflag:s3] =	ssyncpa.u1 $0x0  }
0xd: {  	p0 =	por $0x0, $0x0;
	[sflag:s7] =	ssyncpa.u1 $0x0;
	s7 =	sadd.s32 $0x1, s4  }
.LBB1_4:
0xe: {  	s16 =	sshll.u32 s13, $0x3  }
0xf: {  	s16 =	sand.u32 $0xFFFFFC00, s16  }
0x10: {  	s17 =	sshrl.u32 s16, $0x8  }
0x11: {  	s17 =	smulhi.u32 $0x14F8B59, s17;
	_ =	sdelay $0x1  }
0x12: {  	s17 =	sshrl.u32 s17, $0x4  }
0x13: {  	s27 =	sand.u32 $0x7F, s13;
	s18 =	smul.u32 $0xC3500, s17  }
0x14: {  	s12 =	smul.u32 $0x186A00, s12;
	s13 =	sor.u32 s27, s16;
	s28 =	sand.u32 $0xF, s17  }
0x15: {  	s16 =	smul.u32 $0x186A0, s28;
	s13 =	ssub.s32 s13, s18  }
0x16: {  	s12 =	sadd.s32 s6, s12;
	s29 =	sand.u32 $0x7, s13  }
0x17: {  	s12 =	sadd.s32 s16, s12;
	s13 =	sshrl.u32 s13, $0x3;
	s30 =	sshll.u32 s29, $0x12  }
0x18: {  	[tilespmem:s15+$0x0 ss:$0x81] =	vst.msk $0xffff, v0;
	s12 =	sadd.s32 s13, s12;
	s31 =	sor.u32 $0x400, s30  }
0x19: {  	[hbm4b:s12+s31] =	stream.strided.scatter [tilespmem:s14], [sflag:$0x2], $0x800, s8, s31, $0x20;
	[tilespmem:$0x2020] =	vst v63  }
.LBB1_5:
0x1a: {  	s14 =	sadd.s32 $0x1, s9  }
0x1b: {  	s12 =	sadd.s32 $0x1000, s10;
	s16 =	smov.u32 s10;
	p2 =	sgt.s32 s14, $0x2  }
0x1c: {  	s16 =	smov.u32 @p2 s12  }
0x1d: {  	s14 =	simm.s32 @p2 $0x0;
	p2 =	sgt.s32 s16, $0xC34FF  }
0x1e: {  	s16 =	smov.u32 @p2 s2;
	p2 =	sne.s32 s11, s7  }
.Ltmp1:
0x1f: {  	p1 =	slt.u32 s11, $0x2;
	(pc) =	sbr.rel @!p2 .LBB1_6-.Ltmp1, $4  }
0x20: {  	s15 =	simm.s32 @!p1 $0x2  }
0x21: {  	s13 =	smov.u32 s10;
	p0 =	por !p0, !p0;
	_ =	swait.ge @!p1 [sflag:s15], $0x800  }
0x22: {  	s12 =	smov.u32 s9;
	[sflag:s15] =	ssyncset.done @!p1 $0x0;
	s9 =	smov.u32 s14  }
0x23: {  	s11 =	sadd.s32 $0x1, s11;
	[sflag:s15] =	ssyncadd.s32 @!p1 $0xFFFFF800;
	s10 =	smov.u32 s16  }
.LBB1_1:
0x24: {  	p1 =	sge.u32 s11, s4  }
0x25: {  	s31 =	sadd.s32 $0xFFFFFFFF, s11;
	s14 =	sxor.u32 @!p1 $0xFFFFFFFF, s11  }
0x26: {  	s15 =	sshll.u32 @!p1 s10, $0x6;
	s16 =	sshll.u32 @!p1 s9, $0x4;
	s17 =	simm.s32 @!p1 $0x200  }
0x27: {  	s14 =	sshll.u32 @!p1 s14, $0xB;
	s16 =	sand.u32 @!p1 $0x30, s16;
	s15 =	sadd.s32 @!p1 s5, s15  }
0x28: {  	s14 =	sand.u32 @!p1 $0x800, s14;
	s15 =	sadd.s32 @!p1 s16, s15;
	s16 =	simm.s32 @!p1 $0x10  }
0x29: {  	[tilespmem:s14], [sflag:$0x1] =	stream.strided.gather @!p1 [hbm4b:s15+s16], $0x800, s17, s16, $0x38;
	[tilespmem:$0x2020] =	vst v63  }
0x2a: {  	p1 =	sge.u32 s31, s4  }
.Ltmp2:
0x2b: {  	_ = 	snop;
	(pc) =	sbr.rel @p1 .LBB1_5-.Ltmp2, $1  }
0x2c: {  	_ =	sdelay $0x3  }
0x2d: {  	s14 =	simm.s32 $0x1  }
0x2e: {  	s14 =	simm.s32 @!p0 $0x0  }
0x2f: {  	s15 =	sshll.u32 s14, $0xB  }
0x30: {  	v1 =	vmov s15;
	_ =	sdelay $0x1  }
0x31: {  	_ =	swait.ge [sflag:s3], $0x800  }
0x32: {  	s31 =	sand.u32 $0x1, s11;
	[sflag:s3] =	ssyncset.done $0x0  }
0x33: {  	s17 =	simm.s32 $0x0;
	s14 =	smul.u32 $0x2040, s14;
	[sflag:s3] =	ssyncadd.s32 $0xFFFFF800  }
0x34: {  	s15 =	smul.u32 $0x2040, s31;
	v0 =	vld.idx.msk [tilespmem:v1+s17+$0x0 ss:$0x1], $0xffff;
	_ =	sdelay $0x1  }
0x35: {  	s14 =	sshrl.u32 s14, $0x2;
	s16 =	sshrl.u32 s15, $0x2  }
0x36: {  	s15 =	sor.u32 $0x1000, s14;
	s14 =	sor.u32 $0x1000, s16;
	s16 =	simm.s32 $0x40  }
.LBB1_3:
0x37: {  	s17 =	sshra.s32 s16, $0x2;
	p1 =	sne.s32 s16, $0x1FC0;
	s16 =	sadd.s32 $0x40, s16  }
.Ltmp3:
0x38: {  	[tilespmem:s15+$0x0 ss:$0x81] =	vst.msk $0xffff, v0;
	v0 =	vld.idx.msk [tilespmem:v1+s17+$0x0 ss:$0x1], $0xffff;
	(pc) =	sbr.rel @p1 .LBB1_3-.Ltmp3, $2  }
0x39: {  	_ =	sdelay $0x2  }
0x3a: {  	s15 =	sadd.s32 $0x1, s15  }
.Ltmp4:
0x3b: {  	_ = 	snop;
	(pc) =	sbr.rel .LBB1_4-.Ltmp4, $1  }
0x3c: {  	_ =	sdelay $0x3  }
.LBB1_6:
0x3d: {  	_ =	sfence.sel $0x180000  }
0x3e: {  	s2 =	simm.s32 $0x1;
	[bflag:$0x0] =	sbarrier.arrive $0xFFFF  }
0x3f: {  	s31 =	simm.s32 $0x2;
	[sflag:s2] =	ssyncpa.u1 $0x1  }
0x40: {  	[sflag:s31] =	ssyncpa.u1 $0x1  }
0x41: {  	p0 =	sne.s32 s0, $0x0;
	_ =	strace $0x90000062  }
0x42: {  	s0 =	sadd.s32 @!p0 $0x100000, s1;
	[bflag:$0x2] =	sbarrier.arrive $0xFFFF  }
0x43: {  	[sflag:s0] =	ssyncadd.tile.s32 @!p0 $0x1;
	_ =	shalt  }
.Lfunc_end1:
_tile_overlayer_lowered:
.L_overlay_start_2:
0x44: {  	(tag) =	ssettag $0x2  }
0x45: {  	s0 =	rddreg [dreg:$0x0];
	s2 =	stileid.u32  }
0x46: {  	s1 =	rddreg [dreg:$0x1];
	p0 =	sne.s32 s2, $0x0  }
0x47: {  	s3 =	rddreg [dreg:$0x2];
	[bflag:$0x3] =	sbarrier.arrive $0xFFFF;
	s2 =	simm.s32 @!p0 $0x1C01  }
0x48: {  	[timem:s3], [sflag:s2] =	dma.local @!p0 [hbm:s0], s1  }
0x49: {  	s0 =	simm.s32 @!p0 $0x1  }
0x4a: {  	_ =	swait.ge @!p0 [sflag:s0], s1  }
0x4b: {  	s1 =	ssub.s32 @!p0 $0x0, s1;
	[sflag:s0] =	ssyncset.done @!p0 $0x0  }
0x4c: {  	[sflag:s0] =	ssyncadd.s32 @!p0 s1  }
0x4d: {  	[bflag:$0x3] =	sbarrier.arrive $0xFFFF  }
0x4e: {  	_ =	shalt  }

// kernel: sparse-core-data-format-call.2.cloned.1.call-start
scs
called_computation.4_lowered:
.L_overlay_start_0:
0x0: {  	s2 =	sld [smem:$0x3FD9]  }
0x1: {  	s3 =	sld [smem:$0x3FFE];
	_ =	sdelay $0x1  }
0x2: {  	s1 =	srdreg.scid  }
0x3: {  	s0 =	sand.u32 $0x1, s1  }
0x4: {  	s18 =	sshll.u32 s0, $0xA;
	s2 =	sadd.s32 s3, s2  }
0x5: {  	s2 =	sadd.s32 s2, s18  }
0x6: {  	[smem:$0x3FB2] =	sst s2  }
0x7: {  	_ = 	snop  }
0x8: {  	(tm) =	ssettm $0x1  }
0x9: {  	s19 =	sld [smem:$0x3FFB];
	_ =	sdelay $0x3  }
0xa: {  	_ =	strace s19  }
0xb: {  	s2 =	sld [smem:$0x3FFC];
	_ =	sdelay $0x3  }
0xc: {  	_ =	strace s2  }
0xd: {  	s2 =	sld [smem:$0x3FFD];
	_ =	sdelay $0x3  }
0xe: {  	_ =	strace s2  }
0xf: {  	_ =	strace $0x8FFFFFFF  }
0x10: {  	s20 =	sld [smem:$0x3FDB];
	_ =	sdelay $0x1  }
0x11: {  	s21 =	simm.s32 $_scs_section_size  }
0x12: {  	s4 =	simm.s32 $_size__tile_overlayer_lowered;
	s5 =	simm.s32 $_tile_overlayer_lowered  }
0x13: {  	s6 =	simm.s32 $0x1BFF;
	s22 =	sshll.u32 s5, $0x1;
	s3 =	sadd.s32 s21, s20  }
0x14: {  	s23 =	simm.s32 $0x0;
	s4 =	sshll.u32 s4, $0x1;
	s5 =	sadd.s32 s22, s3  }
0x15: {  	[timem:s23], [sflag:s6] =	dma.local [hbm:s5], s4  }
0x16: {  	_ =	swait.ge [sflag:s6], s4  }
0x17: {  	s4 =	ssub.s32 $0x0, s4;
	[sflag:s6] =	ssyncset.done $0x0  }
0x18: {  	[sflag:s6] =	ssyncadd.s32 s4;
	_ =	sdelay $0x1  }
0x19: {  	s24 =	simm.s32 $0x1B8B  }
0x1a: {  	_ =	swait.ge [sflag:s24], $0x1  }
0x1b: {  	[sflag:s24] =	ssyncset.done $0x0  }
0x1c: {  	[sflag:s24] =	ssyncadd.s32 $0xFFFFFFFF  }
0x1d: {  	s4 =	sld [smem:$0x0]  }
0x1e: {  	s5 =	sand.u32 $0xFFFFFFFE, s1  }
0x1f: {  	p0 =	sne.s32 s1, s5  }
0x20: {  	s5 =	sshll.u32 @p0 s5, $0xE  }
0x21: {  	s5 =	sadd.s32 @p0 $0x11B8D, s5;
	s6 =	sshll.u32 @p0 s4, $0x11  }
0x22: {  	s5 =	sor.u32 @p0 s6, s5  }
0x23: {  	[sflag:s5] =	ssyncadd.remote.s32 @p0 $0x1;
	_ =	sdelay $0x1  }
0x24: {  	s5 =	simm.s32 @p0 $0x1B8D  }
0x25: {  	_ =	swait.eq @p0 [sflag:s5], $0x1  }
0x26: {  	[sflag:s5] =	ssyncadd.s32 @p0 $0xFFFFFFFF  }
0x27: {  	s6 =	sshll.u32 @!p0 s1, $0xE  }
0x28: {  	s6 =	sor.u32 @!p0 $0x4000, s6;
	s5 =	simm.s32 @!p0 $0x1B8D  }
0x29: {  	s4 =	sshll.u32 @!p0 s4, $0x11;
	s6 =	sadd.s32 @!p0 $0x11B8D, s6;
	_ =	swait.eq @!p0 [sflag:s5], $0x1  }
0x2a: {  	s4 =	sor.u32 @!p0 s4, s6;
	[sflag:s5] =	ssyncadd.s32 @!p0 $0xFFFFFFFF  }
0x2b: {  	s26 =	simm.s32 $0x1B8E;
	s25 =	sld [smem:$0x3FFE];
	[sflag:s4] =	ssyncadd.remote.s32 @!p0 $0x1  }
0x2c: {  	s27 =	simm.s32 $execute0_lowered;
	[smem:$0x3FD2] =	sst s26  }
0x2d: {  	s5 =	sshll.u32 s27, $0x1;
	_ =	strace $0x80000067;
	[dreg:$0x1] =	wrdreg $0xFFFFFFFF  }
0x2e: {  	s28 =	simm.s32 $_size_execute0_lowered;
	s3 =	sadd.s32 s3, s5;
	[dreg:$0x0] =	wrdreg $0x0  }
0x2f: {  	s5 =	sshll.u32 s28, $0x1;
	[dreg:$0x2] =	wrdreg s3  }
0x30: {  	[dreg:$0x3] =	wrdreg s5  }
0x31: {  	[dreg:$0x4] =	wrdreg $0xC0  }
0x32: {  	_ =	task [dreg:s23], $0x5FFFF  }
0x33: {  	[dreg:$0x1] =	wrdreg $0xFFFFFFFF  }
0x34: {  	[dreg:$0x0] =	wrdreg $0x60  }
0x35: {  	[dreg:$0x2] =	wrdreg s25  }
0x36: {  	[dreg:$0x3] =	wrdreg $0x9  }
0x37: {  	_ =	task.clear_ibuf [dreg:s23], $0x4FFFF;
	_ =	strace $0x90000067  }
0x38: {  	s29 =	simm.s32 $0x9;
	_ =	strace $0x80000069  }
0x39: {  	_ =	swait.ge [sflag:s29], $0x1  }
0x3a: {  	[sflag:s29] =	ssyncadd.s32 $0xFFFFFFFF  }
0x3b: {  	_ =	strace $0x90000069  }
0x3c: {  	_ =	sfence  }
0x3d: {  	s30 =	sld [smem:$0x0];
	_ =	sdelay $0x2  }
0x3e: {  	s31 =	sshll.u32 s1, $0xD;
	s1 =	sshrl.u32 s1, $0x2  }
0x3f: {  	s4 =	sand.u32 $0x4000, s31;
	s1 =	sadd.s32 s1, s30  }
0x40: {  	s0 =	sor.u32 s4, s0;
	s1 =	sshll.u32 s1, $0x11  }
0x41: {  	s0 =	sor.u32 s1, s0  }
0x42: {  	s0 =	sadd.s32 $0x8F2B, s0  }
0x43: {  	[sflag:s0] =	ssyncadd.remote.s32 $0x1  }
0x44: {  	_ =	sfence.sel $0xFFFF  }
0x45: {  	[dreg:$0x0] =	wrdreg $0xFFFFFFFF;
	(pc) =	sbr.abs _section_cstart, $3  }
0x46: {  	[dreg:$0x1] =	wrdreg $0xFFFFFFFF  }
0x47: {  	_ =	task.clear_ibuf [dreg:s23], $0x2FFFF;
	_ =	strace $0x9FFFFFFF  }
0x48: {  	(tm) =	ssettm $0x7FFFFFFF  }
0x49: {  	_ =	shalt  }
tec
execute0_lowered:
.L_overlay_start_1:
0x0: {  	(tag) =	ssettag $0x1  }
0x1: {  	s0 =	srdreg.scid  }
0x2: {  	s1 =	sshll.u32 s0, $0x4  }
0x3: {  	s0 =	stileid.u32;
	s1 =	sand.u32 $0x10, s1  }
0x4: {  	s6 =	rddreg [dreg:$0x0];
	s4 =	simm.s32 $0x1;
	s1 =	sor.u32 s0, s1  }
0x5: {  	s7 =	simm.s32 $0x2;
	s14 =	simm.s32 $0x0;
	s2 =	sshll.u32 s1, $0x8  }
0x6: {  	s8 =	simm.s32 $0x200;
	s13 =	simm.s32 $0x0;
	s3 =	ssub.s32 $0xC3500, s2  }
0x7: {  	s15 =	simm.s32 $0x0;
	s10 =	simm.s32 $0x0;
	s31 =	sand.u32 $0x1F00, s3  }
0x8: {  	s11 =	simm.s32 $0x0;
	s1 =	rddreg [dreg:$0x1];
	p0 =	sne.s32 s31, $0x0  }
.Ltmp0:
0x9: {  	s5 =	sshrl.u32 s3, $0xD;
	s4 =	simm.s32 @!p0 $0x0;
	(pc) =	sbr.rel .LBB1_1-.Ltmp0, $4  }
0xa: {  	_ =	strace $0x80000068;
	s3 =	simm.s32 $0x1;
	s4 =	sadd.s32 s4, s5  }
0xb: {  	s12 =	simm.s32 $0x0;
	[sflag:s3] =	ssyncpa.u1 $0x0;
	s4 =	smul.u32 $0x3, s4  }
0xc: {  	s9 =	smov.u32 s2;
	[sflag:s7] =	ssyncpa.u1 $0x0;
	p0 =	por $0x0, $0x0  }
0xd: {  	s5 =	sadd.s32 $0x5B36400, s6;
	s6 =	sadd.s32 $0xC3F400, s6;
	s7 =	sadd.s32 $0x1, s4  }
.LBB1_4:
0xe: {  	_ = 	snop  }
0xf: {  	[tilespmem:s20+$0x660 ss:$0x11] =	vst.msk $0xffff, v8  }
0x10: {  	[tilespmem:s20+$0x770 ss:$0x11] =	vst.msk $0xffff, v7  }
0x11: {  	[tilespmem:s20+$0x990 ss:$0x11] =	vst.msk $0xffff, v1  }
0x12: {  	s23 =	sor.u32 s26, s25;
	v47 =	vld.idx.msk [tilespmem:v0+s18+$0x470 ss:$0x1], $0xffff;
	[tilespmem:s20+$0xAA0 ss:$0x11] =	vst.msk $0xffff, v2  }
0x13: {  	[tilespmem:s20+$0xBB0 ss:$0x11] =	vst.msk $0xffff, v3;
	v57 =	vld.idx.msk [tilespmem:v0+s23+$0x410 ss:$0x1], $0xffff  }
0x14: {  	[tilespmem:s20+$0xCC0 ss:$0x11] =	vst.msk $0xffff, v4;
	v58 =	vld.idx.msk [tilespmem:v0+s23+$0x420 ss:$0x1], $0xffff  }
0x15: {  	[tilespmem:s20+$0xDD0 ss:$0x11] =	vst.msk $0xffff, v5;
	v59 =	vld.idx.msk [tilespmem:v0+s23+$0x430 ss:$0x1], $0xffff  }
0x16: {  	s29 =	sshra.s32 s21, $0x2;
	[tilespmem:s20+$0xEE0 ss:$0x11] =	vst.msk $0xffff, v6;
	v60 =	vld.idx.msk [tilespmem:v0+s23+$0x440 ss:$0x1], $0xffff  }
0x17: {  	s24 =	sand.u32 $0xB00, s23;
	s18 =	sadd.s32 s29, s19;
	v61 =	vld.idx.msk [tilespmem:v0+s23+$0x450 ss:$0x1], $0xffff;
	[tilespmem:s20+$0xFF0 ss:$0x11] =	vst.msk $0xffff, v47  }
0x18: {  	s22 =	sand.u32 $0x80, s22;
	v62 =	vld.idx.msk [tilespmem:v0+s23+$0x460 ss:$0x1], $0xffff;
	s17 =	sadd.s32 s24, s17;
	[tilespmem:s18+$0x990 ss:$0x11] =	vst.msk $0xffff, v57  }
0x19: {  	v63 =	vld.idx.msk [tilespmem:v0+s23+$0x470 ss:$0x1], $0xffff;
	s17 =	sadd.s32 s22, s17;
	[tilespmem:s18+$0xAA0 ss:$0x11] =	vst.msk $0xffff, v58  }
0x1a: {  	v48 =	vld [tilespmem:s17+$0x400];
	[tilespmem:s18+$0xBB0 ss:$0x11] =	vst.msk $0xffff, v59  }
0x1b: {  	v49 =	vld [tilespmem:s17+$0x0];
	[tilespmem:s18+$0xCC0 ss:$0x11] =	vst.msk $0xffff, v60  }
0x1c: {  	v50 =	vld [tilespmem:s17+$0x10];
	[tilespmem:s18+$0xDD0 ss:$0x11] =	vst.msk $0xffff, v61  }
0x1d: {  	v51 =	vld [tilespmem:s17+$0x20];
	[tilespmem:s18+$0xEE0 ss:$0x11] =	vst.msk $0xffff, v62  }
0x1e: {  	v52 =	vld [tilespmem:s17+$0x30];
	[tilespmem:s18+$0xFF0 ss:$0x11] =	vst.msk $0xffff, v63  }
0x1f: {  	v53 =	vld [tilespmem:s17+$0x40];
	[tilespmem:s18+$0x880 ss:$0x11] =	vst.msk $0xffff, v48  }
0x20: {  	v54 =	vld [tilespmem:s17+$0x50];
	[tilespmem:s18+$0x0 ss:$0x11] =	vst.msk $0xffff, v49  }
0x21: {  	v55 =	vld [tilespmem:s17+$0x60];
	[tilespmem:s18+$0x110 ss:$0x11] =	vst.msk $0xffff, v50  }
0x22: {  	v56 =	vld [tilespmem:s17+$0x70];
	[tilespmem:s18+$0x220 ss:$0x11] =	vst.msk $0xffff, v51  }
0x23: {  	s15 =	sshll.u32 s15, $0x4;
	[tilespmem:s18+$0x330 ss:$0x11] =	vst.msk $0xffff, v52  }
0x24: {  	s14 =	sshll.u32 s14, $0x6;
	s15 =	sand.u32 $0x30, s15;
	[tilespmem:s18+$0x440 ss:$0x11] =	vst.msk $0xffff, v53  }
0x25: {  	s30 =	sshrl.u32 s13, $0x3;
	s31 =	sand.u32 $0x7, s13;
	s15 =	sadd.s32 s6, s15;
	[tilespmem:s18+$0x550 ss:$0x11] =	vst.msk $0xffff, v54  }
0x26: {  	s13 =	sshll.u32 s31, $0x12;
	s14 =	sadd.s32 s14, s15;
	s17 =	sand.u32 $0xF, s30;
	[tilespmem:s18+$0x660 ss:$0x11] =	vst.msk $0xffff, v55  }
0x27: {  	s13 =	sor.u32 $0x10, s13;
	s14 =	sadd.s32 s17, s14;
	[tilespmem:s18+$0x770 ss:$0x11] =	vst.msk $0xffff, v56  }
0x28: {  	[hbm4b:s14+s13] =	stream.strided.scatter [tilespmem:s16], [sflag:$0x2], $0x1000, s8, s13, $0x8;
	[tilespmem:$0x4200] =	vst v63  }
.LBB1_5:
0x29: {  	s16 =	sadd.s32 $0x2000, s9  }
0x2a: {  	s13 =	sadd.s32 $0x10, s10;
	s17 =	smov.u32 s10;
	p2 =	sgt.s32 s16, $0xC34FF  }
0x2b: {  	s17 =	smov.u32 @p2 s13  }
0x2c: {  	s13 =	simm.s32 $0x1;
	p3 =	sgt.s32 s17, $0xF  }
0x2d: {  	s13 =	simm.s32 @!p3 $0x0  }
0x2e: {  	s19 =	sadd.s32 s13, s11  }
0x2f: {  	s16 =	smov.u32 @p2 s2;
	p2 =	sgt.s32 s19, $0x2  }
0x30: {  	p1 =	slt.u32 s12, $0x2;
	s19 =	simm.s32 @p2 $0x0;
	p2 =	sne.s32 s12, s7  }
.Ltmp1:
0x31: {  	s18 =	simm.s32 @!p1 $0x2;
	(pc) =	sbr.rel @!p2 .LBB1_6-.Ltmp1, $4  }
0x32: {  	s14 =	smov.u32 s9;
	s15 =	smov.u32 s11;
	_ =	swait.ge @!p1 [sflag:s18], $0x1000  }
0x33: {  	p0 =	por !p0, !p0;
	[sflag:s18] =	ssyncset.done @!p1 $0x0;
	s9 =	smov.u32 s16  }
0x34: {  	s17 =	simm.s32 @p3 $0x0;
	[sflag:s18] =	ssyncadd.s32 @!p1 $0xFFFFF000;
	s13 =	smov.u32 s10  }
0x35: {  	s10 =	smov.u32 s17;
	s12 =	sadd.s32 $0x1, s12;
	s11 =	smov.u32 s19  }
.LBB1_1:
0x36: {  	p1 =	sge.u32 s12, s4  }
0x37: {  	s16 =	sshrl.u32 @!p1 s10, $0x3  }
0x38: {  	s17 =	sshll.u32 @!p1 s9, $0x3;
	s16 =	smul.u32 @!p1 $0x61A800, s16  }
0x39: {  	s18 =	sshll.u32 @!p1 s10, $0x7;
	s17 =	sand.u32 @!p1 $0xFFFFFC00, s17  }
0x3a: {  	s16 =	sadd.s32 @!p1 s16, s17;
	s17 =	sand.u32 @!p1 $0x380, s18  }
0x3b: {  	s16 =	sor.u32 @!p1 s17, s16  }
0x3c: {  	s17 =	sshrl.u32 @!p1 s16, $0x8  }
0x3d: {  	s17 =	smulhi.u32 @!p1 $0x14F8B59, s17;
	_ =	sdelay $0x1  }
0x3e: {  	s31 =	sadd.s32 $0xFFFFFFFF, s12;
	s17 =	sshrl.u32 @!p1 s17, $0x4  }
0x3f: {  	s19 =	sand.u32 @!p1 $0x7F, s9;
	s18 =	sxor.u32 @!p1 $0xFFFFFFFF, s12;
	s20 =	smul.u32 @!p1 $0xC3500, s17  }
0x40: {  	s16 =	sor.u32 @!p1 s19, s16;
	s19 =	smul.u32 @!p1 $0x186A00, s11;
	s17 =	sand.u32 @!p1 $0xF, s17  }
0x41: {  	s18 =	sshll.u32 @!p1 s18, $0xC;
	s17 =	smul.u32 @!p1 $0x186A0, s17;
	s16 =	ssub.s32 @!p1 s16, s20  }
0x42: {  	s18 =	sand.u32 @!p1 $0x1000, s18;
	s19 =	sadd.s32 @!p1 s5, s19;
	s20 =	sand.u32 @!p1 $0x7, s16  }
0x43: {  	s16 =	sshrl.u32 @!p1 s16, $0x3;
	s17 =	sadd.s32 @!p1 s17, s19;
	s19 =	sshll.u32 @!p1 s20, $0x12  }
0x44: {  	s16 =	sadd.s32 @!p1 s16, s17;
	s17 =	sor.u32 @!p1 $0x800, s19;
	s19 =	simm.s32 @!p1 $0x61A800  }
0x45: {  	[tilespmem:s18], [sflag:$0x1] =	stream.strided.gather @!p1 [hbm4b:s16+s17], $0x1000, s19, s17, $0x38;
	[tilespmem:$0x4200] =	vst v63  }
0x46: {  	p1 =	sge.u32 s31, s4  }
.Ltmp2:
0x47: {  	_ = 	snop;
	(pc) =	sbr.rel @p1 .LBB1_5-.Ltmp2, $1  }
0x48: {  	_ =	sdelay $0x3  }
0x49: {  	s19 =	simm.s32 $0x0  }
0x4a: {  	s18 =	sand.u32 $0x800, s19;
	s20 =	sand.u32 $0x380, s19  }
0x4b: {  	s16 =	sand.u32 $0x1, s12;
	s18 =	sor.u32 s20, s18  }
0x4c: {  	_ =	swait.ge [sflag:s3], $0x1000;
	s17 =	sshll.u32 s16, $0xC;
	s20 =	sand.u32 $0xB00, s18  }
0x4d: {  	[sflag:s3] =	ssyncset.done $0x0;
	s19 =	sand.u32 $0x80, s19;
	s20 =	sadd.s32 s20, s17  }
0x4e: {  	[sflag:s3] =	ssyncadd.s32 $0xFFFFF000;
	s22 =	sadd.s32 s19, s20  }
0x4f: {  	v4 =	vld [tilespmem:s22+$0x400]  }
0x50: {  	s21 =	simm.s32 $0x1;
	v5 =	vld [tilespmem:s22+$0x0]  }
0x51: {  	s21 =	simm.s32 @!p0 $0x0;
	v6 =	vld [tilespmem:s22+$0x10]  }
0x52: {  	v0 =	vmov s17;
	s31 =	smul.u32 $0x4400, s21;
	v7 =	vld [tilespmem:s22+$0x20]  }
0x53: {  	v9 =	vld [tilespmem:s22+$0x30]  }
0x54: {  	s19 =	sshrl.u32 s31, $0x2;
	v10 =	vld [tilespmem:s22+$0x40]  }
0x55: {  	s19 =	sor.u32 $0x2000, s19;
	v11 =	vld [tilespmem:s22+$0x50]  }
0x56: {  	v8 =	vld [tilespmem:s22+$0x60];
	s20 =	sadd.s32 $0x0, s19  }
0x57: {  	v1 =	vld.idx.msk [tilespmem:v0+s18+$0x410 ss:$0x1], $0xffff;
	[tilespmem:s20+$0x880 ss:$0x11] =	vst.msk $0xffff, v4  }
0x58: {  	v2 =	vld.idx.msk [tilespmem:v0+s18+$0x420 ss:$0x1], $0xffff;
	[tilespmem:s20+$0x0 ss:$0x11] =	vst.msk $0xffff, v5  }
0x59: {  	v3 =	vld.idx.msk [tilespmem:v0+s18+$0x430 ss:$0x1], $0xffff;
	[tilespmem:s20+$0x110 ss:$0x11] =	vst.msk $0xffff, v6  }
0x5a: {  	s16 =	smul.u32 $0x4400, s16;
	[tilespmem:s20+$0x220 ss:$0x11] =	vst.msk $0xffff, v7;
	v7 =	vld [tilespmem:s22+$0x70]  }
0x5b: {  	s23 =	simm.s32 $0x100;
	s24 =	simm.s32 $0x8;
	[tilespmem:s20+$0x330 ss:$0x11] =	vst.msk $0xffff, v9;
	v4 =	vld.idx.msk [tilespmem:v0+s18+$0x440 ss:$0x1], $0xffff  }
0x5c: {  	s25 =	sand.u32 $0x800, s23;
	s16 =	sshrl.u32 s16, $0x2;
	[tilespmem:s20+$0x440 ss:$0x11] =	vst.msk $0xffff, v10;
	v5 =	vld.idx.msk [tilespmem:v0+s18+$0x450 ss:$0x1], $0xffff;
	s22 =	simm.s32 $0x80  }
0x5d: {  	s21 =	simm.s32 $0x4;
	s16 =	sor.u32 $0x2000, s16;
	[tilespmem:s20+$0x550 ss:$0x11] =	vst.msk $0xffff, v11;
	v6 =	vld.idx.msk [tilespmem:v0+s18+$0x460 ss:$0x1], $0xffff;
	s26 =	sand.u32 $0x380, s22  }
.LBB1_3:
0x5e: {  	p1 =	sne.s32 s24, $0x3C;
	[tilespmem:s20+$0x660 ss:$0x11] =	vst.msk $0xffff, v8;
	v8 =	vld.idx.msk [tilespmem:v0+s18+$0x470 ss:$0x1], $0xffff;
	s18 =	sor.u32 s26, s25  }
0x5f: {  	s25 =	sand.u32 $0xB00, s18;
	v9 =	vld.idx.msk [tilespmem:v0+s18+$0x410 ss:$0x1], $0xffff;
	[tilespmem:s20+$0x770 ss:$0x11] =	vst.msk $0xffff, v7  }
0x60: {  	s26 =	sand.u32 $0x80, s22;
	s25 =	sadd.s32 s25, s17;
	v7 =	vld.idx.msk [tilespmem:v0+s18+$0x420 ss:$0x1], $0xffff;
	[tilespmem:s20+$0x990 ss:$0x11] =	vst.msk $0xffff, v1  }
0x61: {  	s25 =	sadd.s32 s26, s25;
	v10 =	vld.idx.msk [tilespmem:v0+s18+$0x430 ss:$0x1], $0xffff;
	[tilespmem:s20+$0xAA0 ss:$0x11] =	vst.msk $0xffff, v2  }
0x62: {  	v11 =	vld [tilespmem:s25+$0x400];
	[tilespmem:s20+$0xBB0 ss:$0x11] =	vst.msk $0xffff, v3  }
0x63: {  	v12 =	vld [tilespmem:s25+$0x0];
	[tilespmem:s20+$0xCC0 ss:$0x11] =	vst.msk $0xffff, v4  }
0x64: {  	v4 =	vld [tilespmem:s25+$0x10];
	[tilespmem:s20+$0xDD0 ss:$0x11] =	vst.msk $0xffff, v5  }
0x65: {  	s26 =	sshra.s32 s21, $0x2;
	s21 =	smov.u32 s24;
	v1 =	vmov v9;
	v5 =	vld [tilespmem:s25+$0x20];
	[tilespmem:s20+$0xEE0 ss:$0x11] =	vst.msk $0xffff, v6  }
0x66: {  	v2 =	vmov v7;
	v6 =	vld [tilespmem:s25+$0x30];
	[tilespmem:s20+$0xFF0 ss:$0x11] =	vst.msk $0xffff, v8;
	s20 =	sadd.s32 s26, s19  }
0x67: {  	v3 =	vmov v10;
	v9 =	vld [tilespmem:s25+$0x40];
	[tilespmem:s20+$0x880 ss:$0x11] =	vst.msk $0xffff, v11  }
0x68: {  	[tilespmem:s20+$0x0 ss:$0x11] =	vst.msk $0xffff, v12;
	v10 =	vld [tilespmem:s25+$0x50]  }
.Ltmp3:
0x69: {  	[tilespmem:s20+$0x110 ss:$0x11] =	vst.msk $0xffff, v4;
	v8 =	vld [tilespmem:s25+$0x60];
	(pc) =	sbr.rel @p1 .LBB1_3-.Ltmp3, $4  }
0x6a: {  	[tilespmem:s20+$0x220 ss:$0x11] =	vst.msk $0xffff, v5;
	v7 =	vld [tilespmem:s25+$0x70]  }
0x6b: {  	[tilespmem:s20+$0x330 ss:$0x11] =	vst.msk $0xffff, v6;
	v4 =	vld.idx.msk [tilespmem:v0+s18+$0x440 ss:$0x1], $0xffff  }
0x6c: {  	s22 =	sadd.s32 $0x80, s22;
	s23 =	sadd.s32 $0x100, s23;
	[tilespmem:s20+$0x440 ss:$0x11] =	vst.msk $0xffff, v9;
	v5 =	vld.idx.msk [tilespmem:v0+s18+$0x450 ss:$0x1], $0xffff  }
0x6d: {  	s24 =	sadd.s32 $0x4, s24;
	s26 =	sand.u32 $0x380, s22;
	s25 =	sand.u32 $0x800, s23;
	[tilespmem:s20+$0x550 ss:$0x11] =	vst.msk $0xffff, v10;
	v6 =	vld.idx.msk [tilespmem:v0+s18+$0x460 ss:$0x1], $0xffff  }
.Ltmp4:
0x6e: {  	_ = 	snop;
	(pc) =	sbr.rel .LBB1_4-.Ltmp4, $1  }
0x6f: {  	_ =	sdelay $0x3  }
.LBB1_6:
0x70: {  	_ =	sfence.sel $0x180000  }
0x71: {  	s2 =	simm.s32 $0x1;
	[bflag:$0x0] =	sbarrier.arrive $0xFFFF  }
0x72: {  	s31 =	simm.s32 $0x2;
	[sflag:s2] =	ssyncpa.u1 $0x1  }
0x73: {  	[sflag:s31] =	ssyncpa.u1 $0x1  }
0x74: {  	p0 =	sne.s32 s0, $0x0;
	_ =	strace $0x90000068  }
0x75: {  	s0 =	sadd.s32 @!p0 $0x100000, s1;
	[bflag:$0x2] =	sbarrier.arrive $0xFFFF  }
0x76: {  	[sflag:s0] =	ssyncadd.tile.s32 @!p0 $0x1;
	_ =	shalt  }
.Lfunc_end1:
_tile_overlayer_lowered:
.L_overlay_start_2:
0x77: {  	(tag) =	ssettag $0x2  }
0x78: {  	s0 =	rddreg [dreg:$0x0];
	s2 =	stileid.u32  }
0x79: {  	s1 =	rddreg [dreg:$0x1];
	p0 =	sne.s32 s2, $0x0  }
0x7a: {  	s3 =	rddreg [dreg:$0x2];
	[bflag:$0x3] =	sbarrier.arrive $0xFFFF;
	s2 =	simm.s32 @!p0 $0x1C01  }
0x7b: {  	[timem:s3], [sflag:s2] =	dma.local @!p0 [hbm:s0], s1  }
0x7c: {  	s0 =	simm.s32 @!p0 $0x1  }
0x7d: {  	_ =	swait.ge @!p0 [sflag:s0], s1  }
0x7e: {  	s1 =	ssub.s32 @!p0 $0x0, s1;
	[sflag:s0] =	ssyncset.done @!p0 $0x0  }
0x7f: {  	[sflag:s0] =	ssyncadd.s32 @!p0 s1  }
0x80: {  	[bflag:$0x3] =	sbarrier.arrive $0xFFFF  }
0x81: {  	_ =	shalt  }

// kernel: sparse-core-data-format-call.3.cloned.1.call-start
scs
called_computation.5_lowered:
.L_overlay_start_0:
0x0: {  	s2 =	sld [smem:$0x3FD9]  }
0x1: {  	s3 =	sld [smem:$0x3FFE];
	_ =	sdelay $0x1  }
0x2: {  	s1 =	srdreg.scid  }
0x3: {  	s0 =	sand.u32 $0x1, s1  }
0x4: {  	s18 =	sshll.u32 s0, $0xA;
	s2 =	sadd.s32 s3, s2  }
0x5: {  	s2 =	sadd.s32 s2, s18  }
0x6: {  	[smem:$0x3FB2] =	sst s2  }
0x7: {  	_ = 	snop  }
0x8: {  	(tm) =	ssettm $0x1  }
0x9: {  	s19 =	sld [smem:$0x3FFB];
	_ =	sdelay $0x3  }
0xa: {  	_ =	strace s19  }
0xb: {  	s2 =	sld [smem:$0x3FFC];
	_ =	sdelay $0x3  }
0xc: {  	_ =	strace s2  }
0xd: {  	s2 =	sld [smem:$0x3FFD];
	_ =	sdelay $0x3  }
0xe: {  	_ =	strace s2  }
0xf: {  	_ =	strace $0x8FFFFFFF  }
0x10: {  	s20 =	sld [smem:$0x3FDB];
	_ =	sdelay $0x1  }
0x11: {  	s21 =	simm.s32 $_scs_section_size  }
0x12: {  	s4 =	simm.s32 $_size__tile_overlayer_lowered;
	s5 =	simm.s32 $_tile_overlayer_lowered  }
0x13: {  	s6 =	simm.s32 $0x1BFF;
	s22 =	sshll.u32 s5, $0x1;
	s3 =	sadd.s32 s21, s20  }
0x14: {  	s23 =	simm.s32 $0x0;
	s4 =	sshll.u32 s4, $0x1;
	s5 =	sadd.s32 s22, s3  }
0x15: {  	[timem:s23], [sflag:s6] =	dma.local [hbm:s5], s4  }
0x16: {  	_ =	swait.ge [sflag:s6], s4  }
0x17: {  	s4 =	ssub.s32 $0x0, s4;
	[sflag:s6] =	ssyncset.done $0x0  }
0x18: {  	[sflag:s6] =	ssyncadd.s32 s4;
	_ =	sdelay $0x1  }
0x19: {  	s24 =	simm.s32 $0x1B8B  }
0x1a: {  	_ =	swait.ge [sflag:s24], $0x1  }
0x1b: {  	[sflag:s24] =	ssyncset.done $0x0  }
0x1c: {  	[sflag:s24] =	ssyncadd.s32 $0xFFFFFFFF  }
0x1d: {  	s4 =	sld [smem:$0x0]  }
0x1e: {  	s5 =	sand.u32 $0xFFFFFFFE, s1  }
0x1f: {  	p0 =	sne.s32 s1, s5  }
0x20: {  	s5 =	sshll.u32 @p0 s5, $0xE  }
0x21: {  	s5 =	sadd.s32 @p0 $0x11B8D, s5;
	s6 =	sshll.u32 @p0 s4, $0x11  }
0x22: {  	s5 =	sor.u32 @p0 s6, s5  }
0x23: {  	[sflag:s5] =	ssyncadd.remote.s32 @p0 $0x1;
	_ =	sdelay $0x1  }
0x24: {  	s5 =	simm.s32 @p0 $0x1B8D  }
0x25: {  	_ =	swait.eq @p0 [sflag:s5], $0x1  }
0x26: {  	[sflag:s5] =	ssyncadd.s32 @p0 $0xFFFFFFFF  }
0x27: {  	s6 =	sshll.u32 @!p0 s1, $0xE  }
0x28: {  	s6 =	sor.u32 @!p0 $0x4000, s6;
	s5 =	simm.s32 @!p0 $0x1B8D  }
0x29: {  	s4 =	sshll.u32 @!p0 s4, $0x11;
	s6 =	sadd.s32 @!p0 $0x11B8D, s6;
	_ =	swait.eq @!p0 [sflag:s5], $0x1  }
0x2a: {  	s4 =	sor.u32 @!p0 s4, s6;
	[sflag:s5] =	ssyncadd.s32 @!p0 $0xFFFFFFFF  }
0x2b: {  	s26 =	simm.s32 $0x1B8E;
	s25 =	sld [smem:$0x3FFE];
	[sflag:s4] =	ssyncadd.remote.s32 @!p0 $0x1  }
0x2c: {  	s27 =	simm.s32 $execute0_lowered;
	[smem:$0x3FD2] =	sst s26  }
0x2d: {  	s5 =	sshll.u32 s27, $0x1;
	_ =	strace $0x8000005E;
	[dreg:$0x1] =	wrdreg $0xFFFFFFFF  }
0x2e: {  	s28 =	simm.s32 $_size_execute0_lowered;
	s3 =	sadd.s32 s3, s5;
	[dreg:$0x0] =	wrdreg $0x0  }
0x2f: {  	s5 =	sshll.u32 s28, $0x1;
	[dreg:$0x2] =	wrdreg s3  }
0x30: {  	[dreg:$0x3] =	wrdreg s5  }
0x31: {  	[dreg:$0x4] =	wrdreg $0xC0  }
0x32: {  	_ =	task [dreg:s23], $0x5FFFF  }
0x33: {  	[dreg:$0x1] =	wrdreg $0xFFFFFFFF  }
0x34: {  	[dreg:$0x0] =	wrdreg $0x60  }
0x35: {  	[dreg:$0x2] =	wrdreg s25  }
0x36: {  	[dreg:$0x3] =	wrdreg $0xB  }
0x37: {  	_ =	task.clear_ibuf [dreg:s23], $0x4FFFF;
	_ =	strace $0x9000005E  }
0x38: {  	s29 =	simm.s32 $0xB;
	_ =	strace $0x80000060  }
0x39: {  	_ =	swait.ge [sflag:s29], $0x1  }
0x3a: {  	[sflag:s29] =	ssyncadd.s32 $0xFFFFFFFF  }
0x3b: {  	_ =	strace $0x90000060  }
0x3c: {  	_ =	sfence  }
0x3d: {  	s30 =	sld [smem:$0x0];
	_ =	sdelay $0x2  }
0x3e: {  	s31 =	sshll.u32 s1, $0xD;
	s1 =	sshrl.u32 s1, $0x2  }
0x3f: {  	s4 =	sand.u32 $0x4000, s31;
	s1 =	sadd.s32 s1, s30  }
0x40: {  	s0 =	sor.u32 s4, s0;
	s1 =	sshll.u32 s1, $0x11  }
0x41: {  	s0 =	sor.u32 s1, s0  }
0x42: {  	s0 =	sadd.s32 $0x8F2B, s0  }
0x43: {  	[sflag:s0] =	ssyncadd.remote.s32 $0x1  }
0x44: {  	_ =	sfence.sel $0xFFFF  }
0x45: {  	[dreg:$0x0] =	wrdreg $0xFFFFFFFF;
	(pc) =	sbr.abs _section_cstart, $3  }
0x46: {  	[dreg:$0x1] =	wrdreg $0xFFFFFFFF  }
0x47: {  	_ =	task.clear_ibuf [dreg:s23], $0x2FFFF;
	_ =	strace $0x9FFFFFFF  }
0x48: {  	(tm) =	ssettm $0x7FFFFFFF  }
0x49: {  	_ =	shalt  }
tec
execute0_lowered:
.L_overlay_start_1:
0x0: {  	(tag) =	ssettag $0x1  }
0x1: {  	s0 =	srdreg.scid  }
0x2: {  	s1 =	sshll.u32 s0, $0x4  }
0x3: {  	s4 =	rddreg [dreg:$0x0];
	s0 =	stileid.u32;
	s1 =	sand.u32 $0x10, s1  }
0x4: {  	s7 =	simm.s32 $0x1;
	s8 =	simm.s32 $0x2;
	s2 =	sor.u32 s0, s1  }
0x5: {  	s11 =	simm.s32 $0x0;
	s3 =	sadd.s32 $0xD64600, s4;
	s2 =	sshll.u32 s2, $0x7  }
0x6: {  	s10 =	simm.s32 $0x0;
	s4 =	sadd.s32 $0x1999600, s4;
	s6 =	ssub.s32 $0xC3500, s2  }
.Ltmp0:
0x7: {  	s1 =	rddreg [dreg:$0x1];
	s5 =	sand.u32 $0xF80, s6;
	(pc) =	sbr.rel .LBB1_1-.Ltmp0, $4  }
0x8: {  	_ =	strace $0x8000005F;
	s9 =	smov.u32 s2;
	p0 =	sne.s32 s5, $0x0  }
0x9: {  	s6 =	sshrl.u32 s6, $0xC;
	s5 =	simm.s32 $0x1;
	s7 =	simm.s32 @!p0 $0x0  }
0xa: {  	[sflag:s5] =	ssyncpa.u1 $0x0;
	p0 =	por $0x0, $0x0;
	s6 =	sadd.s32 s7, s6  }
0xb: {  	[sflag:s8] =	ssyncpa.u1 $0x0;
	s8 =	simm.s32 $0x61A800;
	s7 =	sadd.s32 $0x1, s6  }
.LBB1_4:
0xc: {  	s14 =	sshll.u32 s11, $0x3  }
0xd: {  	s14 =	sand.u32 $0xFFFFFC00, s14  }
0xe: {  	s15 =	sshrl.u32 s14, $0x8  }
0xf: {  	s15 =	smulhi.u32 $0x14F8B59, s15;
	_ =	sdelay $0x1  }
0x10: {  	s15 =	sshrl.u32 s15, $0x4  }
0x11: {  	s28 =	sand.u32 $0x7F, s11;
	s16 =	smul.u32 $0xC3500, s15  }
0x12: {  	s11 =	sor.u32 s28, s14  }
0x13: {  	s29 =	sand.u32 $0x1F, s15;
	s11 =	ssub.s32 s11, s16  }
0x14: {  	s14 =	smul.u32 $0x186A0, s29;
	s30 =	sshrl.u32 s11, $0x3;
	s11 =	sand.u32 $0x7, s11  }
0x15: {  	s15 =	sadd.s32 s4, s30;
	s11 =	sshll.u32 s11, $0x12  }
0x16: {  	[tilespmem:s13+$0x0 ss:$0x81] =	vst.msk $0xffff, v0;
	s31 =	sadd.s32 s14, s15;
	s11 =	sor.u32 $0x400, s11  }
0x17: {  	[hbm4b:s31+s11] =	stream.strided.scatter [tilespmem:s12], [sflag:$0x2], $0x1000, s8, s11, $0x20;
	[tilespmem:$0x4040] =	vst v63  }
.LBB1_5:
0x18: {  	s13 =	sadd.s32 $0x1000, s9  }
0x19: {  	p2 =	sgt.s32 s13, $0xC34FF  }
0x1a: {  	s13 =	smov.u32 @p2 s2;
	p2 =	sne.s32 s10, s7  }
.Ltmp1:
0x1b: {  	p1 =	slt.u32 s10, $0x2;
	(pc) =	sbr.rel @!p2 .LBB1_6-.Ltmp1, $4  }
0x1c: {  	s12 =	simm.s32 @!p1 $0x2  }
0x1d: {  	s14 =	sadd.s32 $0x1, s10;
	_ =	swait.ge @!p1 [sflag:s12], $0x1000  }
0x1e: {  	s11 =	smov.u32 s9;
	p0 =	por !p0, !p0;
	[sflag:s12] =	ssyncset.done @!p1 $0x0  }
0x1f: {  	s10 =	smov.u32 s14;
	s9 =	smov.u32 s13;
	[sflag:s12] =	ssyncadd.s32 @!p1 $0xFFFFF000  }
.LBB1_1:
0x20: {  	p1 =	sge.u32 s10, s6  }
0x21: {  	s12 =	sand.u32 @!p1 $0x1FFFFFF, s9  }
0x22: {  	s13 =	smulhi.u32 @!p1 $0x14F8B59, s12;
	_ =	sdelay $0x1  }
0x23: {  	s13 =	sshrl.u32 @!p1 s13, $0xC  }
0x24: {  	s13 =	smul.u32 @!p1 $0xC3500, s13;
	_ =	sdelay $0x1  }
0x25: {  	s31 =	sadd.s32 $0xFFFFFFFF, s10;
	s14 =	sxor.u32 @!p1 $0xFFFFFFFF, s10;
	s12 =	ssub.s32 @!p1 s12, s13  }
0x26: {  	s15 =	simm.s32 @!p1 $0x80;
	s14 =	sshll.u32 @!p1 s14, $0xC;
	s12 =	sshll.u32 @!p1 s12, $0x4  }
0x27: {  	s13 =	sand.u32 @!p1 $0x1000, s14;
	s14 =	simm.s32 @!p1 $0x20;
	s12 =	sadd.s32 @!p1 s3, s12  }
0x28: {  	[tilespmem:s13], [sflag:$0x1] =	stream.strided.gather @!p1 [hbm4b:s12+s14], $0x1000, s15, s14, $0x38;
	[tilespmem:$0x4040] =	vst v63  }
0x29: {  	p1 =	sge.u32 s31, s6  }
.Ltmp2:
0x2a: {  	_ = 	snop;
	(pc) =	sbr.rel @p1 .LBB1_5-.Ltmp2, $1  }
0x2b: {  	_ =	sdelay $0x3  }
0x2c: {  	s12 =	simm.s32 $0x1  }
0x2d: {  	_ =	swait.ge [sflag:s5], $0x1000;
	s12 =	simm.s32 @!p0 $0x0  }
0x2e: {  	[sflag:s5] =	ssyncset.done $0x0;
	s13 =	sshll.u32 s12, $0xC  }
0x2f: {  	[sflag:s5] =	ssyncadd.s32 $0xFFFFF000;
	s16 =	sor.u32 $0x10, s13  }
0x30: {  	s12 =	smul.u32 $0x4080, s12;
	v1 =	vld [tilespmem:s16+$0x0]  }
0x31: {  	s30 =	sand.u32 $0x1, s10;
	v0 =	vld [tilespmem:s16+$0xFFFFFFF0]  }
0x32: {  	s13 =	smul.u32 $0x4080, s30;
	s12 =	sshrl.u32 s12, $0x2  }
0x33: {  	s14 =	sor.u32 $0x2000, s12  }
0x34: {  	s31 =	sshrl.u32 s13, $0x2;
	s13 =	sadd.s32 $0x0, s14  }
0x35: {  	s15 =	simm.s32 $0x4;
	s16 =	sadd.s32 $0x20, s16;
	s12 =	sor.u32 $0x2000, s31;
	[tilespmem:s13+$0x810 ss:$0x81] =	vst.msk $0xffff, v1  }
.LBB1_3:
0x36: {  	v1 =	vld [tilespmem:s16+$0x0];
	p1 =	sne.s32 s15, $0x1FC;
	[tilespmem:s13+$0x0 ss:$0x81] =	vst.msk $0xffff, v0;
	s13 =	smov.u32 s15;
	s15 =	sadd.s32 $0x4, s15  }
.Ltmp3:
0x37: {  	v0 =	vld [tilespmem:s16+$0xFFFFFFF0];
	(pc) =	sbr.rel @p1 .LBB1_3-.Ltmp3, $4  }
0x38: {  	_ = 	snop  }
0x39: {  	s13 =	sshra.s32 s13, $0x2  }
0x3a: {  	s13 =	sadd.s32 s13, s14  }
0x3b: {  	s16 =	sadd.s32 $0x20, s16;
	[tilespmem:s13+$0x810 ss:$0x81] =	vst.msk $0xffff, v1  }
.Ltmp4:
0x3c: {  	_ = 	snop;
	(pc) =	sbr.rel .LBB1_4-.Ltmp4, $1  }
0x3d: {  	_ =	sdelay $0x3  }
.LBB1_6:
0x3e: {  	_ =	sfence.sel $0x180000  }
0x3f: {  	s2 =	simm.s32 $0x1;
	[bflag:$0x0] =	sbarrier.arrive $0xFFFF  }
0x40: {  	s31 =	simm.s32 $0x2;
	[sflag:s2] =	ssyncpa.u1 $0x1  }
0x41: {  	[sflag:s31] =	ssyncpa.u1 $0x1  }
0x42: {  	p0 =	sne.s32 s0, $0x0;
	_ =	strace $0x9000005F  }
0x43: {  	s0 =	sadd.s32 @!p0 $0x100000, s1;
	[bflag:$0x2] =	sbarrier.arrive $0xFFFF  }
0x44: {  	[sflag:s0] =	ssyncadd.tile.s32 @!p0 $0x1;
	_ =	shalt  }
.Lfunc_end1:
_tile_overlayer_lowered:
.L_overlay_start_2:
0x45: {  	(tag) =	ssettag $0x2  }
0x46: {  	s0 =	rddreg [dreg:$0x0];
	s2 =	stileid.u32  }
0x47: {  	s1 =	rddreg [dreg:$0x1];
	p0 =	sne.s32 s2, $0x0  }
0x48: {  	s3 =	rddreg [dreg:$0x2];
	[bflag:$0x3] =	sbarrier.arrive $0xFFFF;
	s2 =	simm.s32 @!p0 $0x1C01  }
0x49: {  	[timem:s3], [sflag:s2] =	dma.local @!p0 [hbm:s0], s1  }
0x4a: {  	s0 =	simm.s32 @!p0 $0x1  }
0x4b: {  	_ =	swait.ge @!p0 [sflag:s0], s1  }
0x4c: {  	s1 =	ssub.s32 @!p0 $0x0, s1;
	[sflag:s0] =	ssyncset.done @!p0 $0x0  }
0x4d: {  	[sflag:s0] =	ssyncadd.s32 @!p0 s1  }
0x4e: {  	[bflag:$0x3] =	sbarrier.arrive $0xFFFF  }
0x4f: {  	_ =	shalt  }

// kernel: sparse-core-data-format-call.4.cloned.1.call-start
scs
called_computation.6_lowered:
.L_overlay_start_0:
0x0: {  	s2 =	sld [smem:$0x3FD9]  }
0x1: {  	s3 =	sld [smem:$0x3FFE];
	_ =	sdelay $0x1  }
0x2: {  	s1 =	srdreg.scid  }
0x3: {  	s0 =	sand.u32 $0x1, s1  }
0x4: {  	s18 =	sshll.u32 s0, $0xA;
	s2 =	sadd.s32 s3, s2  }
0x5: {  	s2 =	sadd.s32 s2, s18  }
0x6: {  	[smem:$0x3FB2] =	sst s2  }
0x7: {  	_ = 	snop  }
0x8: {  	(tm) =	ssettm $0x1  }
0x9: {  	s19 =	sld [smem:$0x3FFB];
	_ =	sdelay $0x3  }
0xa: {  	_ =	strace s19  }
0xb: {  	s2 =	sld [smem:$0x3FFC];
	_ =	sdelay $0x3  }
0xc: {  	_ =	strace s2  }
0xd: {  	s2 =	sld [smem:$0x3FFD];
	_ =	sdelay $0x3  }
0xe: {  	_ =	strace s2  }
0xf: {  	_ =	strace $0x8FFFFFFF  }
0x10: {  	s20 =	sld [smem:$0x3FDB];
	_ =	sdelay $0x1  }
0x11: {  	s21 =	simm.s32 $_scs_section_size  }
0x12: {  	s4 =	simm.s32 $_size__tile_overlayer_lowered;
	s5 =	simm.s32 $_tile_overlayer_lowered  }
0x13: {  	s6 =	simm.s32 $0x1BFF;
	s22 =	sshll.u32 s5, $0x1;
	s3 =	sadd.s32 s21, s20  }
0x14: {  	s23 =	simm.s32 $0x0;
	s4 =	sshll.u32 s4, $0x1;
	s5 =	sadd.s32 s22, s3  }
0x15: {  	[timem:s23], [sflag:s6] =	dma.local [hbm:s5], s4  }
0x16: {  	_ =	swait.ge [sflag:s6], s4  }
0x17: {  	s4 =	ssub.s32 $0x0, s4;
	[sflag:s6] =	ssyncset.done $0x0  }
0x18: {  	[sflag:s6] =	ssyncadd.s32 s4;
	_ =	sdelay $0x1  }
0x19: {  	s24 =	simm.s32 $0x1B8B  }
0x1a: {  	_ =	swait.ge [sflag:s24], $0x1  }
0x1b: {  	[sflag:s24] =	ssyncset.done $0x0  }
0x1c: {  	[sflag:s24] =	ssyncadd.s32 $0xFFFFFFFF  }
0x1d: {  	s4 =	sld [smem:$0x0]  }
0x1e: {  	s5 =	sand.u32 $0xFFFFFFFE, s1  }
0x1f: {  	p0 =	sne.s32 s1, s5  }
0x20: {  	s5 =	sshll.u32 @p0 s5, $0xE  }
0x21: {  	s5 =	sadd.s32 @p0 $0x11B8D, s5;
	s6 =	sshll.u32 @p0 s4, $0x11  }
0x22: {  	s5 =	sor.u32 @p0 s6, s5  }
0x23: {  	[sflag:s5] =	ssyncadd.remote.s32 @p0 $0x1;
	_ =	sdelay $0x1  }
0x24: {  	s5 =	simm.s32 @p0 $0x1B8D  }
0x25: {  	_ =	swait.eq @p0 [sflag:s5], $0x1  }
0x26: {  	[sflag:s5] =	ssyncadd.s32 @p0 $0xFFFFFFFF  }
0x27: {  	s6 =	sshll.u32 @!p0 s1, $0xE  }
0x28: {  	s6 =	sor.u32 @!p0 $0x4000, s6;
	s5 =	simm.s32 @!p0 $0x1B8D  }
0x29: {  	s4 =	sshll.u32 @!p0 s4, $0x11;
	s6 =	sadd.s32 @!p0 $0x11B8D, s6;
	_ =	swait.eq @!p0 [sflag:s5], $0x1  }
0x2a: {  	s4 =	sor.u32 @!p0 s4, s6;
	[sflag:s5] =	ssyncadd.s32 @!p0 $0xFFFFFFFF  }
0x2b: {  	s26 =	simm.s32 $0x1B8E;
	s25 =	sld [smem:$0x3FFE];
	[sflag:s4] =	ssyncadd.remote.s32 @!p0 $0x1  }
0x2c: {  	s27 =	simm.s32 $execute0_lowered;
	[smem:$0x3FD2] =	sst s26  }
0x2d: {  	s5 =	sshll.u32 s27, $0x1;
	_ =	strace $0x8000005B;
	[dreg:$0x1] =	wrdreg $0xFFFFFFFF  }
0x2e: {  	s28 =	simm.s32 $_size_execute0_lowered;
	s3 =	sadd.s32 s3, s5;
	[dreg:$0x0] =	wrdreg $0x0  }
0x2f: {  	s5 =	sshll.u32 s28, $0x1;
	[dreg:$0x2] =	wrdreg s3  }
0x30: {  	[dreg:$0x3] =	wrdreg s5  }
0x31: {  	[dreg:$0x4] =	wrdreg $0xC0  }
0x32: {  	_ =	task [dreg:s23], $0x5FFFF  }
0x33: {  	[dreg:$0x1] =	wrdreg $0xFFFFFFFF  }
0x34: {  	[dreg:$0x0] =	wrdreg $0x60  }
0x35: {  	[dreg:$0x2] =	wrdreg s25  }
0x36: {  	[dreg:$0x3] =	wrdreg $0x9  }
0x37: {  	_ =	task.clear_ibuf [dreg:s23], $0x4FFFF;
	_ =	strace $0x9000005B  }
0x38: {  	s29 =	simm.s32 $0x9;
	_ =	strace $0x8000005D  }
0x39: {  	_ =	swait.ge [sflag:s29], $0x1  }
0x3a: {  	[sflag:s29] =	ssyncadd.s32 $0xFFFFFFFF  }
0x3b: {  	_ =	strace $0x9000005D  }
0x3c: {  	_ =	sfence  }
0x3d: {  	s30 =	sld [smem:$0x0];
	_ =	sdelay $0x2  }
0x3e: {  	s31 =	sshll.u32 s1, $0xD;
	s1 =	sshrl.u32 s1, $0x2  }
0x3f: {  	s4 =	sand.u32 $0x4000, s31;
	s1 =	sadd.s32 s1, s30  }
0x40: {  	s0 =	sor.u32 s4, s0;
	s1 =	sshll.u32 s1, $0x11  }
0x41: {  	s0 =	sor.u32 s1, s0  }
0x42: {  	s0 =	sadd.s32 $0x8F2B, s0  }
0x43: {  	[sflag:s0] =	ssyncadd.remote.s32 $0x1  }
0x44: {  	_ =	sfence.sel $0xFFFF  }
0x45: {  	[dreg:$0x0] =	wrdreg $0xFFFFFFFF;
	(pc) =	sbr.abs _section_cstart, $3  }
0x46: {  	[dreg:$0x1] =	wrdreg $0xFFFFFFFF  }
0x47: {  	_ =	task.clear_ibuf [dreg:s23], $0x2FFFF;
	_ =	strace $0x9FFFFFFF  }
0x48: {  	(tm) =	ssettm $0x7FFFFFFF  }
0x49: {  	_ =	shalt  }
tec
execute0_lowered:
.L_overlay_start_1:
0x0: {  	(tag) =	ssettag $0x1  }
0x1: {  	s0 =	srdreg.scid  }
0x2: {  	s6 =	rddreg [dreg:$0x0];
	s7 =	simm.s32 $0x1;
	s1 =	sshll.u32 s0, $0x4  }
0x3: {  	s8 =	simm.s32 $0x2;
	s0 =	stileid.u32;
	s1 =	sand.u32 $0x10, s1  }
0x4: {  	s13 =	simm.s32 $0x0;
	s12 =	simm.s32 $0x0;
	s1 =	sor.u32 s0, s1  }
0x5: {  	s10 =	simm.s32 $0x0;
	s3 =	sadd.s32 $0x6E8200, s6;
	s2 =	sshll.u32 s1, $0x8  }
0x6: {  	s11 =	simm.s32 $0x0;
	s6 =	sadd.s32 $0x58EC400, s6;
	s5 =	ssub.s32 $0xC3500, s2  }
.Ltmp0:
0x7: {  	s1 =	rddreg [dreg:$0x1];
	s4 =	sand.u32 $0x1F00, s5;
	(pc) =	sbr.rel .LBB1_1-.Ltmp0, $4  }
0x8: {  	_ =	strace $0x8000005C;
	s9 =	smov.u32 s2;
	p0 =	sne.s32 s4, $0x0  }
0x9: {  	s5 =	sshrl.u32 s5, $0xD;
	s4 =	simm.s32 $0x1;
	s7 =	simm.s32 @!p0 $0x0  }
0xa: {  	[sflag:s4] =	ssyncpa.u1 $0x0;
	p0 =	por $0x0, $0x0;
	s5 =	sadd.s32 s7, s5  }
0xb: {  	[sflag:s8] =	ssyncpa.u1 $0x0;
	s8 =	simm.s32 $0x80;
	s7 =	sadd.s32 $0x1, s5  }
.LBB1_4:
0xc: {  	_ =	sdelay $0x3  }
0xd: {  	s21 =	sor.u32 s24, s23;
	v47 =	vld.idx.msk [tilespmem:v0+s16+$0x470 ss:$0x1], $0xffff  }
0xe: {  	v57 =	vld.idx.msk [tilespmem:v0+s21+$0x410 ss:$0x1], $0xffff  }
0xf: {  	v58 =	vld.idx.msk [tilespmem:v0+s21+$0x420 ss:$0x1], $0xffff  }
0x10: {  	[tilespmem:s18+$0x660 ss:$0x11] =	vst.msk $0xffff, v8;
	v59 =	vld.idx.msk [tilespmem:v0+s21+$0x430 ss:$0x1], $0xffff  }
0x11: {  	[tilespmem:s18+$0x770 ss:$0x11] =	vst.msk $0xffff, v7;
	v60 =	vld.idx.msk [tilespmem:v0+s21+$0x440 ss:$0x1], $0xffff  }
0x12: {  	[tilespmem:s18+$0x990 ss:$0x11] =	vst.msk $0xffff, v1;
	s22 =	sand.u32 $0xB00, s21;
	v61 =	vld.idx.msk [tilespmem:v0+s21+$0x450 ss:$0x1], $0xffff  }
0x13: {  	s20 =	sand.u32 $0x80, s20;
	[tilespmem:s18+$0xAA0 ss:$0x11] =	vst.msk $0xffff, v2;
	v62 =	vld.idx.msk [tilespmem:v0+s21+$0x460 ss:$0x1], $0xffff;
	s15 =	sadd.s32 s22, s15  }
0x14: {  	[tilespmem:s18+$0xBB0 ss:$0x11] =	vst.msk $0xffff, v3;
	v63 =	vld.idx.msk [tilespmem:v0+s21+$0x470 ss:$0x1], $0xffff;
	s15 =	sadd.s32 s20, s15  }
0x15: {  	[tilespmem:s18+$0xCC0 ss:$0x11] =	vst.msk $0xffff, v4;
	v48 =	vld [tilespmem:s15+$0x400]  }
0x16: {  	[tilespmem:s18+$0xDD0 ss:$0x11] =	vst.msk $0xffff, v5;
	v49 =	vld [tilespmem:s15+$0x0]  }
0x17: {  	s25 =	sshra.s32 s19, $0x2;
	[tilespmem:s18+$0xEE0 ss:$0x11] =	vst.msk $0xffff, v6;
	v50 =	vld [tilespmem:s15+$0x10]  }
0x18: {  	s16 =	sadd.s32 s25, s17;
	v51 =	vld [tilespmem:s15+$0x20];
	[tilespmem:s18+$0xFF0 ss:$0x11] =	vst.msk $0xffff, v47  }
0x19: {  	v52 =	vld [tilespmem:s15+$0x30];
	[tilespmem:s16+$0x990 ss:$0x11] =	vst.msk $0xffff, v57  }
0x1a: {  	v53 =	vld [tilespmem:s15+$0x40];
	[tilespmem:s16+$0xAA0 ss:$0x11] =	vst.msk $0xffff, v58  }
0x1b: {  	v54 =	vld [tilespmem:s15+$0x50];
	[tilespmem:s16+$0xBB0 ss:$0x11] =	vst.msk $0xffff, v59  }
0x1c: {  	s13 =	sshll.u32 s13, $0x7;
	s26 =	sshll.u32 s12, $0x3;
	v55 =	vld [tilespmem:s15+$0x60];
	[tilespmem:s16+$0xCC0 ss:$0x11] =	vst.msk $0xffff, v60  }
0x1d: {  	s27 =	sand.u32 $0xFFFFFC00, s13;
	v56 =	vld [tilespmem:s15+$0x70];
	s15 =	sand.u32 $0xFFFFFC00, s26;
	[tilespmem:s16+$0xDD0 ss:$0x11] =	vst.msk $0xffff, v61  }
0x1e: {  	s13 =	sand.u32 $0x380, s13;
	s15 =	sadd.s32 s15, s27;
	[tilespmem:s16+$0xEE0 ss:$0x11] =	vst.msk $0xffff, v62  }
0x1f: {  	s13 =	sor.u32 s13, s15;
	[tilespmem:s16+$0xFF0 ss:$0x11] =	vst.msk $0xffff, v63  }
0x20: {  	s13 =	sshrl.u32 s13, $0x7;
	[tilespmem:s16+$0x880 ss:$0x11] =	vst.msk $0xffff, v48  }
0x21: {  	s28 =	smulhi.u32 $0x14F8B59, s13;
	[tilespmem:s16+$0x0 ss:$0x11] =	vst.msk $0xffff, v49  }
0x22: {  	[tilespmem:s16+$0x110 ss:$0x11] =	vst.msk $0xffff, v50  }
0x23: {  	[tilespmem:s16+$0x220 ss:$0x11] =	vst.msk $0xffff, v51;
	s15 =	sshrl.u32 s28, $0xC  }
0x24: {  	[tilespmem:s16+$0x330 ss:$0x11] =	vst.msk $0xffff, v52;
	s15 =	smul.u32 $0xC3500, s15  }
0x25: {  	s29 =	sshrl.u32 s12, $0x3;
	[tilespmem:s16+$0x440 ss:$0x11] =	vst.msk $0xffff, v53  }
0x26: {  	s31 =	sand.u32 $0x7, s12;
	s30 =	sand.u32 $0xF, s29;
	[tilespmem:s16+$0x550 ss:$0x11] =	vst.msk $0xffff, v54;
	s13 =	ssub.s32 s13, s15  }
0x27: {  	s12 =	sshll.u32 s31, $0x12;
	[tilespmem:s16+$0x660 ss:$0x11] =	vst.msk $0xffff, v55;
	s15 =	sadd.s32 s6, s30;
	s13 =	sshll.u32 s13, $0x4  }
0x28: {  	s12 =	sor.u32 $0x10, s12;
	[tilespmem:s16+$0x770 ss:$0x11] =	vst.msk $0xffff, v56;
	s13 =	sadd.s32 s13, s15  }
0x29: {  	[hbm4b:s13+s12] =	stream.strided.scatter [tilespmem:s14], [sflag:$0x2], $0x1000, s8, s12, $0x8;
	[tilespmem:$0x4200] =	vst v63  }
.LBB1_5:
0x2a: {  	s14 =	sadd.s32 $0x2000, s9  }
0x2b: {  	s12 =	sadd.s32 $0x10, s10;
	s16 =	smov.u32 s10;
	p2 =	sgt.s32 s14, $0xC34FF  }
0x2c: {  	s16 =	smov.u32 @p2 s12  }
0x2d: {  	s14 =	smov.u32 @p2 s2;
	p2 =	sgt.s32 s16, $0xF  }
0x2e: {  	s16 =	simm.s32 @p2 $0x0;
	p2 =	sne.s32 s11, s7  }
.Ltmp1:
0x2f: {  	p1 =	slt.u32 s11, $0x2;
	(pc) =	sbr.rel @!p2 .LBB1_6-.Ltmp1, $4  }
0x30: {  	s15 =	simm.s32 @!p1 $0x2  }
0x31: {  	s13 =	smov.u32 s9;
	p0 =	por !p0, !p0;
	_ =	swait.ge @!p1 [sflag:s15], $0x1000  }
0x32: {  	s12 =	smov.u32 s10;
	[sflag:s15] =	ssyncset.done @!p1 $0x0;
	s9 =	smov.u32 s14  }
0x33: {  	s11 =	sadd.s32 $0x1, s11;
	[sflag:s15] =	ssyncadd.s32 @!p1 $0xFFFFF000;
	s10 =	smov.u32 s16  }
.LBB1_1:
0x34: {  	p1 =	sge.u32 s11, s5  }
0x35: {  	s14 =	sshrl.u32 @!p1 s10, $0x3  }
0x36: {  	s15 =	sshll.u32 @!p1 s9, $0x3;
	s14 =	smul.u32 @!p1 $0x61A800, s14  }
0x37: {  	s16 =	sshll.u32 @!p1 s10, $0x7;
	s15 =	sand.u32 @!p1 $0xFFFFFC00, s15  }
0x38: {  	s14 =	sadd.s32 @!p1 s14, s15;
	s15 =	sand.u32 @!p1 $0x380, s16  }
0x39: {  	s14 =	sor.u32 @!p1 s15, s14  }
0x3a: {  	s15 =	sshrl.u32 @!p1 s14, $0x8  }
0x3b: {  	s15 =	smulhi.u32 @!p1 $0x14F8B59, s15;
	_ =	sdelay $0x1  }
0x3c: {  	s15 =	sshrl.u32 @!p1 s15, $0x4  }
0x3d: {  	s16 =	sand.u32 @!p1 $0x7F, s9;
	s17 =	smul.u32 @!p1 $0xC3500, s15  }
0x3e: {  	s31 =	sadd.s32 $0xFFFFFFFF, s11;
	s14 =	sor.u32 @!p1 s16, s14;
	s16 =	sxor.u32 @!p1 $0xFFFFFFFF, s11  }
0x3f: {  	s16 =	sshll.u32 @!p1 s16, $0xC;
	s15 =	sand.u32 @!p1 $0xF, s15;
	s14 =	ssub.s32 @!p1 s14, s17  }
0x40: {  	s15 =	smul.u32 @!p1 $0x186A0, s15;
	s17 =	sshrl.u32 @!p1 s14, $0x3;
	s14 =	sand.u32 @!p1 $0x7, s14  }
0x41: {  	s16 =	sand.u32 @!p1 $0x1000, s16;
	s17 =	sadd.s32 @!p1 s3, s17;
	s14 =	sshll.u32 @!p1 s14, $0x12  }
0x42: {  	s15 =	sadd.s32 @!p1 s15, s17;
	s14 =	sor.u32 @!p1 $0x800, s14;
	s17 =	simm.s32 @!p1 $0x61A800  }
0x43: {  	[tilespmem:s16], [sflag:$0x1] =	stream.strided.gather @!p1 [hbm4b:s15+s14], $0x1000, s17, s14, $0x38;
	[tilespmem:$0x4200] =	vst v63  }
0x44: {  	p1 =	sge.u32 s31, s5  }
.Ltmp2:
0x45: {  	_ = 	snop;
	(pc) =	sbr.rel @p1 .LBB1_5-.Ltmp2, $1  }
0x46: {  	_ =	sdelay $0x3  }
0x47: {  	s17 =	simm.s32 $0x0  }
0x48: {  	s16 =	sand.u32 $0x800, s17;
	s18 =	sand.u32 $0x380, s17  }
0x49: {  	s14 =	sand.u32 $0x1, s11;
	s16 =	sor.u32 s18, s16  }
0x4a: {  	_ =	swait.ge [sflag:s4], $0x1000;
	s15 =	sshll.u32 s14, $0xC;
	s18 =	sand.u32 $0xB00, s16  }
0x4b: {  	[sflag:s4] =	ssyncset.done $0x0;
	s17 =	sand.u32 $0x80, s17;
	s18 =	sadd.s32 s18, s15  }
0x4c: {  	[sflag:s4] =	ssyncadd.s32 $0xFFFFF000;
	s20 =	sadd.s32 s17, s18  }
0x4d: {  	v4 =	vld [tilespmem:s20+$0x400]  }
0x4e: {  	s19 =	simm.s32 $0x1;
	v5 =	vld [tilespmem:s20+$0x0]  }
0x4f: {  	s19 =	simm.s32 @!p0 $0x0;
	v6 =	vld [tilespmem:s20+$0x10]  }
0x50: {  	v0 =	vmov s15;
	s31 =	smul.u32 $0x4400, s19;
	v7 =	vld [tilespmem:s20+$0x20]  }
0x51: {  	v9 =	vld [tilespmem:s20+$0x30]  }
0x52: {  	s17 =	sshrl.u32 s31, $0x2;
	v10 =	vld [tilespmem:s20+$0x40]  }
0x53: {  	s17 =	sor.u32 $0x2000, s17;
	v11 =	vld [tilespmem:s20+$0x50]  }
0x54: {  	v8 =	vld [tilespmem:s20+$0x60];
	s18 =	sadd.s32 $0x0, s17  }
0x55: {  	v1 =	vld.idx.msk [tilespmem:v0+s16+$0x410 ss:$0x1], $0xffff;
	[tilespmem:s18+$0x880 ss:$0x11] =	vst.msk $0xffff, v4  }
0x56: {  	v2 =	vld.idx.msk [tilespmem:v0+s16+$0x420 ss:$0x1], $0xffff;
	[tilespmem:s18+$0x0 ss:$0x11] =	vst.msk $0xffff, v5  }
0x57: {  	v3 =	vld.idx.msk [tilespmem:v0+s16+$0x430 ss:$0x1], $0xffff;
	[tilespmem:s18+$0x110 ss:$0x11] =	vst.msk $0xffff, v6  }
0x58: {  	s14 =	smul.u32 $0x4400, s14;
	[tilespmem:s18+$0x220 ss:$0x11] =	vst.msk $0xffff, v7;
	v7 =	vld [tilespmem:s20+$0x70]  }
0x59: {  	s21 =	simm.s32 $0x100;
	s22 =	simm.s32 $0x8;
	[tilespmem:s18+$0x330 ss:$0x11] =	vst.msk $0xffff, v9;
	v4 =	vld.idx.msk [tilespmem:v0+s16+$0x440 ss:$0x1], $0xffff  }
0x5a: {  	s23 =	sand.u32 $0x800, s21;
	s14 =	sshrl.u32 s14, $0x2;
	[tilespmem:s18+$0x440 ss:$0x11] =	vst.msk $0xffff, v10;
	v5 =	vld.idx.msk [tilespmem:v0+s16+$0x450 ss:$0x1], $0xffff;
	s20 =	simm.s32 $0x80  }
0x5b: {  	s19 =	simm.s32 $0x4;
	s14 =	sor.u32 $0x2000, s14;
	[tilespmem:s18+$0x550 ss:$0x11] =	vst.msk $0xffff, v11;
	v6 =	vld.idx.msk [tilespmem:v0+s16+$0x460 ss:$0x1], $0xffff;
	s24 =	sand.u32 $0x380, s20  }
.LBB1_3:
0x5c: {  	p1 =	sne.s32 s22, $0x3C;
	[tilespmem:s18+$0x660 ss:$0x11] =	vst.msk $0xffff, v8;
	v8 =	vld.idx.msk [tilespmem:v0+s16+$0x470 ss:$0x1], $0xffff;
	s16 =	sor.u32 s24, s23  }
0x5d: {  	s23 =	sand.u32 $0xB00, s16;
	v9 =	vld.idx.msk [tilespmem:v0+s16+$0x410 ss:$0x1], $0xffff;
	[tilespmem:s18+$0x770 ss:$0x11] =	vst.msk $0xffff, v7  }
0x5e: {  	s24 =	sand.u32 $0x80, s20;
	s23 =	sadd.s32 s23, s15;
	v7 =	vld.idx.msk [tilespmem:v0+s16+$0x420 ss:$0x1], $0xffff;
	[tilespmem:s18+$0x990 ss:$0x11] =	vst.msk $0xffff, v1  }
0x5f: {  	s23 =	sadd.s32 s24, s23;
	v10 =	vld.idx.msk [tilespmem:v0+s16+$0x430 ss:$0x1], $0xffff;
	[tilespmem:s18+$0xAA0 ss:$0x11] =	vst.msk $0xffff, v2  }
0x60: {  	v11 =	vld [tilespmem:s23+$0x400];
	[tilespmem:s18+$0xBB0 ss:$0x11] =	vst.msk $0xffff, v3  }
0x61: {  	v12 =	vld [tilespmem:s23+$0x0];
	[tilespmem:s18+$0xCC0 ss:$0x11] =	vst.msk $0xffff, v4  }
0x62: {  	v4 =	vld [tilespmem:s23+$0x10];
	[tilespmem:s18+$0xDD0 ss:$0x11] =	vst.msk $0xffff, v5  }
0x63: {  	s24 =	sshra.s32 s19, $0x2;
	s19 =	smov.u32 s22;
	v1 =	vmov v9;
	v5 =	vld [tilespmem:s23+$0x20];
	[tilespmem:s18+$0xEE0 ss:$0x11] =	vst.msk $0xffff, v6  }
0x64: {  	v2 =	vmov v7;
	v6 =	vld [tilespmem:s23+$0x30];
	[tilespmem:s18+$0xFF0 ss:$0x11] =	vst.msk $0xffff, v8;
	s18 =	sadd.s32 s24, s17  }
0x65: {  	v3 =	vmov v10;
	v9 =	vld [tilespmem:s23+$0x40];
	[tilespmem:s18+$0x880 ss:$0x11] =	vst.msk $0xffff, v11  }
0x66: {  	[tilespmem:s18+$0x0 ss:$0x11] =	vst.msk $0xffff, v12;
	v10 =	vld [tilespmem:s23+$0x50]  }
.Ltmp3:
0x67: {  	[tilespmem:s18+$0x110 ss:$0x11] =	vst.msk $0xffff, v4;
	v8 =	vld [tilespmem:s23+$0x60];
	(pc) =	sbr.rel @p1 .LBB1_3-.Ltmp3, $4  }
0x68: {  	[tilespmem:s18+$0x220 ss:$0x11] =	vst.msk $0xffff, v5;
	v7 =	vld [tilespmem:s23+$0x70]  }
0x69: {  	[tilespmem:s18+$0x330 ss:$0x11] =	vst.msk $0xffff, v6;
	v4 =	vld.idx.msk [tilespmem:v0+s16+$0x440 ss:$0x1], $0xffff  }
0x6a: {  	s20 =	sadd.s32 $0x80, s20;
	s21 =	sadd.s32 $0x100, s21;
	[tilespmem:s18+$0x440 ss:$0x11] =	vst.msk $0xffff, v9;
	v5 =	vld.idx.msk [tilespmem:v0+s16+$0x450 ss:$0x1], $0xffff  }
0x6b: {  	s22 =	sadd.s32 $0x4, s22;
	s24 =	sand.u32 $0x380, s20;
	s23 =	sand.u32 $0x800, s21;
	[tilespmem:s18+$0x550 ss:$0x11] =	vst.msk $0xffff, v10;
	v6 =	vld.idx.msk [tilespmem:v0+s16+$0x460 ss:$0x1], $0xffff  }
.Ltmp4:
0x6c: {  	_ = 	snop;
	(pc) =	sbr.rel .LBB1_4-.Ltmp4, $1  }
0x6d: {  	_ =	sdelay $0x3  }
.LBB1_6:
0x6e: {  	_ =	sfence.sel $0x180000  }
0x6f: {  	s2 =	simm.s32 $0x1;
	[bflag:$0x0] =	sbarrier.arrive $0xFFFF  }
0x70: {  	s31 =	simm.s32 $0x2;
	[sflag:s2] =	ssyncpa.u1 $0x1  }
0x71: {  	[sflag:s31] =	ssyncpa.u1 $0x1  }
0x72: {  	p0 =	sne.s32 s0, $0x0;
	_ =	strace $0x9000005C  }
0x73: {  	s0 =	sadd.s32 @!p0 $0x100000, s1;
	[bflag:$0x2] =	sbarrier.arrive $0xFFFF  }
0x74: {  	[sflag:s0] =	ssyncadd.tile.s32 @!p0 $0x1;
	_ =	shalt  }
.Lfunc_end1:
_tile_overlayer_lowered:
.L_overlay_start_2:
0x75: {  	(tag) =	ssettag $0x2  }
0x76: {  	s0 =	rddreg [dreg:$0x0];
	s2 =	stileid.u32  }
0x77: {  	s1 =	rddreg [dreg:$0x1];
	p0 =	sne.s32 s2, $0x0  }
0x78: {  	s3 =	rddreg [dreg:$0x2];
	[bflag:$0x3] =	sbarrier.arrive $0xFFFF;
	s2 =	simm.s32 @!p0 $0x1C01  }
0x79: {  	[timem:s3], [sflag:s2] =	dma.local @!p0 [hbm:s0], s1  }
0x7a: {  	s0 =	simm.s32 @!p0 $0x1  }
0x7b: {  	_ =	swait.ge @!p0 [sflag:s0], s1  }
0x7c: {  	s1 =	ssub.s32 @!p0 $0x0, s1;
	[sflag:s0] =	ssyncset.done @!p0 $0x0  }
0x7d: {  	[sflag:s0] =	ssyncadd.s32 @!p0 s1  }
0x7e: {  	[bflag:$0x3] =	sbarrier.arrive $0xFFFF  }
0x7f: {  	_ =	shalt  }

// kernel: sparse-core-data-format-call.5.cloned.1.call-start
scs
called_computation.7_lowered:
.L_overlay_start_0:
0x0: {  	s1 =	sld [smem:$0x3FD9]  }
0x1: {  	s2 =	sld [smem:$0x3FFE];
	_ =	sdelay $0x1  }
0x2: {  	s3 =	srdreg.scid  }
0x3: {  	s0 =	sand.u32 $0x1, s3  }
0x4: {  	s17 =	sshll.u32 s0, $0xA;
	s1 =	sadd.s32 s2, s1  }
0x5: {  	s1 =	sadd.s32 s1, s17  }
0x6: {  	[smem:$0x3FB2] =	sst s1  }
0x7: {  	_ = 	snop  }
0x8: {  	(tm) =	ssettm $0x1  }
0x9: {  	s18 =	sld [smem:$0x3FFB];
	_ =	sdelay $0x3  }
0xa: {  	_ =	strace s18  }
0xb: {  	s1 =	sld [smem:$0x3FFC];
	_ =	sdelay $0x3  }
0xc: {  	_ =	strace s1  }
0xd: {  	s1 =	sld [smem:$0x3FFD];
	_ =	sdelay $0x3  }
0xe: {  	_ =	strace s1  }
0xf: {  	_ =	strace $0x8FFFFFFF  }
0x10: {  	s19 =	sld [smem:$0x3FDB];
	_ =	sdelay $0x1  }
0x11: {  	s20 =	simm.s32 $_scs_section_size  }
0x12: {  	s4 =	simm.s32 $_size__tile_overlayer_lowered;
	s5 =	simm.s32 $_tile_overlayer_lowered  }
0x13: {  	s23 =	simm.s32 $0x1BFF;
	s22 =	sshll.u32 s5, $0x1;
	s1 =	sadd.s32 s20, s19  }
0x14: {  	s6 =	simm.s32 $0x0;
	s21 =	sshll.u32 s4, $0x1;
	s4 =	sadd.s32 s22, s1  }
0x15: {  	[timem:s6], [sflag:s23] =	dma.local [hbm:s4], s21  }
0x16: {  	_ =	swait.ge [sflag:s23], s21  }
0x17: {  	s2 =	ssub.s32 $0x0, s21;
	[sflag:s23] =	ssyncset.done $0x0  }
0x18: {  	[sflag:s23] =	ssyncadd.s32 s2;
	_ =	sdelay $0x1  }
0x19: {  	s24 =	simm.s32 $0x1B8B  }
0x1a: {  	_ =	swait.ge [sflag:s24], $0x1  }
0x1b: {  	[sflag:s24] =	ssyncset.done $0x0  }
0x1c: {  	s26 =	simm.s32 $0x1B8E;
	s25 =	sld [smem:$0x3FFE];
	[sflag:s24] =	ssyncadd.s32 $0xFFFFFFFF  }
0x1d: {  	s27 =	simm.s32 $execute0_lowered;
	[smem:$0x3FD2] =	sst s26  }
0x1e: {  	s4 =	sshll.u32 s27, $0x1;
	_ =	strace $0x8000004F;
	[dreg:$0x1] =	wrdreg $0xFFFFFFFF  }
0x1f: {  	s28 =	simm.s32 $_size_execute0_lowered;
	s1 =	sadd.s32 s1, s4;
	[dreg:$0x0] =	wrdreg $0x0  }
0x20: {  	s4 =	sshll.u32 s28, $0x1;
	[dreg:$0x2] =	wrdreg s1  }
0x21: {  	[dreg:$0x3] =	wrdreg s4  }
0x22: {  	[dreg:$0x4] =	wrdreg $0xC0  }
0x23: {  	_ =	task [dreg:s6], $0x5FFFF  }
0x24: {  	[dreg:$0x1] =	wrdreg $0xFFFFFFFF  }
0x25: {  	[dreg:$0x0] =	wrdreg $0x60  }
0x26: {  	[dreg:$0x2] =	wrdreg s25  }
0x27: {  	[dreg:$0x3] =	wrdreg $0x9  }
0x28: {  	_ =	task.clear_ibuf [dreg:s6], $0x4FFFF;
	_ =	strace $0x9000004F  }
0x29: {  	s29 =	simm.s32 $0x9;
	_ =	strace $0x80000051  }
0x2a: {  	_ =	swait.ge [sflag:s29], $0x1  }
0x2b: {  	[sflag:s29] =	ssyncadd.s32 $0xFFFFFFFF  }
0x2c: {  	_ =	strace $0x90000051  }
0x2d: {  	_ =	sfence  }
0x2e: {  	s30 =	sld [smem:$0x0];
	_ =	sdelay $0x2  }
0x2f: {  	s31 =	sshll.u32 s3, $0xD;
	s3 =	sshrl.u32 s3, $0x2  }
0x30: {  	s2 =	sand.u32 $0x4000, s31;
	s1 =	sadd.s32 s3, s30  }
0x31: {  	s0 =	sor.u32 s2, s0;
	s1 =	sshll.u32 s1, $0x11  }
0x32: {  	s0 =	sor.u32 s1, s0  }
0x33: {  	s0 =	sadd.s32 $0x8F2B, s0  }
0x34: {  	[sflag:s0] =	ssyncadd.remote.s32 $0x1  }
0x35: {  	_ =	sfence.sel $0xFFFF  }
0x36: {  	[dreg:$0x0] =	wrdreg $0xFFFFFFFF;
	(pc) =	sbr.abs _section_cstart, $3  }
0x37: {  	[dreg:$0x1] =	wrdreg $0xFFFFFFFF  }
0x38: {  	_ =	task.clear_ibuf [dreg:s6], $0x2FFFF;
	_ =	strace $0x9FFFFFFF  }
0x39: {  	(tm) =	ssettm $0x7FFFFFFF  }
tec
execute0_lowered:
.L_overlay_start_1:
0x0: {  	(tag) =	ssettag $0x1  }
0x1: {  	s0 =	srdreg.scid  }
0x2: {  	s6 =	rddreg [dreg:$0x0];
	s7 =	simm.s32 $0x1;
	s1 =	sshll.u32 s0, $0x4  }
0x3: {  	s8 =	simm.s32 $0x2;
	s0 =	stileid.u32;
	s1 =	sand.u32 $0x10, s1  }
0x4: {  	s13 =	simm.s32 $0x0;
	s12 =	simm.s32 $0x0;
	s1 =	sor.u32 s0, s1  }
0x5: {  	s10 =	simm.s32 $0x0;
	s3 =	sadd.s32 $0xE27A00, s6;
	s2 =	sshll.u32 s1, $0x8  }
0x6: {  	s11 =	simm.s32 $0x0;
	s6 =	sadd.s32 $0x12BB800, s6;
	s5 =	ssub.s32 $0xC3500, s2  }
.Ltmp0:
0x7: {  	s1 =	rddreg [dreg:$0x1];
	s4 =	sand.u32 $0x1F00, s5;
	(pc) =	sbr.rel .LBB1_1-.Ltmp0, $4  }
0x8: {  	_ =	strace $0x80000050;
	s9 =	smov.u32 s2;
	p0 =	sne.s32 s4, $0x0  }
0x9: {  	s5 =	sshrl.u32 s5, $0xD;
	s4 =	simm.s32 $0x1;
	s7 =	simm.s32 @!p0 $0x0  }
0xa: {  	[sflag:s4] =	ssyncpa.u1 $0x0;
	p0 =	por $0x0, $0x0;
	s5 =	sadd.s32 s7, s5  }
0xb: {  	[sflag:s8] =	ssyncpa.u1 $0x0;
	s8 =	simm.s32 $0x80;
	s7 =	sadd.s32 $0x1, s5  }
.LBB1_4:
0xc: {  	_ =	sdelay $0x3  }
0xd: {  	s21 =	sor.u32 s24, s23;
	v47 =	vld.idx.msk [tilespmem:v0+s16+$0x470 ss:$0x1], $0xffff  }
0xe: {  	v57 =	vld.idx.msk [tilespmem:v0+s21+$0x410 ss:$0x1], $0xffff  }
0xf: {  	v58 =	vld.idx.msk [tilespmem:v0+s21+$0x420 ss:$0x1], $0xffff  }
0x10: {  	[tilespmem:s18+$0x1860 ss:$0x41] =	vst.msk $0xffff, v8;
	v59 =	vld.idx.msk [tilespmem:v0+s21+$0x430 ss:$0x1], $0xffff  }
0x11: {  	[tilespmem:s18+$0x1C70 ss:$0x41] =	vst.msk $0xffff, v7;
	v60 =	vld.idx.msk [tilespmem:v0+s21+$0x440 ss:$0x1], $0xffff  }
0x12: {  	[tilespmem:s18+$0x2490 ss:$0x41] =	vst.msk $0xffff, v1;
	s22 =	sand.u32 $0x3B00, s21;
	v61 =	vld.idx.msk [tilespmem:v0+s21+$0x450 ss:$0x1], $0xffff  }
0x13: {  	s20 =	sand.u32 $0x80, s20;
	[tilespmem:s18+$0x28A0 ss:$0x41] =	vst.msk $0xffff, v2;
	v62 =	vld.idx.msk [tilespmem:v0+s21+$0x460 ss:$0x1], $0xffff;
	s15 =	sadd.s32 s22, s15  }
0x14: {  	[tilespmem:s18+$0x2CB0 ss:$0x41] =	vst.msk $0xffff, v3;
	v63 =	vld.idx.msk [tilespmem:v0+s21+$0x470 ss:$0x1], $0xffff;
	s15 =	sadd.s32 s20, s15  }
0x15: {  	[tilespmem:s18+$0x30C0 ss:$0x41] =	vst.msk $0xffff, v4;
	v48 =	vld [tilespmem:s15+$0x400]  }
0x16: {  	[tilespmem:s18+$0x34D0 ss:$0x41] =	vst.msk $0xffff, v5;
	v49 =	vld [tilespmem:s15+$0x0]  }
0x17: {  	s25 =	sshra.s32 s19, $0x2;
	[tilespmem:s18+$0x38E0 ss:$0x41] =	vst.msk $0xffff, v6;
	v50 =	vld [tilespmem:s15+$0x10]  }
0x18: {  	s16 =	sadd.s32 s25, s17;
	v51 =	vld [tilespmem:s15+$0x20];
	[tilespmem:s18+$0x3CF0 ss:$0x41] =	vst.msk $0xffff, v47  }
0x19: {  	v52 =	vld [tilespmem:s15+$0x30];
	[tilespmem:s16+$0x2490 ss:$0x41] =	vst.msk $0xffff, v57  }
0x1a: {  	v53 =	vld [tilespmem:s15+$0x40];
	[tilespmem:s16+$0x28A0 ss:$0x41] =	vst.msk $0xffff, v58  }
0x1b: {  	v54 =	vld [tilespmem:s15+$0x50];
	[tilespmem:s16+$0x2CB0 ss:$0x41] =	vst.msk $0xffff, v59  }
0x1c: {  	s13 =	sshll.u32 s13, $0x7;
	s26 =	sshll.u32 s12, $0x3;
	v55 =	vld [tilespmem:s15+$0x60];
	[tilespmem:s16+$0x30C0 ss:$0x41] =	vst.msk $0xffff, v60  }
0x1d: {  	s27 =	sand.u32 $0xFFFFFC00, s13;
	v56 =	vld [tilespmem:s15+$0x70];
	s15 =	sand.u32 $0xFFFFFC00, s26;
	[tilespmem:s16+$0x34D0 ss:$0x41] =	vst.msk $0xffff, v61  }
0x1e: {  	s13 =	sand.u32 $0x380, s13;
	s15 =	sadd.s32 s15, s27;
	[tilespmem:s16+$0x38E0 ss:$0x41] =	vst.msk $0xffff, v62  }
0x1f: {  	s13 =	sor.u32 s13, s15;
	[tilespmem:s16+$0x3CF0 ss:$0x41] =	vst.msk $0xffff, v63  }
0x20: {  	s13 =	sshrl.u32 s13, $0x7;
	[tilespmem:s16+$0x2080 ss:$0x41] =	vst.msk $0xffff, v48  }
0x21: {  	s28 =	smulhi.u32 $0x14F8B59, s13;
	[tilespmem:s16+$0x0 ss:$0x41] =	vst.msk $0xffff, v49  }
0x22: {  	[tilespmem:s16+$0x410 ss:$0x41] =	vst.msk $0xffff, v50  }
0x23: {  	[tilespmem:s16+$0x820 ss:$0x41] =	vst.msk $0xffff, v51;
	s15 =	sshrl.u32 s28, $0xC  }
0x24: {  	[tilespmem:s16+$0xC30 ss:$0x41] =	vst.msk $0xffff, v52;
	s15 =	smul.u32 $0xC3500, s15  }
0x25: {  	s29 =	sshrl.u32 s12, $0x3;
	[tilespmem:s16+$0x1040 ss:$0x41] =	vst.msk $0xffff, v53  }
0x26: {  	s31 =	sand.u32 $0x7, s12;
	s30 =	sand.u32 $0xF, s29;
	[tilespmem:s16+$0x1450 ss:$0x41] =	vst.msk $0xffff, v54;
	s13 =	ssub.s32 s13, s15  }
0x27: {  	s12 =	sshll.u32 s31, $0x12;
	[tilespmem:s16+$0x1860 ss:$0x41] =	vst.msk $0xffff, v55;
	s15 =	sadd.s32 s6, s30;
	s13 =	sshll.u32 s13, $0x4  }
0x28: {  	s12 =	sor.u32 $0x40, s12;
	[tilespmem:s16+$0x1C70 ss:$0x41] =	vst.msk $0xffff, v56;
	s13 =	sadd.s32 s13, s15  }
0x29: {  	[hbm4b:s13+s12] =	stream.strided.scatter [tilespmem:s14], [sflag:$0x2], $0x4000, s8, s12, $0x18;
	[tilespmem:$0x10200] =	vst v63  }
.LBB1_5:
0x2a: {  	s14 =	sadd.s32 $0x2000, s9  }
0x2b: {  	s12 =	sadd.s32 $0x40, s10;
	s16 =	smov.u32 s10;
	p2 =	sgt.s32 s14, $0xC34FF  }
0x2c: {  	s16 =	smov.u32 @p2 s12  }
0x2d: {  	s14 =	smov.u32 @p2 s2;
	p2 =	sgt.s32 s16, $0x2F  }
0x2e: {  	s16 =	simm.s32 @p2 $0x0;
	p2 =	sne.s32 s11, s7  }
.Ltmp1:
0x2f: {  	p1 =	slt.u32 s11, $0x2;
	(pc) =	sbr.rel @!p2 .LBB1_6-.Ltmp1, $4  }
0x30: {  	s15 =	simm.s32 @!p1 $0x2  }
0x31: {  	s13 =	smov.u32 s9;
	p0 =	por !p0, !p0;
	_ =	swait.ge @!p1 [sflag:s15], $0x4000  }
0x32: {  	s12 =	smov.u32 s10;
	[sflag:s15] =	ssyncset.done @!p1 $0x0;
	s9 =	smov.u32 s14  }
0x33: {  	s11 =	sadd.s32 $0x1, s11;
	[sflag:s15] =	ssyncadd.s32 @!p1 $0xFFFFC000;
	s10 =	smov.u32 s16  }
.LBB1_1:
0x34: {  	p1 =	sge.u32 s11, s5  }
0x35: {  	s14 =	sshrl.u32 @!p1 s10, $0x3  }
0x36: {  	s20 =	smov.u32 s9;
	s15 =	sshll.u32 @!p1 s9, $0x3;
	s14 =	smul.u32 @!p1 $0x61A800, s14  }
0x37: {  	s31 =	sadd.s32 $0xFFFFFFFF, s11;
	s16 =	sshll.u32 @!p1 s10, $0x7;
	s15 =	sand.u32 @!p1 $0xFFFFFC00, s15  }
0x38: {  	s17 =	sand.u32 @!p1 $0x7F, s9;
	s14 =	sadd.s32 @!p1 s14, s15;
	s15 =	sand.u32 @!p1 $0x380, s16  }
0x39: {  	p2 =	sgt.s32 @!p1 s10, $0xFFFFFFF0;
	s19 =	sshra.s32 @!p1 s10, $0x1F;
	s14 =	sor.u32 @!p1 s15, s14  }
0x3a: {  	s21 =	sshra.s32 @!p1 s9, $0x1F;
	p2 =	por !p2, p1;
	s15 =	sshrl.u32 @!p1 s14, $0x8  }
0x3b: {  	s14 =	sor.u32 @!p1 s17, s14;
	s17 =	smov.u32 s10;
	s15 =	smulhi.u32 @!p1 $0x14F8B59, s15  }
0x3c: {  	s19 =	sand.u32 @!p1 s19, s10;
	s17 =	simm.s32 @p2 $0xFFFFFFF0;
	p2 =	sgt.s32 @!p1 s9, $0xC3400  }
0x3d: {  	s21 =	sand.u32 @!p1 s21, s9;
	p2 =	por !p2, p1;
	s15 =	sshrl.u32 @!p1 s15, $0x4  }
0x3e: {  	s16 =	sxor.u32 @!p1 $0xFFFFFFFF, s11;
	s20 =	simm.s32 @p2 $0xC3400;
	s18 =	smul.u32 @!p1 $0xAAB, s15  }
0x3f: {  	s16 =	sshll.u32 @!p1 s16, $0xE;
	s17 =	ssub.s32 @!p1 s17, s19;
	s19 =	ssub.s32 @!p1 s20, s21  }
0x40: {  	s20 =	sadd.s32 @!p1 $0x10, s17;
	s17 =	ssub.s32 @!p1 $0x30, s17;
	s18 =	sshrl.u32 @!p1 s18, $0x11  }
0x41: {  	s21 =	sadd.s32 @!p1 $0xFFF3CC00, s19;
	p2 =	sgt.s32 @!p1 s20, $0x3F;
	s18 =	smul.u32 @!p1 $0x30, s18  }
0x42: {  	s19 =	ssub.s32 @!p1 $0xC3500, s19;
	p3 =	sgt.s32 @!p1 s21, $0xFF;
	p2 =	por !p2, p1  }
0x43: {  	p3 =	por !p3, p1;
	s18 =	ssub.s32 @!p1 s15, s18;
	s15 =	smul.u32 @!p1 $0xC3500, s15  }
0x44: {  	s16 =	sand.u32 @!p1 $0x4000, s16;
	s17 =	simm.s32 @!p2 $0x0;
	s19 =	simm.s32 @!p3 $0x0  }
0x45: {  	s17 =	smul.u32 @!p1 s17, s19;
	s14 =	ssub.s32 @!p1 s14, s15;
	s15 =	sand.u32 @!p1 $0xFFFF, s18  }
0x46: {  	s15 =	smul.u32 @!p1 $0x186A0, s15;
	s18 =	sshrl.u32 @!p1 s14, $0x3;
	s14 =	sand.u32 @!p1 $0x7, s14  }
0x47: {  	s17 =	sand.u32 @!p1 $0x3FFFFFFF, s17;
	s18 =	sadd.s32 @!p1 s3, s18;
	s14 =	sshll.u32 @!p1 s14, $0x12  }
0x48: {  	s15 =	sadd.s32 @!p1 s15, s18;
	s14 =	sor.u32 @!p1 $0x800, s14;
	s18 =	simm.s32 @!p1 $0x61A800  }
0x49: {  	[tilespmem:s16], [sflag:$0x1] =	stream.strided.gather @!p1 [hbm4b:s15+s14], s17, s18, s14, $0x38;
	[tilespmem:$0x10200] =	vst v63  }
0x4a: {  	p1 =	sge.u32 s31, s5  }
.Ltmp2:
0x4b: {  	_ = 	snop;
	(pc) =	sbr.rel @p1 .LBB1_5-.Ltmp2, $1  }
0x4c: {  	_ =	sdelay $0x3  }
0x4d: {  	p1 =	sgt.s32 s12, $0xFFFFFFF0  }
0x4e: {  	s14 =	smov.u32 s12;
	s15 =	sshra.s32 s12, $0x1F;
	s16 =	smov.u32 s13  }
0x4f: {  	s17 =	sshra.s32 s13, $0x1F;
	s14 =	simm.s32 @!p1 $0xFFFFFFF0;
	p1 =	sgt.s32 s13, $0xC3400  }
0x50: {  	s15 =	sand.u32 s15, s12;
	s26 =	sand.u32 s17, s13;
	s16 =	simm.s32 @!p1 $0xC3400  }
0x51: {  	s14 =	ssub.s32 s14, s15;
	s15 =	ssub.s32 s16, s26  }
0x52: {  	s27 =	sadd.s32 $0x10, s14;
	s14 =	ssub.s32 $0x30, s14;
	s16 =	sadd.s32 $0xFFF3CC00, s15  }
0x53: {  	p1 =	sgt.s32 s27, $0x3F;
	s15 =	ssub.s32 $0xC3500, s15;
	p2 =	sgt.s32 s16, $0xFF  }
0x54: {  	s19 =	sand.u32 $0x1, s11;
	s14 =	simm.s32 @p1 $0x0;
	s15 =	simm.s32 @p2 $0x0  }
0x55: {  	s14 =	smul.u32 s14, s15;
	s15 =	sshll.u32 s19, $0xE  }
0x56: {  	v0 =	vmov s15  }
0x57: {  	s29 =	simm.s32 $0x0;
	s14 =	sand.u32 $0x3FFFFFFF, s14  }
0x58: {  	s30 =	sand.u32 $0x3800, s29;
	_ =	swait.ge [sflag:s4], s14  }
0x59: {  	s18 =	sand.u32 $0x380, s29;
	s28 =	ssub.s32 $0x0, s14;
	[sflag:s4] =	ssyncset.done $0x0  }
0x5a: {  	s16 =	sor.u32 s18, s30;
	[sflag:s4] =	ssyncadd.s32 s28  }
0x5b: {  	s17 =	sand.u32 $0x3B00, s16;
	v1 =	vld.idx.msk [tilespmem:v0+s16+$0x410 ss:$0x1], $0xffff  }
0x5c: {  	s18 =	simm.s32 $0x1;
	s17 =	sadd.s32 s17, s15;
	s14 =	sand.u32 $0x80, s29;
	v2 =	vld.idx.msk [tilespmem:v0+s16+$0x420 ss:$0x1], $0xffff  }
0x5d: {  	s18 =	simm.s32 @!p0 $0x0;
	s14 =	sadd.s32 s14, s17;
	v3 =	vld.idx.msk [tilespmem:v0+s16+$0x430 ss:$0x1], $0xffff  }
0x5e: {  	s31 =	smul.u32 $0x10400, s18;
	v4 =	vld [tilespmem:s14+$0x400]  }
0x5f: {  	v5 =	vld [tilespmem:s14+$0x0]  }
0x60: {  	s17 =	sshrl.u32 s31, $0x2;
	v6 =	vld [tilespmem:s14+$0x10]  }
0x61: {  	s17 =	sor.u32 $0x8000, s17;
	v7 =	vld [tilespmem:s14+$0x20]  }
0x62: {  	s18 =	sadd.s32 $0x0, s17;
	v9 =	vld [tilespmem:s14+$0x30]  }
0x63: {  	v10 =	vld [tilespmem:s14+$0x40];
	[tilespmem:s18+$0x2080 ss:$0x41] =	vst.msk $0xffff, v4  }
0x64: {  	v11 =	vld [tilespmem:s14+$0x50];
	[tilespmem:s18+$0x0 ss:$0x41] =	vst.msk $0xffff, v5  }
0x65: {  	v8 =	vld [tilespmem:s14+$0x60];
	[tilespmem:s18+$0x410 ss:$0x41] =	vst.msk $0xffff, v6  }
0x66: {  	s19 =	smul.u32 $0x10400, s19;
	[tilespmem:s18+$0x820 ss:$0x41] =	vst.msk $0xffff, v7;
	v7 =	vld [tilespmem:s14+$0x70]  }
0x67: {  	s20 =	simm.s32 $0x80;
	s21 =	simm.s32 $0x100;
	[tilespmem:s18+$0xC30 ss:$0x41] =	vst.msk $0xffff, v9;
	v4 =	vld.idx.msk [tilespmem:v0+s16+$0x440 ss:$0x1], $0xffff  }
0x68: {  	s22 =	simm.s32 $0x8;
	s23 =	sand.u32 $0x3800, s21;
	s19 =	sshrl.u32 s19, $0x2;
	[tilespmem:s18+$0x1040 ss:$0x41] =	vst.msk $0xffff, v10;
	v5 =	vld.idx.msk [tilespmem:v0+s16+$0x450 ss:$0x1], $0xffff  }
0x69: {  	s24 =	sand.u32 $0x380, s20;
	s14 =	sor.u32 $0x8000, s19;
	s19 =	simm.s32 $0x4;
	[tilespmem:s18+$0x1450 ss:$0x41] =	vst.msk $0xffff, v11;
	v6 =	vld.idx.msk [tilespmem:v0+s16+$0x460 ss:$0x1], $0xffff  }
.LBB1_3:
0x6a: {  	p1 =	sne.s32 s22, $0xFC;
	[tilespmem:s18+$0x1860 ss:$0x41] =	vst.msk $0xffff, v8;
	v8 =	vld.idx.msk [tilespmem:v0+s16+$0x470 ss:$0x1], $0xffff;
	s16 =	sor.u32 s24, s23  }
0x6b: {  	s23 =	sand.u32 $0x3B00, s16;
	v9 =	vld.idx.msk [tilespmem:v0+s16+$0x410 ss:$0x1], $0xffff;
	[tilespmem:s18+$0x1C70 ss:$0x41] =	vst.msk $0xffff, v7  }
0x6c: {  	s24 =	sand.u32 $0x80, s20;
	s23 =	sadd.s32 s23, s15;
	v7 =	vld.idx.msk [tilespmem:v0+s16+$0x420 ss:$0x1], $0xffff;
	[tilespmem:s18+$0x2490 ss:$0x41] =	vst.msk $0xffff, v1  }
0x6d: {  	s23 =	sadd.s32 s24, s23;
	v10 =	vld.idx.msk [tilespmem:v0+s16+$0x430 ss:$0x1], $0xffff;
	[tilespmem:s18+$0x28A0 ss:$0x41] =	vst.msk $0xffff, v2  }
0x6e: {  	v11 =	vld [tilespmem:s23+$0x400];
	[tilespmem:s18+$0x2CB0 ss:$0x41] =	vst.msk $0xffff, v3  }
0x6f: {  	v12 =	vld [tilespmem:s23+$0x0];
	[tilespmem:s18+$0x30C0 ss:$0x41] =	vst.msk $0xffff, v4  }
0x70: {  	v4 =	vld [tilespmem:s23+$0x10];
	[tilespmem:s18+$0x34D0 ss:$0x41] =	vst.msk $0xffff, v5  }
0x71: {  	s24 =	sshra.s32 s19, $0x2;
	s19 =	smov.u32 s22;
	v1 =	vmov v9;
	v5 =	vld [tilespmem:s23+$0x20];
	[tilespmem:s18+$0x38E0 ss:$0x41] =	vst.msk $0xffff, v6  }
0x72: {  	v2 =	vmov v7;
	v6 =	vld [tilespmem:s23+$0x30];
	[tilespmem:s18+$0x3CF0 ss:$0x41] =	vst.msk $0xffff, v8;
	s18 =	sadd.s32 s24, s17  }
0x73: {  	v3 =	vmov v10;
	v9 =	vld [tilespmem:s23+$0x40];
	[tilespmem:s18+$0x2080 ss:$0x41] =	vst.msk $0xffff, v11  }
0x74: {  	[tilespmem:s18+$0x0 ss:$0x41] =	vst.msk $0xffff, v12;
	v10 =	vld [tilespmem:s23+$0x50]  }
.Ltmp3:
0x75: {  	[tilespmem:s18+$0x410 ss:$0x41] =	vst.msk $0xffff, v4;
	v8 =	vld [tilespmem:s23+$0x60];
	(pc) =	sbr.rel @p1 .LBB1_3-.Ltmp3, $4  }
0x76: {  	[tilespmem:s18+$0x820 ss:$0x41] =	vst.msk $0xffff, v5;
	v7 =	vld [tilespmem:s23+$0x70]  }
0x77: {  	[tilespmem:s18+$0xC30 ss:$0x41] =	vst.msk $0xffff, v6;
	v4 =	vld.idx.msk [tilespmem:v0+s16+$0x440 ss:$0x1], $0xffff  }
0x78: {  	s20 =	sadd.s32 $0x80, s20;
	s21 =	sadd.s32 $0x100, s21;
	[tilespmem:s18+$0x1040 ss:$0x41] =	vst.msk $0xffff, v9;
	v5 =	vld.idx.msk [tilespmem:v0+s16+$0x450 ss:$0x1], $0xffff  }
0x79: {  	s22 =	sadd.s32 $0x4, s22;
	s24 =	sand.u32 $0x380, s20;
	s23 =	sand.u32 $0x3800, s21;
	[tilespmem:s18+$0x1450 ss:$0x41] =	vst.msk $0xffff, v10;
	v6 =	vld.idx.msk [tilespmem:v0+s16+$0x460 ss:$0x1], $0xffff  }
.Ltmp4:
0x7a: {  	_ = 	snop;
	(pc) =	sbr.rel .LBB1_4-.Ltmp4, $1  }
0x7b: {  	_ =	sdelay $0x3  }
.LBB1_6:
0x7c: {  	_ =	sfence.sel $0x180000  }
0x7d: {  	s2 =	simm.s32 $0x1;
	[bflag:$0x0] =	sbarrier.arrive $0xFFFF  }
0x7e: {  	s31 =	simm.s32 $0x2;
	[sflag:s2] =	ssyncpa.u1 $0x1  }
0x7f: {  	[sflag:s31] =	ssyncpa.u1 $0x1  }
0x80: {  	p0 =	sne.s32 s0, $0x0;
	_ =	strace $0x90000050  }
0x81: {  	s0 =	sadd.s32 @!p0 $0x100000, s1;
	[bflag:$0x2] =	sbarrier.arrive $0xFFFF  }
0x82: {  	[sflag:s0] =	ssyncadd.tile.s32 @!p0 $0x1;
	_ =	shalt  }
.Lfunc_end1:
_tile_overlayer_lowered:
.L_overlay_start_2:
0x83: {  	(tag) =	ssettag $0x2  }
0x84: {  	s0 =	rddreg [dreg:$0x0];
	s2 =	stileid.u32  }
0x85: {  	s1 =	rddreg [dreg:$0x1];
	p0 =	sne.s32 s2, $0x0  }
0x86: {  	s3 =	rddreg [dreg:$0x2];
	[bflag:$0x3] =	sbarrier.arrive $0xFFFF;
	s2 =	simm.s32 @!p0 $0x1C01  }
0x87: {  	[timem:s3], [sflag:s2] =	dma.local @!p0 [hbm:s0], s1  }
0x88: {  	s0 =	simm.s32 @!p0 $0x1  }
0x89: {  	_ =	swait.ge @!p0 [sflag:s0], s1  }
0x8a: {  	s1 =	ssub.s32 @!p0 $0x0, s1;
	[sflag:s0] =	ssyncset.done @!p0 $0x0  }
0x8b: {  	[sflag:s0] =	ssyncadd.s32 @!p0 s1  }
0x8c: {  	[bflag:$0x3] =	sbarrier.arrive $0xFFFF  }
0x8d: {  	_ =	shalt  }

// kernel: sparse-core-data-format-call.6.cloned.1.call-start
scs
called_computation.8_lowered:
.L_overlay_start_0:
0x0: {  	s2 =	sld [smem:$0x3FD9]  }
0x1: {  	s3 =	sld [smem:$0x3FFE];
	_ =	sdelay $0x1  }
0x2: {  	s1 =	srdreg.scid  }
0x3: {  	s0 =	sand.u32 $0x1, s1  }
0x4: {  	s18 =	sshll.u32 s0, $0xA;
	s2 =	sadd.s32 s3, s2  }
0x5: {  	s2 =	sadd.s32 s2, s18  }
0x6: {  	[smem:$0x3FB2] =	sst s2  }
0x7: {  	_ = 	snop  }
0x8: {  	(tm) =	ssettm $0x1  }
0x9: {  	s19 =	sld [smem:$0x3FFB];
	_ =	sdelay $0x3  }
0xa: {  	_ =	strace s19  }
0xb: {  	s2 =	sld [smem:$0x3FFC];
	_ =	sdelay $0x3  }
0xc: {  	_ =	strace s2  }
0xd: {  	s2 =	sld [smem:$0x3FFD];
	_ =	sdelay $0x3  }
0xe: {  	_ =	strace s2  }
0xf: {  	_ =	strace $0x8FFFFFFF  }
0x10: {  	s20 =	sld [smem:$0x3FDB];
	_ =	sdelay $0x1  }
0x11: {  	s21 =	simm.s32 $_scs_section_size  }
0x12: {  	s4 =	simm.s32 $_size__tile_overlayer_lowered;
	s5 =	simm.s32 $_tile_overlayer_lowered  }
0x13: {  	s6 =	simm.s32 $0x1BFF;
	s22 =	sshll.u32 s5, $0x1;
	s3 =	sadd.s32 s21, s20  }
0x14: {  	s23 =	simm.s32 $0x0;
	s4 =	sshll.u32 s4, $0x1;
	s5 =	sadd.s32 s22, s3  }
0x15: {  	[timem:s23], [sflag:s6] =	dma.local [hbm:s5], s4  }
0x16: {  	_ =	swait.ge [sflag:s6], s4  }
0x17: {  	s4 =	ssub.s32 $0x0, s4;
	[sflag:s6] =	ssyncset.done $0x0  }
0x18: {  	[sflag:s6] =	ssyncadd.s32 s4;
	_ =	sdelay $0x1  }
0x19: {  	s24 =	simm.s32 $0x1B8B  }
0x1a: {  	_ =	swait.ge [sflag:s24], $0x1  }
0x1b: {  	[sflag:s24] =	ssyncset.done $0x0  }
0x1c: {  	[sflag:s24] =	ssyncadd.s32 $0xFFFFFFFF  }
0x1d: {  	s4 =	sld [smem:$0x0]  }
0x1e: {  	s5 =	sand.u32 $0xFFFFFFFE, s1  }
0x1f: {  	p0 =	sne.s32 s1, s5  }
0x20: {  	s5 =	sshll.u32 @p0 s5, $0xE  }
0x21: {  	s5 =	sadd.s32 @p0 $0x11B8D, s5;
	s6 =	sshll.u32 @p0 s4, $0x11  }
0x22: {  	s5 =	sor.u32 @p0 s6, s5  }
0x23: {  	[sflag:s5] =	ssyncadd.remote.s32 @p0 $0x1;
	_ =	sdelay $0x1  }
0x24: {  	s5 =	simm.s32 @p0 $0x1B8D  }
0x25: {  	_ =	swait.eq @p0 [sflag:s5], $0x1  }
0x26: {  	[sflag:s5] =	ssyncadd.s32 @p0 $0xFFFFFFFF  }
0x27: {  	s6 =	sshll.u32 @!p0 s1, $0xE  }
0x28: {  	s6 =	sor.u32 @!p0 $0x4000, s6;
	s5 =	simm.s32 @!p0 $0x1B8D  }
0x29: {  	s4 =	sshll.u32 @!p0 s4, $0x11;
	s6 =	sadd.s32 @!p0 $0x11B8D, s6;
	_ =	swait.eq @!p0 [sflag:s5], $0x1  }
0x2a: {  	s4 =	sor.u32 @!p0 s4, s6;
	[sflag:s5] =	ssyncadd.s32 @!p0 $0xFFFFFFFF  }
0x2b: {  	s26 =	simm.s32 $0x1B8E;
	s25 =	sld [smem:$0x3FFE];
	[sflag:s4] =	ssyncadd.remote.s32 @!p0 $0x1  }
0x2c: {  	s27 =	simm.s32 $execute0_lowered;
	[smem:$0x3FD2] =	sst s26  }
0x2d: {  	s5 =	sshll.u32 s27, $0x1;
	_ =	strace $0x8000004C;
	[dreg:$0x1] =	wrdreg $0xFFFFFFFF  }
0x2e: {  	s28 =	simm.s32 $_size_execute0_lowered;
	s3 =	sadd.s32 s3, s5;
	[dreg:$0x0] =	wrdreg $0x0  }
0x2f: {  	s5 =	sshll.u32 s28, $0x1;
	[dreg:$0x2] =	wrdreg s3  }
0x30: {  	[dreg:$0x3] =	wrdreg s5  }
0x31: {  	[dreg:$0x4] =	wrdreg $0xC0  }
0x32: {  	_ =	task [dreg:s23], $0x5FFFF  }
0x33: {  	[dreg:$0x1] =	wrdreg $0xFFFFFFFF  }
0x34: {  	[dreg:$0x0] =	wrdreg $0x60  }
0x35: {  	[dreg:$0x2] =	wrdreg s25  }
0x36: {  	[dreg:$0x3] =	wrdreg $0x9  }
0x37: {  	_ =	task.clear_ibuf [dreg:s23], $0x4FFFF;
	_ =	strace $0x9000004C  }
0x38: {  	s29 =	simm.s32 $0x9;
	_ =	strace $0x8000004E  }
0x39: {  	_ =	swait.ge [sflag:s29], $0x1  }
0x3a: {  	[sflag:s29] =	ssyncadd.s32 $0xFFFFFFFF  }
0x3b: {  	_ =	strace $0x9000004E  }
0x3c: {  	_ =	sfence  }
0x3d: {  	s30 =	sld [smem:$0x0];
	_ =	sdelay $0x2  }
0x3e: {  	s31 =	sshll.u32 s1, $0xD;
	s1 =	sshrl.u32 s1, $0x2  }
0x3f: {  	s4 =	sand.u32 $0x4000, s31;
	s1 =	sadd.s32 s1, s30  }
0x40: {  	s0 =	sor.u32 s4, s0;
	s1 =	sshll.u32 s1, $0x11  }
0x41: {  	s0 =	sor.u32 s1, s0  }
0x42: {  	s0 =	sadd.s32 $0x8F2B, s0  }
0x43: {  	[sflag:s0] =	ssyncadd.remote.s32 $0x1  }
0x44: {  	_ =	sfence.sel $0xFFFF  }
0x45: {  	[dreg:$0x0] =	wrdreg $0xFFFFFFFF;
	(pc) =	sbr.abs _section_cstart, $3  }
0x46: {  	[dreg:$0x1] =	wrdreg $0xFFFFFFFF  }
0x47: {  	_ =	task.clear_ibuf [dreg:s23], $0x2FFFF;
	_ =	strace $0x9FFFFFFF  }
0x48: {  	(tm) =	ssettm $0x7FFFFFFF  }
0x49: {  	_ =	shalt  }
tec
execute0_lowered:
.L_overlay_start_1:
0x0: {  	(tag) =	ssettag $0x1  }
0x1: {  	s0 =	srdreg.scid  }
0x2: {  	s1 =	sshll.u32 s0, $0x4  }
0x3: {  	s0 =	stileid.u32;
	s1 =	sand.u32 $0x10, s1  }
0x4: {  	s1 =	sor.u32 s0, s1  }
0x5: {  	s6 =	rddreg [dreg:$0x0];
	s7 =	simm.s32 $0x2;
	s2 =	sshll.u32 s1, $0x7  }
0x6: {  	s12 =	simm.s32 $0x0;
	s8 =	simm.s32 $0x61A800;
	s1 =	ssub.s32 $0xC3500, s2  }
0x7: {  	s13 =	simm.s32 $0x0;
	s9 =	simm.s32 $0x0;
	s3 =	sand.u32 $0xF80, s1  }
0x8: {  	s11 =	simm.s32 $0x0;
	p0 =	sne.s32 s3, $0x0;
	s3 =	simm.s32 $0x1  }
.Ltmp0:
0x9: {  	s4 =	sshrl.u32 s1, $0xC;
	s3 =	simm.s32 @!p0 $0x0;
	(pc) =	sbr.rel .LBB1_1-.Ltmp0, $4  }
0xa: {  	s5 =	sadd.s32 $0x2D87800, s6;
	s1 =	rddreg [dreg:$0x1];
	s4 =	sadd.s32 s3, s4  }
0xb: {  	_ =	strace $0x8000004D;
	s3 =	simm.s32 $0x1;
	s4 =	smul.u32 $0x3, s4  }
0xc: {  	s6 =	sadd.s32 $0x2830400, s6;
	s10 =	smov.u32 s2;
	[sflag:s3] =	ssyncpa.u1 $0x0  }
0xd: {  	p0 =	por $0x0, $0x0;
	[sflag:s7] =	ssyncpa.u1 $0x0;
	s7 =	sadd.s32 $0x1, s4  }
.LBB1_4:
0xe: {  	s16 =	sshll.u32 s13, $0x3  }
0xf: {  	s16 =	sand.u32 $0xFFFFFC00, s16  }
0x10: {  	s17 =	sshrl.u32 s16, $0x8  }
0x11: {  	s17 =	smulhi.u32 $0x14F8B59, s17;
	_ =	sdelay $0x1  }
0x12: {  	s17 =	sshrl.u32 s17, $0x4  }
0x13: {  	s27 =	sand.u32 $0x7F, s13;
	s18 =	smul.u32 $0xC3500, s17  }
0x14: {  	s12 =	smul.u32 $0x186A00, s12;
	s13 =	sor.u32 s27, s16;
	s28 =	sand.u32 $0xF, s17  }
0x15: {  	s16 =	smul.u32 $0x186A0, s28;
	s13 =	ssub.s32 s13, s18  }
0x16: {  	s12 =	sadd.s32 s6, s12;
	s29 =	sand.u32 $0x7, s13  }
0x17: {  	s12 =	sadd.s32 s16, s12;
	s13 =	sshrl.u32 s13, $0x3;
	s30 =	sshll.u32 s29, $0x12  }
0x18: {  	[tilespmem:s15+$0x0 ss:$0x81] =	vst.msk $0xffff, v0;
	s12 =	sadd.s32 s13, s12;
	s31 =	sor.u32 $0x400, s30  }
0x19: {  	[hbm4b:s12+s31] =	stream.strided.scatter [tilespmem:s14], [sflag:$0x2], $0x800, s8, s31, $0x20;
	[tilespmem:$0x2020] =	vst v63  }
.LBB1_5:
0x1a: {  	s14 =	sadd.s32 $0x1, s9  }
0x1b: {  	s12 =	sadd.s32 $0x1000, s10;
	s16 =	smov.u32 s10;
	p2 =	sgt.s32 s14, $0x2  }
0x1c: {  	s16 =	smov.u32 @p2 s12  }
0x1d: {  	s14 =	simm.s32 @p2 $0x0;
	p2 =	sgt.s32 s16, $0xC34FF  }
0x1e: {  	s16 =	smov.u32 @p2 s2;
	p2 =	sne.s32 s11, s7  }
.Ltmp1:
0x1f: {  	p1 =	slt.u32 s11, $0x2;
	(pc) =	sbr.rel @!p2 .LBB1_6-.Ltmp1, $4  }
0x20: {  	s15 =	simm.s32 @!p1 $0x2  }
0x21: {  	s13 =	smov.u32 s10;
	p0 =	por !p0, !p0;
	_ =	swait.ge @!p1 [sflag:s15], $0x800  }
0x22: {  	s12 =	smov.u32 s9;
	[sflag:s15] =	ssyncset.done @!p1 $0x0;
	s9 =	smov.u32 s14  }
0x23: {  	s11 =	sadd.s32 $0x1, s11;
	[sflag:s15] =	ssyncadd.s32 @!p1 $0xFFFFF800;
	s10 =	smov.u32 s16  }
.LBB1_1:
0x24: {  	p1 =	sge.u32 s11, s4  }
0x25: {  	s31 =	sadd.s32 $0xFFFFFFFF, s11;
	s14 =	sxor.u32 @!p1 $0xFFFFFFFF, s11  }
0x26: {  	s15 =	sshll.u32 @!p1 s10, $0x6;
	s16 =	sshll.u32 @!p1 s9, $0x4;
	s17 =	simm.s32 @!p1 $0x200  }
0x27: {  	s14 =	sshll.u32 @!p1 s14, $0xB;
	s16 =	sand.u32 @!p1 $0x30, s16;
	s15 =	sadd.s32 @!p1 s5, s15  }
0x28: {  	s14 =	sand.u32 @!p1 $0x800, s14;
	s15 =	sadd.s32 @!p1 s16, s15;
	s16 =	simm.s32 @!p1 $0x10  }
0x29: {  	[tilespmem:s14], [sflag:$0x1] =	stream.strided.gather @!p1 [hbm4b:s15+s16], $0x800, s17, s16, $0x38;
	[tilespmem:$0x2020] =	vst v63  }
0x2a: {  	p1 =	sge.u32 s31, s4  }
.Ltmp2:
0x2b: {  	_ = 	snop;
	(pc) =	sbr.rel @p1 .LBB1_5-.Ltmp2, $1  }
0x2c: {  	_ =	sdelay $0x3  }
0x2d: {  	s14 =	simm.s32 $0x1  }
0x2e: {  	s14 =	simm.s32 @!p0 $0x0  }
0x2f: {  	s15 =	sshll.u32 s14, $0xB  }
0x30: {  	v1 =	vmov s15;
	_ =	sdelay $0x1  }
0x31: {  	_ =	swait.ge [sflag:s3], $0x800  }
0x32: {  	s31 =	sand.u32 $0x1, s11;
	[sflag:s3] =	ssyncset.done $0x0  }
0x33: {  	s17 =	simm.s32 $0x0;
	s14 =	smul.u32 $0x2040, s14;
	[sflag:s3] =	ssyncadd.s32 $0xFFFFF800  }
0x34: {  	s15 =	smul.u32 $0x2040, s31;
	v0 =	vld.idx.msk [tilespmem:v1+s17+$0x0 ss:$0x1], $0xffff;
	_ =	sdelay $0x1  }
0x35: {  	s14 =	sshrl.u32 s14, $0x2;
	s16 =	sshrl.u32 s15, $0x2  }
0x36: {  	s15 =	sor.u32 $0x1000, s14;
	s14 =	sor.u32 $0x1000, s16;
	s16 =	simm.s32 $0x40  }
.LBB1_3:
0x37: {  	s17 =	sshra.s32 s16, $0x2;
	p1 =	sne.s32 s16, $0x1FC0;
	s16 =	sadd.s32 $0x40, s16  }
.Ltmp3:
0x38: {  	[tilespmem:s15+$0x0 ss:$0x81] =	vst.msk $0xffff, v0;
	v0 =	vld.idx.msk [tilespmem:v1+s17+$0x0 ss:$0x1], $0xffff;
	(pc) =	sbr.rel @p1 .LBB1_3-.Ltmp3, $2  }
0x39: {  	_ =	sdelay $0x2  }
0x3a: {  	s15 =	sadd.s32 $0x1, s15  }
.Ltmp4:
0x3b: {  	_ = 	snop;
	(pc) =	sbr.rel .LBB1_4-.Ltmp4, $1  }
0x3c: {  	_ =	sdelay $0x3  }
.LBB1_6:
0x3d: {  	_ =	sfence.sel $0x180000  }
0x3e: {  	s2 =	simm.s32 $0x1;
	[bflag:$0x0] =	sbarrier.arrive $0xFFFF  }
0x3f: {  	s31 =	simm.s32 $0x2;
	[sflag:s2] =	ssyncpa.u1 $0x1  }
0x40: {  	[sflag:s31] =	ssyncpa.u1 $0x1  }
0x41: {  	p0 =	sne.s32 s0, $0x0;
	_ =	strace $0x9000004D  }
0x42: {  	s0 =	sadd.s32 @!p0 $0x100000, s1;
	[bflag:$0x2] =	sbarrier.arrive $0xFFFF  }
0x43: {  	[sflag:s0] =	ssyncadd.tile.s32 @!p0 $0x1;
	_ =	shalt  }
.Lfunc_end1:
_tile_overlayer_lowered:
.L_overlay_start_2:
0x44: {  	(tag) =	ssettag $0x2  }
0x45: {  	s0 =	rddreg [dreg:$0x0];
	s2 =	stileid.u32  }
0x46: {  	s1 =	rddreg [dreg:$0x1];
	p0 =	sne.s32 s2, $0x0  }
0x47: {  	s3 =	rddreg [dreg:$0x2];
	[bflag:$0x3] =	sbarrier.arrive $0xFFFF;
	s2 =	simm.s32 @!p0 $0x1C01  }
0x48: {  	[timem:s3], [sflag:s2] =	dma.local @!p0 [hbm:s0], s1  }
0x49: {  	s0 =	simm.s32 @!p0 $0x1  }
0x4a: {  	_ =	swait.ge @!p0 [sflag:s0], s1  }
0x4b: {  	s1 =	ssub.s32 @!p0 $0x0, s1;
	[sflag:s0] =	ssyncset.done @!p0 $0x0  }
0x4c: {  	[sflag:s0] =	ssyncadd.s32 @!p0 s1  }
0x4d: {  	[bflag:$0x3] =	sbarrier.arrive $0xFFFF  }
0x4e: {  	_ =	shalt  }

// kernel: sparse-core-data-format-call.7.cloned.1.call-start
scs
called_computation.9_lowered:
.L_overlay_start_0:
0x0: {  	s2 =	sld [smem:$0x3FD9]  }
0x1: {  	s3 =	sld [smem:$0x3FFE];
	_ =	sdelay $0x1  }
0x2: {  	s1 =	srdreg.scid  }
0x3: {  	s0 =	sand.u32 $0x1, s1  }
0x4: {  	s18 =	sshll.u32 s0, $0xA;
	s2 =	sadd.s32 s3, s2  }
0x5: {  	s2 =	sadd.s32 s2, s18  }
0x6: {  	[smem:$0x3FB2] =	sst s2  }
0x7: {  	_ = 	snop  }
0x8: {  	(tm) =	ssettm $0x1  }
0x9: {  	s19 =	sld [smem:$0x3FFB];
	_ =	sdelay $0x3  }
0xa: {  	_ =	strace s19  }
0xb: {  	s2 =	sld [smem:$0x3FFC];
	_ =	sdelay $0x3  }
0xc: {  	_ =	strace s2  }
0xd: {  	s2 =	sld [smem:$0x3FFD];
	_ =	sdelay $0x3  }
0xe: {  	_ =	strace s2  }
0xf: {  	_ =	strace $0x8FFFFFFF  }
0x10: {  	s20 =	sld [smem:$0x3FDB];
	_ =	sdelay $0x1  }
0x11: {  	s21 =	simm.s32 $_scs_section_size  }
0x12: {  	s4 =	simm.s32 $_size__tile_overlayer_lowered;
	s5 =	simm.s32 $_tile_overlayer_lowered  }
0x13: {  	s6 =	simm.s32 $0x1BFF;
	s22 =	sshll.u32 s5, $0x1;
	s3 =	sadd.s32 s21, s20  }
0x14: {  	s23 =	simm.s32 $0x0;
	s4 =	sshll.u32 s4, $0x1;
	s5 =	sadd.s32 s22, s3  }
0x15: {  	[timem:s23], [sflag:s6] =	dma.local [hbm:s5], s4  }
0x16: {  	_ =	swait.ge [sflag:s6], s4  }
0x17: {  	s4 =	ssub.s32 $0x0, s4;
	[sflag:s6] =	ssyncset.done $0x0  }
0x18: {  	[sflag:s6] =	ssyncadd.s32 s4;
	_ =	sdelay $0x1  }
0x19: {  	s24 =	simm.s32 $0x1B8B  }
0x1a: {  	_ =	swait.ge [sflag:s24], $0x1  }
0x1b: {  	[sflag:s24] =	ssyncset.done $0x0  }
0x1c: {  	[sflag:s24] =	ssyncadd.s32 $0xFFFFFFFF  }
0x1d: {  	s4 =	sld [smem:$0x0]  }
0x1e: {  	s5 =	sand.u32 $0xFFFFFFFE, s1  }
0x1f: {  	p0 =	sne.s32 s1, s5  }
0x20: {  	s5 =	sshll.u32 @p0 s5, $0xE  }
0x21: {  	s5 =	sadd.s32 @p0 $0x11B8D, s5;
	s6 =	sshll.u32 @p0 s4, $0x11  }
0x22: {  	s5 =	sor.u32 @p0 s6, s5  }
0x23: {  	[sflag:s5] =	ssyncadd.remote.s32 @p0 $0x1;
	_ =	sdelay $0x1  }
0x24: {  	s5 =	simm.s32 @p0 $0x1B8D  }
0x25: {  	_ =	swait.eq @p0 [sflag:s5], $0x1  }
0x26: {  	[sflag:s5] =	ssyncadd.s32 @p0 $0xFFFFFFFF  }
0x27: {  	s6 =	sshll.u32 @!p0 s1, $0xE  }
0x28: {  	s6 =	sor.u32 @!p0 $0x4000, s6;
	s5 =	simm.s32 @!p0 $0x1B8D  }
0x29: {  	s4 =	sshll.u32 @!p0 s4, $0x11;
	s6 =	sadd.s32 @!p0 $0x11B8D, s6;
	_ =	swait.eq @!p0 [sflag:s5], $0x1  }
0x2a: {  	s4 =	sor.u32 @!p0 s4, s6;
	[sflag:s5] =	ssyncadd.s32 @!p0 $0xFFFFFFFF  }
0x2b: {  	s26 =	simm.s32 $0x1B8E;
	s25 =	sld [smem:$0x3FFE];
	[sflag:s4] =	ssyncadd.remote.s32 @!p0 $0x1  }
0x2c: {  	s27 =	simm.s32 $execute0_lowered;
	[smem:$0x3FD2] =	sst s26  }
0x2d: {  	s5 =	sshll.u32 s27, $0x1;
	_ =	strace $0x80000052;
	[dreg:$0x1] =	wrdreg $0xFFFFFFFF  }
0x2e: {  	s28 =	simm.s32 $_size_execute0_lowered;
	s3 =	sadd.s32 s3, s5;
	[dreg:$0x0] =	wrdreg $0x0  }
0x2f: {  	s5 =	sshll.u32 s28, $0x1;
	[dreg:$0x2] =	wrdreg s3  }
0x30: {  	[dreg:$0x3] =	wrdreg s5  }
0x31: {  	[dreg:$0x4] =	wrdreg $0xC0  }
0x32: {  	_ =	task [dreg:s23], $0x5FFFF  }
0x33: {  	[dreg:$0x1] =	wrdreg $0xFFFFFFFF  }
0x34: {  	[dreg:$0x0] =	wrdreg $0x60  }
0x35: {  	[dreg:$0x2] =	wrdreg s25  }
0x36: {  	[dreg:$0x3] =	wrdreg $0xA  }
0x37: {  	_ =	task.clear_ibuf [dreg:s23], $0x4FFFF;
	_ =	strace $0x90000052  }
0x38: {  	s29 =	simm.s32 $0xA;
	_ =	strace $0x80000054  }
0x39: {  	_ =	swait.ge [sflag:s29], $0x1  }
0x3a: {  	[sflag:s29] =	ssyncadd.s32 $0xFFFFFFFF  }
0x3b: {  	_ =	strace $0x90000054  }
0x3c: {  	_ =	sfence  }
0x3d: {  	s30 =	sld [smem:$0x0];
	_ =	sdelay $0x2  }
0x3e: {  	s31 =	sshll.u32 s1, $0xD;
	s1 =	sshrl.u32 s1, $0x2  }
0x3f: {  	s4 =	sand.u32 $0x4000, s31;
	s1 =	sadd.s32 s1, s30  }
0x40: {  	s0 =	sor.u32 s4, s0;
	s1 =	sshll.u32 s1, $0x11  }
0x41: {  	s0 =	sor.u32 s1, s0  }
0x42: {  	s0 =	sadd.s32 $0x8F2B, s0  }
0x43: {  	[sflag:s0] =	ssyncadd.remote.s32 $0x1  }
0x44: {  	_ =	sfence.sel $0xFFFF  }
0x45: {  	[dreg:$0x0] =	wrdreg $0xFFFFFFFF;
	(pc) =	sbr.abs _section_cstart, $3  }
0x46: {  	[dreg:$0x1] =	wrdreg $0xFFFFFFFF  }
0x47: {  	_ =	task.clear_ibuf [dreg:s23], $0x2FFFF;
	_ =	strace $0x9FFFFFFF  }
0x48: {  	(tm) =	ssettm $0x7FFFFFFF  }
0x49: {  	_ =	shalt  }
tec
execute0_lowered:
.L_overlay_start_1:
0x0: {  	(tag) =	ssettag $0x1  }
0x1: {  	s0 =	srdreg.scid  }
0x2: {  	s1 =	sshll.u32 s0, $0x4  }
0x3: {  	s0 =	stileid.u32;
	s1 =	sand.u32 $0x10, s1  }
0x4: {  	s6 =	rddreg [dreg:$0x0];
	s4 =	simm.s32 $0x1;
	s1 =	sor.u32 s0, s1  }
0x5: {  	s7 =	simm.s32 $0x2;
	s14 =	simm.s32 $0x0;
	s2 =	sshll.u32 s1, $0x8  }
0x6: {  	s8 =	simm.s32 $0x200;
	s13 =	simm.s32 $0x0;
	s3 =	ssub.s32 $0xC3500, s2  }
0x7: {  	s15 =	simm.s32 $0x0;
	s10 =	simm.s32 $0x0;
	s31 =	sand.u32 $0x1F00, s3  }
0x8: {  	s11 =	simm.s32 $0x0;
	s1 =	rddreg [dreg:$0x1];
	p0 =	sne.s32 s31, $0x0  }
.Ltmp0:
0x9: {  	s5 =	sshrl.u32 s3, $0xD;
	s4 =	simm.s32 @!p0 $0x0;
	(pc) =	sbr.rel .LBB1_1-.Ltmp0, $4  }
0xa: {  	_ =	strace $0x80000053;
	s3 =	simm.s32 $0x1;
	s4 =	sadd.s32 s4, s5  }
0xb: {  	s12 =	simm.s32 $0x0;
	[sflag:s3] =	ssyncpa.u1 $0x0;
	s4 =	smul.u32 $0x3, s4  }
0xc: {  	s9 =	smov.u32 s2;
	[sflag:s7] =	ssyncpa.u1 $0x0;
	p0 =	por $0x0, $0x0  }
0xd: {  	s5 =	sadd.s32 $0xCD800, s6;
	s6 =	sadd.s32 $0x1EF0800, s6;
	s7 =	sadd.s32 $0x1, s4  }
.LBB1_4:
0xe: {  	_ = 	snop  }
0xf: {  	[tilespmem:s20+$0x660 ss:$0x11] =	vst.msk $0xffff, v8  }
0x10: {  	[tilespmem:s20+$0x770 ss:$0x11] =	vst.msk $0xffff, v7  }
0x11: {  	[tilespmem:s20+$0x990 ss:$0x11] =	vst.msk $0xffff, v1  }
0x12: {  	s23 =	sor.u32 s26, s25;
	v47 =	vld.idx.msk [tilespmem:v0+s18+$0x470 ss:$0x1], $0xffff;
	[tilespmem:s20+$0xAA0 ss:$0x11] =	vst.msk $0xffff, v2  }
0x13: {  	[tilespmem:s20+$0xBB0 ss:$0x11] =	vst.msk $0xffff, v3;
	v57 =	vld.idx.msk [tilespmem:v0+s23+$0x410 ss:$0x1], $0xffff  }
0x14: {  	[tilespmem:s20+$0xCC0 ss:$0x11] =	vst.msk $0xffff, v4;
	v58 =	vld.idx.msk [tilespmem:v0+s23+$0x420 ss:$0x1], $0xffff  }
0x15: {  	[tilespmem:s20+$0xDD0 ss:$0x11] =	vst.msk $0xffff, v5;
	v59 =	vld.idx.msk [tilespmem:v0+s23+$0x430 ss:$0x1], $0xffff  }
0x16: {  	s29 =	sshra.s32 s21, $0x2;
	[tilespmem:s20+$0xEE0 ss:$0x11] =	vst.msk $0xffff, v6;
	v60 =	vld.idx.msk [tilespmem:v0+s23+$0x440 ss:$0x1], $0xffff  }
0x17: {  	s24 =	sand.u32 $0xB00, s23;
	s18 =	sadd.s32 s29, s19;
	v61 =	vld.idx.msk [tilespmem:v0+s23+$0x450 ss:$0x1], $0xffff;
	[tilespmem:s20+$0xFF0 ss:$0x11] =	vst.msk $0xffff, v47  }
0x18: {  	s22 =	sand.u32 $0x80, s22;
	v62 =	vld.idx.msk [tilespmem:v0+s23+$0x460 ss:$0x1], $0xffff;
	s17 =	sadd.s32 s24, s17;
	[tilespmem:s18+$0x990 ss:$0x11] =	vst.msk $0xffff, v57  }
0x19: {  	v63 =	vld.idx.msk [tilespmem:v0+s23+$0x470 ss:$0x1], $0xffff;
	s17 =	sadd.s32 s22, s17;
	[tilespmem:s18+$0xAA0 ss:$0x11] =	vst.msk $0xffff, v58  }
0x1a: {  	v48 =	vld [tilespmem:s17+$0x400];
	[tilespmem:s18+$0xBB0 ss:$0x11] =	vst.msk $0xffff, v59  }
0x1b: {  	v49 =	vld [tilespmem:s17+$0x0];
	[tilespmem:s18+$0xCC0 ss:$0x11] =	vst.msk $0xffff, v60  }
0x1c: {  	v50 =	vld [tilespmem:s17+$0x10];
	[tilespmem:s18+$0xDD0 ss:$0x11] =	vst.msk $0xffff, v61  }
0x1d: {  	v51 =	vld [tilespmem:s17+$0x20];
	[tilespmem:s18+$0xEE0 ss:$0x11] =	vst.msk $0xffff, v62  }
0x1e: {  	v52 =	vld [tilespmem:s17+$0x30];
	[tilespmem:s18+$0xFF0 ss:$0x11] =	vst.msk $0xffff, v63  }
0x1f: {  	v53 =	vld [tilespmem:s17+$0x40];
	[tilespmem:s18+$0x880 ss:$0x11] =	vst.msk $0xffff, v48  }
0x20: {  	v54 =	vld [tilespmem:s17+$0x50];
	[tilespmem:s18+$0x0 ss:$0x11] =	vst.msk $0xffff, v49  }
0x21: {  	v55 =	vld [tilespmem:s17+$0x60];
	[tilespmem:s18+$0x110 ss:$0x11] =	vst.msk $0xffff, v50  }
0x22: {  	v56 =	vld [tilespmem:s17+$0x70];
	[tilespmem:s18+$0x220 ss:$0x11] =	vst.msk $0xffff, v51  }
0x23: {  	s15 =	sshll.u32 s15, $0x4;
	[tilespmem:s18+$0x330 ss:$0x11] =	vst.msk $0xffff, v52  }
0x24: {  	s14 =	sshll.u32 s14, $0x6;
	s15 =	sand.u32 $0x30, s15;
	[tilespmem:s18+$0x440 ss:$0x11] =	vst.msk $0xffff, v53  }
0x25: {  	s30 =	sshrl.u32 s13, $0x3;
	s31 =	sand.u32 $0x7, s13;
	s15 =	sadd.s32 s6, s15;
	[tilespmem:s18+$0x550 ss:$0x11] =	vst.msk $0xffff, v54  }
0x26: {  	s13 =	sshll.u32 s31, $0x12;
	s14 =	sadd.s32 s14, s15;
	s17 =	sand.u32 $0xF, s30;
	[tilespmem:s18+$0x660 ss:$0x11] =	vst.msk $0xffff, v55  }
0x27: {  	s13 =	sor.u32 $0x10, s13;
	s14 =	sadd.s32 s17, s14;
	[tilespmem:s18+$0x770 ss:$0x11] =	vst.msk $0xffff, v56  }
0x28: {  	[hbm4b:s14+s13] =	stream.strided.scatter [tilespmem:s16], [sflag:$0x2], $0x1000, s8, s13, $0x8;
	[tilespmem:$0x4200] =	vst v63  }
.LBB1_5:
0x29: {  	s16 =	sadd.s32 $0x2000, s9  }
0x2a: {  	s13 =	sadd.s32 $0x10, s10;
	s17 =	smov.u32 s10;
	p2 =	sgt.s32 s16, $0xC34FF  }
0x2b: {  	s17 =	smov.u32 @p2 s13  }
0x2c: {  	s13 =	simm.s32 $0x1;
	p3 =	sgt.s32 s17, $0xF  }
0x2d: {  	s13 =	simm.s32 @!p3 $0x0  }
0x2e: {  	s19 =	sadd.s32 s13, s11  }
0x2f: {  	s16 =	smov.u32 @p2 s2;
	p2 =	sgt.s32 s19, $0x2  }
0x30: {  	p1 =	slt.u32 s12, $0x2;
	s19 =	simm.s32 @p2 $0x0;
	p2 =	sne.s32 s12, s7  }
.Ltmp1:
0x31: {  	s18 =	simm.s32 @!p1 $0x2;
	(pc) =	sbr.rel @!p2 .LBB1_6-.Ltmp1, $4  }
0x32: {  	s14 =	smov.u32 s9;
	s15 =	smov.u32 s11;
	_ =	swait.ge @!p1 [sflag:s18], $0x1000  }
0x33: {  	p0 =	por !p0, !p0;
	[sflag:s18] =	ssyncset.done @!p1 $0x0;
	s9 =	smov.u32 s16  }
0x34: {  	s17 =	simm.s32 @p3 $0x0;
	[sflag:s18] =	ssyncadd.s32 @!p1 $0xFFFFF000;
	s13 =	smov.u32 s10  }
0x35: {  	s10 =	smov.u32 s17;
	s12 =	sadd.s32 $0x1, s12;
	s11 =	smov.u32 s19  }
.LBB1_1:
0x36: {  	p1 =	sge.u32 s12, s4  }
0x37: {  	s16 =	sshrl.u32 @!p1 s10, $0x3  }
0x38: {  	s17 =	sshll.u32 @!p1 s9, $0x3;
	s16 =	smul.u32 @!p1 $0x61A800, s16  }
0x39: {  	s18 =	sshll.u32 @!p1 s10, $0x7;
	s17 =	sand.u32 @!p1 $0xFFFFFC00, s17  }
0x3a: {  	s16 =	sadd.s32 @!p1 s16, s17;
	s17 =	sand.u32 @!p1 $0x380, s18  }
0x3b: {  	s16 =	sor.u32 @!p1 s17, s16  }
0x3c: {  	s17 =	sshrl.u32 @!p1 s16, $0x8  }
0x3d: {  	s17 =	smulhi.u32 @!p1 $0x14F8B59, s17;
	_ =	sdelay $0x1  }
0x3e: {  	s31 =	sadd.s32 $0xFFFFFFFF, s12;
	s17 =	sshrl.u32 @!p1 s17, $0x4  }
0x3f: {  	s19 =	sand.u32 @!p1 $0x7F, s9;
	s18 =	sxor.u32 @!p1 $0xFFFFFFFF, s12;
	s20 =	smul.u32 @!p1 $0xC3500, s17  }
0x40: {  	s16 =	sor.u32 @!p1 s19, s16;
	s19 =	smul.u32 @!p1 $0x186A00, s11;
	s17 =	sand.u32 @!p1 $0xF, s17  }
0x41: {  	s18 =	sshll.u32 @!p1 s18, $0xC;
	s17 =	smul.u32 @!p1 $0x186A0, s17;
	s16 =	ssub.s32 @!p1 s16, s20  }
0x42: {  	s18 =	sand.u32 @!p1 $0x1000, s18;
	s19 =	sadd.s32 @!p1 s5, s19;
	s20 =	sand.u32 @!p1 $0x7, s16  }
0x43: {  	s16 =	sshrl.u32 @!p1 s16, $0x3;
	s17 =	sadd.s32 @!p1 s17, s19;
	s19 =	sshll.u32 @!p1 s20, $0x12  }
0x44: {  	s16 =	sadd.s32 @!p1 s16, s17;
	s17 =	sor.u32 @!p1 $0x800, s19;
	s19 =	simm.s32 @!p1 $0x61A800  }
0x45: {  	[tilespmem:s18], [sflag:$0x1] =	stream.strided.gather @!p1 [hbm4b:s16+s17], $0x1000, s19, s17, $0x38;
	[tilespmem:$0x4200] =	vst v63  }
0x46: {  	p1 =	sge.u32 s31, s4  }
.Ltmp2:
0x47: {  	_ = 	snop;
	(pc) =	sbr.rel @p1 .LBB1_5-.Ltmp2, $1  }
0x48: {  	_ =	sdelay $0x3  }
0x49: {  	s19 =	simm.s32 $0x0  }
0x4a: {  	s18 =	sand.u32 $0x800, s19;
	s20 =	sand.u32 $0x380, s19  }
0x4b: {  	s16 =	sand.u32 $0x1, s12;
	s18 =	sor.u32 s20, s18  }
0x4c: {  	_ =	swait.ge [sflag:s3], $0x1000;
	s17 =	sshll.u32 s16, $0xC;
	s20 =	sand.u32 $0xB00, s18  }
0x4d: {  	[sflag:s3] =	ssyncset.done $0x0;
	s19 =	sand.u32 $0x80, s19;
	s20 =	sadd.s32 s20, s17  }
0x4e: {  	[sflag:s3] =	ssyncadd.s32 $0xFFFFF000;
	s22 =	sadd.s32 s19, s20  }
0x4f: {  	v4 =	vld [tilespmem:s22+$0x400]  }
0x50: {  	s21 =	simm.s32 $0x1;
	v5 =	vld [tilespmem:s22+$0x0]  }
0x51: {  	s21 =	simm.s32 @!p0 $0x0;
	v6 =	vld [tilespmem:s22+$0x10]  }
0x52: {  	v0 =	vmov s17;
	s31 =	smul.u32 $0x4400, s21;
	v7 =	vld [tilespmem:s22+$0x20]  }
0x53: {  	v9 =	vld [tilespmem:s22+$0x30]  }
0x54: {  	s19 =	sshrl.u32 s31, $0x2;
	v10 =	vld [tilespmem:s22+$0x40]  }
0x55: {  	s19 =	sor.u32 $0x2000, s19;
	v11 =	vld [tilespmem:s22+$0x50]  }
0x56: {  	v8 =	vld [tilespmem:s22+$0x60];
	s20 =	sadd.s32 $0x0, s19  }
0x57: {  	v1 =	vld.idx.msk [tilespmem:v0+s18+$0x410 ss:$0x1], $0xffff;
	[tilespmem:s20+$0x880 ss:$0x11] =	vst.msk $0xffff, v4  }
0x58: {  	v2 =	vld.idx.msk [tilespmem:v0+s18+$0x420 ss:$0x1], $0xffff;
	[tilespmem:s20+$0x0 ss:$0x11] =	vst.msk $0xffff, v5  }
0x59: {  	v3 =	vld.idx.msk [tilespmem:v0+s18+$0x430 ss:$0x1], $0xffff;
	[tilespmem:s20+$0x110 ss:$0x11] =	vst.msk $0xffff, v6  }
0x5a: {  	s16 =	smul.u32 $0x4400, s16;
	[tilespmem:s20+$0x220 ss:$0x11] =	vst.msk $0xffff, v7;
	v7 =	vld [tilespmem:s22+$0x70]  }
0x5b: {  	s23 =	simm.s32 $0x100;
	s24 =	simm.s32 $0x8;
	[tilespmem:s20+$0x330 ss:$0x11] =	vst.msk $0xffff, v9;
	v4 =	vld.idx.msk [tilespmem:v0+s18+$0x440 ss:$0x1], $0xffff  }
0x5c: {  	s25 =	sand.u32 $0x800, s23;
	s16 =	sshrl.u32 s16, $0x2;
	[tilespmem:s20+$0x440 ss:$0x11] =	vst.msk $0xffff, v10;
	v5 =	vld.idx.msk [tilespmem:v0+s18+$0x450 ss:$0x1], $0xffff;
	s22 =	simm.s32 $0x80  }
0x5d: {  	s21 =	simm.s32 $0x4;
	s16 =	sor.u32 $0x2000, s16;
	[tilespmem:s20+$0x550 ss:$0x11] =	vst.msk $0xffff, v11;
	v6 =	vld.idx.msk [tilespmem:v0+s18+$0x460 ss:$0x1], $0xffff;
	s26 =	sand.u32 $0x380, s22  }
.LBB1_3:
0x5e: {  	p1 =	sne.s32 s24, $0x3C;
	[tilespmem:s20+$0x660 ss:$0x11] =	vst.msk $0xffff, v8;
	v8 =	vld.idx.msk [tilespmem:v0+s18+$0x470 ss:$0x1], $0xffff;
	s18 =	sor.u32 s26, s25  }
0x5f: {  	s25 =	sand.u32 $0xB00, s18;
	v9 =	vld.idx.msk [tilespmem:v0+s18+$0x410 ss:$0x1], $0xffff;
	[tilespmem:s20+$0x770 ss:$0x11] =	vst.msk $0xffff, v7  }
0x60: {  	s26 =	sand.u32 $0x80, s22;
	s25 =	sadd.s32 s25, s17;
	v7 =	vld.idx.msk [tilespmem:v0+s18+$0x420 ss:$0x1], $0xffff;
	[tilespmem:s20+$0x990 ss:$0x11] =	vst.msk $0xffff, v1  }
0x61: {  	s25 =	sadd.s32 s26, s25;
	v10 =	vld.idx.msk [tilespmem:v0+s18+$0x430 ss:$0x1], $0xffff;
	[tilespmem:s20+$0xAA0 ss:$0x11] =	vst.msk $0xffff, v2  }
0x62: {  	v11 =	vld [tilespmem:s25+$0x400];
	[tilespmem:s20+$0xBB0 ss:$0x11] =	vst.msk $0xffff, v3  }
0x63: {  	v12 =	vld [tilespmem:s25+$0x0];
	[tilespmem:s20+$0xCC0 ss:$0x11] =	vst.msk $0xffff, v4  }
0x64: {  	v4 =	vld [tilespmem:s25+$0x10];
	[tilespmem:s20+$0xDD0 ss:$0x11] =	vst.msk $0xffff, v5  }
0x65: {  	s26 =	sshra.s32 s21, $0x2;
	s21 =	smov.u32 s24;
	v1 =	vmov v9;
	v5 =	vld [tilespmem:s25+$0x20];
	[tilespmem:s20+$0xEE0 ss:$0x11] =	vst.msk $0xffff, v6  }
0x66: {  	v2 =	vmov v7;
	v6 =	vld [tilespmem:s25+$0x30];
	[tilespmem:s20+$0xFF0 ss:$0x11] =	vst.msk $0xffff, v8;
	s20 =	sadd.s32 s26, s19  }
0x67: {  	v3 =	vmov v10;
	v9 =	vld [tilespmem:s25+$0x40];
	[tilespmem:s20+$0x880 ss:$0x11] =	vst.msk $0xffff, v11  }
0x68: {  	[tilespmem:s20+$0x0 ss:$0x11] =	vst.msk $0xffff, v12;
	v10 =	vld [tilespmem:s25+$0x50]  }
.Ltmp3:
0x69: {  	[tilespmem:s20+$0x110 ss:$0x11] =	vst.msk $0xffff, v4;
	v8 =	vld [tilespmem:s25+$0x60];
	(pc) =	sbr.rel @p1 .LBB1_3-.Ltmp3, $4  }
0x6a: {  	[tilespmem:s20+$0x220 ss:$0x11] =	vst.msk $0xffff, v5;
	v7 =	vld [tilespmem:s25+$0x70]  }
0x6b: {  	[tilespmem:s20+$0x330 ss:$0x11] =	vst.msk $0xffff, v6;
	v4 =	vld.idx.msk [tilespmem:v0+s18+$0x440 ss:$0x1], $0xffff  }
0x6c: {  	s22 =	sadd.s32 $0x80, s22;
	s23 =	sadd.s32 $0x100, s23;
	[tilespmem:s20+$0x440 ss:$0x11] =	vst.msk $0xffff, v9;
	v5 =	vld.idx.msk [tilespmem:v0+s18+$0x450 ss:$0x1], $0xffff  }
0x6d: {  	s24 =	sadd.s32 $0x4, s24;
	s26 =	sand.u32 $0x380, s22;
	s25 =	sand.u32 $0x800, s23;
	[tilespmem:s20+$0x550 ss:$0x11] =	vst.msk $0xffff, v10;
	v6 =	vld.idx.msk [tilespmem:v0+s18+$0x460 ss:$0x1], $0xffff  }
.Ltmp4:
0x6e: {  	_ = 	snop;
	(pc) =	sbr.rel .LBB1_4-.Ltmp4, $1  }
0x6f: {  	_ =	sdelay $0x3  }
.LBB1_6:
0x70: {  	_ =	sfence.sel $0x180000  }
0x71: {  	s2 =	simm.s32 $0x1;
	[bflag:$0x0] =	sbarrier.arrive $0xFFFF  }
0x72: {  	s31 =	simm.s32 $0x2;
	[sflag:s2] =	ssyncpa.u1 $0x1  }
0x73: {  	[sflag:s31] =	ssyncpa.u1 $0x1  }
0x74: {  	p0 =	sne.s32 s0, $0x0;
	_ =	strace $0x90000053  }
0x75: {  	s0 =	sadd.s32 @!p0 $0x100000, s1;
	[bflag:$0x2] =	sbarrier.arrive $0xFFFF  }
0x76: {  	[sflag:s0] =	ssyncadd.tile.s32 @!p0 $0x1;
	_ =	shalt  }
.Lfunc_end1:
_tile_overlayer_lowered:
.L_overlay_start_2:
0x77: {  	(tag) =	ssettag $0x2  }
0x78: {  	s0 =	rddreg [dreg:$0x0];
	s2 =	stileid.u32  }
0x79: {  	s1 =	rddreg [dreg:$0x1];
	p0 =	sne.s32 s2, $0x0  }
0x7a: {  	s3 =	rddreg [dreg:$0x2];
	[bflag:$0x3] =	sbarrier.arrive $0xFFFF;
	s2 =	simm.s32 @!p0 $0x1C01  }
0x7b: {  	[timem:s3], [sflag:s2] =	dma.local @!p0 [hbm:s0], s1  }
0x7c: {  	s0 =	simm.s32 @!p0 $0x1  }
0x7d: {  	_ =	swait.ge @!p0 [sflag:s0], s1  }
0x7e: {  	s1 =	ssub.s32 @!p0 $0x0, s1;
	[sflag:s0] =	ssyncset.done @!p0 $0x0  }
0x7f: {  	[sflag:s0] =	ssyncadd.s32 @!p0 s1  }
0x80: {  	[bflag:$0x3] =	sbarrier.arrive $0xFFFF  }
0x81: {  	_ =	shalt  }

// kernel: sparse-core-data-format-call.8.cloned.1.call-start
scs
called_computation.10_lowered:
.L_overlay_start_0:
0x0: {  	s2 =	sld [smem:$0x3FD9]  }
0x1: {  	s3 =	sld [smem:$0x3FFE];
	_ =	sdelay $0x1  }
0x2: {  	s1 =	srdreg.scid  }
0x3: {  	s0 =	sand.u32 $0x1, s1  }
0x4: {  	s18 =	sshll.u32 s0, $0xA;
	s2 =	sadd.s32 s3, s2  }
0x5: {  	s2 =	sadd.s32 s2, s18  }
0x6: {  	[smem:$0x3FB2] =	sst s2  }
0x7: {  	_ = 	snop  }
0x8: {  	(tm) =	ssettm $0x1  }
0x9: {  	s19 =	sld [smem:$0x3FFB];
	_ =	sdelay $0x3  }
0xa: {  	_ =	strace s19  }
0xb: {  	s2 =	sld [smem:$0x3FFC];
	_ =	sdelay $0x3  }
0xc: {  	_ =	strace s2  }
0xd: {  	s2 =	sld [smem:$0x3FFD];
	_ =	sdelay $0x3  }
0xe: {  	_ =	strace s2  }
0xf: {  	_ =	strace $0x8FFFFFFF  }
0x10: {  	s20 =	sld [smem:$0x3FDB];
	_ =	sdelay $0x1  }
0x11: {  	s21 =	simm.s32 $_scs_section_size  }
0x12: {  	s4 =	simm.s32 $_size__tile_overlayer_lowered;
	s5 =	simm.s32 $_tile_overlayer_lowered  }
0x13: {  	s6 =	simm.s32 $0x1BFF;
	s22 =	sshll.u32 s5, $0x1;
	s3 =	sadd.s32 s21, s20  }
0x14: {  	s23 =	simm.s32 $0x0;
	s4 =	sshll.u32 s4, $0x1;
	s5 =	sadd.s32 s22, s3  }
0x15: {  	[timem:s23], [sflag:s6] =	dma.local [hbm:s5], s4  }
0x16: {  	_ =	swait.ge [sflag:s6], s4  }
0x17: {  	s4 =	ssub.s32 $0x0, s4;
	[sflag:s6] =	ssyncset.done $0x0  }
0x18: {  	[sflag:s6] =	ssyncadd.s32 s4;
	_ =	sdelay $0x1  }
0x19: {  	s24 =	simm.s32 $0x1B8B  }
0x1a: {  	_ =	swait.ge [sflag:s24], $0x1  }
0x1b: {  	[sflag:s24] =	ssyncset.done $0x0  }
0x1c: {  	[sflag:s24] =	ssyncadd.s32 $0xFFFFFFFF  }
0x1d: {  	s4 =	sld [smem:$0x0]  }
0x1e: {  	s5 =	sand.u32 $0xFFFFFFFE, s1  }
0x1f: {  	p0 =	sne.s32 s1, s5  }
0x20: {  	s5 =	sshll.u32 @p0 s5, $0xE  }
0x21: {  	s5 =	sadd.s32 @p0 $0x11B8D, s5;
	s6 =	sshll.u32 @p0 s4, $0x11  }
0x22: {  	s5 =	sor.u32 @p0 s6, s5  }
0x23: {  	[sflag:s5] =	ssyncadd.remote.s32 @p0 $0x1;
	_ =	sdelay $0x1  }
0x24: {  	s5 =	simm.s32 @p0 $0x1B8D  }
0x25: {  	_ =	swait.eq @p0 [sflag:s5], $0x1  }
0x26: {  	[sflag:s5] =	ssyncadd.s32 @p0 $0xFFFFFFFF  }
0x27: {  	s6 =	sshll.u32 @!p0 s1, $0xE  }
0x28: {  	s6 =	sor.u32 @!p0 $0x4000, s6;
	s5 =	simm.s32 @!p0 $0x1B8D  }
0x29: {  	s4 =	sshll.u32 @!p0 s4, $0x11;
	s6 =	sadd.s32 @!p0 $0x11B8D, s6;
	_ =	swait.eq @!p0 [sflag:s5], $0x1  }
0x2a: {  	s4 =	sor.u32 @!p0 s4, s6;
	[sflag:s5] =	ssyncadd.s32 @!p0 $0xFFFFFFFF  }
0x2b: {  	s26 =	simm.s32 $0x1B8E;
	s25 =	sld [smem:$0x3FFE];
	[sflag:s4] =	ssyncadd.remote.s32 @!p0 $0x1  }
0x2c: {  	s27 =	simm.s32 $execute0_lowered;
	[smem:$0x3FD2] =	sst s26  }
0x2d: {  	s5 =	sshll.u32 s27, $0x1;
	_ =	strace $0x80000049;
	[dreg:$0x1] =	wrdreg $0xFFFFFFFF  }
0x2e: {  	s28 =	simm.s32 $_size_execute0_lowered;
	s3 =	sadd.s32 s3, s5;
	[dreg:$0x0] =	wrdreg $0x0  }
0x2f: {  	s5 =	sshll.u32 s28, $0x1;
	[dreg:$0x2] =	wrdreg s3  }
0x30: {  	[dreg:$0x3] =	wrdreg s5  }
0x31: {  	[dreg:$0x4] =	wrdreg $0xC0  }
0x32: {  	_ =	task [dreg:s23], $0x5FFFF  }
0x33: {  	[dreg:$0x1] =	wrdreg $0xFFFFFFFF  }
0x34: {  	[dreg:$0x0] =	wrdreg $0x60  }
0x35: {  	[dreg:$0x2] =	wrdreg s25  }
0x36: {  	[dreg:$0x3] =	wrdreg $0xA  }
0x37: {  	_ =	task.clear_ibuf [dreg:s23], $0x4FFFF;
	_ =	strace $0x90000049  }
0x38: {  	s29 =	simm.s32 $0xA;
	_ =	strace $0x8000004B  }
0x39: {  	_ =	swait.ge [sflag:s29], $0x1  }
0x3a: {  	[sflag:s29] =	ssyncadd.s32 $0xFFFFFFFF  }
0x3b: {  	_ =	strace $0x9000004B  }
0x3c: {  	_ =	sfence  }
0x3d: {  	s30 =	sld [smem:$0x0];
	_ =	sdelay $0x2  }
0x3e: {  	s31 =	sshll.u32 s1, $0xD;
	s1 =	sshrl.u32 s1, $0x2  }
0x3f: {  	s4 =	sand.u32 $0x4000, s31;
	s1 =	sadd.s32 s1, s30  }
0x40: {  	s0 =	sor.u32 s4, s0;
	s1 =	sshll.u32 s1, $0x11  }
0x41: {  	s0 =	sor.u32 s1, s0  }
0x42: {  	s0 =	sadd.s32 $0x8F2B, s0  }
0x43: {  	[sflag:s0] =	ssyncadd.remote.s32 $0x1  }
0x44: {  	_ =	sfence.sel $0xFFFF  }
0x45: {  	[dreg:$0x0] =	wrdreg $0xFFFFFFFF;
	(pc) =	sbr.abs _section_cstart, $3  }
0x46: {  	[dreg:$0x1] =	wrdreg $0xFFFFFFFF  }
0x47: {  	_ =	task.clear_ibuf [dreg:s23], $0x2FFFF;
	_ =	strace $0x9FFFFFFF  }
0x48: {  	(tm) =	ssettm $0x7FFFFFFF  }
0x49: {  	_ =	shalt  }
tec
execute0_lowered:
.L_overlay_start_1:
0x0: {  	(tag) =	ssettag $0x1  }
0x1: {  	s0 =	srdreg.scid  }
0x2: {  	s1 =	sshll.u32 s0, $0x4  }
0x3: {  	s4 =	rddreg [dreg:$0x0];
	s0 =	stileid.u32;
	s1 =	sand.u32 $0x10, s1  }
0x4: {  	s7 =	simm.s32 $0x1;
	s8 =	simm.s32 $0x2;
	s1 =	sor.u32 s0, s1  }
0x5: {  	s11 =	simm.s32 $0x0;
	s10 =	simm.s32 $0x0;
	s2 =	sshll.u32 s1, $0x7  }
0x6: {  	s3 =	sadd.s32 $0x18EE000, s4;
	s4 =	sadd.s32 $0x2523000, s4;
	s6 =	ssub.s32 $0xC3500, s2  }
.Ltmp0:
0x7: {  	s1 =	rddreg [dreg:$0x1];
	s5 =	sand.u32 $0xF80, s6;
	(pc) =	sbr.rel .LBB1_1-.Ltmp0, $4  }
0x8: {  	_ =	strace $0x8000004A;
	s9 =	smov.u32 s2;
	p0 =	sne.s32 s5, $0x0  }
0x9: {  	s6 =	sshrl.u32 s6, $0xC;
	s5 =	simm.s32 $0x1;
	s7 =	simm.s32 @!p0 $0x0  }
0xa: {  	[sflag:s5] =	ssyncpa.u1 $0x0;
	p0 =	por $0x0, $0x0;
	s6 =	sadd.s32 s7, s6  }
0xb: {  	[sflag:s8] =	ssyncpa.u1 $0x0;
	s8 =	simm.s32 $0x61A800;
	s7 =	sadd.s32 $0x1, s6  }
.LBB1_4:
0xc: {  	s14 =	sshll.u32 s11, $0x3  }
0xd: {  	s14 =	sand.u32 $0xFFFFFC00, s14  }
0xe: {  	s15 =	sshrl.u32 s14, $0x8  }
0xf: {  	s15 =	smulhi.u32 $0x14F8B59, s15;
	_ =	sdelay $0x1  }
0x10: {  	s15 =	sshrl.u32 s15, $0x4  }
0x11: {  	s28 =	sand.u32 $0x7F, s11;
	s16 =	smul.u32 $0xC3500, s15  }
0x12: {  	s11 =	sor.u32 s28, s14  }
0x13: {  	s29 =	sand.u32 $0x1F, s15;
	s11 =	ssub.s32 s11, s16  }
0x14: {  	s14 =	smul.u32 $0x186A0, s29;
	s30 =	sshrl.u32 s11, $0x3;
	s11 =	sand.u32 $0x7, s11  }
0x15: {  	s15 =	sadd.s32 s4, s30;
	s11 =	sshll.u32 s11, $0x12  }
0x16: {  	[tilespmem:s13+$0x0 ss:$0x81] =	vst.msk $0xffff, v0;
	s31 =	sadd.s32 s14, s15;
	s11 =	sor.u32 $0x400, s11  }
0x17: {  	[hbm4b:s31+s11] =	stream.strided.scatter [tilespmem:s12], [sflag:$0x2], $0x1000, s8, s11, $0x20;
	[tilespmem:$0x4040] =	vst v63  }
.LBB1_5:
0x18: {  	s13 =	sadd.s32 $0x1000, s9  }
0x19: {  	p2 =	sgt.s32 s13, $0xC34FF  }
0x1a: {  	s13 =	smov.u32 @p2 s2;
	p2 =	sne.s32 s10, s7  }
.Ltmp1:
0x1b: {  	p1 =	slt.u32 s10, $0x2;
	(pc) =	sbr.rel @!p2 .LBB1_6-.Ltmp1, $4  }
0x1c: {  	s12 =	simm.s32 @!p1 $0x2  }
0x1d: {  	s14 =	sadd.s32 $0x1, s10;
	_ =	swait.ge @!p1 [sflag:s12], $0x1000  }
0x1e: {  	s11 =	smov.u32 s9;
	p0 =	por !p0, !p0;
	[sflag:s12] =	ssyncset.done @!p1 $0x0  }
0x1f: {  	s10 =	smov.u32 s14;
	s9 =	smov.u32 s13;
	[sflag:s12] =	ssyncadd.s32 @!p1 $0xFFFFF000  }
.LBB1_1:
0x20: {  	p1 =	sge.u32 s10, s6  }
0x21: {  	s12 =	sand.u32 @!p1 $0x1FFFFFF, s9  }
0x22: {  	s13 =	smulhi.u32 @!p1 $0x14F8B59, s12;
	_ =	sdelay $0x1  }
0x23: {  	s13 =	sshrl.u32 @!p1 s13, $0xC  }
0x24: {  	s13 =	smul.u32 @!p1 $0xC3500, s13;
	_ =	sdelay $0x1  }
0x25: {  	s31 =	sadd.s32 $0xFFFFFFFF, s10;
	s14 =	sxor.u32 @!p1 $0xFFFFFFFF, s10;
	s12 =	ssub.s32 @!p1 s12, s13  }
0x26: {  	s15 =	simm.s32 @!p1 $0x80;
	s14 =	sshll.u32 @!p1 s14, $0xC;
	s12 =	sshll.u32 @!p1 s12, $0x4  }
0x27: {  	s13 =	sand.u32 @!p1 $0x1000, s14;
	s14 =	simm.s32 @!p1 $0x20;
	s12 =	sadd.s32 @!p1 s3, s12  }
0x28: {  	[tilespmem:s13], [sflag:$0x1] =	stream.strided.gather @!p1 [hbm4b:s12+s14], $0x1000, s15, s14, $0x38;
	[tilespmem:$0x4040] =	vst v63  }
0x29: {  	p1 =	sge.u32 s31, s6  }
.Ltmp2:
0x2a: {  	_ = 	snop;
	(pc) =	sbr.rel @p1 .LBB1_5-.Ltmp2, $1  }
0x2b: {  	_ =	sdelay $0x3  }
0x2c: {  	s12 =	simm.s32 $0x1  }
0x2d: {  	_ =	swait.ge [sflag:s5], $0x1000;
	s12 =	simm.s32 @!p0 $0x0  }
0x2e: {  	[sflag:s5] =	ssyncset.done $0x0;
	s13 =	sshll.u32 s12, $0xC  }
0x2f: {  	[sflag:s5] =	ssyncadd.s32 $0xFFFFF000;
	s16 =	sor.u32 $0x10, s13  }
0x30: {  	s12 =	smul.u32 $0x4080, s12;
	v1 =	vld [tilespmem:s16+$0x0]  }
0x31: {  	s30 =	sand.u32 $0x1, s10;
	v0 =	vld [tilespmem:s16+$0xFFFFFFF0]  }
0x32: {  	s13 =	smul.u32 $0x4080, s30;
	s12 =	sshrl.u32 s12, $0x2  }
0x33: {  	s14 =	sor.u32 $0x2000, s12  }
0x34: {  	s31 =	sshrl.u32 s13, $0x2;
	s13 =	sadd.s32 $0x0, s14  }
0x35: {  	s15 =	simm.s32 $0x4;
	s16 =	sadd.s32 $0x20, s16;
	s12 =	sor.u32 $0x2000, s31;
	[tilespmem:s13+$0x810 ss:$0x81] =	vst.msk $0xffff, v1  }
.LBB1_3:
0x36: {  	v1 =	vld [tilespmem:s16+$0x0];
	p1 =	sne.s32 s15, $0x1FC;
	[tilespmem:s13+$0x0 ss:$0x81] =	vst.msk $0xffff, v0;
	s13 =	smov.u32 s15;
	s15 =	sadd.s32 $0x4, s15  }
.Ltmp3:
0x37: {  	v0 =	vld [tilespmem:s16+$0xFFFFFFF0];
	(pc) =	sbr.rel @p1 .LBB1_3-.Ltmp3, $4  }
0x38: {  	_ = 	snop  }
0x39: {  	s13 =	sshra.s32 s13, $0x2  }
0x3a: {  	s13 =	sadd.s32 s13, s14  }
0x3b: {  	s16 =	sadd.s32 $0x20, s16;
	[tilespmem:s13+$0x810 ss:$0x81] =	vst.msk $0xffff, v1  }
.Ltmp4:
0x3c: {  	_ = 	snop;
	(pc) =	sbr.rel .LBB1_4-.Ltmp4, $1  }
0x3d: {  	_ =	sdelay $0x3  }
.LBB1_6:
0x3e: {  	_ =	sfence.sel $0x180000  }
0x3f: {  	s2 =	simm.s32 $0x1;
	[bflag:$0x0] =	sbarrier.arrive $0xFFFF  }
0x40: {  	s31 =	simm.s32 $0x2;
	[sflag:s2] =	ssyncpa.u1 $0x1  }
0x41: {  	[sflag:s31] =	ssyncpa.u1 $0x1  }
0x42: {  	p0 =	sne.s32 s0, $0x0;
	_ =	strace $0x9000004A  }
0x43: {  	s0 =	sadd.s32 @!p0 $0x100000, s1;
	[bflag:$0x2] =	sbarrier.arrive $0xFFFF  }
0x44: {  	[sflag:s0] =	ssyncadd.tile.s32 @!p0 $0x1;
	_ =	shalt  }
.Lfunc_end1:
_tile_overlayer_lowered:
.L_overlay_start_2:
0x45: {  	(tag) =	ssettag $0x2  }
0x46: {  	s0 =	rddreg [dreg:$0x0];
	s2 =	stileid.u32  }
0x47: {  	s1 =	rddreg [dreg:$0x1];
	p0 =	sne.s32 s2, $0x0  }
0x48: {  	s3 =	rddreg [dreg:$0x2];
	[bflag:$0x3] =	sbarrier.arrive $0xFFFF;
	s2 =	simm.s32 @!p0 $0x1C01  }
0x49: {  	[timem:s3], [sflag:s2] =	dma.local @!p0 [hbm:s0], s1  }
0x4a: {  	s0 =	simm.s32 @!p0 $0x1  }
0x4b: {  	_ =	swait.ge @!p0 [sflag:s0], s1  }
0x4c: {  	s1 =	ssub.s32 @!p0 $0x0, s1;
	[sflag:s0] =	ssyncset.done @!p0 $0x0  }
0x4d: {  	[sflag:s0] =	ssyncadd.s32 @!p0 s1  }
0x4e: {  	[bflag:$0x3] =	sbarrier.arrive $0xFFFF  }
0x4f: {  	_ =	shalt  }

// kernel: sparse-core-data-format-call.9.cloned.1.call-start
scs
called_computation.11_lowered:
.L_overlay_start_0:
0x0: {  	s1 =	sld [smem:$0x3FD9]  }
0x1: {  	s2 =	sld [smem:$0x3FFE];
	_ =	sdelay $0x1  }
0x2: {  	s3 =	srdreg.scid  }
0x3: {  	s0 =	sand.u32 $0x1, s3  }
0x4: {  	s17 =	sshll.u32 s0, $0xA;
	s1 =	sadd.s32 s2, s1  }
0x5: {  	s1 =	sadd.s32 s1, s17  }
0x6: {  	[smem:$0x3FB2] =	sst s1  }
0x7: {  	_ = 	snop  }
0x8: {  	(tm) =	ssettm $0x1  }
0x9: {  	s18 =	sld [smem:$0x3FFB];
	_ =	sdelay $0x3  }
0xa: {  	_ =	strace s18  }
0xb: {  	s1 =	sld [smem:$0x3FFC];
	_ =	sdelay $0x3  }
0xc: {  	_ =	strace s1  }
0xd: {  	s1 =	sld [smem:$0x3FFD];
	_ =	sdelay $0x3  }
0xe: {  	_ =	strace s1  }
0xf: {  	_ =	strace $0x8FFFFFFF  }
0x10: {  	s19 =	sld [smem:$0x3FDB];
	_ =	sdelay $0x1  }
0x11: {  	s20 =	simm.s32 $_scs_section_size  }
0x12: {  	s4 =	simm.s32 $_size__tile_overlayer_lowered;
	s5 =	simm.s32 $_tile_overlayer_lowered  }
0x13: {  	s23 =	simm.s32 $0x1BFF;
	s22 =	sshll.u32 s5, $0x1;
	s1 =	sadd.s32 s20, s19  }
0x14: {  	s6 =	simm.s32 $0x0;
	s21 =	sshll.u32 s4, $0x1;
	s4 =	sadd.s32 s22, s1  }
0x15: {  	[timem:s6], [sflag:s23] =	dma.local [hbm:s4], s21  }
0x16: {  	_ =	swait.ge [sflag:s23], s21  }
0x17: {  	s2 =	ssub.s32 $0x0, s21;
	[sflag:s23] =	ssyncset.done $0x0  }
0x18: {  	[sflag:s23] =	ssyncadd.s32 s2;
	_ =	sdelay $0x1  }
0x19: {  	s24 =	simm.s32 $0x1B8B  }
0x1a: {  	_ =	swait.ge [sflag:s24], $0x1  }
0x1b: {  	[sflag:s24] =	ssyncset.done $0x0  }
0x1c: {  	s26 =	simm.s32 $0x1B8E;
	s25 =	sld [smem:$0x3FFE];
	[sflag:s24] =	ssyncadd.s32 $0xFFFFFFFF  }
0x1d: {  	s27 =	simm.s32 $execute0_lowered;
	[smem:$0x3FD2] =	sst s26  }
0x1e: {  	s4 =	sshll.u32 s27, $0x1;
	_ =	strace $0x80000046;
	[dreg:$0x1] =	wrdreg $0xFFFFFFFF  }
0x1f: {  	s28 =	simm.s32 $_size_execute0_lowered;
	s1 =	sadd.s32 s1, s4;
	[dreg:$0x0] =	wrdreg $0x0  }
0x20: {  	s4 =	sshll.u32 s28, $0x1;
	[dreg:$0x2] =	wrdreg s1  }
0x21: {  	[dreg:$0x3] =	wrdreg s4  }
0x22: {  	[dreg:$0x4] =	wrdreg $0xC0  }
0x23: {  	_ =	task [dreg:s6], $0x5FFFF  }
0x24: {  	[dreg:$0x1] =	wrdreg $0xFFFFFFFF  }
0x25: {  	[dreg:$0x0] =	wrdreg $0x60  }
0x26: {  	[dreg:$0x2] =	wrdreg s25  }
0x27: {  	[dreg:$0x3] =	wrdreg $0xB  }
0x28: {  	_ =	task.clear_ibuf [dreg:s6], $0x4FFFF;
	_ =	strace $0x90000046  }
0x29: {  	s29 =	simm.s32 $0xB;
	_ =	strace $0x80000048  }
0x2a: {  	_ =	swait.ge [sflag:s29], $0x1  }
0x2b: {  	[sflag:s29] =	ssyncadd.s32 $0xFFFFFFFF  }
0x2c: {  	_ =	strace $0x90000048  }
0x2d: {  	_ =	sfence  }
0x2e: {  	s30 =	sld [smem:$0x0];
	_ =	sdelay $0x2  }
0x2f: {  	s31 =	sshll.u32 s3, $0xD;
	s3 =	sshrl.u32 s3, $0x2  }
0x30: {  	s2 =	sand.u32 $0x4000, s31;
	s1 =	sadd.s32 s3, s30  }
0x31: {  	s0 =	sor.u32 s2, s0;
	s1 =	sshll.u32 s1, $0x11  }
0x32: {  	s0 =	sor.u32 s1, s0  }
0x33: {  	s0 =	sadd.s32 $0x8F2B, s0  }
0x34: {  	[sflag:s0] =	ssyncadd.remote.s32 $0x1  }
0x35: {  	_ =	sfence.sel $0xFFFF  }
0x36: {  	[dreg:$0x0] =	wrdreg $0xFFFFFFFF;
	(pc) =	sbr.abs _section_cstart, $3  }
0x37: {  	[dreg:$0x1] =	wrdreg $0xFFFFFFFF  }
0x38: {  	_ =	task.clear_ibuf [dreg:s6], $0x2FFFF;
	_ =	strace $0x9FFFFFFF  }
0x39: {  	(tm) =	ssettm $0x7FFFFFFF  }
tec
execute0_lowered:
.L_overlay_start_1:
0x0: {  	(tag) =	ssettag $0x1  }
0x1: {  	s0 =	srdreg.scid  }
0x2: {  	s6 =	rddreg [dreg:$0x0];
	s7 =	simm.s32 $0x1;
	s1 =	sshll.u32 s0, $0x4  }
0x3: {  	s8 =	simm.s32 $0x2;
	s0 =	stileid.u32;
	s1 =	sand.u32 $0x10, s1  }
0x4: {  	s13 =	simm.s32 $0x0;
	s12 =	simm.s32 $0x0;
	s1 =	sor.u32 s0, s1  }
0x5: {  	s10 =	simm.s32 $0x0;
	s11 =	simm.s32 $0x0;
	s2 =	sshll.u32 s1, $0x8  }
0x6: {  	s3 =	sadd.s32 $0x9F5400, s6;
	s6 =	sadd.s32 $0xCB9000, s6;
	s5 =	ssub.s32 $0xC3500, s2  }
.Ltmp0:
0x7: {  	s1 =	rddreg [dreg:$0x1];
	s4 =	sand.u32 $0x1F00, s5;
	(pc) =	sbr.rel .LBB1_1-.Ltmp0, $4  }
0x8: {  	_ =	strace $0x80000047;
	s9 =	smov.u32 s2;
	p0 =	sne.s32 s4, $0x0  }
0x9: {  	s5 =	sshrl.u32 s5, $0xD;
	s4 =	simm.s32 $0x1;
	s7 =	simm.s32 @!p0 $0x0  }
0xa: {  	[sflag:s4] =	ssyncpa.u1 $0x0;
	p0 =	por $0x0, $0x0;
	s5 =	sadd.s32 s7, s5  }
0xb: {  	[sflag:s8] =	ssyncpa.u1 $0x0;
	s8 =	simm.s32 $0x80;
	s7 =	sadd.s32 $0x1, s5  }
.LBB1_4:
0xc: {  	_ =	sdelay $0x3  }
0xd: {  	s21 =	sor.u32 s24, s23;
	v47 =	vld.idx.msk [tilespmem:v0+s16+$0x470 ss:$0x1], $0xffff  }
0xe: {  	v57 =	vld.idx.msk [tilespmem:v0+s21+$0x410 ss:$0x1], $0xffff  }
0xf: {  	v58 =	vld.idx.msk [tilespmem:v0+s21+$0x420 ss:$0x1], $0xffff  }
0x10: {  	[tilespmem:s18+$0x660 ss:$0x11] =	vst.msk $0xffff, v8;
	v59 =	vld.idx.msk [tilespmem:v0+s21+$0x430 ss:$0x1], $0xffff  }
0x11: {  	[tilespmem:s18+$0x770 ss:$0x11] =	vst.msk $0xffff, v7;
	v60 =	vld.idx.msk [tilespmem:v0+s21+$0x440 ss:$0x1], $0xffff  }
0x12: {  	[tilespmem:s18+$0x990 ss:$0x11] =	vst.msk $0xffff, v1;
	s22 =	sand.u32 $0xB00, s21;
	v61 =	vld.idx.msk [tilespmem:v0+s21+$0x450 ss:$0x1], $0xffff  }
0x13: {  	s20 =	sand.u32 $0x80, s20;
	[tilespmem:s18+$0xAA0 ss:$0x11] =	vst.msk $0xffff, v2;
	v62 =	vld.idx.msk [tilespmem:v0+s21+$0x460 ss:$0x1], $0xffff;
	s15 =	sadd.s32 s22, s15  }
0x14: {  	[tilespmem:s18+$0xBB0 ss:$0x11] =	vst.msk $0xffff, v3;
	v63 =	vld.idx.msk [tilespmem:v0+s21+$0x470 ss:$0x1], $0xffff;
	s15 =	sadd.s32 s20, s15  }
0x15: {  	[tilespmem:s18+$0xCC0 ss:$0x11] =	vst.msk $0xffff, v4;
	v48 =	vld [tilespmem:s15+$0x400]  }
0x16: {  	[tilespmem:s18+$0xDD0 ss:$0x11] =	vst.msk $0xffff, v5;
	v49 =	vld [tilespmem:s15+$0x0]  }
0x17: {  	s25 =	sshra.s32 s19, $0x2;
	[tilespmem:s18+$0xEE0 ss:$0x11] =	vst.msk $0xffff, v6;
	v50 =	vld [tilespmem:s15+$0x10]  }
0x18: {  	s16 =	sadd.s32 s25, s17;
	v51 =	vld [tilespmem:s15+$0x20];
	[tilespmem:s18+$0xFF0 ss:$0x11] =	vst.msk $0xffff, v47  }
0x19: {  	v52 =	vld [tilespmem:s15+$0x30];
	[tilespmem:s16+$0x990 ss:$0x11] =	vst.msk $0xffff, v57  }
0x1a: {  	v53 =	vld [tilespmem:s15+$0x40];
	[tilespmem:s16+$0xAA0 ss:$0x11] =	vst.msk $0xffff, v58  }
0x1b: {  	v54 =	vld [tilespmem:s15+$0x50];
	[tilespmem:s16+$0xBB0 ss:$0x11] =	vst.msk $0xffff, v59  }
0x1c: {  	s13 =	sshll.u32 s13, $0x7;
	s26 =	sshll.u32 s12, $0x3;
	v55 =	vld [tilespmem:s15+$0x60];
	[tilespmem:s16+$0xCC0 ss:$0x11] =	vst.msk $0xffff, v60  }
0x1d: {  	s27 =	sand.u32 $0xFFFFFC00, s13;
	v56 =	vld [tilespmem:s15+$0x70];
	s15 =	sand.u32 $0xFFFFFC00, s26;
	[tilespmem:s16+$0xDD0 ss:$0x11] =	vst.msk $0xffff, v61  }
0x1e: {  	s13 =	sand.u32 $0x380, s13;
	s15 =	sadd.s32 s15, s27;
	[tilespmem:s16+$0xEE0 ss:$0x11] =	vst.msk $0xffff, v62  }
0x1f: {  	s13 =	sor.u32 s13, s15;
	[tilespmem:s16+$0xFF0 ss:$0x11] =	vst.msk $0xffff, v63  }
0x20: {  	s13 =	sshrl.u32 s13, $0x7;
	[tilespmem:s16+$0x880 ss:$0x11] =	vst.msk $0xffff, v48  }
0x21: {  	s28 =	smulhi.u32 $0x14F8B59, s13;
	[tilespmem:s16+$0x0 ss:$0x11] =	vst.msk $0xffff, v49  }
0x22: {  	[tilespmem:s16+$0x110 ss:$0x11] =	vst.msk $0xffff, v50  }
0x23: {  	[tilespmem:s16+$0x220 ss:$0x11] =	vst.msk $0xffff, v51;
	s15 =	sshrl.u32 s28, $0xC  }
0x24: {  	[tilespmem:s16+$0x330 ss:$0x11] =	vst.msk $0xffff, v52;
	s15 =	smul.u32 $0xC3500, s15  }
0x25: {  	s29 =	sshrl.u32 s12, $0x3;
	[tilespmem:s16+$0x440 ss:$0x11] =	vst.msk $0xffff, v53  }
0x26: {  	s31 =	sand.u32 $0x7, s12;
	s30 =	sand.u32 $0xF, s29;
	[tilespmem:s16+$0x550 ss:$0x11] =	vst.msk $0xffff, v54;
	s13 =	ssub.s32 s13, s15  }
0x27: {  	s12 =	sshll.u32 s31, $0x12;
	[tilespmem:s16+$0x660 ss:$0x11] =	vst.msk $0xffff, v55;
	s15 =	sadd.s32 s6, s30;
	s13 =	sshll.u32 s13, $0x4  }
0x28: {  	s12 =	sor.u32 $0x10, s12;
	[tilespmem:s16+$0x770 ss:$0x11] =	vst.msk $0xffff, v56;
	s13 =	sadd.s32 s13, s15  }
0x29: {  	[hbm4b:s13+s12] =	stream.strided.scatter [tilespmem:s14], [sflag:$0x2], $0x1000, s8, s12, $0x8;
	[tilespmem:$0x4200] =	vst v63  }
.LBB1_5:
0x2a: {  	s14 =	sadd.s32 $0x2000, s9  }
0x2b: {  	s12 =	sadd.s32 $0x10, s10;
	s16 =	smov.u32 s10;
	p2 =	sgt.s32 s14, $0xC34FF  }
0x2c: {  	s16 =	smov.u32 @p2 s12  }
0x2d: {  	s14 =	smov.u32 @p2 s2;
	p2 =	sgt.s32 s16, $0xF  }
0x2e: {  	s16 =	simm.s32 @p2 $0x0;
	p2 =	sne.s32 s11, s7  }
.Ltmp1:
0x2f: {  	p1 =	slt.u32 s11, $0x2;
	(pc) =	sbr.rel @!p2 .LBB1_6-.Ltmp1, $4  }
0x30: {  	s15 =	simm.s32 @!p1 $0x2  }
0x31: {  	s13 =	smov.u32 s9;
	p0 =	por !p0, !p0;
	_ =	swait.ge @!p1 [sflag:s15], $0x1000  }
0x32: {  	s12 =	smov.u32 s10;
	[sflag:s15] =	ssyncset.done @!p1 $0x0;
	s9 =	smov.u32 s14  }
0x33: {  	s11 =	sadd.s32 $0x1, s11;
	[sflag:s15] =	ssyncadd.s32 @!p1 $0xFFFFF000;
	s10 =	smov.u32 s16  }
.LBB1_1:
0x34: {  	p1 =	sge.u32 s11, s5  }
0x35: {  	s14 =	sshrl.u32 @!p1 s10, $0x3  }
0x36: {  	s15 =	sshll.u32 @!p1 s9, $0x3;
	s14 =	smul.u32 @!p1 $0x61A800, s14  }
0x37: {  	s16 =	sshll.u32 @!p1 s10, $0x7;
	s15 =	sand.u32 @!p1 $0xFFFFFC00, s15  }
0x38: {  	s14 =	sadd.s32 @!p1 s14, s15;
	s15 =	sand.u32 @!p1 $0x380, s16  }
0x39: {  	s14 =	sor.u32 @!p1 s15, s14  }
0x3a: {  	s15 =	sshrl.u32 @!p1 s14, $0x8  }
0x3b: {  	s15 =	smulhi.u32 @!p1 $0x14F8B59, s15;
	_ =	sdelay $0x1  }
0x3c: {  	s15 =	sshrl.u32 @!p1 s15, $0x4  }
0x3d: {  	s16 =	sand.u32 @!p1 $0x7F, s9;
	s17 =	smul.u32 @!p1 $0xC3500, s15  }
0x3e: {  	s31 =	sadd.s32 $0xFFFFFFFF, s11;
	s14 =	sor.u32 @!p1 s16, s14;
	s16 =	sxor.u32 @!p1 $0xFFFFFFFF, s11  }
0x3f: {  	s16 =	sshll.u32 @!p1 s16, $0xC;
	s15 =	sand.u32 @!p1 $0xF, s15;
	s14 =	ssub.s32 @!p1 s14, s17  }
0x40: {  	s15 =	smul.u32 @!p1 $0x186A0, s15;
	s17 =	sshrl.u32 @!p1 s14, $0x3;
	s14 =	sand.u32 @!p1 $0x7, s14  }
0x41: {  	s16 =	sand.u32 @!p1 $0x1000, s16;
	s17 =	sadd.s32 @!p1 s3, s17;
	s14 =	sshll.u32 @!p1 s14, $0x12  }
0x42: {  	s15 =	sadd.s32 @!p1 s15, s17;
	s14 =	sor.u32 @!p1 $0x800, s14;
	s17 =	simm.s32 @!p1 $0x61A800  }
0x43: {  	[tilespmem:s16], [sflag:$0x1] =	stream.strided.gather @!p1 [hbm4b:s15+s14], $0x1000, s17, s14, $0x38;
	[tilespmem:$0x4200] =	vst v63  }
0x44: {  	p1 =	sge.u32 s31, s5  }
.Ltmp2:
0x45: {  	_ = 	snop;
	(pc) =	sbr.rel @p1 .LBB1_5-.Ltmp2, $1  }
0x46: {  	_ =	sdelay $0x3  }
0x47: {  	s17 =	simm.s32 $0x0  }
0x48: {  	s16 =	sand.u32 $0x800, s17;
	s18 =	sand.u32 $0x380, s17  }
0x49: {  	s14 =	sand.u32 $0x1, s11;
	s16 =	sor.u32 s18, s16  }
0x4a: {  	_ =	swait.ge [sflag:s4], $0x1000;
	s15 =	sshll.u32 s14, $0xC;
	s18 =	sand.u32 $0xB00, s16  }
0x4b: {  	[sflag:s4] =	ssyncset.done $0x0;
	s17 =	sand.u32 $0x80, s17;
	s18 =	sadd.s32 s18, s15  }
0x4c: {  	[sflag:s4] =	ssyncadd.s32 $0xFFFFF000;
	s20 =	sadd.s32 s17, s18  }
0x4d: {  	v4 =	vld [tilespmem:s20+$0x400]  }
0x4e: {  	s19 =	simm.s32 $0x1;
	v5 =	vld [tilespmem:s20+$0x0]  }
0x4f: {  	s19 =	simm.s32 @!p0 $0x0;
	v6 =	vld [tilespmem:s20+$0x10]  }
0x50: {  	v0 =	vmov s15;
	s31 =	smul.u32 $0x4400, s19;
	v7 =	vld [tilespmem:s20+$0x20]  }
0x51: {  	v9 =	vld [tilespmem:s20+$0x30]  }
0x52: {  	s17 =	sshrl.u32 s31, $0x2;
	v10 =	vld [tilespmem:s20+$0x40]  }
0x53: {  	s17 =	sor.u32 $0x2000, s17;
	v11 =	vld [tilespmem:s20+$0x50]  }
0x54: {  	v8 =	vld [tilespmem:s20+$0x60];
	s18 =	sadd.s32 $0x0, s17  }
0x55: {  	v1 =	vld.idx.msk [tilespmem:v0+s16+$0x410 ss:$0x1], $0xffff;
	[tilespmem:s18+$0x880 ss:$0x11] =	vst.msk $0xffff, v4  }
0x56: {  	v2 =	vld.idx.msk [tilespmem:v0+s16+$0x420 ss:$0x1], $0xffff;
	[tilespmem:s18+$0x0 ss:$0x11] =	vst.msk $0xffff, v5  }
0x57: {  	v3 =	vld.idx.msk [tilespmem:v0+s16+$0x430 ss:$0x1], $0xffff;
	[tilespmem:s18+$0x110 ss:$0x11] =	vst.msk $0xffff, v6  }
0x58: {  	s14 =	smul.u32 $0x4400, s14;
	[tilespmem:s18+$0x220 ss:$0x11] =	vst.msk $0xffff, v7;
	v7 =	vld [tilespmem:s20+$0x70]  }
0x59: {  	s21 =	simm.s32 $0x100;
	s22 =	simm.s32 $0x8;
	[tilespmem:s18+$0x330 ss:$0x11] =	vst.msk $0xffff, v9;
	v4 =	vld.idx.msk [tilespmem:v0+s16+$0x440 ss:$0x1], $0xffff  }
0x5a: {  	s23 =	sand.u32 $0x800, s21;
	s14 =	sshrl.u32 s14, $0x2;
	[tilespmem:s18+$0x440 ss:$0x11] =	vst.msk $0xffff, v10;
	v5 =	vld.idx.msk [tilespmem:v0+s16+$0x450 ss:$0x1], $0xffff;
	s20 =	simm.s32 $0x80  }
0x5b: {  	s19 =	simm.s32 $0x4;
	s14 =	sor.u32 $0x2000, s14;
	[tilespmem:s18+$0x550 ss:$0x11] =	vst.msk $0xffff, v11;
	v6 =	vld.idx.msk [tilespmem:v0+s16+$0x460 ss:$0x1], $0xffff;
	s24 =	sand.u32 $0x380, s20  }
.LBB1_3:
0x5c: {  	p1 =	sne.s32 s22, $0x3C;
	[tilespmem:s18+$0x660 ss:$0x11] =	vst.msk $0xffff, v8;
	v8 =	vld.idx.msk [tilespmem:v0+s16+$0x470 ss:$0x1], $0xffff;
	s16 =	sor.u32 s24, s23  }
0x5d: {  	s23 =	sand.u32 $0xB00, s16;
	v9 =	vld.idx.msk [tilespmem:v0+s16+$0x410 ss:$0x1], $0xffff;
	[tilespmem:s18+$0x770 ss:$0x11] =	vst.msk $0xffff, v7  }
0x5e: {  	s24 =	sand.u32 $0x80, s20;
	s23 =	sadd.s32 s23, s15;
	v7 =	vld.idx.msk [tilespmem:v0+s16+$0x420 ss:$0x1], $0xffff;
	[tilespmem:s18+$0x990 ss:$0x11] =	vst.msk $0xffff, v1  }
0x5f: {  	s23 =	sadd.s32 s24, s23;
	v10 =	vld.idx.msk [tilespmem:v0+s16+$0x430 ss:$0x1], $0xffff;
	[tilespmem:s18+$0xAA0 ss:$0x11] =	vst.msk $0xffff, v2  }
0x60: {  	v11 =	vld [tilespmem:s23+$0x400];
	[tilespmem:s18+$0xBB0 ss:$0x11] =	vst.msk $0xffff, v3  }
0x61: {  	v12 =	vld [tilespmem:s23+$0x0];
	[tilespmem:s18+$0xCC0 ss:$0x11] =	vst.msk $0xffff, v4  }
0x62: {  	v4 =	vld [tilespmem:s23+$0x10];
	[tilespmem:s18+$0xDD0 ss:$0x11] =	vst.msk $0xffff, v5  }
0x63: {  	s24 =	sshra.s32 s19, $0x2;
	s19 =	smov.u32 s22;
	v1 =	vmov v9;
	v5 =	vld [tilespmem:s23+$0x20];
	[tilespmem:s18+$0xEE0 ss:$0x11] =	vst.msk $0xffff, v6  }
0x64: {  	v2 =	vmov v7;
	v6 =	vld [tilespmem:s23+$0x30];
	[tilespmem:s18+$0xFF0 ss:$0x11] =	vst.msk $0xffff, v8;
	s18 =	sadd.s32 s24, s17  }
0x65: {  	v3 =	vmov v10;
	v9 =	vld [tilespmem:s23+$0x40];
	[tilespmem:s18+$0x880 ss:$0x11] =	vst.msk $0xffff, v11  }
0x66: {  	[tilespmem:s18+$0x0 ss:$0x11] =	vst.msk $0xffff, v12;
	v10 =	vld [tilespmem:s23+$0x50]  }
.Ltmp3:
0x67: {  	[tilespmem:s18+$0x110 ss:$0x11] =	vst.msk $0xffff, v4;
	v8 =	vld [tilespmem:s23+$0x60];
	(pc) =	sbr.rel @p1 .LBB1_3-.Ltmp3, $4  }
0x68: {  	[tilespmem:s18+$0x220 ss:$0x11] =	vst.msk $0xffff, v5;
	v7 =	vld [tilespmem:s23+$0x70]  }
0x69: {  	[tilespmem:s18+$0x330 ss:$0x11] =	vst.msk $0xffff, v6;
	v4 =	vld.idx.msk [tilespmem:v0+s16+$0x440 ss:$0x1], $0xffff  }
0x6a: {  	s20 =	sadd.s32 $0x80, s20;
	s21 =	sadd.s32 $0x100, s21;
	[tilespmem:s18+$0x440 ss:$0x11] =	vst.msk $0xffff, v9;
	v5 =	vld.idx.msk [tilespmem:v0+s16+$0x450 ss:$0x1], $0xffff  }
0x6b: {  	s22 =	sadd.s32 $0x4, s22;
	s24 =	sand.u32 $0x380, s20;
	s23 =	sand.u32 $0x800, s21;
	[tilespmem:s18+$0x550 ss:$0x11] =	vst.msk $0xffff, v10;
	v6 =	vld.idx.msk [tilespmem:v0+s16+$0x460 ss:$0x1], $0xffff  }
.Ltmp4:
0x6c: {  	_ = 	snop;
	(pc) =	sbr.rel .LBB1_4-.Ltmp4, $1  }
0x6d: {  	_ =	sdelay $0x3  }
.LBB1_6:
0x6e: {  	_ =	sfence.sel $0x180000  }
0x6f: {  	s2 =	simm.s32 $0x1;
	[bflag:$0x0] =	sbarrier.arrive $0xFFFF  }
0x70: {  	s31 =	simm.s32 $0x2;
	[sflag:s2] =	ssyncpa.u1 $0x1  }
0x71: {  	[sflag:s31] =	ssyncpa.u1 $0x1  }
0x72: {  	p0 =	sne.s32 s0, $0x0;
	_ =	strace $0x90000047  }
0x73: {  	s0 =	sadd.s32 @!p0 $0x100000, s1;
	[bflag:$0x2] =	sbarrier.arrive $0xFFFF  }
0x74: {  	[sflag:s0] =	ssyncadd.tile.s32 @!p0 $0x1;
	_ =	shalt  }
.Lfunc_end1:
_tile_overlayer_lowered:
.L_overlay_start_2:
0x75: {  	(tag) =	ssettag $0x2  }
0x76: {  	s0 =	rddreg [dreg:$0x0];
	s2 =	stileid.u32  }
0x77: {  	s1 =	rddreg [dreg:$0x1];
	p0 =	sne.s32 s2, $0x0  }
0x78: {  	s3 =	rddreg [dreg:$0x2];
	[bflag:$0x3] =	sbarrier.arrive $0xFFFF;
	s2 =	simm.s32 @!p0 $0x1C01  }
0x79: {  	[timem:s3], [sflag:s2] =	dma.local @!p0 [hbm:s0], s1  }
0x7a: {  	s0 =	simm.s32 @!p0 $0x1  }
0x7b: {  	_ =	swait.ge @!p0 [sflag:s0], s1  }
0x7c: {  	s1 =	ssub.s32 @!p0 $0x0, s1;
	[sflag:s0] =	ssyncset.done @!p0 $0x0  }
0x7d: {  	[sflag:s0] =	ssyncadd.s32 @!p0 s1  }
0x7e: {  	[bflag:$0x3] =	sbarrier.arrive $0xFFFF  }
0x7f: {  	_ =	shalt  }

// kernel: sparse-core-data-format-call.cloned.1.call-start
scs
called_computation.2_lowered:
.L_overlay_start_0:
0x0: {  	s1 =	sld [smem:$0x3FD9]  }
0x1: {  	s2 =	sld [smem:$0x3FFE];
	_ =	sdelay $0x1  }
0x2: {  	s3 =	srdreg.scid  }
0x3: {  	s0 =	sand.u32 $0x1, s3  }
0x4: {  	s17 =	sshll.u32 s0, $0xA;
	s1 =	sadd.s32 s2, s1  }
0x5: {  	s1 =	sadd.s32 s1, s17  }
0x6: {  	[smem:$0x3FB2] =	sst s1  }
0x7: {  	_ = 	snop  }
0x8: {  	(tm) =	ssettm $0x1  }
0x9: {  	s18 =	sld [smem:$0x3FFB];
	_ =	sdelay $0x3  }
0xa: {  	_ =	strace s18  }
0xb: {  	s1 =	sld [smem:$0x3FFC];
	_ =	sdelay $0x3  }
0xc: {  	_ =	strace s1  }
0xd: {  	s1 =	sld [smem:$0x3FFD];
	_ =	sdelay $0x3  }
0xe: {  	_ =	strace s1  }
0xf: {  	_ =	strace $0x8FFFFFFF  }
0x10: {  	s19 =	sld [smem:$0x3FDB];
	_ =	sdelay $0x1  }
0x11: {  	s20 =	simm.s32 $_scs_section_size  }
0x12: {  	s4 =	simm.s32 $_size__tile_overlayer_lowered;
	s5 =	simm.s32 $_tile_overlayer_lowered  }
0x13: {  	s23 =	simm.s32 $0x1BFF;
	s22 =	sshll.u32 s5, $0x1;
	s1 =	sadd.s32 s20, s19  }
0x14: {  	s6 =	simm.s32 $0x0;
	s21 =	sshll.u32 s4, $0x1;
	s4 =	sadd.s32 s22, s1  }
0x15: {  	[timem:s6], [sflag:s23] =	dma.local [hbm:s4], s21  }
0x16: {  	_ =	swait.ge [sflag:s23], s21  }
0x17: {  	s2 =	ssub.s32 $0x0, s21;
	[sflag:s23] =	ssyncset.done $0x0  }
0x18: {  	[sflag:s23] =	ssyncadd.s32 s2;
	_ =	sdelay $0x1  }
0x19: {  	s24 =	simm.s32 $0x1B8B  }
0x1a: {  	_ =	swait.ge [sflag:s24], $0x1  }
0x1b: {  	[sflag:s24] =	ssyncset.done $0x0  }
0x1c: {  	s26 =	simm.s32 $0x1B8E;
	s25 =	sld [smem:$0x3FFE];
	[sflag:s24] =	ssyncadd.s32 $0xFFFFFFFF  }
0x1d: {  	s27 =	simm.s32 $execute0_lowered;
	[smem:$0x3FD2] =	sst s26  }
0x1e: {  	s4 =	sshll.u32 s27, $0x1;
	_ =	strace $0x80000064;
	[dreg:$0x1] =	wrdreg $0xFFFFFFFF  }
0x1f: {  	s28 =	simm.s32 $_size_execute0_lowered;
	s1 =	sadd.s32 s1, s4;
	[dreg:$0x0] =	wrdreg $0x0  }
0x20: {  	s4 =	sshll.u32 s28, $0x1;
	[dreg:$0x2] =	wrdreg s1  }
0x21: {  	[dreg:$0x3] =	wrdreg s4  }
0x22: {  	[dreg:$0x4] =	wrdreg $0xC0  }
0x23: {  	_ =	task [dreg:s6], $0x5FFFF  }
0x24: {  	[dreg:$0x1] =	wrdreg $0xFFFFFFFF  }
0x25: {  	[dreg:$0x0] =	wrdreg $0x60  }
0x26: {  	[dreg:$0x2] =	wrdreg s25  }
0x27: {  	[dreg:$0x3] =	wrdreg $0xA  }
0x28: {  	_ =	task.clear_ibuf [dreg:s6], $0x4FFFF;
	_ =	strace $0x90000064  }
0x29: {  	s29 =	simm.s32 $0xA;
	_ =	strace $0x80000066  }
0x2a: {  	_ =	swait.ge [sflag:s29], $0x1  }
0x2b: {  	[sflag:s29] =	ssyncadd.s32 $0xFFFFFFFF  }
0x2c: {  	_ =	strace $0x90000066  }
0x2d: {  	_ =	sfence  }
0x2e: {  	s30 =	sld [smem:$0x0];
	_ =	sdelay $0x2  }
0x2f: {  	s31 =	sshll.u32 s3, $0xD;
	s3 =	sshrl.u32 s3, $0x2  }
0x30: {  	s2 =	sand.u32 $0x4000, s31;
	s1 =	sadd.s32 s3, s30  }
0x31: {  	s0 =	sor.u32 s2, s0;
	s1 =	sshll.u32 s1, $0x11  }
0x32: {  	s0 =	sor.u32 s1, s0  }
0x33: {  	s0 =	sadd.s32 $0x8F2B, s0  }
0x34: {  	[sflag:s0] =	ssyncadd.remote.s32 $0x1  }
0x35: {  	_ =	sfence.sel $0xFFFF  }
0x36: {  	[dreg:$0x0] =	wrdreg $0xFFFFFFFF;
	(pc) =	sbr.abs _section_cstart, $3  }
0x37: {  	[dreg:$0x1] =	wrdreg $0xFFFFFFFF  }
0x38: {  	_ =	task.clear_ibuf [dreg:s6], $0x2FFFF;
	_ =	strace $0x9FFFFFFF  }
0x39: {  	(tm) =	ssettm $0x7FFFFFFF  }
tec
execute0_lowered:
.L_overlay_start_1:
0x0: {  	(tag) =	ssettag $0x1  }
0x1: {  	s0 =	srdreg.scid  }
0x2: {  	s6 =	rddreg [dreg:$0x0];
	s7 =	simm.s32 $0x1;
	s1 =	sshll.u32 s0, $0x4  }
0x3: {  	s8 =	simm.s32 $0x2;
	s0 =	stileid.u32;
	s1 =	sand.u32 $0x10, s1  }
0x4: {  	s13 =	simm.s32 $0x0;
	s12 =	simm.s32 $0x0;
	s1 =	sor.u32 s0, s1  }
0x5: {  	s10 =	simm.s32 $0x0;
	s11 =	simm.s32 $0x0;
	s2 =	sshll.u32 s1, $0x8  }
0x6: {  	s3 =	sadd.s32 $0xB5400, s6;
	s6 =	sadd.s32 $0x4F01400, s6;
	s5 =	ssub.s32 $0xC3500, s2  }
.Ltmp0:
0x7: {  	s1 =	rddreg [dreg:$0x1];
	s4 =	sand.u32 $0x1F00, s5;
	(pc) =	sbr.rel .LBB1_1-.Ltmp0, $4  }
0x8: {  	_ =	strace $0x80000065;
	s9 =	smov.u32 s2;
	p0 =	sne.s32 s4, $0x0  }
0x9: {  	s5 =	sshrl.u32 s5, $0xD;
	s4 =	simm.s32 $0x1;
	s7 =	simm.s32 @!p0 $0x0  }
0xa: {  	[sflag:s4] =	ssyncpa.u1 $0x0;
	p0 =	por $0x0, $0x0;
	s5 =	sadd.s32 s7, s5  }
0xb: {  	[sflag:s8] =	ssyncpa.u1 $0x0;
	s8 =	simm.s32 $0x80;
	s7 =	sadd.s32 $0x1, s5  }
.LBB1_4:
0xc: {  	_ =	sdelay $0x3  }
0xd: {  	s21 =	sor.u32 s24, s23;
	v47 =	vld.idx.msk [tilespmem:v0+s16+$0x470 ss:$0x1], $0xffff  }
0xe: {  	v57 =	vld.idx.msk [tilespmem:v0+s21+$0x410 ss:$0x1], $0xffff  }
0xf: {  	v58 =	vld.idx.msk [tilespmem:v0+s21+$0x420 ss:$0x1], $0xffff  }
0x10: {  	[tilespmem:s18+$0x1860 ss:$0x41] =	vst.msk $0xffff, v8;
	v59 =	vld.idx.msk [tilespmem:v0+s21+$0x430 ss:$0x1], $0xffff  }
0x11: {  	[tilespmem:s18+$0x1C70 ss:$0x41] =	vst.msk $0xffff, v7;
	v60 =	vld.idx.msk [tilespmem:v0+s21+$0x440 ss:$0x1], $0xffff  }
0x12: {  	[tilespmem:s18+$0x2490 ss:$0x41] =	vst.msk $0xffff, v1;
	s22 =	sand.u32 $0x3B00, s21;
	v61 =	vld.idx.msk [tilespmem:v0+s21+$0x450 ss:$0x1], $0xffff  }
0x13: {  	s20 =	sand.u32 $0x80, s20;
	[tilespmem:s18+$0x28A0 ss:$0x41] =	vst.msk $0xffff, v2;
	v62 =	vld.idx.msk [tilespmem:v0+s21+$0x460 ss:$0x1], $0xffff;
	s15 =	sadd.s32 s22, s15  }
0x14: {  	[tilespmem:s18+$0x2CB0 ss:$0x41] =	vst.msk $0xffff, v3;
	v63 =	vld.idx.msk [tilespmem:v0+s21+$0x470 ss:$0x1], $0xffff;
	s15 =	sadd.s32 s20, s15  }
0x15: {  	[tilespmem:s18+$0x30C0 ss:$0x41] =	vst.msk $0xffff, v4;
	v48 =	vld [tilespmem:s15+$0x400]  }
0x16: {  	[tilespmem:s18+$0x34D0 ss:$0x41] =	vst.msk $0xffff, v5;
	v49 =	vld [tilespmem:s15+$0x0]  }
0x17: {  	s25 =	sshra.s32 s19, $0x2;
	[tilespmem:s18+$0x38E0 ss:$0x41] =	vst.msk $0xffff, v6;
	v50 =	vld [tilespmem:s15+$0x10]  }
0x18: {  	s16 =	sadd.s32 s25, s17;
	v51 =	vld [tilespmem:s15+$0x20];
	[tilespmem:s18+$0x3CF0 ss:$0x41] =	vst.msk $0xffff, v47  }
0x19: {  	v52 =	vld [tilespmem:s15+$0x30];
	[tilespmem:s16+$0x2490 ss:$0x41] =	vst.msk $0xffff, v57  }
0x1a: {  	v53 =	vld [tilespmem:s15+$0x40];
	[tilespmem:s16+$0x28A0 ss:$0x41] =	vst.msk $0xffff, v58  }
0x1b: {  	v54 =	vld [tilespmem:s15+$0x50];
	[tilespmem:s16+$0x2CB0 ss:$0x41] =	vst.msk $0xffff, v59  }
0x1c: {  	s13 =	sshll.u32 s13, $0x7;
	s26 =	sshll.u32 s12, $0x3;
	v55 =	vld [tilespmem:s15+$0x60];
	[tilespmem:s16+$0x30C0 ss:$0x41] =	vst.msk $0xffff, v60  }
0x1d: {  	s27 =	sand.u32 $0xFFFFFC00, s13;
	v56 =	vld [tilespmem:s15+$0x70];
	s15 =	sand.u32 $0xFFFFFC00, s26;
	[tilespmem:s16+$0x34D0 ss:$0x41] =	vst.msk $0xffff, v61  }
0x1e: {  	s13 =	sand.u32 $0x380, s13;
	s15 =	sadd.s32 s15, s27;
	[tilespmem:s16+$0x38E0 ss:$0x41] =	vst.msk $0xffff, v62  }
0x1f: {  	s13 =	sor.u32 s13, s15;
	[tilespmem:s16+$0x3CF0 ss:$0x41] =	vst.msk $0xffff, v63  }
0x20: {  	s13 =	sshrl.u32 s13, $0x7;
	[tilespmem:s16+$0x2080 ss:$0x41] =	vst.msk $0xffff, v48  }
0x21: {  	s28 =	smulhi.u32 $0x14F8B59, s13;
	[tilespmem:s16+$0x0 ss:$0x41] =	vst.msk $0xffff, v49  }
0x22: {  	[tilespmem:s16+$0x410 ss:$0x41] =	vst.msk $0xffff, v50  }
0x23: {  	[tilespmem:s16+$0x820 ss:$0x41] =	vst.msk $0xffff, v51;
	s15 =	sshrl.u32 s28, $0xC  }
0x24: {  	[tilespmem:s16+$0xC30 ss:$0x41] =	vst.msk $0xffff, v52;
	s15 =	smul.u32 $0xC3500, s15  }
0x25: {  	s29 =	sshrl.u32 s12, $0x3;
	[tilespmem:s16+$0x1040 ss:$0x41] =	vst.msk $0xffff, v53  }
0x26: {  	s31 =	sand.u32 $0x7, s12;
	s30 =	sand.u32 $0xF, s29;
	[tilespmem:s16+$0x1450 ss:$0x41] =	vst.msk $0xffff, v54;
	s13 =	ssub.s32 s13, s15  }
0x27: {  	s12 =	sshll.u32 s31, $0x12;
	[tilespmem:s16+$0x1860 ss:$0x41] =	vst.msk $0xffff, v55;
	s15 =	sadd.s32 s6, s30;
	s13 =	sshll.u32 s13, $0x4  }
0x28: {  	s12 =	sor.u32 $0x40, s12;
	[tilespmem:s16+$0x1C70 ss:$0x41] =	vst.msk $0xffff, v56;
	s13 =	sadd.s32 s13, s15  }
0x29: {  	[hbm4b:s13+s12] =	stream.strided.scatter [tilespmem:s14], [sflag:$0x2], $0x4000, s8, s12, $0x18;
	[tilespmem:$0x10200] =	vst v63  }
.LBB1_5:
0x2a: {  	s14 =	sadd.s32 $0x2000, s9  }
0x2b: {  	s12 =	sadd.s32 $0x40, s10;
	s16 =	smov.u32 s10;
	p2 =	sgt.s32 s14, $0xC34FF  }
0x2c: {  	s16 =	smov.u32 @p2 s12  }
0x2d: {  	s14 =	smov.u32 @p2 s2;
	p2 =	sgt.s32 s16, $0x2F  }
0x2e: {  	s16 =	simm.s32 @p2 $0x0;
	p2 =	sne.s32 s11, s7  }
.Ltmp1:
0x2f: {  	p1 =	slt.u32 s11, $0x2;
	(pc) =	sbr.rel @!p2 .LBB1_6-.Ltmp1, $4  }
0x30: {  	s15 =	simm.s32 @!p1 $0x2  }
0x31: {  	s13 =	smov.u32 s9;
	p0 =	por !p0, !p0;
	_ =	swait.ge @!p1 [sflag:s15], $0x4000  }
0x32: {  	s12 =	smov.u32 s10;
	[sflag:s15] =	ssyncset.done @!p1 $0x0;
	s9 =	smov.u32 s14  }
0x33: {  	s11 =	sadd.s32 $0x1, s11;
	[sflag:s15] =	ssyncadd.s32 @!p1 $0xFFFFC000;
	s10 =	smov.u32 s16  }
.LBB1_1:
0x34: {  	p1 =	sge.u32 s11, s5  }
0x35: {  	s14 =	sshrl.u32 @!p1 s10, $0x3  }
0x36: {  	s20 =	smov.u32 s9;
	s15 =	sshll.u32 @!p1 s9, $0x3;
	s14 =	smul.u32 @!p1 $0x61A800, s14  }
0x37: {  	s31 =	sadd.s32 $0xFFFFFFFF, s11;
	s16 =	sshll.u32 @!p1 s10, $0x7;
	s15 =	sand.u32 @!p1 $0xFFFFFC00, s15  }
0x38: {  	s17 =	sand.u32 @!p1 $0x7F, s9;
	s14 =	sadd.s32 @!p1 s14, s15;
	s15 =	sand.u32 @!p1 $0x380, s16  }
0x39: {  	p2 =	sgt.s32 @!p1 s10, $0xFFFFFFF0;
	s19 =	sshra.s32 @!p1 s10, $0x1F;
	s14 =	sor.u32 @!p1 s15, s14  }
0x3a: {  	s21 =	sshra.s32 @!p1 s9, $0x1F;
	p2 =	por !p2, p1;
	s15 =	sshrl.u32 @!p1 s14, $0x8  }
0x3b: {  	s14 =	sor.u32 @!p1 s17, s14;
	s17 =	smov.u32 s10;
	s15 =	smulhi.u32 @!p1 $0x14F8B59, s15  }
0x3c: {  	s19 =	sand.u32 @!p1 s19, s10;
	s17 =	simm.s32 @p2 $0xFFFFFFF0;
	p2 =	sgt.s32 @!p1 s9, $0xC3400  }
0x3d: {  	s21 =	sand.u32 @!p1 s21, s9;
	p2 =	por !p2, p1;
	s15 =	sshrl.u32 @!p1 s15, $0x4  }
0x3e: {  	s16 =	sxor.u32 @!p1 $0xFFFFFFFF, s11;
	s20 =	simm.s32 @p2 $0xC3400;
	s18 =	smul.u32 @!p1 $0xAAB, s15  }
0x3f: {  	s16 =	sshll.u32 @!p1 s16, $0xE;
	s17 =	ssub.s32 @!p1 s17, s19;
	s19 =	ssub.s32 @!p1 s20, s21  }
0x40: {  	s20 =	sadd.s32 @!p1 $0x10, s17;
	s17 =	ssub.s32 @!p1 $0x30, s17;
	s18 =	sshrl.u32 @!p1 s18, $0x11  }
0x41: {  	s21 =	sadd.s32 @!p1 $0xFFF3CC00, s19;
	p2 =	sgt.s32 @!p1 s20, $0x3F;
	s18 =	smul.u32 @!p1 $0x30, s18  }
0x42: {  	s19 =	ssub.s32 @!p1 $0xC3500, s19;
	p3 =	sgt.s32 @!p1 s21, $0xFF;
	p2 =	por !p2, p1  }
0x43: {  	p3 =	por !p3, p1;
	s18 =	ssub.s32 @!p1 s15, s18;
	s15 =	smul.u32 @!p1 $0xC3500, s15  }
0x44: {  	s16 =	sand.u32 @!p1 $0x4000, s16;
	s17 =	simm.s32 @!p2 $0x0;
	s19 =	simm.s32 @!p3 $0x0  }
0x45: {  	s17 =	smul.u32 @!p1 s17, s19;
	s14 =	ssub.s32 @!p1 s14, s15;
	s15 =	sand.u32 @!p1 $0xFFFF, s18  }
0x46: {  	s15 =	smul.u32 @!p1 $0x186A0, s15;
	s18 =	sshrl.u32 @!p1 s14, $0x3;
	s14 =	sand.u32 @!p1 $0x7, s14  }
0x47: {  	s17 =	sand.u32 @!p1 $0x3FFFFFFF, s17;
	s18 =	sadd.s32 @!p1 s3, s18;
	s14 =	sshll.u32 @!p1 s14, $0x12  }
0x48: {  	s15 =	sadd.s32 @!p1 s15, s18;
	s14 =	sor.u32 @!p1 $0x800, s14;
	s18 =	simm.s32 @!p1 $0x61A800  }
0x49: {  	[tilespmem:s16], [sflag:$0x1] =	stream.strided.gather @!p1 [hbm4b:s15+s14], s17, s18, s14, $0x38;
	[tilespmem:$0x10200] =	vst v63  }
0x4a: {  	p1 =	sge.u32 s31, s5  }
.Ltmp2:
0x4b: {  	_ = 	snop;
	(pc) =	sbr.rel @p1 .LBB1_5-.Ltmp2, $1  }
0x4c: {  	_ =	sdelay $0x3  }
0x4d: {  	p1 =	sgt.s32 s12, $0xFFFFFFF0  }
0x4e: {  	s14 =	smov.u32 s12;
	s15 =	sshra.s32 s12, $0x1F;
	s16 =	smov.u32 s13  }
0x4f: {  	s17 =	sshra.s32 s13, $0x1F;
	s14 =	simm.s32 @!p1 $0xFFFFFFF0;
	p1 =	sgt.s32 s13, $0xC3400  }
0x50: {  	s15 =	sand.u32 s15, s12;
	s26 =	sand.u32 s17, s13;
	s16 =	simm.s32 @!p1 $0xC3400  }
0x51: {  	s14 =	ssub.s32 s14, s15;
	s15 =	ssub.s32 s16, s26  }
0x52: {  	s27 =	sadd.s32 $0x10, s14;
	s14 =	ssub.s32 $0x30, s14;
	s16 =	sadd.s32 $0xFFF3CC00, s15  }
0x53: {  	p1 =	sgt.s32 s27, $0x3F;
	s15 =	ssub.s32 $0xC3500, s15;
	p2 =	sgt.s32 s16, $0xFF  }
0x54: {  	s19 =	sand.u32 $0x1, s11;
	s14 =	simm.s32 @p1 $0x0;
	s15 =	simm.s32 @p2 $0x0  }
0x55: {  	s14 =	smul.u32 s14, s15;
	s15 =	sshll.u32 s19, $0xE  }
0x56: {  	v0 =	vmov s15  }
0x57: {  	s29 =	simm.s32 $0x0;
	s14 =	sand.u32 $0x3FFFFFFF, s14  }
0x58: {  	s30 =	sand.u32 $0x3800, s29;
	_ =	swait.ge [sflag:s4], s14  }
0x59: {  	s18 =	sand.u32 $0x380, s29;
	s28 =	ssub.s32 $0x0, s14;
	[sflag:s4] =	ssyncset.done $0x0  }
0x5a: {  	s16 =	sor.u32 s18, s30;
	[sflag:s4] =	ssyncadd.s32 s28  }
0x5b: {  	s17 =	sand.u32 $0x3B00, s16;
	v1 =	vld.idx.msk [tilespmem:v0+s16+$0x410 ss:$0x1], $0xffff  }
0x5c: {  	s18 =	simm.s32 $0x1;
	s17 =	sadd.s32 s17, s15;
	s14 =	sand.u32 $0x80, s29;
	v2 =	vld.idx.msk [tilespmem:v0+s16+$0x420 ss:$0x1], $0xffff  }
0x5d: {  	s18 =	simm.s32 @!p0 $0x0;
	s14 =	sadd.s32 s14, s17;
	v3 =	vld.idx.msk [tilespmem:v0+s16+$0x430 ss:$0x1], $0xffff  }
0x5e: {  	s31 =	smul.u32 $0x10400, s18;
	v4 =	vld [tilespmem:s14+$0x400]  }
0x5f: {  	v5 =	vld [tilespmem:s14+$0x0]  }
0x60: {  	s17 =	sshrl.u32 s31, $0x2;
	v6 =	vld [tilespmem:s14+$0x10]  }
0x61: {  	s17 =	sor.u32 $0x8000, s17;
	v7 =	vld [tilespmem:s14+$0x20]  }
0x62: {  	s18 =	sadd.s32 $0x0, s17;
	v9 =	vld [tilespmem:s14+$0x30]  }
0x63: {  	v10 =	vld [tilespmem:s14+$0x40];
	[tilespmem:s18+$0x2080 ss:$0x41] =	vst.msk $0xffff, v4  }
0x64: {  	v11 =	vld [tilespmem:s14+$0x50];
	[tilespmem:s18+$0x0 ss:$0x41] =	vst.msk $0xffff, v5  }
0x65: {  	v8 =	vld [tilespmem:s14+$0x60];
	[tilespmem:s18+$0x410 ss:$0x41] =	vst.msk $0xffff, v6  }
0x66: {  	s19 =	smul.u32 $0x10400, s19;
	[tilespmem:s18+$0x820 ss:$0x41] =	vst.msk $0xffff, v7;
	v7 =	vld [tilespmem:s14+$0x70]  }
0x67: {  	s20 =	simm.s32 $0x80;
	s21 =	simm.s32 $0x100;
	[tilespmem:s18+$0xC30 ss:$0x41] =	vst.msk $0xffff, v9;
	v4 =	vld.idx.msk [tilespmem:v0+s16+$0x440 ss:$0x1], $0xffff  }
0x68: {  	s22 =	simm.s32 $0x8;
	s23 =	sand.u32 $0x3800, s21;
	s19 =	sshrl.u32 s19, $0x2;
	[tilespmem:s18+$0x1040 ss:$0x41] =	vst.msk $0xffff, v10;
	v5 =	vld.idx.msk [tilespmem:v0+s16+$0x450 ss:$0x1], $0xffff  }
0x69: {  	s24 =	sand.u32 $0x380, s20;
	s14 =	sor.u32 $0x8000, s19;
	s19 =	simm.s32 $0x4;
	[tilespmem:s18+$0x1450 ss:$0x41] =	vst.msk $0xffff, v11;
	v6 =	vld.idx.msk [tilespmem:v0+s16+$0x460 ss:$0x1], $0xffff  }
.LBB1_3:
0x6a: {  	p1 =	sne.s32 s22, $0xFC;
	[tilespmem:s18+$0x1860 ss:$0x41] =	vst.msk $0xffff, v8;
	v8 =	vld.idx.msk [tilespmem:v0+s16+$0x470 ss:$0x1], $0xffff;
	s16 =	sor.u32 s24, s23  }
0x6b: {  	s23 =	sand.u32 $0x3B00, s16;
	v9 =	vld.idx.msk [tilespmem:v0+s16+$0x410 ss:$0x1], $0xffff;
	[tilespmem:s18+$0x1C70 ss:$0x41] =	vst.msk $0xffff, v7  }
0x6c: {  	s24 =	sand.u32 $0x80, s20;
	s23 =	sadd.s32 s23, s15;
	v7 =	vld.idx.msk [tilespmem:v0+s16+$0x420 ss:$0x1], $0xffff;
	[tilespmem:s18+$0x2490 ss:$0x41] =	vst.msk $0xffff, v1  }
0x6d: {  	s23 =	sadd.s32 s24, s23;
	v10 =	vld.idx.msk [tilespmem:v0+s16+$0x430 ss:$0x1], $0xffff;
	[tilespmem:s18+$0x28A0 ss:$0x41] =	vst.msk $0xffff, v2  }
0x6e: {  	v11 =	vld [tilespmem:s23+$0x400];
	[tilespmem:s18+$0x2CB0 ss:$0x41] =	vst.msk $0xffff, v3  }
0x6f: {  	v12 =	vld [tilespmem:s23+$0x0];
	[tilespmem:s18+$0x30C0 ss:$0x41] =	vst.msk $0xffff, v4  }
0x70: {  	v4 =	vld [tilespmem:s23+$0x10];
	[tilespmem:s18+$0x34D0 ss:$0x41] =	vst.msk $0xffff, v5  }
0x71: {  	s24 =	sshra.s32 s19, $0x2;
	s19 =	smov.u32 s22;
	v1 =	vmov v9;
	v5 =	vld [tilespmem:s23+$0x20];
	[tilespmem:s18+$0x38E0 ss:$0x41] =	vst.msk $0xffff, v6  }
0x72: {  	v2 =	vmov v7;
	v6 =	vld [tilespmem:s23+$0x30];
	[tilespmem:s18+$0x3CF0 ss:$0x41] =	vst.msk $0xffff, v8;
	s18 =	sadd.s32 s24, s17  }
0x73: {  	v3 =	vmov v10;
	v9 =	vld [tilespmem:s23+$0x40];
	[tilespmem:s18+$0x2080 ss:$0x41] =	vst.msk $0xffff, v11  }
0x74: {  	[tilespmem:s18+$0x0 ss:$0x41] =	vst.msk $0xffff, v12;
	v10 =	vld [tilespmem:s23+$0x50]  }
.Ltmp3:
0x75: {  	[tilespmem:s18+$0x410 ss:$0x41] =	vst.msk $0xffff, v4;
	v8 =	vld [tilespmem:s23+$0x60];
	(pc) =	sbr.rel @p1 .LBB1_3-.Ltmp3, $4  }
0x76: {  	[tilespmem:s18+$0x820 ss:$0x41] =	vst.msk $0xffff, v5;
	v7 =	vld [tilespmem:s23+$0x70]  }
0x77: {  	[tilespmem:s18+$0xC30 ss:$0x41] =	vst.msk $0xffff, v6;
	v4 =	vld.idx.msk [tilespmem:v0+s16+$0x440 ss:$0x1], $0xffff  }
0x78: {  	s20 =	sadd.s32 $0x80, s20;
	s21 =	sadd.s32 $0x100, s21;
	[tilespmem:s18+$0x1040 ss:$0x41] =	vst.msk $0xffff, v9;
	v5 =	vld.idx.msk [tilespmem:v0+s16+$0x450 ss:$0x1], $0xffff  }
0x79: {  	s22 =	sadd.s32 $0x4, s22;
	s24 =	sand.u32 $0x380, s20;
	s23 =	sand.u32 $0x3800, s21;
	[tilespmem:s18+$0x1450 ss:$0x41] =	vst.msk $0xffff, v10;
	v6 =	vld.idx.msk [tilespmem:v0+s16+$0x460 ss:$0x1], $0xffff  }
.Ltmp4:
0x7a: {  	_ = 	snop;
	(pc) =	sbr.rel .LBB1_4-.Ltmp4, $1  }
0x7b: {  	_ =	sdelay $0x3  }
.LBB1_6:
0x7c: {  	_ =	sfence.sel $0x180000  }
0x7d: {  	s2 =	simm.s32 $0x1;
	[bflag:$0x0] =	sbarrier.arrive $0xFFFF  }
0x7e: {  	s31 =	simm.s32 $0x2;
	[sflag:s2] =	ssyncpa.u1 $0x1  }
0x7f: {  	[sflag:s31] =	ssyncpa.u1 $0x1  }
0x80: {  	p0 =	sne.s32 s0, $0x0;
	_ =	strace $0x90000065  }
0x81: {  	s0 =	sadd.s32 @!p0 $0x100000, s1;
	[bflag:$0x2] =	sbarrier.arrive $0xFFFF  }
0x82: {  	[sflag:s0] =	ssyncadd.tile.s32 @!p0 $0x1;
	_ =	shalt  }
.Lfunc_end1:
_tile_overlayer_lowered:
.L_overlay_start_2:
0x83: {  	(tag) =	ssettag $0x2  }
0x84: {  	s0 =	rddreg [dreg:$0x0];
	s2 =	stileid.u32  }
0x85: {  	s1 =	rddreg [dreg:$0x1];
	p0 =	sne.s32 s2, $0x0  }
0x86: {  	s3 =	rddreg [dreg:$0x2];
	[bflag:$0x3] =	sbarrier.arrive $0xFFFF;
	s2 =	simm.s32 @!p0 $0x1C01  }
0x87: {  	[timem:s3], [sflag:s2] =	dma.local @!p0 [hbm:s0], s1  }
0x88: {  	s0 =	simm.s32 @!p0 $0x1  }
0x89: {  	_ =	swait.ge @!p0 [sflag:s0], s1  }
0x8a: {  	s1 =	ssub.s32 @!p0 $0x0, s1;
	[sflag:s0] =	ssyncset.done @!p0 $0x0  }
0x8b: {  	[sflag:s0] =	ssyncadd.s32 @!p0 s1  }
0x8c: {  	[bflag:$0x3] =	sbarrier.arrive $0xFFFF  }
0x8d: {  	_ =	shalt  }

</sc_bundles>
